<compile_context>
chip_gen: v7x
topology: tpu7x:2x2x1
jax: 0.10.2.dev20260603
libtpu: 0.0.44.dev20260713+nightly
codegen_flags: <defaults>
</compile_context>

<pallas_src>
import functools

import jax
import jax.numpy as jnp
from jax import lax
from jax.experimental import pallas as pl
from jax.experimental.pallas import tpu as pltpu
from jax.experimental.pallas import tpu_sc as plsc

N = 10000
E = 320000
D = 128
NHEADS0 = 4
ALPHA = 0.2

NC = 2
NS = 16
LANES = 16
CHUNK = 80
AW = 136
E_PER_CORE = E // NC
E_PER_TILE = E_PER_CORE // NS
N_CHUNKS = E_PER_TILE // CHUNK
N_GROUPS = CHUNK // LANES
NP = 10240
N_PER_TILE = NP // NS


_GATHER_DNUMS = lax.GatherDimensionNumbers(
    offset_dims=(), collapsed_slice_dims=(0,), start_index_map=(0,))


def _lane_bcast(vec, e):
    idx = jnp.full((LANES, 1), e, jnp.int32)
    return lax.gather(vec, idx, _GATHER_DNUMS, slice_sizes=(1,),
                      mode=lax.GatherScatterMode.PROMISE_IN_BOUNDS)


def _make_edge_kernel(num_heads):
    sw = 8
    hw = D // num_heads

    mesh = plsc.VectorSubcoreMesh(core_axis_name="c", subcore_axis_name="s",
                                  num_cores=NC, num_subcores=NS)

    @functools.partial(
        pl.kernel,
        out_type=jax.ShapeDtypeStruct((NC, NP, AW), jnp.float32),
        mesh=mesh,
        compiler_params=pltpu.CompilerParams(needs_layout_passes=False,
                                             use_tc_tiling_on_sc=False),
        scratch_types=[
            pltpu.VMEM((CHUNK, sw), jnp.float32),
            pltpu.VMEM((CHUNK, sw), jnp.float32),
            pltpu.VMEM((CHUNK,), jnp.int32),
            pltpu.VMEM((CHUNK,), jnp.int32),
            pltpu.VMEM((CHUNK, D), jnp.float32),
            pltpu.VMEM((CHUNK, AW), jnp.float32),
            pltpu.VMEM_SHARED((NP, AW), jnp.float32),
            pltpu.SemaphoreType.DMA,
            pltpu.SemaphoreType.DMA,
        ],
    )
    def edge_kernel(h_hbm, s_hbm, src_hbm, dst_hbm, zeros_hbm, out_hbm,
                    sbufs, sbufd, srcb, dstb, rows, rowsb, acc,
                    sem, sem2):
        c = lax.axis_index("c")
        s = lax.axis_index("s")

        pltpu.sync_copy(zeros_hbm, acc.at[pl.ds(s * N_PER_TILE, N_PER_TILE)])

        zv = jnp.zeros((LANES,), jnp.float32)
        for r in range(CHUNK):
            rowsb[r, pl.ds(AW - LANES, LANES)] = zv

        plsc.subcore_barrier()

        ebase = c * E_PER_CORE + s * E_PER_TILE
        lane = lax.iota(jnp.int32, LANES)

        def chunk_body(k, carry):
            base = ebase + k * CHUNK
            pltpu.sync_copy(src_hbm.at[pl.ds(base, CHUNK)], srcb)
            pltpu.sync_copy(dst_hbm.at[pl.ds(base, CHUNK)], dstb)
            cp_rows = pltpu.async_copy(h_hbm.at[dstb], rows, sem)
            cp_s = pltpu.async_copy(s_hbm.at[srcb], sbufs, sem)
            cp_d = pltpu.async_copy(s_hbm.at[dstb], sbufd, sem)
            cp_rows.wait()
            cp_s.wait()
            cp_d.wait()

            def group_body(g, carry2):
                gbase = g * LANES
                p_heads = []
                for hh in range(num_heads):
                    s1 = plsc.load_gather(
                        sbufs, [gbase + lane,
                                jnp.full((LANES,), hh, jnp.int32)])
                    s2 = plsc.load_gather(
                        sbufd, [gbase + lane,
                                jnp.full((LANES,), num_heads + hh, jnp.int32)])
                    e16 = s1 + s2
                    e16 = jnp.where(e16 >= 0, e16, e16 * ALPHA)
                    p16 = jnp.exp(e16)
                    p_heads.append(p16)
                    plsc.store_scatter(
                        rowsb,
                        [gbase + lane, jnp.full((LANES,), D + hh, jnp.int32)],
                        p16)
                for e in range(LANES):
                    row = gbase + e
                    for hh in range(num_heads):
                        ps = _lane_bcast(p_heads[hh], e)
                        for cc in range(hw // LANES):
                            col = hh * hw + cc * LANES
                            rowsb[row, pl.ds(col, LANES)] = (
                                rows[row, pl.ds(col, LANES)] * ps)
                return carry2

            lax.fori_loop(0, N_GROUPS, group_body, 0)
            pltpu.async_copy(rowsb, acc.at[srcb], sem2, add=True).wait()
            return carry

        lax.fori_loop(0, N_CHUNKS, chunk_body, 0)

        plsc.subcore_barrier()
        pltpu.sync_copy(acc.at[pl.ds(s * N_PER_TILE, N_PER_TILE)],
                        out_hbm.at[c, pl.ds(s * N_PER_TILE, N_PER_TILE)])

    return edge_kernel


_edge_kernel_cache = {}


def _edge_kernel(num_heads):
    if num_heads not in _edge_kernel_cache:
        _edge_kernel_cache[num_heads] = _make_edge_kernel(num_heads)
    return _edge_kernel_cache[num_heads]


def _tc0_body(x_ref, w0_ref, w1_ref, w2_ref, w3_ref,
              a0_ref, a1_ref, a2_ref, a3_ref, h_out, s_out):
    x = x_ref[...]
    ws = [w0_ref[...], w1_ref[...], w2_ref[...], w3_ref[...]]
    avs = [a0_ref[...], a1_ref[...], a2_ref[...], a3_ref[...]]
    hs = [jnp.dot(x, w, preferred_element_type=jnp.float32) for w in ws]
    h_out[...] = jnp.concatenate(hs, axis=1)
    cols = [jnp.dot(hs[i], avs[i][:32, :],
                    preferred_element_type=jnp.float32) for i in range(4)]
    cols += [jnp.dot(hs[i], avs[i][32:, :],
                     preferred_element_type=jnp.float32) for i in range(4)]
    s_out[...] = jnp.concatenate(cols, axis=1)


def _elu(x):
    return jnp.where(x > 0, x, jnp.exp(jnp.minimum(x, 0.0)) - 1.0)


def _tc1_body(acc0_ref, acc1_ref, w_ref, a_ref, h_out, s_out):
    acc = acc0_ref[...] + acc1_ref[...]
    xs = []
    for hh in range(NHEADS0):
        den = acc[:, D + hh][:, None]
        num = acc[:, 32 * hh:32 * hh + 32]
        xs.append(jnp.where(den != 0, num / den, 0.0))
    x1 = _elu(jnp.concatenate(xs, axis=1))
    h1 = jnp.dot(x1, w_ref[...], preferred_element_type=jnp.float32)
    h_out[...] = h1
    a = a_ref[...]
    s_out[...] = jnp.concatenate(
        [jnp.dot(h1, a[:D, :], preferred_element_type=jnp.float32),
         jnp.dot(h1, a[D:, :], preferred_element_type=jnp.float32),
         jnp.zeros((h1.shape[0], 6), jnp.float32)], axis=1)


def _tc2_body(acc0_ref, acc1_ref, o_ref):
    acc = acc0_ref[...] + acc1_ref[...]
    den = acc[:, D:D + 1]
    x = jnp.where(den != 0, acc[:, :D] / den, 0.0)
    o_ref[...] = _elu(x)


TCB = 2000
TCG = N // TCB


def _row_spec(width):
    return pl.BlockSpec((TCB, width), lambda i: (i, 0))


def _full_spec(shape):
    return pl.BlockSpec(shape, lambda i: (0,) * len(shape))


def kernel(X, graph, W0_0, a0_0, W0_1, a0_1, W0_2, a0_2, W0_3, a0_3,
           W1_0, a1_0):
    zeros = jnp.zeros((N_PER_TILE, AW), jnp.float32)

    h0, s0 = pl.pallas_call(
        _tc0_body,
        grid=(TCG,),
        in_specs=[_row_spec(D)] + [_full_spec((D, 32))] * 4
                 + [_full_spec((64, 1))] * 4,
        out_specs=[_row_spec(D), _row_spec(2 * NHEADS0)],
        out_shape=[jax.ShapeDtypeStruct((N, D), jnp.float32),
                   jax.ShapeDtypeStruct((N, 2 * NHEADS0), jnp.float32)],
    )(X, W0_0, W0_1, W0_2, W0_3, a0_0, a0_1, a0_2, a0_3)

    src_ids = graph[0]
    dst_ids = graph[1]
    acc0 = _edge_kernel(NHEADS0)(h0, s0, src_ids, dst_ids, zeros)

    h1, s1 = pl.pallas_call(
        _tc1_body,
        grid=(TCG,),
        in_specs=[_row_spec(AW), _row_spec(AW), _full_spec((D, D)),
                  _full_spec((2 * D, 1))],
        out_specs=[_row_spec(D), _row_spec(8)],
        out_shape=[jax.ShapeDtypeStruct((N, D), jnp.float32),
                   jax.ShapeDtypeStruct((N, 8), jnp.float32)],
    )(acc0[0, :N], acc0[1, :N], W1_0, a1_0)

    acc1 = _edge_kernel(1)(h1, s1, src_ids, dst_ids, zeros)

    out = pl.pallas_call(
        _tc2_body,
        grid=(TCG,),
        in_specs=[_row_spec(AW), _row_spec(AW)],
        out_specs=_row_spec(D),
        out_shape=jax.ShapeDtypeStruct((N, D), jnp.float32),
    )(acc1[0, :N], acc1[1, :N])
    return out

# --- scband reference (transcript-rebuilt; emitter-appended) ---
"""Pipeline reference for scband-gat-3702261809873 (READ-ONLY COPY).

The authoritative reference and input builder live on the scoring server;
editing this copy changes nothing except your own understanding.
"""

import jax, jax.numpy as jnp
import numpy as np

N_NODES = 10000
N_EDGES = 320000
IN_DIM = 128
HIDDEN_DIM = 128
OUT_DIM = 128
NUM_HEADS_HIDDEN = 4
ALPHA = 0.2
HEAD_DIM = HIDDEN_DIM // NUM_HEADS_HIDDEN  # 32


def _xavier(key, shape, gain=1.414):
    fan_in, fan_out = shape[0], shape[1]
    b = gain * np.sqrt(6.0 / (fan_in + fan_out))
    return jax.random.uniform(key, shape, jnp.float32, -b, b)


def setup_inputs(seed: int = 0) -> dict:
    key = jax.random.key(seed)
    ks = jax.random.split(key, 12)
    inp = {}
    inp["X"] = jax.random.normal(ks[0], (N_NODES, IN_DIM), jnp.float32)
    inp["graph"] = jax.random.randint(ks[1], (2, N_EDGES), 0, N_NODES, dtype=jnp.int32)
    for i in range(NUM_HEADS_HIDDEN):
        inp[f"W0_{i}"] = _xavier(ks[2 + i], (IN_DIM, HEAD_DIM))
        inp[f"a0_{i}"] = _xavier(ks[6 + i], (2 * HEAD_DIM, 1))
    inp["W1_0"] = _xavier(ks[10], (HIDDEN_DIM, OUT_DIM))
    inp["a1_0"] = _xavier(ks[11], (2 * OUT_DIM, 1))
    return inp


def _sparse_gat_layer(X, graph, W, a):
    # h = X @ W
    h = jnp.dot(X, W)
    N = X.shape[0]
    src = graph[0]  # from_node_ids (rows of the sparse attention matrix)
    dst = graph[1]  # to_node_ids
    concatenated = jnp.concatenate([h[src, :], h[dst, :]], axis=1)  # [E, 2D]
    e = jax.nn.leaky_relu(jnp.dot(concatenated, a), negative_slope=ALPHA)[:, 0]  # [E]
    # sparse softmax over dim=1 (per-row, rows keyed by src), numerically stable
    row_max = jax.ops.segment_max(e, src, num_segments=N)
    ex = jnp.exp(e - row_max[src])
    row_sum = jax.ops.segment_sum(ex, src, num_segments=N)
    attn = ex / row_sum[src]
    # sparse.mm(attention, h): out[i] = sum_{edges with src=i} attn * h[dst]
    out = jax.ops.segment_sum(attn[:, None] * h[dst, :], src, num_segments=N)
    return out


def reference(X, graph, W0_0, a0_0, W0_1, a0_1, W0_2, a0_2, W0_3, a0_3, W1_0, a1_0):
    # dropout_rate = 0.0 / eval mode -> dropout is identity
    heads0 = [(W0_0, a0_0), (W0_1, a0_1), (W0_2, a0_2), (W0_3, a0_3)]
    X1 = jnp.concatenate(
        [jax.nn.elu(_sparse_gat_layer(X, graph, W, a)) for (W, a) in heads0], axis=1
    )
    # output layer: num_heads_out = 1 -> sum / 1
    out = jax.nn.elu(_sparse_gat_layer(X1, graph, W1_0, a1_0) / 1.0)
    return out

if __name__ == "__main__":
    import jax
    _d = setup_inputs()
    print(jax.jit(kernel)(*tuple(_d.values())))

</pallas_src>

<mosaic_0001>
#map = affine_map<(d0, d1) -> (0, 0)>
#map1 = affine_map<(d0, d1) -> (0)>
#map2 = affine_map<(d0, d1) -> (0, 0, 0)>
module attributes {stable_mosaic.version = 14 : i64} {
  func.func @edge_kernel(%arg0: i32, %arg1: i32, %arg2: memref<10000x128xf32, #tpu.memory_space<hbm>>, %arg3: memref<10000x8xf32, #tpu.memory_space<hbm>>, %arg4: memref<320000xi32, #tpu.memory_space<hbm>>, %arg5: memref<320000xi32, #tpu.memory_space<hbm>>, %arg6: memref<640x136xf32, #tpu.memory_space<hbm>>, %arg7: memref<2x10240x136xf32, #tpu.memory_space<hbm>>, %arg8: memref<80x8xf32, #tpu.memory_space<vmem>>, %arg9: memref<80x8xf32, #tpu.memory_space<vmem>>, %arg10: memref<80xi32, #tpu.memory_space<vmem>>, %arg11: memref<80xi32, #tpu.memory_space<vmem>>, %arg12: memref<80x128xf32, #tpu.memory_space<vmem>>, %arg13: memref<80x136xf32, #tpu.memory_space<vmem>>, %arg14: memref<10240x136xf32, #tpu.memory_space<vmem_shared>>, %arg15: memref<!tpu.dma_semaphore, #tpu.memory_space<semaphore_mem>>, %arg16: memref<!tpu.dma_semaphore, #tpu.memory_space<semaphore_mem>>) attributes {dimension_semantics = [#tpu.dimension_semantics<core_parallel>, #tpu.dimension_semantics<subcore_parallel>], iteration_bounds = array<i64: 2, 16>, scalar_prefetch = 0 : i64, scratch_operands = 9 : i64, tpu.core_type = #tpu.core_type<sc_vector_subcore>, window_params = [{transform_indices = #map}, {transform_indices = #map}, {transform_indices = #map1}, {transform_indices = #map1}, {transform_indices = #map}, {transform_indices = #map2}]} {
    %mul3A = arith.constant 640 : i32
    %mul3A_0 = arith.muli %arg1, %mul3A : i32
    "tpu.region"() ({
      %run_scoped3A = tpu.sem_alloc : memref<!tpu.dma_semaphore, #tpu.memory_space<semaphore_mem>>
      %dma_start3A = arith.constant 0 : i32
      %dma_start3A_335 = tpu.memref_slice %arg14[%mul3A_0, %dma_start3A] : memref<10240x136xf32, #tpu.memory_space<vmem_shared>> -> memref<640x136xf32, #tpu.memory_space<vmem_shared>>
      tpu.enqueue_dma source(%arg6 : memref<640x136xf32, #tpu.memory_space<hbm>>) target(%dma_start3A_335 : memref<640x136xf32, #tpu.memory_space<vmem_shared>>) target_semaphore(%run_scoped3A : memref<!tpu.dma_semaphore, #tpu.memory_space<semaphore_mem>>)
      %dma_wait3A = arith.constant 0 : i32
      %dma_wait3A_336 = tpu.memref_slice %arg14[%mul3A_0, %dma_wait3A] : memref<10240x136xf32, #tpu.memory_space<vmem_shared>> -> memref<640x136xf32, #tpu.memory_space<vmem_shared>>
      tpu.wait_dma2 semaphore(%run_scoped3A : memref<!tpu.dma_semaphore, #tpu.memory_space<semaphore_mem>>) src(%arg6 : memref<640x136xf32, #tpu.memory_space<hbm>>) dst(%dma_wait3A_336 : memref<640x136xf32, #tpu.memory_space<vmem_shared>>)
      tpu.yield
    }) : () -> ()
    %broadcast_in_dim3A = arith.constant 0.000000e+00 : f32
    %broadcast_in_dim3A_1 = vector.broadcast %broadcast_in_dim3A : f32 to vector<16xf32>
    %swap3A = arith.constant 0 : i32
    %swap3A_2 = arith.index_cast %swap3A : i32 to index
    %swap3A_3 = arith.constant 120 : index
    %swap3A_4 = tpu.vector_load %arg13[%swap3A_2, %swap3A_3] {strides = array<i32>} : memref<80x136xf32, #tpu.memory_space<vmem>>, vector<16xf32>,
    tpu.vector_store %arg13[%swap3A_2, %swap3A_3], %broadcast_in_dim3A_1 {strides = array<i32>} : memref<80x136xf32, #tpu.memory_space<vmem>>, vector<16xf32>,
    %swap3A_5 = arith.constant 1 : i32
    %swap3A_6 = arith.index_cast %swap3A_5 : i32 to index
    %swap3A_7 = arith.constant 120 : index
    %swap3A_8 = tpu.vector_load %arg13[%swap3A_6, %swap3A_7] {strides = array<i32>} : memref<80x136xf32, #tpu.memory_space<vmem>>, vector<16xf32>,
    tpu.vector_store %arg13[%swap3A_6, %swap3A_7], %broadcast_in_dim3A_1 {strides = array<i32>} : memref<80x136xf32, #tpu.memory_space<vmem>>, vector<16xf32>,
    %swap3A_9 = arith.constant 2 : i32
    %swap3A_10 = arith.index_cast %swap3A_9 : i32 to index
    %swap3A_11 = arith.constant 120 : index
    %swap3A_12 = tpu.vector_load %arg13[%swap3A_10, %swap3A_11] {strides = array<i32>} : memref<80x136xf32, #tpu.memory_space<vmem>>, vector<16xf32>,
    tpu.vector_store %arg13[%swap3A_10, %swap3A_11], %broadcast_in_dim3A_1 {strides = array<i32>} : memref<80x136xf32, #tpu.memory_space<vmem>>, vector<16xf32>,
    %swap3A_13 = arith.constant 3 : i32
    %swap3A_14 = arith.index_cast %swap3A_13 : i32 to index
    %swap3A_15 = arith.constant 120 : index
    %swap3A_16 = tpu.vector_load %arg13[%swap3A_14, %swap3A_15] {strides = array<i32>} : memref<80x136xf32, #tpu.memory_space<vmem>>, vector<16xf32>,
    tpu.vector_store %arg13[%swap3A_14, %swap3A_15], %broadcast_in_dim3A_1 {strides = array<i32>} : memref<80x136xf32, #tpu.memory_space<vmem>>, vector<16xf32>,
    %swap3A_17 = arith.constant 4 : i32
    %swap3A_18 = arith.index_cast %swap3A_17 : i32 to index
    %swap3A_19 = arith.constant 120 : index
    %swap3A_20 = tpu.vector_load %arg13[%swap3A_18, %swap3A_19] {strides = array<i32>} : memref<80x136xf32, #tpu.memory_space<vmem>>, vector<16xf32>,
    tpu.vector_store %arg13[%swap3A_18, %swap3A_19], %broadcast_in_dim3A_1 {strides = array<i32>} : memref<80x136xf32, #tpu.memory_space<vmem>>, vector<16xf32>,
    %swap3A_21 = arith.constant 5 : i32
    %swap3A_22 = arith.index_cast %swap3A_21 : i32 to index
    %swap3A_23 = arith.constant 120 : index
    %swap3A_24 = tpu.vector_load %arg13[%swap3A_22, %swap3A_23] {strides = array<i32>} : memref<80x136xf32, #tpu.memory_space<vmem>>, vector<16xf32>,
    tpu.vector_store %arg13[%swap3A_22, %swap3A_23], %broadcast_in_dim3A_1 {strides = array<i32>} : memref<80x136xf32, #tpu.memory_space<vmem>>, vector<16xf32>,
    %swap3A_25 = arith.constant 6 : i32
    %swap3A_26 = arith.index_cast %swap3A_25 : i32 to index
    %swap3A_27 = arith.constant 120 : index
    %swap3A_28 = tpu.vector_load %arg13[%swap3A_26, %swap3A_27] {strides = array<i32>} : memref<80x136xf32, #tpu.memory_space<vmem>>, vector<16xf32>,
    tpu.vector_store %arg13[%swap3A_26, %swap3A_27], %broadcast_in_dim3A_1 {strides = array<i32>} : memref<80x136xf32, #tpu.memory_space<vmem>>, vector<16xf32>,
    %swap3A_29 = arith.constant 7 : i32
    %swap3A_30 = arith.index_cast %swap3A_29 : i32 to index
    %swap3A_31 = arith.constant 120 : index
    %swap3A_32 = tpu.vector_load %arg13[%swap3A_30, %swap3A_31] {strides = array<i32>} : memref<80x136xf32, #tpu.memory_space<vmem>>, vector<16xf32>,
    tpu.vector_store %arg13[%swap3A_30, %swap3A_31], %broadcast_in_dim3A_1 {strides = array<i32>} : memref<80x136xf32, #tpu.memory_space<vmem>>, vector<16xf32>,
    %swap3A_33 = arith.constant 8 : i32
    %swap3A_34 = arith.index_cast %swap3A_33 : i32 to index
    %swap3A_35 = arith.constant 120 : index
    %swap3A_36 = tpu.vector_load %arg13[%swap3A_34, %swap3A_35] {strides = array<i32>} : memref<80x136xf32, #tpu.memory_space<vmem>>, vector<16xf32>,
    tpu.vector_store %arg13[%swap3A_34, %swap3A_35], %broadcast_in_dim3A_1 {strides = array<i32>} : memref<80x136xf32, #tpu.memory_space<vmem>>, vector<16xf32>,
    %swap3A_37 = arith.constant 9 : i32
    %swap3A_38 = arith.index_cast %swap3A_37 : i32 to index
    %swap3A_39 = arith.constant 120 : index
    %swap3A_40 = tpu.vector_load %arg13[%swap3A_38, %swap3A_39] {strides = array<i32>} : memref<80x136xf32, #tpu.memory_space<vmem>>, vector<16xf32>,
    tpu.vector_store %arg13[%swap3A_38, %swap3A_39], %broadcast_in_dim3A_1 {strides = array<i32>} : memref<80x136xf32, #tpu.memory_space<vmem>>, vector<16xf32>,
    %swap3A_41 = arith.constant 10 : i32
    %swap3A_42 = arith.index_cast %swap3A_41 : i32 to index
    %swap3A_43 = arith.constant 120 : index
    %swap3A_44 = tpu.vector_load %arg13[%swap3A_42, %swap3A_43] {strides = array<i32>} : memref<80x136xf32, #tpu.memory_space<vmem>>, vector<16xf32>,
    tpu.vector_store %arg13[%swap3A_42, %swap3A_43], %broadcast_in_dim3A_1 {strides = array<i32>} : memref<80x136xf32, #tpu.memory_space<vmem>>, vector<16xf32>,
    %swap3A_45 = arith.constant 11 : i32
    %swap3A_46 = arith.index_cast %swap3A_45 : i32 to index
    %swap3A_47 = arith.constant 120 : index
    %swap3A_48 = tpu.vector_load %arg13[%swap3A_46, %swap3A_47] {strides = array<i32>} : memref<80x136xf32, #tpu.memory_space<vmem>>, vector<16xf32>,
    tpu.vector_store %arg13[%swap3A_46, %swap3A_47], %broadcast_in_dim3A_1 {strides = array<i32>} : memref<80x136xf32, #tpu.memory_space<vmem>>, vector<16xf32>,
    %swap3A_49 = arith.constant 12 : i32
    %swap3A_50 = arith.index_cast %swap3A_49 : i32 to index
    %swap3A_51 = arith.constant 120 : index
    %swap3A_52 = tpu.vector_load %arg13[%swap3A_50, %swap3A_51] {strides = array<i32>} : memref<80x136xf32, #tpu.memory_space<vmem>>, vector<16xf32>,
    tpu.vector_store %arg13[%swap3A_50, %swap3A_51], %broadcast_in_dim3A_1 {strides = array<i32>} : memref<80x136xf32, #tpu.memory_space<vmem>>, vector<16xf32>,
    %swap3A_53 = arith.constant 13 : i32
    %swap3A_54 = arith.index_cast %swap3A_53 : i32 to index
    %swap3A_55 = arith.constant 120 : index
    %swap3A_56 = tpu.vector_load %arg13[%swap3A_54, %swap3A_55] {strides = array<i32>} : memref<80x136xf32, #tpu.memory_space<vmem>>, vector<16xf32>,
    tpu.vector_store %arg13[%swap3A_54, %swap3A_55], %broadcast_in_dim3A_1 {strides = array<i32>} : memref<80x136xf32, #tpu.memory_space<vmem>>, vector<16xf32>,
    %swap3A_57 = arith.constant 14 : i32
    %swap3A_58 = arith.index_cast %swap3A_57 : i32 to index
    %swap3A_59 = arith.constant 120 : index
    %swap3A_60 = tpu.vector_load %arg13[%swap3A_58, %swap3A_59] {strides = array<i32>} : memref<80x136xf32, #tpu.memory_space<vmem>>, vector<16xf32>,
    tpu.vector_store %arg13[%swap3A_58, %swap3A_59], %broadcast_in_dim3A_1 {strides = array<i32>} : memref<80x136xf32, #tpu.memory_space<vmem>>, vector<16xf32>,
    %swap3A_61 = arith.constant 15 : i32
    %swap3A_62 = arith.index_cast %swap3A_61 : i32 to index
    %swap3A_63 = arith.constant 120 : index
    %swap3A_64 = tpu.vector_load %arg13[%swap3A_62, %swap3A_63] {strides = array<i32>} : memref<80x136xf32, #tpu.memory_space<vmem>>, vector<16xf32>,
    tpu.vector_store %arg13[%swap3A_62, %swap3A_63], %broadcast_in_dim3A_1 {strides = array<i32>} : memref<80x136xf32, #tpu.memory_space<vmem>>, vector<16xf32>,
    %swap3A_65 = arith.constant 16 : i32
    %swap3A_66 = arith.index_cast %swap3A_65 : i32 to index
    %swap3A_67 = arith.constant 120 : index
    %swap3A_68 = tpu.vector_load %arg13[%swap3A_66, %swap3A_67] {strides = array<i32>} : memref<80x136xf32, #tpu.memory_space<vmem>>, vector<16xf32>,
    tpu.vector_store %arg13[%swap3A_66, %swap3A_67], %broadcast_in_dim3A_1 {strides = array<i32>} : memref<80x136xf32, #tpu.memory_space<vmem>>, vector<16xf32>,
    %swap3A_69 = arith.constant 17 : i32
    %swap3A_70 = arith.index_cast %swap3A_69 : i32 to index
    %swap3A_71 = arith.constant 120 : index
    %swap3A_72 = tpu.vector_load %arg13[%swap3A_70, %swap3A_71] {strides = array<i32>} : memref<80x136xf32, #tpu.memory_space<vmem>>, vector<16xf32>,
    tpu.vector_store %arg13[%swap3A_70, %swap3A_71], %broadcast_in_dim3A_1 {strides = array<i32>} : memref<80x136xf32, #tpu.memory_space<vmem>>, vector<16xf32>,
    %swap3A_73 = arith.constant 18 : i32
    %swap3A_74 = arith.index_cast %swap3A_73 : i32 to index
    %swap3A_75 = arith.constant 120 : index
    %swap3A_76 = tpu.vector_load %arg13[%swap3A_74, %swap3A_75] {strides = array<i32>} : memref<80x136xf32, #tpu.memory_space<vmem>>, vector<16xf32>,
    tpu.vector_store %arg13[%swap3A_74, %swap3A_75], %broadcast_in_dim3A_1 {strides = array<i32>} : memref<80x136xf32, #tpu.memory_space<vmem>>, vector<16xf32>,
    %swap3A_77 = arith.constant 19 : i32
    %swap3A_78 = arith.index_cast %swap3A_77 : i32 to index
    %swap3A_79 = arith.constant 120 : index
    %swap3A_80 = tpu.vector_load %arg13[%swap3A_78, %swap3A_79] {strides = array<i32>} : memref<80x136xf32, #tpu.memory_space<vmem>>, vector<16xf32>,
    tpu.vector_store %arg13[%swap3A_78, %swap3A_79], %broadcast_in_dim3A_1 {strides = array<i32>} : memref<80x136xf32, #tpu.memory_space<vmem>>, vector<16xf32>,
    %swap3A_81 = arith.constant 20 : i32
    %swap3A_82 = arith.index_cast %swap3A_81 : i32 to index
    %swap3A_83 = arith.constant 120 : index
    %swap3A_84 = tpu.vector_load %arg13[%swap3A_82, %swap3A_83] {strides = array<i32>} : memref<80x136xf32, #tpu.memory_space<vmem>>, vector<16xf32>,
    tpu.vector_store %arg13[%swap3A_82, %swap3A_83], %broadcast_in_dim3A_1 {strides = array<i32>} : memref<80x136xf32, #tpu.memory_space<vmem>>, vector<16xf32>,
    %swap3A_85 = arith.constant 21 : i32
    %swap3A_86 = arith.index_cast %swap3A_85 : i32 to index
    %swap3A_87 = arith.constant 120 : index
    %swap3A_88 = tpu.vector_load %arg13[%swap3A_86, %swap3A_87] {strides = array<i32>} : memref<80x136xf32, #tpu.memory_space<vmem>>, vector<16xf32>,
    tpu.vector_store %arg13[%swap3A_86, %swap3A_87], %broadcast_in_dim3A_1 {strides = array<i32>} : memref<80x136xf32, #tpu.memory_space<vmem>>, vector<16xf32>,
    %swap3A_89 = arith.constant 22 : i32
    %swap3A_90 = arith.index_cast %swap3A_89 : i32 to index
    %swap3A_91 = arith.constant 120 : index
    %swap3A_92 = tpu.vector_load %arg13[%swap3A_90, %swap3A_91] {strides = array<i32>} : memref<80x136xf32, #tpu.memory_space<vmem>>, vector<16xf32>,
    tpu.vector_store %arg13[%swap3A_90, %swap3A_91], %broadcast_in_dim3A_1 {strides = array<i32>} : memref<80x136xf32, #tpu.memory_space<vmem>>, vector<16xf32>,
    %swap3A_93 = arith.constant 23 : i32
    %swap3A_94 = arith.index_cast %swap3A_93 : i32 to index
    %swap3A_95 = arith.constant 120 : index
    %swap3A_96 = tpu.vector_load %arg13[%swap3A_94, %swap3A_95] {strides = array<i32>} : memref<80x136xf32, #tpu.memory_space<vmem>>, vector<16xf32>,
    tpu.vector_store %arg13[%swap3A_94, %swap3A_95], %broadcast_in_dim3A_1 {strides = array<i32>} : memref<80x136xf32, #tpu.memory_space<vmem>>, vector<16xf32>,
    %swap3A_97 = arith.constant 24 : i32
    %swap3A_98 = arith.index_cast %swap3A_97 : i32 to index
    %swap3A_99 = arith.constant 120 : index
    %swap3A_100 = tpu.vector_load %arg13[%swap3A_98, %swap3A_99] {strides = array<i32>} : memref<80x136xf32, #tpu.memory_space<vmem>>, vector<16xf32>,
    tpu.vector_store %arg13[%swap3A_98, %swap3A_99], %broadcast_in_dim3A_1 {strides = array<i32>} : memref<80x136xf32, #tpu.memory_space<vmem>>, vector<16xf32>,
    %swap3A_101 = arith.constant 25 : i32
    %swap3A_102 = arith.index_cast %swap3A_101 : i32 to index
    %swap3A_103 = arith.constant 120 : index
    %swap3A_104 = tpu.vector_load %arg13[%swap3A_102, %swap3A_103] {strides = array<i32>} : memref<80x136xf32, #tpu.memory_space<vmem>>, vector<16xf32>,
    tpu.vector_store %arg13[%swap3A_102, %swap3A_103], %broadcast_in_dim3A_1 {strides = array<i32>} : memref<80x136xf32, #tpu.memory_space<vmem>>, vector<16xf32>,
    %swap3A_105 = arith.constant 26 : i32
    %swap3A_106 = arith.index_cast %swap3A_105 : i32 to index
    %swap3A_107 = arith.constant 120 : index
    %swap3A_108 = tpu.vector_load %arg13[%swap3A_106, %swap3A_107] {strides = array<i32>} : memref<80x136xf32, #tpu.memory_space<vmem>>, vector<16xf32>,
    tpu.vector_store %arg13[%swap3A_106, %swap3A_107], %broadcast_in_dim3A_1 {strides = array<i32>} : memref<80x136xf32, #tpu.memory_space<vmem>>, vector<16xf32>,
    %swap3A_109 = arith.constant 27 : i32
    %swap3A_110 = arith.index_cast %swap3A_109 : i32 to index
    %swap3A_111 = arith.constant 120 : index
    %swap3A_112 = tpu.vector_load %arg13[%swap3A_110, %swap3A_111] {strides = array<i32>} : memref<80x136xf32, #tpu.memory_space<vmem>>, vector<16xf32>,
    tpu.vector_store %arg13[%swap3A_110, %swap3A_111], %broadcast_in_dim3A_1 {strides = array<i32>} : memref<80x136xf32, #tpu.memory_space<vmem>>, vector<16xf32>,
    %swap3A_113 = arith.constant 28 : i32
    %swap3A_114 = arith.index_cast %swap3A_113 : i32 to index
    %swap3A_115 = arith.constant 120 : index
    %swap3A_116 = tpu.vector_load %arg13[%swap3A_114, %swap3A_115] {strides = array<i32>} : memref<80x136xf32, #tpu.memory_space<vmem>>, vector<16xf32>,
    tpu.vector_store %arg13[%swap3A_114, %swap3A_115], %broadcast_in_dim3A_1 {strides = array<i32>} : memref<80x136xf32, #tpu.memory_space<vmem>>, vector<16xf32>,
    %swap3A_117 = arith.constant 29 : i32
    %swap3A_118 = arith.index_cast %swap3A_117 : i32 to index
    %swap3A_119 = arith.constant 120 : index
    %swap3A_120 = tpu.vector_load %arg13[%swap3A_118, %swap3A_119] {strides = array<i32>} : memref<80x136xf32, #tpu.memory_space<vmem>>, vector<16xf32>,
    tpu.vector_store %arg13[%swap3A_118, %swap3A_119], %broadcast_in_dim3A_1 {strides = array<i32>} : memref<80x136xf32, #tpu.memory_space<vmem>>, vector<16xf32>,
    %swap3A_121 = arith.constant 30 : i32
    %swap3A_122 = arith.index_cast %swap3A_121 : i32 to index
    %swap3A_123 = arith.constant 120 : index
    %swap3A_124 = tpu.vector_load %arg13[%swap3A_122, %swap3A_123] {strides = array<i32>} : memref<80x136xf32, #tpu.memory_space<vmem>>, vector<16xf32>,
    tpu.vector_store %arg13[%swap3A_122, %swap3A_123], %broadcast_in_dim3A_1 {strides = array<i32>} : memref<80x136xf32, #tpu.memory_space<vmem>>, vector<16xf32>,
    %swap3A_125 = arith.constant 31 : i32
    %swap3A_126 = arith.index_cast %swap3A_125 : i32 to index
    %swap3A_127 = arith.constant 120 : index
    %swap3A_128 = tpu.vector_load %arg13[%swap3A_126, %swap3A_127] {strides = array<i32>} : memref<80x136xf32, #tpu.memory_space<vmem>>, vector<16xf32>,
    tpu.vector_store %arg13[%swap3A_126, %swap3A_127], %broadcast_in_dim3A_1 {strides = array<i32>} : memref<80x136xf32, #tpu.memory_space<vmem>>, vector<16xf32>,
    %swap3A_129 = arith.constant 32 : i32
    %swap3A_130 = arith.index_cast %swap3A_129 : i32 to index
    %swap3A_131 = arith.constant 120 : index
    %swap3A_132 = tpu.vector_load %arg13[%swap3A_130, %swap3A_131] {strides = array<i32>} : memref<80x136xf32, #tpu.memory_space<vmem>>, vector<16xf32>,
    tpu.vector_store %arg13[%swap3A_130, %swap3A_131], %broadcast_in_dim3A_1 {strides = array<i32>} : memref<80x136xf32, #tpu.memory_space<vmem>>, vector<16xf32>,
    %swap3A_133 = arith.constant 33 : i32
    %swap3A_134 = arith.index_cast %swap3A_133 : i32 to index
    %swap3A_135 = arith.constant 120 : index
    %swap3A_136 = tpu.vector_load %arg13[%swap3A_134, %swap3A_135] {strides = array<i32>} : memref<80x136xf32, #tpu.memory_space<vmem>>, vector<16xf32>,
    tpu.vector_store %arg13[%swap3A_134, %swap3A_135], %broadcast_in_dim3A_1 {strides = array<i32>} : memref<80x136xf32, #tpu.memory_space<vmem>>, vector<16xf32>,
    %swap3A_137 = arith.constant 34 : i32
    %swap3A_138 = arith.index_cast %swap3A_137 : i32 to index
    %swap3A_139 = arith.constant 120 : index
    %swap3A_140 = tpu.vector_load %arg13[%swap3A_138, %swap3A_139] {strides = array<i32>} : memref<80x136xf32, #tpu.memory_space<vmem>>, vector<16xf32>,
    tpu.vector_store %arg13[%swap3A_138, %swap3A_139], %broadcast_in_dim3A_1 {strides = array<i32>} : memref<80x136xf32, #tpu.memory_space<vmem>>, vector<16xf32>,
    %swap3A_141 = arith.constant 35 : i32
    %swap3A_142 = arith.index_cast %swap3A_141 : i32 to index
    %swap3A_143 = arith.constant 120 : index
    %swap3A_144 = tpu.vector_load %arg13[%swap3A_142, %swap3A_143] {strides = array<i32>} : memref<80x136xf32, #tpu.memory_space<vmem>>, vector<16xf32>,
    tpu.vector_store %arg13[%swap3A_142, %swap3A_143], %broadcast_in_dim3A_1 {strides = array<i32>} : memref<80x136xf32, #tpu.memory_space<vmem>>, vector<16xf32>,
    %swap3A_145 = arith.constant 36 : i32
    %swap3A_146 = arith.index_cast %swap3A_145 : i32 to index
    %swap3A_147 = arith.constant 120 : index
    %swap3A_148 = tpu.vector_load %arg13[%swap3A_146, %swap3A_147] {strides = array<i32>} : memref<80x136xf32, #tpu.memory_space<vmem>>, vector<16xf32>,
    tpu.vector_store %arg13[%swap3A_146, %swap3A_147], %broadcast_in_dim3A_1 {strides = array<i32>} : memref<80x136xf32, #tpu.memory_space<vmem>>, vector<16xf32>,
    %swap3A_149 = arith.constant 37 : i32
    %swap3A_150 = arith.index_cast %swap3A_149 : i32 to index
    %swap3A_151 = arith.constant 120 : index
    %swap3A_152 = tpu.vector_load %arg13[%swap3A_150, %swap3A_151] {strides = array<i32>} : memref<80x136xf32, #tpu.memory_space<vmem>>, vector<16xf32>,
    tpu.vector_store %arg13[%swap3A_150, %swap3A_151], %broadcast_in_dim3A_1 {strides = array<i32>} : memref<80x136xf32, #tpu.memory_space<vmem>>, vector<16xf32>,
    %swap3A_153 = arith.constant 38 : i32
    %swap3A_154 = arith.index_cast %swap3A_153 : i32 to index
    %swap3A_155 = arith.constant 120 : index
    %swap3A_156 = tpu.vector_load %arg13[%swap3A_154, %swap3A_155] {strides = array<i32>} : memref<80x136xf32, #tpu.memory_space<vmem>>, vector<16xf32>,
    tpu.vector_store %arg13[%swap3A_154, %swap3A_155], %broadcast_in_dim3A_1 {strides = array<i32>} : memref<80x136xf32, #tpu.memory_space<vmem>>, vector<16xf32>,
    %swap3A_157 = arith.constant 39 : i32
    %swap3A_158 = arith.index_cast %swap3A_157 : i32 to index
    %swap3A_159 = arith.constant 120 : index
    %swap3A_160 = tpu.vector_load %arg13[%swap3A_158, %swap3A_159] {strides = array<i32>} : memref<80x136xf32, #tpu.memory_space<vmem>>, vector<16xf32>,
    tpu.vector_store %arg13[%swap3A_158, %swap3A_159], %broadcast_in_dim3A_1 {strides = array<i32>} : memref<80x136xf32, #tpu.memory_space<vmem>>, vector<16xf32>,
    %swap3A_161 = arith.constant 40 : i32
    %swap3A_162 = arith.index_cast %swap3A_161 : i32 to index
    %swap3A_163 = arith.constant 120 : index
    %swap3A_164 = tpu.vector_load %arg13[%swap3A_162, %swap3A_163] {strides = array<i32>} : memref<80x136xf32, #tpu.memory_space<vmem>>, vector<16xf32>,
    tpu.vector_store %arg13[%swap3A_162, %swap3A_163], %broadcast_in_dim3A_1 {strides = array<i32>} : memref<80x136xf32, #tpu.memory_space<vmem>>, vector<16xf32>,
    %swap3A_165 = arith.constant 41 : i32
    %swap3A_166 = arith.index_cast %swap3A_165 : i32 to index
    %swap3A_167 = arith.constant 120 : index
    %swap3A_168 = tpu.vector_load %arg13[%swap3A_166, %swap3A_167] {strides = array<i32>} : memref<80x136xf32, #tpu.memory_space<vmem>>, vector<16xf32>,
    tpu.vector_store %arg13[%swap3A_166, %swap3A_167], %broadcast_in_dim3A_1 {strides = array<i32>} : memref<80x136xf32, #tpu.memory_space<vmem>>, vector<16xf32>,
    %swap3A_169 = arith.constant 42 : i32
    %swap3A_170 = arith.index_cast %swap3A_169 : i32 to index
    %swap3A_171 = arith.constant 120 : index
    %swap3A_172 = tpu.vector_load %arg13[%swap3A_170, %swap3A_171] {strides = array<i32>} : memref<80x136xf32, #tpu.memory_space<vmem>>, vector<16xf32>,
    tpu.vector_store %arg13[%swap3A_170, %swap3A_171], %broadcast_in_dim3A_1 {strides = array<i32>} : memref<80x136xf32, #tpu.memory_space<vmem>>, vector<16xf32>,
    %swap3A_173 = arith.constant 43 : i32
    %swap3A_174 = arith.index_cast %swap3A_173 : i32 to index
    %swap3A_175 = arith.constant 120 : index
    %swap3A_176 = tpu.vector_load %arg13[%swap3A_174, %swap3A_175] {strides = array<i32>} : memref<80x136xf32, #tpu.memory_space<vmem>>, vector<16xf32>,
    tpu.vector_store %arg13[%swap3A_174, %swap3A_175], %broadcast_in_dim3A_1 {strides = array<i32>} : memref<80x136xf32, #tpu.memory_space<vmem>>, vector<16xf32>,
    %swap3A_177 = arith.constant 44 : i32
    %swap3A_178 = arith.index_cast %swap3A_177 : i32 to index
    %swap3A_179 = arith.constant 120 : index
    %swap3A_180 = tpu.vector_load %arg13[%swap3A_178, %swap3A_179] {strides = array<i32>} : memref<80x136xf32, #tpu.memory_space<vmem>>, vector<16xf32>,
    tpu.vector_store %arg13[%swap3A_178, %swap3A_179], %broadcast_in_dim3A_1 {strides = array<i32>} : memref<80x136xf32, #tpu.memory_space<vmem>>, vector<16xf32>,
    %swap3A_181 = arith.constant 45 : i32
    %swap3A_182 = arith.index_cast %swap3A_181 : i32 to index
    %swap3A_183 = arith.constant 120 : index
    %swap3A_184 = tpu.vector_load %arg13[%swap3A_182, %swap3A_183] {strides = array<i32>} : memref<80x136xf32, #tpu.memory_space<vmem>>, vector<16xf32>,
    tpu.vector_store %arg13[%swap3A_182, %swap3A_183], %broadcast_in_dim3A_1 {strides = array<i32>} : memref<80x136xf32, #tpu.memory_space<vmem>>, vector<16xf32>,
    %swap3A_185 = arith.constant 46 : i32
    %swap3A_186 = arith.index_cast %swap3A_185 : i32 to index
    %swap3A_187 = arith.constant 120 : index
    %swap3A_188 = tpu.vector_load %arg13[%swap3A_186, %swap3A_187] {strides = array<i32>} : memref<80x136xf32, #tpu.memory_space<vmem>>, vector<16xf32>,
    tpu.vector_store %arg13[%swap3A_186, %swap3A_187], %broadcast_in_dim3A_1 {strides = array<i32>} : memref<80x136xf32, #tpu.memory_space<vmem>>, vector<16xf32>,
    %swap3A_189 = arith.constant 47 : i32
    %swap3A_190 = arith.index_cast %swap3A_189 : i32 to index
    %swap3A_191 = arith.constant 120 : index
    %swap3A_192 = tpu.vector_load %arg13[%swap3A_190, %swap3A_191] {strides = array<i32>} : memref<80x136xf32, #tpu.memory_space<vmem>>, vector<16xf32>,
    tpu.vector_store %arg13[%swap3A_190, %swap3A_191], %broadcast_in_dim3A_1 {strides = array<i32>} : memref<80x136xf32, #tpu.memory_space<vmem>>, vector<16xf32>,
    %swap3A_193 = arith.constant 48 : i32
    %swap3A_194 = arith.index_cast %swap3A_193 : i32 to index
    %swap3A_195 = arith.constant 120 : index
    %swap3A_196 = tpu.vector_load %arg13[%swap3A_194, %swap3A_195] {strides = array<i32>} : memref<80x136xf32, #tpu.memory_space<vmem>>, vector<16xf32>,
    tpu.vector_store %arg13[%swap3A_194, %swap3A_195], %broadcast_in_dim3A_1 {strides = array<i32>} : memref<80x136xf32, #tpu.memory_space<vmem>>, vector<16xf32>,
    %swap3A_197 = arith.constant 49 : i32
    %swap3A_198 = arith.index_cast %swap3A_197 : i32 to index
    %swap3A_199 = arith.constant 120 : index
    %swap3A_200 = tpu.vector_load %arg13[%swap3A_198, %swap3A_199] {strides = array<i32>} : memref<80x136xf32, #tpu.memory_space<vmem>>, vector<16xf32>,
    tpu.vector_store %arg13[%swap3A_198, %swap3A_199], %broadcast_in_dim3A_1 {strides = array<i32>} : memref<80x136xf32, #tpu.memory_space<vmem>>, vector<16xf32>,
    %swap3A_201 = arith.constant 50 : i32
    %swap3A_202 = arith.index_cast %swap3A_201 : i32 to index
    %swap3A_203 = arith.constant 120 : index
    %swap3A_204 = tpu.vector_load %arg13[%swap3A_202, %swap3A_203] {strides = array<i32>} : memref<80x136xf32, #tpu.memory_space<vmem>>, vector<16xf32>,
    tpu.vector_store %arg13[%swap3A_202, %swap3A_203], %broadcast_in_dim3A_1 {strides = array<i32>} : memref<80x136xf32, #tpu.memory_space<vmem>>, vector<16xf32>,
    %swap3A_205 = arith.constant 51 : i32
    %swap3A_206 = arith.index_cast %swap3A_205 : i32 to index
    %swap3A_207 = arith.constant 120 : index
    %swap3A_208 = tpu.vector_load %arg13[%swap3A_206, %swap3A_207] {strides = array<i32>} : memref<80x136xf32, #tpu.memory_space<vmem>>, vector<16xf32>,
    tpu.vector_store %arg13[%swap3A_206, %swap3A_207], %broadcast_in_dim3A_1 {strides = array<i32>} : memref<80x136xf32, #tpu.memory_space<vmem>>, vector<16xf32>,
    %swap3A_209 = arith.constant 52 : i32
    %swap3A_210 = arith.index_cast %swap3A_209 : i32 to index
    %swap3A_211 = arith.constant 120 : index
    %swap3A_212 = tpu.vector_load %arg13[%swap3A_210, %swap3A_211] {strides = array<i32>} : memref<80x136xf32, #tpu.memory_space<vmem>>, vector<16xf32>,
    tpu.vector_store %arg13[%swap3A_210, %swap3A_211], %broadcast_in_dim3A_1 {strides = array<i32>} : memref<80x136xf32, #tpu.memory_space<vmem>>, vector<16xf32>,
    %swap3A_213 = arith.constant 53 : i32
    %swap3A_214 = arith.index_cast %swap3A_213 : i32 to index
    %swap3A_215 = arith.constant 120 : index
    %swap3A_216 = tpu.vector_load %arg13[%swap3A_214, %swap3A_215] {strides = array<i32>} : memref<80x136xf32, #tpu.memory_space<vmem>>, vector<16xf32>,
    tpu.vector_store %arg13[%swap3A_214, %swap3A_215], %broadcast_in_dim3A_1 {strides = array<i32>} : memref<80x136xf32, #tpu.memory_space<vmem>>, vector<16xf32>,
    %swap3A_217 = arith.constant 54 : i32
    %swap3A_218 = arith.index_cast %swap3A_217 : i32 to index
    %swap3A_219 = arith.constant 120 : index
    %swap3A_220 = tpu.vector_load %arg13[%swap3A_218, %swap3A_219] {strides = array<i32>} : memref<80x136xf32, #tpu.memory_space<vmem>>, vector<16xf32>,
    tpu.vector_store %arg13[%swap3A_218, %swap3A_219], %broadcast_in_dim3A_1 {strides = array<i32>} : memref<80x136xf32, #tpu.memory_space<vmem>>, vector<16xf32>,
    %swap3A_221 = arith.constant 55 : i32
    %swap3A_222 = arith.index_cast %swap3A_221 : i32 to index
    %swap3A_223 = arith.constant 120 : index
    %swap3A_224 = tpu.vector_load %arg13[%swap3A_222, %swap3A_223] {strides = array<i32>} : memref<80x136xf32, #tpu.memory_space<vmem>>, vector<16xf32>,
    tpu.vector_store %arg13[%swap3A_222, %swap3A_223], %broadcast_in_dim3A_1 {strides = array<i32>} : memref<80x136xf32, #tpu.memory_space<vmem>>, vector<16xf32>,
    %swap3A_225 = arith.constant 56 : i32
    %swap3A_226 = arith.index_cast %swap3A_225 : i32 to index
    %swap3A_227 = arith.constant 120 : index
    %swap3A_228 = tpu.vector_load %arg13[%swap3A_226, %swap3A_227] {strides = array<i32>} : memref<80x136xf32, #tpu.memory_space<vmem>>, vector<16xf32>,
    tpu.vector_store %arg13[%swap3A_226, %swap3A_227], %broadcast_in_dim3A_1 {strides = array<i32>} : memref<80x136xf32, #tpu.memory_space<vmem>>, vector<16xf32>,
    %swap3A_229 = arith.constant 57 : i32
    %swap3A_230 = arith.index_cast %swap3A_229 : i32 to index
    %swap3A_231 = arith.constant 120 : index
    %swap3A_232 = tpu.vector_load %arg13[%swap3A_230, %swap3A_231] {strides = array<i32>} : memref<80x136xf32, #tpu.memory_space<vmem>>, vector<16xf32>,
    tpu.vector_store %arg13[%swap3A_230, %swap3A_231], %broadcast_in_dim3A_1 {strides = array<i32>} : memref<80x136xf32, #tpu.memory_space<vmem>>, vector<16xf32>,
    %swap3A_233 = arith.constant 58 : i32
    %swap3A_234 = arith.index_cast %swap3A_233 : i32 to index
    %swap3A_235 = arith.constant 120 : index
    %swap3A_236 = tpu.vector_load %arg13[%swap3A_234, %swap3A_235] {strides = array<i32>} : memref<80x136xf32, #tpu.memory_space<vmem>>, vector<16xf32>,
    tpu.vector_store %arg13[%swap3A_234, %swap3A_235], %broadcast_in_dim3A_1 {strides = array<i32>} : memref<80x136xf32, #tpu.memory_space<vmem>>, vector<16xf32>,
    %swap3A_237 = arith.constant 59 : i32
    %swap3A_238 = arith.index_cast %swap3A_237 : i32 to index
    %swap3A_239 = arith.constant 120 : index
    %swap3A_240 = tpu.vector_load %arg13[%swap3A_238, %swap3A_239] {strides = array<i32>} : memref<80x136xf32, #tpu.memory_space<vmem>>, vector<16xf32>,
    tpu.vector_store %arg13[%swap3A_238, %swap3A_239], %broadcast_in_dim3A_1 {strides = array<i32>} : memref<80x136xf32, #tpu.memory_space<vmem>>, vector<16xf32>,
    %swap3A_241 = arith.constant 60 : i32
    %swap3A_242 = arith.index_cast %swap3A_241 : i32 to index
    %swap3A_243 = arith.constant 120 : index
    %swap3A_244 = tpu.vector_load %arg13[%swap3A_242, %swap3A_243] {strides = array<i32>} : memref<80x136xf32, #tpu.memory_space<vmem>>, vector<16xf32>,
    tpu.vector_store %arg13[%swap3A_242, %swap3A_243], %broadcast_in_dim3A_1 {strides = array<i32>} : memref<80x136xf32, #tpu.memory_space<vmem>>, vector<16xf32>,
    %swap3A_245 = arith.constant 61 : i32
    %swap3A_246 = arith.index_cast %swap3A_245 : i32 to index
    %swap3A_247 = arith.constant 120 : index
    %swap3A_248 = tpu.vector_load %arg13[%swap3A_246, %swap3A_247] {strides = array<i32>} : memref<80x136xf32, #tpu.memory_space<vmem>>, vector<16xf32>,
    tpu.vector_store %arg13[%swap3A_246, %swap3A_247], %broadcast_in_dim3A_1 {strides = array<i32>} : memref<80x136xf32, #tpu.memory_space<vmem>>, vector<16xf32>,
    %swap3A_249 = arith.constant 62 : i32
    %swap3A_250 = arith.index_cast %swap3A_249 : i32 to index
    %swap3A_251 = arith.constant 120 : index
    %swap3A_252 = tpu.vector_load %arg13[%swap3A_250, %swap3A_251] {strides = array<i32>} : memref<80x136xf32, #tpu.memory_space<vmem>>, vector<16xf32>,
    tpu.vector_store %arg13[%swap3A_250, %swap3A_251], %broadcast_in_dim3A_1 {strides = array<i32>} : memref<80x136xf32, #tpu.memory_space<vmem>>, vector<16xf32>,
    %swap3A_253 = arith.constant 63 : i32
    %swap3A_254 = arith.index_cast %swap3A_253 : i32 to index
    %swap3A_255 = arith.constant 120 : index
    %swap3A_256 = tpu.vector_load %arg13[%swap3A_254, %swap3A_255] {strides = array<i32>} : memref<80x136xf32, #tpu.memory_space<vmem>>, vector<16xf32>,
    tpu.vector_store %arg13[%swap3A_254, %swap3A_255], %broadcast_in_dim3A_1 {strides = array<i32>} : memref<80x136xf32, #tpu.memory_space<vmem>>, vector<16xf32>,
    %swap3A_257 = arith.constant 64 : i32
    %swap3A_258 = arith.index_cast %swap3A_257 : i32 to index
    %swap3A_259 = arith.constant 120 : index
    %swap3A_260 = tpu.vector_load %arg13[%swap3A_258, %swap3A_259] {strides = array<i32>} : memref<80x136xf32, #tpu.memory_space<vmem>>, vector<16xf32>,
    tpu.vector_store %arg13[%swap3A_258, %swap3A_259], %broadcast_in_dim3A_1 {strides = array<i32>} : memref<80x136xf32, #tpu.memory_space<vmem>>, vector<16xf32>,
    %swap3A_261 = arith.constant 65 : i32
    %swap3A_262 = arith.index_cast %swap3A_261 : i32 to index
    %swap3A_263 = arith.constant 120 : index
    %swap3A_264 = tpu.vector_load %arg13[%swap3A_262, %swap3A_263] {strides = array<i32>} : memref<80x136xf32, #tpu.memory_space<vmem>>, vector<16xf32>,
    tpu.vector_store %arg13[%swap3A_262, %swap3A_263], %broadcast_in_dim3A_1 {strides = array<i32>} : memref<80x136xf32, #tpu.memory_space<vmem>>, vector<16xf32>,
    %swap3A_265 = arith.constant 66 : i32
    %swap3A_266 = arith.index_cast %swap3A_265 : i32 to index
    %swap3A_267 = arith.constant 120 : index
    %swap3A_268 = tpu.vector_load %arg13[%swap3A_266, %swap3A_267] {strides = array<i32>} : memref<80x136xf32, #tpu.memory_space<vmem>>, vector<16xf32>,
    tpu.vector_store %arg13[%swap3A_266, %swap3A_267], %broadcast_in_dim3A_1 {strides = array<i32>} : memref<80x136xf32, #tpu.memory_space<vmem>>, vector<16xf32>,
    %swap3A_269 = arith.constant 67 : i32
    %swap3A_270 = arith.index_cast %swap3A_269 : i32 to index
    %swap3A_271 = arith.constant 120 : index
    %swap3A_272 = tpu.vector_load %arg13[%swap3A_270, %swap3A_271] {strides = array<i32>} : memref<80x136xf32, #tpu.memory_space<vmem>>, vector<16xf32>,
    tpu.vector_store %arg13[%swap3A_270, %swap3A_271], %broadcast_in_dim3A_1 {strides = array<i32>} : memref<80x136xf32, #tpu.memory_space<vmem>>, vector<16xf32>,
    %swap3A_273 = arith.constant 68 : i32
    %swap3A_274 = arith.index_cast %swap3A_273 : i32 to index
    %swap3A_275 = arith.constant 120 : index
    %swap3A_276 = tpu.vector_load %arg13[%swap3A_274, %swap3A_275] {strides = array<i32>} : memref<80x136xf32, #tpu.memory_space<vmem>>, vector<16xf32>,
    tpu.vector_store %arg13[%swap3A_274, %swap3A_275], %broadcast_in_dim3A_1 {strides = array<i32>} : memref<80x136xf32, #tpu.memory_space<vmem>>, vector<16xf32>,
    %swap3A_277 = arith.constant 69 : i32
    %swap3A_278 = arith.index_cast %swap3A_277 : i32 to index
    %swap3A_279 = arith.constant 120 : index
    %swap3A_280 = tpu.vector_load %arg13[%swap3A_278, %swap3A_279] {strides = array<i32>} : memref<80x136xf32, #tpu.memory_space<vmem>>, vector<16xf32>,
    tpu.vector_store %arg13[%swap3A_278, %swap3A_279], %broadcast_in_dim3A_1 {strides = array<i32>} : memref<80x136xf32, #tpu.memory_space<vmem>>, vector<16xf32>,
    %swap3A_281 = arith.constant 70 : i32
    %swap3A_282 = arith.index_cast %swap3A_281 : i32 to index
    %swap3A_283 = arith.constant 120 : index
    %swap3A_284 = tpu.vector_load %arg13[%swap3A_282, %swap3A_283] {strides = array<i32>} : memref<80x136xf32, #tpu.memory_space<vmem>>, vector<16xf32>,
    tpu.vector_store %arg13[%swap3A_282, %swap3A_283], %broadcast_in_dim3A_1 {strides = array<i32>} : memref<80x136xf32, #tpu.memory_space<vmem>>, vector<16xf32>,
    %swap3A_285 = arith.constant 71 : i32
    %swap3A_286 = arith.index_cast %swap3A_285 : i32 to index
    %swap3A_287 = arith.constant 120 : index
    %swap3A_288 = tpu.vector_load %arg13[%swap3A_286, %swap3A_287] {strides = array<i32>} : memref<80x136xf32, #tpu.memory_space<vmem>>, vector<16xf32>,
    tpu.vector_store %arg13[%swap3A_286, %swap3A_287], %broadcast_in_dim3A_1 {strides = array<i32>} : memref<80x136xf32, #tpu.memory_space<vmem>>, vector<16xf32>,
    %swap3A_289 = arith.constant 72 : i32
    %swap3A_290 = arith.index_cast %swap3A_289 : i32 to index
    %swap3A_291 = arith.constant 120 : index
    %swap3A_292 = tpu.vector_load %arg13[%swap3A_290, %swap3A_291] {strides = array<i32>} : memref<80x136xf32, #tpu.memory_space<vmem>>, vector<16xf32>,
    tpu.vector_store %arg13[%swap3A_290, %swap3A_291], %broadcast_in_dim3A_1 {strides = array<i32>} : memref<80x136xf32, #tpu.memory_space<vmem>>, vector<16xf32>,
    %swap3A_293 = arith.constant 73 : i32
    %swap3A_294 = arith.index_cast %swap3A_293 : i32 to index
    %swap3A_295 = arith.constant 120 : index
    %swap3A_296 = tpu.vector_load %arg13[%swap3A_294, %swap3A_295] {strides = array<i32>} : memref<80x136xf32, #tpu.memory_space<vmem>>, vector<16xf32>,
    tpu.vector_store %arg13[%swap3A_294, %swap3A_295], %broadcast_in_dim3A_1 {strides = array<i32>} : memref<80x136xf32, #tpu.memory_space<vmem>>, vector<16xf32>,
    %swap3A_297 = arith.constant 74 : i32
    %swap3A_298 = arith.index_cast %swap3A_297 : i32 to index
    %swap3A_299 = arith.constant 120 : index
    %swap3A_300 = tpu.vector_load %arg13[%swap3A_298, %swap3A_299] {strides = array<i32>} : memref<80x136xf32, #tpu.memory_space<vmem>>, vector<16xf32>,
    tpu.vector_store %arg13[%swap3A_298, %swap3A_299], %broadcast_in_dim3A_1 {strides = array<i32>} : memref<80x136xf32, #tpu.memory_space<vmem>>, vector<16xf32>,
    %swap3A_301 = arith.constant 75 : i32
    %swap3A_302 = arith.index_cast %swap3A_301 : i32 to index
    %swap3A_303 = arith.constant 120 : index
    %swap3A_304 = tpu.vector_load %arg13[%swap3A_302, %swap3A_303] {strides = array<i32>} : memref<80x136xf32, #tpu.memory_space<vmem>>, vector<16xf32>,
    tpu.vector_store %arg13[%swap3A_302, %swap3A_303], %broadcast_in_dim3A_1 {strides = array<i32>} : memref<80x136xf32, #tpu.memory_space<vmem>>, vector<16xf32>,
    %swap3A_305 = arith.constant 76 : i32
    %swap3A_306 = arith.index_cast %swap3A_305 : i32 to index
    %swap3A_307 = arith.constant 120 : index
    %swap3A_308 = tpu.vector_load %arg13[%swap3A_306, %swap3A_307] {strides = array<i32>} : memref<80x136xf32, #tpu.memory_space<vmem>>, vector<16xf32>,
    tpu.vector_store %arg13[%swap3A_306, %swap3A_307], %broadcast_in_dim3A_1 {strides = array<i32>} : memref<80x136xf32, #tpu.memory_space<vmem>>, vector<16xf32>,
    %swap3A_309 = arith.constant 77 : i32
    %swap3A_310 = arith.index_cast %swap3A_309 : i32 to index
    %swap3A_311 = arith.constant 120 : index
    %swap3A_312 = tpu.vector_load %arg13[%swap3A_310, %swap3A_311] {strides = array<i32>} : memref<80x136xf32, #tpu.memory_space<vmem>>, vector<16xf32>,
    tpu.vector_store %arg13[%swap3A_310, %swap3A_311], %broadcast_in_dim3A_1 {strides = array<i32>} : memref<80x136xf32, #tpu.memory_space<vmem>>, vector<16xf32>,
    %swap3A_313 = arith.constant 78 : i32
    %swap3A_314 = arith.index_cast %swap3A_313 : i32 to index
    %swap3A_315 = arith.constant 120 : index
    %swap3A_316 = tpu.vector_load %arg13[%swap3A_314, %swap3A_315] {strides = array<i32>} : memref<80x136xf32, #tpu.memory_space<vmem>>, vector<16xf32>,
    tpu.vector_store %arg13[%swap3A_314, %swap3A_315], %broadcast_in_dim3A_1 {strides = array<i32>} : memref<80x136xf32, #tpu.memory_space<vmem>>, vector<16xf32>,
    %swap3A_317 = arith.constant 79 : i32
    %swap3A_318 = arith.index_cast %swap3A_317 : i32 to index
    %swap3A_319 = arith.constant 120 : index
    %swap3A_320 = tpu.vector_load %arg13[%swap3A_318, %swap3A_319] {strides = array<i32>} : memref<80x136xf32, #tpu.memory_space<vmem>>, vector<16xf32>,
    tpu.vector_store %arg13[%swap3A_318, %swap3A_319], %broadcast_in_dim3A_1 {strides = array<i32>} : memref<80x136xf32, #tpu.memory_space<vmem>>, vector<16xf32>,
    %barrier3A = arith.constant 0 : index
    tpu.barrier barrier_id(%barrier3A)
    %mul3A_321 = arith.constant 160000 : i32
    %mul3A_322 = arith.muli %arg0, %mul3A_321 : i32
    %mul3A_323 = arith.constant 10000 : i32
    %mul3A_324 = arith.muli %arg1, %mul3A_323 : i32
    %add3A = arith.addi %mul3A_322, %mul3A_324 : i32
    %iota3A = tpu.iota {dimensions = array<i32: 0>} : vector<16xi32>
    %scan3A = arith.constant 0 : i32
    %scan3A_325 = arith.constant 0 : i32
    %scan3A_326 = arith.constant 125 : i32
    %scan3A_327 = arith.addi %scan3A_325, %scan3A_326 : i32
    %scan3A_328 = arith.constant 1 : i32
    scf.for %scan3A_335 = %scan3A_325 to %scan3A_327 step %scan3A_328  : i32 {
      %mul3A_336 = arith.constant 80 : i32
      %mul3A_337 = arith.muli %scan3A_335, %mul3A_336 : i32
      %add3A_338 = arith.addi %add3A, %mul3A_337 : i32
      "tpu.region"() ({
        %run_scoped3A = tpu.sem_alloc : memref<!tpu.dma_semaphore, #tpu.memory_space<semaphore_mem>>
        %dma_start3A_367 = tpu.memref_slice %arg4[%add3A_338] : memref<320000xi32, #tpu.memory_space<hbm>> -> memref<80xi32, #tpu.memory_space<hbm>>
        %dma_start3A_368 = tpu.memref_slice %arg4[%add3A_338] : memref<320000xi32, #tpu.memory_space<hbm>> -> memref<80xi32, #tpu.memory_space<hbm>>
        tpu.enqueue_dma source(%dma_start3A_368 : memref<80xi32, #tpu.memory_space<hbm>>) target(%arg10 : memref<80xi32, #tpu.memory_space<vmem>>) target_semaphore(%run_scoped3A : memref<!tpu.dma_semaphore, #tpu.memory_space<semaphore_mem>>)
        %dma_wait3A_369 = tpu.memref_slice %arg4[%add3A_338] : memref<320000xi32, #tpu.memory_space<hbm>> -> memref<80xi32, #tpu.memory_space<hbm>>
        %dma_wait3A_370 = tpu.memref_slice %arg4[%add3A_338] : memref<320000xi32, #tpu.memory_space<hbm>> -> memref<80xi32, #tpu.memory_space<hbm>>
        tpu.wait_dma2 semaphore(%run_scoped3A : memref<!tpu.dma_semaphore, #tpu.memory_space<semaphore_mem>>) src(%dma_wait3A_370 : memref<80xi32, #tpu.memory_space<hbm>>) dst(%arg10 : memref<80xi32, #tpu.memory_space<vmem>>)
        tpu.yield
      }) : () -> ()
      "tpu.region"() ({
        %run_scoped3A = tpu.sem_alloc : memref<!tpu.dma_semaphore, #tpu.memory_space<semaphore_mem>>
        %dma_start3A_367 = tpu.memref_slice %arg5[%add3A_338] : memref<320000xi32, #tpu.memory_space<hbm>> -> memref<80xi32, #tpu.memory_space<hbm>>
        %dma_start3A_368 = tpu.memref_slice %arg5[%add3A_338] : memref<320000xi32, #tpu.memory_space<hbm>> -> memref<80xi32, #tpu.memory_space<hbm>>
        tpu.enqueue_dma source(%dma_start3A_368 : memref<80xi32, #tpu.memory_space<hbm>>) target(%arg11 : memref<80xi32, #tpu.memory_space<vmem>>) target_semaphore(%run_scoped3A : memref<!tpu.dma_semaphore, #tpu.memory_space<semaphore_mem>>)
        %dma_wait3A_369 = tpu.memref_slice %arg5[%add3A_338] : memref<320000xi32, #tpu.memory_space<hbm>> -> memref<80xi32, #tpu.memory_space<hbm>>
        %dma_wait3A_370 = tpu.memref_slice %arg5[%add3A_338] : memref<320000xi32, #tpu.memory_space<hbm>> -> memref<80xi32, #tpu.memory_space<hbm>>
        tpu.wait_dma2 semaphore(%run_scoped3A : memref<!tpu.dma_semaphore, #tpu.memory_space<semaphore_mem>>) src(%dma_wait3A_370 : memref<80xi32, #tpu.memory_space<hbm>>) dst(%arg11 : memref<80xi32, #tpu.memory_space<vmem>>)
        tpu.yield
      }) : () -> ()
      %dma_start3A = arith.constant 0 : i32
      %dma_start3A_339 = arith.constant 0 : i32
      %dma_start3A_340 = tpu.memref_slice %arg2[%dma_start3A, %dma_start3A_339] : memref<10000x128xf32, #tpu.memory_space<hbm>> -> memref<10000x128xf32, #tpu.memory_space<hbm>>
      tpu.enqueue_indirect_dma source(%dma_start3A_340 : memref<10000x128xf32, #tpu.memory_space<hbm>>) target(%arg12 : memref<80x128xf32, #tpu.memory_space<vmem>>) offsets(%arg11 : memref<80xi32, #tpu.memory_space<vmem>>) semaphore(%arg15 : memref<!tpu.dma_semaphore, #tpu.memory_space<semaphore_mem>>)
      %dma_start3A_341 = arith.constant 0 : i32
      %dma_start3A_342 = arith.constant 0 : i32
      %dma_start3A_343 = tpu.memref_slice %arg3[%dma_start3A_341, %dma_start3A_342] : memref<10000x8xf32, #tpu.memory_space<hbm>> -> memref<10000x8xf32, #tpu.memory_space<hbm>>
      tpu.enqueue_indirect_dma source(%dma_start3A_343 : memref<10000x8xf32, #tpu.memory_space<hbm>>) target(%arg8 : memref<80x8xf32, #tpu.memory_space<vmem>>) offsets(%arg10 : memref<80xi32, #tpu.memory_space<vmem>>) semaphore(%arg15 : memref<!tpu.dma_semaphore, #tpu.memory_space<semaphore_mem>>)
      %dma_start3A_344 = arith.constant 0 : i32
      %dma_start3A_345 = arith.constant 0 : i32
      %dma_start3A_346 = tpu.memref_slice %arg3[%dma_start3A_344, %dma_start3A_345] : memref<10000x8xf32, #tpu.memory_space<hbm>> -> memref<10000x8xf32, #tpu.memory_space<hbm>>
      tpu.enqueue_indirect_dma source(%dma_start3A_346 : memref<10000x8xf32, #tpu.memory_space<hbm>>) target(%arg9 : memref<80x8xf32, #tpu.memory_space<vmem>>) offsets(%arg11 : memref<80xi32, #tpu.memory_space<vmem>>) semaphore(%arg15 : memref<!tpu.dma_semaphore, #tpu.memory_space<semaphore_mem>>)
      %dma_wait3A = arith.constant 0 : i32
      %dma_wait3A_347 = arith.constant 0 : i32
      %dma_wait3A_348 = tpu.memref_slice %arg2[%dma_wait3A, %dma_wait3A_347] : memref<10000x128xf32, #tpu.memory_space<hbm>> -> memref<10000x128xf32, #tpu.memory_space<hbm>>
      tpu.wait_indirect_dma semaphore(%arg15 : memref<!tpu.dma_semaphore, #tpu.memory_space<semaphore_mem>>) src(%dma_wait3A_348 : memref<10000x128xf32, #tpu.memory_space<hbm>>) dst(%arg12 : memref<80x128xf32, #tpu.memory_space<vmem>>)
      %dma_wait3A_349 = arith.constant 0 : i32
      %dma_wait3A_350 = arith.constant 0 : i32
      %dma_wait3A_351 = tpu.memref_slice %arg3[%dma_wait3A_349, %dma_wait3A_350] : memref<10000x8xf32, #tpu.memory_space<hbm>> -> memref<10000x8xf32, #tpu.memory_space<hbm>>
      tpu.wait_indirect_dma semaphore(%arg15 : memref<!tpu.dma_semaphore, #tpu.memory_space<semaphore_mem>>) src(%dma_wait3A_351 : memref<10000x8xf32, #tpu.memory_space<hbm>>) dst(%arg8 : memref<80x8xf32, #tpu.memory_space<vmem>>)
      %dma_wait3A_352 = arith.constant 0 : i32
      %dma_wait3A_353 = arith.constant 0 : i32
      %dma_wait3A_354 = tpu.memref_slice %arg3[%dma_wait3A_352, %dma_wait3A_353] : memref<10000x8xf32, #tpu.memory_space<hbm>> -> memref<10000x8xf32, #tpu.memory_space<hbm>>
      tpu.wait_indirect_dma semaphore(%arg15 : memref<!tpu.dma_semaphore, #tpu.memory_space<semaphore_mem>>) src(%dma_wait3A_354 : memref<10000x8xf32, #tpu.memory_space<hbm>>) dst(%arg9 : memref<80x8xf32, #tpu.memory_space<vmem>>)
      %scan3A_355 = arith.constant 0 : i32
      %scan3A_356 = arith.constant 0 : i32
      %scan3A_357 = arith.constant 5 : i32
      %scan3A_358 = arith.addi %scan3A_356, %scan3A_357 : i32
      %scan3A_359 = arith.constant 1 : i32
      scf.for %scan3A_367 = %scan3A_356 to %scan3A_358 step %scan3A_359  : i32 {
        %mul3A_368 = arith.constant 16 : i32
        %mul3A_369 = arith.muli %scan3A_367, %mul3A_368 : i32
        %add3A_370 = vector.broadcast %mul3A_369 : i32 to vector<16xi32>
        %add3A_371 = arith.addi %add3A_370, %iota3A : vector<16xi32>
        %broadcast_in_dim3A_372 = arith.constant 0 : i32
        %broadcast_in_dim3A_373 = vector.broadcast %broadcast_in_dim3A_372 : i32 to vector<16xi32>
        %gather3A = tpu.vector_load_idx %arg8[%add3A_371, %broadcast_in_dim3A_373] : memref<80x8xf32, #tpu.memory_space<vmem>>[vector<16xi32>, vector<16xi32>], vector<16xf32>,
        %add3A_374 = vector.broadcast %mul3A_369 : i32 to vector<16xi32>
        %add3A_375 = arith.addi %add3A_374, %iota3A : vector<16xi32>
        %broadcast_in_dim3A_376 = arith.constant 1 : i32
        %broadcast_in_dim3A_377 = vector.broadcast %broadcast_in_dim3A_376 : i32 to vector<16xi32>
        %gather3A_378 = tpu.vector_load_idx %arg9[%add3A_375, %broadcast_in_dim3A_377] : memref<80x8xf32, #tpu.memory_space<vmem>>[vector<16xi32>, vector<16xi32>], vector<16xf32>,
        %add3A_379 = arith.addf %gather3A, %gather3A_378 : vector<16xf32>
        %ge3A = arith.constant 0.000000e+00 : f32
        %ge3A_380 = vector.broadcast %ge3A : f32 to vector<16xf32>
        %ge3A_381 = arith.cmpf oge, %add3A_379, %ge3A_380 : vector<16xf32>
        %mul3A_382 = arith.constant 2.000000e-01 : f32
        %mul3A_383 = vector.broadcast %mul3A_382 : f32 to vector<16xf32>
        %mul3A_384 = arith.mulf %add3A_379, %mul3A_383 : vector<16xf32>
        %select_n3A = arith.select %ge3A_381, %add3A_379, %mul3A_384 : vector<16xi1>, vector<16xf32>
        %exp3A = math.exp %select_n3A : vector<16xf32>
        %add3A_385 = vector.broadcast %mul3A_369 : i32 to vector<16xi32>
        %add3A_386 = arith.addi %add3A_385, %iota3A : vector<16xi32>
        %broadcast_in_dim3A_387 = arith.constant 128 : i32
        %broadcast_in_dim3A_388 = vector.broadcast %broadcast_in_dim3A_387 : i32 to vector<16xi32>
        tpu.vector_store_idx %arg13[%add3A_386, %broadcast_in_dim3A_388], %exp3A : memref<80x136xf32, #tpu.memory_space<vmem>>[vector<16xi32>, vector<16xi32>], vector<16xf32>,
        %add3A_389 = arith.constant 0 : i32
        %add3A_390 = arith.addi %mul3A_369, %add3A_389 : i32
        %broadcast_in_dim3A_391 = arith.constant 0 : i32
        %broadcast_in_dim3A_392 = vector.broadcast %broadcast_in_dim3A_391 : i32 to vector<16x1xi32>
        %gather3A_393 = vector.shape_cast %broadcast_in_dim3A_392 : vector<16x1xi32> to vector<16xi32>
        %gather3A_394 = tpu.dynamic_gather %exp3A[%gather3A_393] in [0] : vector<16xf32>, vector<16xi32> -> vector<16xf32>
        %get3A = arith.index_cast %add3A_390 : i32 to index
        %get3A_395 = arith.constant 0 : index
        %get3A_396 = tpu.vector_load %arg12[%get3A, %get3A_395] {strides = array<i32>} : memref<80x128xf32, #tpu.memory_space<vmem>>, vector<16xf32>,
        %mul3A_397 = arith.mulf %get3A_396, %gather3A_394 : vector<16xf32>
        %swap3A_398 = arith.index_cast %add3A_390 : i32 to index
        %swap3A_399 = arith.constant 0 : index
        %swap3A_400 = tpu.vector_load %arg13[%swap3A_398, %swap3A_399] {strides = array<i32>} : memref<80x136xf32, #tpu.memory_space<vmem>>, vector<16xf32>,
        tpu.vector_store %arg13[%swap3A_398, %swap3A_399], %mul3A_397 {strides = array<i32>} : memref<80x136xf32, #tpu.memory_space<vmem>>, vector<16xf32>,
        %get3A_401 = arith.index_cast %add3A_390 : i32 to index
        %get3A_402 = arith.constant 16 : index
        %get3A_403 = tpu.vector_load %arg12[%get3A_401, %get3A_402] {strides = array<i32>} : memref<80x128xf32, #tpu.memory_space<vmem>>, vector<16xf32>,
        %mul3A_404 = arith.mulf %get3A_403, %gather3A_394 : vector<16xf32>
        %swap3A_405 = arith.index_cast %add3A_390 : i32 to index
        %swap3A_406 = arith.constant 16 : index
        %swap3A_407 = tpu.vector_load %arg13[%swap3A_405, %swap3A_406] {strides = array<i32>} : memref<80x136xf32, #tpu.memory_space<vmem>>, vector<16xf32>,
        tpu.vector_store %arg13[%swap3A_405, %swap3A_406], %mul3A_404 {strides = array<i32>} : memref<80x136xf32, #tpu.memory_space<vmem>>, vector<16xf32>,
        %get3A_408 = arith.index_cast %add3A_390 : i32 to index
        %get3A_409 = arith.constant 32 : index
        %get3A_410 = tpu.vector_load %arg12[%get3A_408, %get3A_409] {strides = array<i32>} : memref<80x128xf32, #tpu.memory_space<vmem>>, vector<16xf32>,
        %mul3A_411 = arith.mulf %get3A_410, %gather3A_394 : vector<16xf32>
        %swap3A_412 = arith.index_cast %add3A_390 : i32 to index
        %swap3A_413 = arith.constant 32 : index
        %swap3A_414 = tpu.vector_load %arg13[%swap3A_412, %swap3A_413] {strides = array<i32>} : memref<80x136xf32, #tpu.memory_space<vmem>>, vector<16xf32>,
        tpu.vector_store %arg13[%swap3A_412, %swap3A_413], %mul3A_411 {strides = array<i32>} : memref<80x136xf32, #tpu.memory_space<vmem>>, vector<16xf32>,
        %get3A_415 = arith.index_cast %add3A_390 : i32 to index
        %get3A_416 = arith.constant 48 : index
        %get3A_417 = tpu.vector_load %arg12[%get3A_415, %get3A_416] {strides = array<i32>} : memref<80x128xf32, #tpu.memory_space<vmem>>, vector<16xf32>,
        %mul3A_418 = arith.mulf %get3A_417, %gather3A_394 : vector<16xf32>
        %swap3A_419 = arith.index_cast %add3A_390 : i32 to index
        %swap3A_420 = arith.constant 48 : index
        %swap3A_421 = tpu.vector_load %arg13[%swap3A_419, %swap3A_420] {strides = array<i32>} : memref<80x136xf32, #tpu.memory_space<vmem>>, vector<16xf32>,
        tpu.vector_store %arg13[%swap3A_419, %swap3A_420], %mul3A_418 {strides = array<i32>} : memref<80x136xf32, #tpu.memory_space<vmem>>, vector<16xf32>,
        %get3A_422 = arith.index_cast %add3A_390 : i32 to index
        %get3A_423 = arith.constant 64 : index
        %get3A_424 = tpu.vector_load %arg12[%get3A_422, %get3A_423] {strides = array<i32>} : memref<80x128xf32, #tpu.memory_space<vmem>>, vector<16xf32>,
        %mul3A_425 = arith.mulf %get3A_424, %gather3A_394 : vector<16xf32>
        %swap3A_426 = arith.index_cast %add3A_390 : i32 to index
        %swap3A_427 = arith.constant 64 : index
        %swap3A_428 = tpu.vector_load %arg13[%swap3A_426, %swap3A_427] {strides = array<i32>} : memref<80x136xf32, #tpu.memory_space<vmem>>, vector<16xf32>,
        tpu.vector_store %arg13[%swap3A_426, %swap3A_427], %mul3A_425 {strides = array<i32>} : memref<80x136xf32, #tpu.memory_space<vmem>>, vector<16xf32>,
        %get3A_429 = arith.index_cast %add3A_390 : i32 to index
        %get3A_430 = arith.constant 80 : index
        %get3A_431 = tpu.vector_load %arg12[%get3A_429, %get3A_430] {strides = array<i32>} : memref<80x128xf32, #tpu.memory_space<vmem>>, vector<16xf32>,
        %mul3A_432 = arith.mulf %get3A_431, %gather3A_394 : vector<16xf32>
        %swap3A_433 = arith.index_cast %add3A_390 : i32 to index
        %swap3A_434 = arith.constant 80 : index
        %swap3A_435 = tpu.vector_load %arg13[%swap3A_433, %swap3A_434] {strides = array<i32>} : memref<80x136xf32, #tpu.memory_space<vmem>>, vector<16xf32>,
        tpu.vector_store %arg13[%swap3A_433, %swap3A_434], %mul3A_432 {strides = array<i32>} : memref<80x136xf32, #tpu.memory_space<vmem>>, vector<16xf32>,
        %get3A_436 = arith.index_cast %add3A_390 : i32 to index
        %get3A_437 = arith.constant 96 : index
        %get3A_438 = tpu.vector_load %arg12[%get3A_436, %get3A_437] {strides = array<i32>} : memref<80x128xf32, #tpu.memory_space<vmem>>, vector<16xf32>,
        %mul3A_439 = arith.mulf %get3A_438, %gather3A_394 : vector<16xf32>
        %swap3A_440 = arith.index_cast %add3A_390 : i32 to index
        %swap3A_441 = arith.constant 96 : index
        %swap3A_442 = tpu.vector_load %arg13[%swap3A_440, %swap3A_441] {strides = array<i32>} : memref<80x136xf32, #tpu.memory_space<vmem>>, vector<16xf32>,
        tpu.vector_store %arg13[%swap3A_440, %swap3A_441], %mul3A_439 {strides = array<i32>} : memref<80x136xf32, #tpu.memory_space<vmem>>, vector<16xf32>,
        %get3A_443 = arith.index_cast %add3A_390 : i32 to index
        %get3A_444 = arith.constant 112 : index
        %get3A_445 = tpu.vector_load %arg12[%get3A_443, %get3A_444] {strides = array<i32>} : memref<80x128xf32, #tpu.memory_space<vmem>>, vector<16xf32>,
        %mul3A_446 = arith.mulf %get3A_445, %gather3A_394 : vector<16xf32>
        %swap3A_447 = arith.index_cast %add3A_390 : i32 to index
        %swap3A_448 = arith.constant 112 : index
        %swap3A_449 = tpu.vector_load %arg13[%swap3A_447, %swap3A_448] {strides = array<i32>} : memref<80x136xf32, #tpu.memory_space<vmem>>, vector<16xf32>,
        tpu.vector_store %arg13[%swap3A_447, %swap3A_448], %mul3A_446 {strides = array<i32>} : memref<80x136xf32, #tpu.memory_space<vmem>>, vector<16xf32>,
        %add3A_450 = arith.constant 1 : i32
        %add3A_451 = arith.addi %mul3A_369, %add3A_450 : i32
        %broadcast_in_dim3A_452 = arith.constant 1 : i32
        %broadcast_in_dim3A_453 = vector.broadcast %broadcast_in_dim3A_452 : i32 to vector<16x1xi32>
        %gather3A_454 = vector.shape_cast %broadcast_in_dim3A_453 : vector<16x1xi32> to vector<16xi32>
        %gather3A_455 = tpu.dynamic_gather %exp3A[%gather3A_454] in [0] : vector<16xf32>, vector<16xi32> -> vector<16xf32>
        %get3A_456 = arith.index_cast %add3A_451 : i32 to index
        %get3A_457 = arith.constant 0 : index
        %get3A_458 = tpu.vector_load %arg12[%get3A_456, %get3A_457] {strides = array<i32>} : memref<80x128xf32, #tpu.memory_space<vmem>>, vector<16xf32>,
        %mul3A_459 = arith.mulf %get3A_458, %gather3A_455 : vector<16xf32>
        %swap3A_460 = arith.index_cast %add3A_451 : i32 to index
        %swap3A_461 = arith.constant 0 : index
        %swap3A_462 = tpu.vector_load %arg13[%swap3A_460, %swap3A_461] {strides = array<i32>} : memref<80x136xf32, #tpu.memory_space<vmem>>, vector<16xf32>,
        tpu.vector_store %arg13[%swap3A_460, %swap3A_461], %mul3A_459 {strides = array<i32>} : memref<80x136xf32, #tpu.memory_space<vmem>>, vector<16xf32>,
        %get3A_463 = arith.index_cast %add3A_451 : i32 to index
        %get3A_464 = arith.constant 16 : index
        %get3A_465 = tpu.vector_load %arg12[%get3A_463, %get3A_464] {strides = array<i32>} : memref<80x128xf32, #tpu.memory_space<vmem>>, vector<16xf32>,
        %mul3A_466 = arith.mulf %get3A_465, %gather3A_455 : vector<16xf32>
        %swap3A_467 = arith.index_cast %add3A_451 : i32 to index
        %swap3A_468 = arith.constant 16 : index
        %swap3A_469 = tpu.vector_load %arg13[%swap3A_467, %swap3A_468] {strides = array<i32>} : memref<80x136xf32, #tpu.memory_space<vmem>>, vector<16xf32>,
        tpu.vector_store %arg13[%swap3A_467, %swap3A_468], %mul3A_466 {strides = array<i32>} : memref<80x136xf32, #tpu.memory_space<vmem>>, vector<16xf32>,
        %get3A_470 = arith.index_cast %add3A_451 : i32 to index
        %get3A_471 = arith.constant 32 : index
        %get3A_472 = tpu.vector_load %arg12[%get3A_470, %get3A_471] {strides = array<i32>} : memref<80x128xf32, #tpu.memory_space<vmem>>, vector<16xf32>,
        %mul3A_473 = arith.mulf %get3A_472, %gather3A_455 : vector<16xf32>
        %swap3A_474 = arith.index_cast %add3A_451 : i32 to index
        %swap3A_475 = arith.constant 32 : index
        %swap3A_476 = tpu.vector_load %arg13[%swap3A_474, %swap3A_475] {strides = array<i32>} : memref<80x136xf32, #tpu.memory_space<vmem>>, vector<16xf32>,
        tpu.vector_store %arg13[%swap3A_474, %swap3A_475], %mul3A_473 {strides = array<i32>} : memref<80x136xf32, #tpu.memory_space<vmem>>, vector<16xf32>,
        %get3A_477 = arith.index_cast %add3A_451 : i32 to index
        %get3A_478 = arith.constant 48 : index
        %get3A_479 = tpu.vector_load %arg12[%get3A_477, %get3A_478] {strides = array<i32>} : memref<80x128xf32, #tpu.memory_space<vmem>>, vector<16xf32>,
        %mul3A_480 = arith.mulf %get3A_479, %gather3A_455 : vector<16xf32>
        %swap3A_481 = arith.index_cast %add3A_451 : i32 to index
        %swap3A_482 = arith.constant 48 : index
        %swap3A_483 = tpu.vector_load %arg13[%swap3A_481, %swap3A_482] {strides = array<i32>} : memref<80x136xf32, #tpu.memory_space<vmem>>, vector<16xf32>,
        tpu.vector_store %arg13[%swap3A_481, %swap3A_482], %mul3A_480 {strides = array<i32>} : memref<80x136xf32, #tpu.memory_space<vmem>>, vector<16xf32>,
        %get3A_484 = arith.index_cast %add3A_451 : i32 to index
        %get3A_485 = arith.constant 64 : index
        %get3A_486 = tpu.vector_load %arg12[%get3A_484, %get3A_485] {strides = array<i32>} : memref<80x128xf32, #tpu.memory_space<vmem>>, vector<16xf32>,
        %mul3A_487 = arith.mulf %get3A_486, %gather3A_455 : vector<16xf32>
        %swap3A_488 = arith.index_cast %add3A_451 : i32 to index
        %swap3A_489 = arith.constant 64 : index
        %swap3A_490 = tpu.vector_load %arg13[%swap3A_488, %swap3A_489] {strides = array<i32>} : memref<80x136xf32, #tpu.memory_space<vmem>>, vector<16xf32>,
        tpu.vector_store %arg13[%swap3A_488, %swap3A_489], %mul3A_487 {strides = array<i32>} : memref<80x136xf32, #tpu.memory_space<vmem>>, vector<16xf32>,
        %get3A_491 = arith.index_cast %add3A_451 : i32 to index
        %get3A_492 = arith.constant 80 : index
        %get3A_493 = tpu.vector_load %arg12[%get3A_491, %get3A_492] {strides = array<i32>} : memref<80x128xf32, #tpu.memory_space<vmem>>, vector<16xf32>,
        %mul3A_494 = arith.mulf %get3A_493, %gather3A_455 : vector<16xf32>
        %swap3A_495 = arith.index_cast %add3A_451 : i32 to index
        %swap3A_496 = arith.constant 80 : index
        %swap3A_497 = tpu.vector_load %arg13[%swap3A_495, %swap3A_496] {strides = array<i32>} : memref<80x136xf32, #tpu.memory_space<vmem>>, vector<16xf32>,
        tpu.vector_store %arg13[%swap3A_495, %swap3A_496], %mul3A_494 {strides = array<i32>} : memref<80x136xf32, #tpu.memory_space<vmem>>, vector<16xf32>,
        %get3A_498 = arith.index_cast %add3A_451 : i32 to index
        %get3A_499 = arith.constant 96 : index
        %get3A_500 = tpu.vector_load %arg12[%get3A_498, %get3A_499] {strides = array<i32>} : memref<80x128xf32, #tpu.memory_space<vmem>>, vector<16xf32>,
        %mul3A_501 = arith.mulf %get3A_500, %gather3A_455 : vector<16xf32>
        %swap3A_502 = arith.index_cast %add3A_451 : i32 to index
        %swap3A_503 = arith.constant 96 : index
        %swap3A_504 = tpu.vector_load %arg13[%swap3A_502, %swap3A_503] {strides = array<i32>} : memref<80x136xf32, #tpu.memory_space<vmem>>, vector<16xf32>,
        tpu.vector_store %arg13[%swap3A_502, %swap3A_503], %mul3A_501 {strides = array<i32>} : memref<80x136xf32, #tpu.memory_space<vmem>>, vector<16xf32>,
        %get3A_505 = arith.index_cast %add3A_451 : i32 to index
        %get3A_506 = arith.constant 112 : index
        %get3A_507 = tpu.vector_load %arg12[%get3A_505, %get3A_506] {strides = array<i32>} : memref<80x128xf32, #tpu.memory_space<vmem>>, vector<16xf32>,
        %mul3A_508 = arith.mulf %get3A_507, %gather3A_455 : vector<16xf32>
        %swap3A_509 = arith.index_cast %add3A_451 : i32 to index
        %swap3A_510 = arith.constant 112 : index
        %swap3A_511 = tpu.vector_load %arg13[%swap3A_509, %swap3A_510] {strides = array<i32>} : memref<80x136xf32, #tpu.memory_space<vmem>>, vector<16xf32>,
        tpu.vector_store %arg13[%swap3A_509, %swap3A_510], %mul3A_508 {strides = array<i32>} : memref<80x136xf32, #tpu.memory_space<vmem>>, vector<16xf32>,
        %add3A_512 = arith.constant 2 : i32
        %add3A_513 = arith.addi %mul3A_369, %add3A_512 : i32
        %broadcast_in_dim3A_514 = arith.constant 2 : i32
        %broadcast_in_dim3A_515 = vector.broadcast %broadcast_in_dim3A_514 : i32 to vector<16x1xi32>
        %gather3A_516 = vector.shape_cast %broadcast_in_dim3A_515 : vector<16x1xi32> to vector<16xi32>
        %gather3A_517 = tpu.dynamic_gather %exp3A[%gather3A_516] in [0] : vector<16xf32>, vector<16xi32> -> vector<16xf32>
        %get3A_518 = arith.index_cast %add3A_513 : i32 to index
        %get3A_519 = arith.constant 0 : index
        %get3A_520 = tpu.vector_load %arg12[%get3A_518, %get3A_519] {strides = array<i32>} : memref<80x128xf32, #tpu.memory_space<vmem>>, vector<16xf32>,
        %mul3A_521 = arith.mulf %get3A_520, %gather3A_517 : vector<16xf32>
        %swap3A_522 = arith.index_cast %add3A_513 : i32 to index
        %swap3A_523 = arith.constant 0 : index
        %swap3A_524 = tpu.vector_load %arg13[%swap3A_522, %swap3A_523] {strides = array<i32>} : memref<80x136xf32, #tpu.memory_space<vmem>>, vector<16xf32>,
        tpu.vector_store %arg13[%swap3A_522, %swap3A_523], %mul3A_521 {strides = array<i32>} : memref<80x136xf32, #tpu.memory_space<vmem>>, vector<16xf32>,
        %get3A_525 = arith.index_cast %add3A_513 : i32 to index
        %get3A_526 = arith.constant 16 : index
        %get3A_527 = tpu.vector_load %arg12[%get3A_525, %get3A_526] {strides = array<i32>} : memref<80x128xf32, #tpu.memory_space<vmem>>, vector<16xf32>,
        %mul3A_528 = arith.mulf %get3A_527, %gather3A_517 : vector<16xf32>
        %swap3A_529 = arith.index_cast %add3A_513 : i32 to index
        %swap3A_530 = arith.constant 16 : index
        %swap3A_531 = tpu.vector_load %arg13[%swap3A_529, %swap3A_530] {strides = array<i32>} : memref<80x136xf32, #tpu.memory_space<vmem>>, vector<16xf32>,
        tpu.vector_store %arg13[%swap3A_529, %swap3A_530], %mul3A_528 {strides = array<i32>} : memref<80x136xf32, #tpu.memory_space<vmem>>, vector<16xf32>,
        %get3A_532 = arith.index_cast %add3A_513 : i32 to index
        %get3A_533 = arith.constant 32 : index
        %get3A_534 = tpu.vector_load %arg12[%get3A_532, %get3A_533] {strides = array<i32>} : memref<80x128xf32, #tpu.memory_space<vmem>>, vector<16xf32>,
        %mul3A_535 = arith.mulf %get3A_534, %gather3A_517 : vector<16xf32>
        %swap3A_536 = arith.index_cast %add3A_513 : i32 to index
        %swap3A_537 = arith.constant 32 : index
        %swap3A_538 = tpu.vector_load %arg13[%swap3A_536, %swap3A_537] {strides = array<i32>} : memref<80x136xf32, #tpu.memory_space<vmem>>, vector<16xf32>,
        tpu.vector_store %arg13[%swap3A_536, %swap3A_537], %mul3A_535 {strides = array<i32>} : memref<80x136xf32, #tpu.memory_space<vmem>>, vector<16xf32>,
        %get3A_539 = arith.index_cast %add3A_513 : i32 to index
        %get3A_540 = arith.constant 48 : index
        %get3A_541 = tpu.vector_load %arg12[%get3A_539, %get3A_540] {strides = array<i32>} : memref<80x128xf32, #tpu.memory_space<vmem>>, vector<16xf32>,
        %mul3A_542 = arith.mulf %get3A_541, %gather3A_517 : vector<16xf32>
        %swap3A_543 = arith.index_cast %add3A_513 : i32 to index
        %swap3A_544 = arith.constant 48 : index
        %swap3A_545 = tpu.vector_load %arg13[%swap3A_543, %swap3A_544] {strides = array<i32>} : memref<80x136xf32, #tpu.memory_space<vmem>>, vector<16xf32>,
        tpu.vector_store %arg13[%swap3A_543, %swap3A_544], %mul3A_542 {strides = array<i32>} : memref<80x136xf32, #tpu.memory_space<vmem>>, vector<16xf32>,
        %get3A_546 = arith.index_cast %add3A_513 : i32 to index
        %get3A_547 = arith.constant 64 : index
        %get3A_548 = tpu.vector_load %arg12[%get3A_546, %get3A_547] {strides = array<i32>} : memref<80x128xf32, #tpu.memory_space<vmem>>, vector<16xf32>,
        %mul3A_549 = arith.mulf %get3A_548, %gather3A_517 : vector<16xf32>
        %swap3A_550 = arith.index_cast %add3A_513 : i32 to index
        %swap3A_551 = arith.constant 64 : index
        %swap3A_552 = tpu.vector_load %arg13[%swap3A_550, %swap3A_551] {strides = array<i32>} : memref<80x136xf32, #tpu.memory_space<vmem>>, vector<16xf32>,
        tpu.vector_store %arg13[%swap3A_550, %swap3A_551], %mul3A_549 {strides = array<i32>} : memref<80x136xf32, #tpu.memory_space<vmem>>, vector<16xf32>,
        %get3A_553 = arith.index_cast %add3A_513 : i32 to index
        %get3A_554 = arith.constant 80 : index
        %get3A_555 = tpu.vector_load %arg12[%get3A_553, %get3A_554] {strides = array<i32>} : memref<80x128xf32, #tpu.memory_space<vmem>>, vector<16xf32>,
        %mul3A_556 = arith.mulf %get3A_555, %gather3A_517 : vector<16xf32>
        %swap3A_557 = arith.index_cast %add3A_513 : i32 to index
        %swap3A_558 = arith.constant 80 : index
        %swap3A_559 = tpu.vector_load %arg13[%swap3A_557, %swap3A_558] {strides = array<i32>} : memref<80x136xf32, #tpu.memory_space<vmem>>, vector<16xf32>,
        tpu.vector_store %arg13[%swap3A_557, %swap3A_558], %mul3A_556 {strides = array<i32>} : memref<80x136xf32, #tpu.memory_space<vmem>>, vector<16xf32>,
        %get3A_560 = arith.index_cast %add3A_513 : i32 to index
        %get3A_561 = arith.constant 96 : index
        %get3A_562 = tpu.vector_load %arg12[%get3A_560, %get3A_561] {strides = array<i32>} : memref<80x128xf32, #tpu.memory_space<vmem>>, vector<16xf32>,
        %mul3A_563 = arith.mulf %get3A_562, %gather3A_517 : vector<16xf32>
        %swap3A_564 = arith.index_cast %add3A_513 : i32 to index
        %swap3A_565 = arith.constant 96 : index
        %swap3A_566 = tpu.vector_load %arg13[%swap3A_564, %swap3A_565] {strides = array<i32>} : memref<80x136xf32, #tpu.memory_space<vmem>>, vector<16xf32>,
        tpu.vector_store %arg13[%swap3A_564, %swap3A_565], %mul3A_563 {strides = array<i32>} : memref<80x136xf32, #tpu.memory_space<vmem>>, vector<16xf32>,
        %get3A_567 = arith.index_cast %add3A_513 : i32 to index
        %get3A_568 = arith.constant 112 : index
        %get3A_569 = tpu.vector_load %arg12[%get3A_567, %get3A_568] {strides = array<i32>} : memref<80x128xf32, #tpu.memory_space<vmem>>, vector<16xf32>,
        %mul3A_570 = arith.mulf %get3A_569, %gather3A_517 : vector<16xf32>
        %swap3A_571 = arith.index_cast %add3A_513 : i32 to index
        %swap3A_572 = arith.constant 112 : index
        %swap3A_573 = tpu.vector_load %arg13[%swap3A_571, %swap3A_572] {strides = array<i32>} : memref<80x136xf32, #tpu.memory_space<vmem>>, vector<16xf32>,
        tpu.vector_store %arg13[%swap3A_571, %swap3A_572], %mul3A_570 {strides = array<i32>} : memref<80x136xf32, #tpu.memory_space<vmem>>, vector<16xf32>,
        %add3A_574 = arith.constant 3 : i32
        %add3A_575 = arith.addi %mul3A_369, %add3A_574 : i32
        %broadcast_in_dim3A_576 = arith.constant 3 : i32
        %broadcast_in_dim3A_577 = vector.broadcast %broadcast_in_dim3A_576 : i32 to vector<16x1xi32>
        %gather3A_578 = vector.shape_cast %broadcast_in_dim3A_577 : vector<16x1xi32> to vector<16xi32>
        %gather3A_579 = tpu.dynamic_gather %exp3A[%gather3A_578] in [0] : vector<16xf32>, vector<16xi32> -> vector<16xf32>
        %get3A_580 = arith.index_cast %add3A_575 : i32 to index
        %get3A_581 = arith.constant 0 : index
        %get3A_582 = tpu.vector_load %arg12[%get3A_580, %get3A_581] {strides = array<i32>} : memref<80x128xf32, #tpu.memory_space<vmem>>, vector<16xf32>,
        %mul3A_583 = arith.mulf %get3A_582, %gather3A_579 : vector<16xf32>
        %swap3A_584 = arith.index_cast %add3A_575 : i32 to index
        %swap3A_585 = arith.constant 0 : index
        %swap3A_586 = tpu.vector_load %arg13[%swap3A_584, %swap3A_585] {strides = array<i32>} : memref<80x136xf32, #tpu.memory_space<vmem>>, vector<16xf32>,
        tpu.vector_store %arg13[%swap3A_584, %swap3A_585], %mul3A_583 {strides = array<i32>} : memref<80x136xf32, #tpu.memory_space<vmem>>, vector<16xf32>,
        %get3A_587 = arith.index_cast %add3A_575 : i32 to index
        %get3A_588 = arith.constant 16 : index
        %get3A_589 = tpu.vector_load %arg12[%get3A_587, %get3A_588] {strides = array<i32>} : memref<80x128xf32, #tpu.memory_space<vmem>>, vector<16xf32>,
        %mul3A_590 = arith.mulf %get3A_589, %gather3A_579 : vector<16xf32>
        %swap3A_591 = arith.index_cast %add3A_575 : i32 to index
        %swap3A_592 = arith.constant 16 : index
        %swap3A_593 = tpu.vector_load %arg13[%swap3A_591, %swap3A_592] {strides = array<i32>} : memref<80x136xf32, #tpu.memory_space<vmem>>, vector<16xf32>,
        tpu.vector_store %arg13[%swap3A_591, %swap3A_592], %mul3A_590 {strides = array<i32>} : memref<80x136xf32, #tpu.memory_space<vmem>>, vector<16xf32>,
        %get3A_594 = arith.index_cast %add3A_575 : i32 to index
        %get3A_595 = arith.constant 32 : index
        %get3A_596 = tpu.vector_load %arg12[%get3A_594, %get3A_595] {strides = array<i32>} : memref<80x128xf32, #tpu.memory_space<vmem>>, vector<16xf32>,
        %mul3A_597 = arith.mulf %get3A_596, %gather3A_579 : vector<16xf32>
        %swap3A_598 = arith.index_cast %add3A_575 : i32 to index
        %swap3A_599 = arith.constant 32 : index
        %swap3A_600 = tpu.vector_load %arg13[%swap3A_598, %swap3A_599] {strides = array<i32>} : memref<80x136xf32, #tpu.memory_space<vmem>>, vector<16xf32>,
        tpu.vector_store %arg13[%swap3A_598, %swap3A_599], %mul3A_597 {strides = array<i32>} : memref<80x136xf32, #tpu.memory_space<vmem>>, vector<16xf32>,
        %get3A_601 = arith.index_cast %add3A_575 : i32 to index
        %get3A_602 = arith.constant 48 : index
        %get3A_603 = tpu.vector_load %arg12[%get3A_601, %get3A_602] {strides = array<i32>} : memref<80x128xf32, #tpu.memory_space<vmem>>, vector<16xf32>,
        %mul3A_604 = arith.mulf %get3A_603, %gather3A_579 : vector<16xf32>
        %swap3A_605 = arith.index_cast %add3A_575 : i32 to index
        %swap3A_606 = arith.constant 48 : index
        %swap3A_607 = tpu.vector_load %arg13[%swap3A_605, %swap3A_606] {strides = array<i32>} : memref<80x136xf32, #tpu.memory_space<vmem>>, vector<16xf32>,
        tpu.vector_store %arg13[%swap3A_605, %swap3A_606], %mul3A_604 {strides = array<i32>} : memref<80x136xf32, #tpu.memory_space<vmem>>, vector<16xf32>,
        %get3A_608 = arith.index_cast %add3A_575 : i32 to index
        %get3A_609 = arith.constant 64 : index
        %get3A_610 = tpu.vector_load %arg12[%get3A_608, %get3A_609] {strides = array<i32>} : memref<80x128xf32, #tpu.memory_space<vmem>>, vector<16xf32>,
        %mul3A_611 = arith.mulf %get3A_610, %gather3A_579 : vector<16xf32>
        %swap3A_612 = arith.index_cast %add3A_575 : i32 to index
        %swap3A_613 = arith.constant 64 : index
        %swap3A_614 = tpu.vector_load %arg13[%swap3A_612, %swap3A_613] {strides = array<i32>} : memref<80x136xf32, #tpu.memory_space<vmem>>, vector<16xf32>,
        tpu.vector_store %arg13[%swap3A_612, %swap3A_613], %mul3A_611 {strides = array<i32>} : memref<80x136xf32, #tpu.memory_space<vmem>>, vector<16xf32>,
        %get3A_615 = arith.index_cast %add3A_575 : i32 to index
        %get3A_616 = arith.constant 80 : index
        %get3A_617 = tpu.vector_load %arg12[%get3A_615, %get3A_616] {strides = array<i32>} : memref<80x128xf32, #tpu.memory_space<vmem>>, vector<16xf32>,
        %mul3A_618 = arith.mulf %get3A_617, %gather3A_579 : vector<16xf32>
        %swap3A_619 = arith.index_cast %add3A_575 : i32 to index
        %swap3A_620 = arith.constant 80 : index
        %swap3A_621 = tpu.vector_load %arg13[%swap3A_619, %swap3A_620] {strides = array<i32>} : memref<80x136xf32, #tpu.memory_space<vmem>>, vector<16xf32>,
        tpu.vector_store %arg13[%swap3A_619, %swap3A_620], %mul3A_618 {strides = array<i32>} : memref<80x136xf32, #tpu.memory_space<vmem>>, vector<16xf32>,
        %get3A_622 = arith.index_cast %add3A_575 : i32 to index
        %get3A_623 = arith.constant 96 : index
        %get3A_624 = tpu.vector_load %arg12[%get3A_622, %get3A_623] {strides = array<i32>} : memref<80x128xf32, #tpu.memory_space<vmem>>, vector<16xf32>,
        %mul3A_625 = arith.mulf %get3A_624, %gather3A_579 : vector<16xf32>
        %swap3A_626 = arith.index_cast %add3A_575 : i32 to index
        %swap3A_627 = arith.constant 96 : index
        %swap3A_628 = tpu.vector_load %arg13[%swap3A_626, %swap3A_627] {strides = array<i32>} : memref<80x136xf32, #tpu.memory_space<vmem>>, vector<16xf32>,
        tpu.vector_store %arg13[%swap3A_626, %swap3A_627], %mul3A_625 {strides = array<i32>} : memref<80x136xf32, #tpu.memory_space<vmem>>, vector<16xf32>,
        %get3A_629 = arith.index_cast %add3A_575 : i32 to index
        %get3A_630 = arith.constant 112 : index
        %get3A_631 = tpu.vector_load %arg12[%get3A_629, %get3A_630] {strides = array<i32>} : memref<80x128xf32, #tpu.memory_space<vmem>>, vector<16xf32>,
        %mul3A_632 = arith.mulf %get3A_631, %gather3A_579 : vector<16xf32>
        %swap3A_633 = arith.index_cast %add3A_575 : i32 to index
        %swap3A_634 = arith.constant 112 : index
        %swap3A_635 = tpu.vector_load %arg13[%swap3A_633, %swap3A_634] {strides = array<i32>} : memref<80x136xf32, #tpu.memory_space<vmem>>, vector<16xf32>,
        tpu.vector_store %arg13[%swap3A_633, %swap3A_634], %mul3A_632 {strides = array<i32>} : memref<80x136xf32, #tpu.memory_space<vmem>>, vector<16xf32>,
        %add3A_636 = arith.constant 4 : i32
        %add3A_637 = arith.addi %mul3A_369, %add3A_636 : i32
        %broadcast_in_dim3A_638 = arith.constant 4 : i32
        %broadcast_in_dim3A_639 = vector.broadcast %broadcast_in_dim3A_638 : i32 to vector<16x1xi32>
        %gather3A_640 = vector.shape_cast %broadcast_in_dim3A_639 : vector<16x1xi32> to vector<16xi32>
        %gather3A_641 = tpu.dynamic_gather %exp3A[%gather3A_640] in [0] : vector<16xf32>, vector<16xi32> -> vector<16xf32>
        %get3A_642 = arith.index_cast %add3A_637 : i32 to index
        %get3A_643 = arith.constant 0 : index
        %get3A_644 = tpu.vector_load %arg12[%get3A_642, %get3A_643] {strides = array<i32>} : memref<80x128xf32, #tpu.memory_space<vmem>>, vector<16xf32>,
        %mul3A_645 = arith.mulf %get3A_644, %gather3A_641 : vector<16xf32>
        %swap3A_646 = arith.index_cast %add3A_637 : i32 to index
        %swap3A_647 = arith.constant 0 : index
        %swap3A_648 = tpu.vector_load %arg13[%swap3A_646, %swap3A_647] {strides = array<i32>} : memref<80x136xf32, #tpu.memory_space<vmem>>, vector<16xf32>,
        tpu.vector_store %arg13[%swap3A_646, %swap3A_647], %mul3A_645 {strides = array<i32>} : memref<80x136xf32, #tpu.memory_space<vmem>>, vector<16xf32>,
        %get3A_649 = arith.index_cast %add3A_637 : i32 to index
        %get3A_650 = arith.constant 16 : index
        %get3A_651 = tpu.vector_load %arg12[%get3A_649, %get3A_650] {strides = array<i32>} : memref<80x128xf32, #tpu.memory_space<vmem>>, vector<16xf32>,
        %mul3A_652 = arith.mulf %get3A_651, %gather3A_641 : vector<16xf32>
        %swap3A_653 = arith.index_cast %add3A_637 : i32 to index
        %swap3A_654 = arith.constant 16 : index
        %swap3A_655 = tpu.vector_load %arg13[%swap3A_653, %swap3A_654] {strides = array<i32>} : memref<80x136xf32, #tpu.memory_space<vmem>>, vector<16xf32>,
        tpu.vector_store %arg13[%swap3A_653, %swap3A_654], %mul3A_652 {strides = array<i32>} : memref<80x136xf32, #tpu.memory_space<vmem>>, vector<16xf32>,
        %get3A_656 = arith.index_cast %add3A_637 : i32 to index
        %get3A_657 = arith.constant 32 : index
        %get3A_658 = tpu.vector_load %arg12[%get3A_656, %get3A_657] {strides = array<i32>} : memref<80x128xf32, #tpu.memory_space<vmem>>, vector<16xf32>,
        %mul3A_659 = arith.mulf %get3A_658, %gather3A_641 : vector<16xf32>
        %swap3A_660 = arith.index_cast %add3A_637 : i32 to index
        %swap3A_661 = arith.constant 32 : index
        %swap3A_662 = tpu.vector_load %arg13[%swap3A_660, %swap3A_661] {strides = array<i32>} : memref<80x136xf32, #tpu.memory_space<vmem>>, vector<16xf32>,
        tpu.vector_store %arg13[%swap3A_660, %swap3A_661], %mul3A_659 {strides = array<i32>} : memref<80x136xf32, #tpu.memory_space<vmem>>, vector<16xf32>,
        %get3A_663 = arith.index_cast %add3A_637 : i32 to index
        %get3A_664 = arith.constant 48 : index
        %get3A_665 = tpu.vector_load %arg12[%get3A_663, %get3A_664] {strides = array<i32>} : memref<80x128xf32, #tpu.memory_space<vmem>>, vector<16xf32>,
        %mul3A_666 = arith.mulf %get3A_665, %gather3A_641 : vector<16xf32>
        %swap3A_667 = arith.index_cast %add3A_637 : i32 to index
        %swap3A_668 = arith.constant 48 : index
        %swap3A_669 = tpu.vector_load %arg13[%swap3A_667, %swap3A_668] {strides = array<i32>} : memref<80x136xf32, #tpu.memory_space<vmem>>, vector<16xf32>,
        tpu.vector_store %arg13[%swap3A_667, %swap3A_668], %mul3A_666 {strides = array<i32>} : memref<80x136xf32, #tpu.memory_space<vmem>>, vector<16xf32>,
        %get3A_670 = arith.index_cast %add3A_637 : i32 to index
        %get3A_671 = arith.constant 64 : index
        %get3A_672 = tpu.vector_load %arg12[%get3A_670, %get3A_671] {strides = array<i32>} : memref<80x128xf32, #tpu.memory_space<vmem>>, vector<16xf32>,
        %mul3A_673 = arith.mulf %get3A_672, %gather3A_641 : vector<16xf32>
        %swap3A_674 = arith.index_cast %add3A_637 : i32 to index
        %swap3A_675 = arith.constant 64 : index
        %swap3A_676 = tpu.vector_load %arg13[%swap3A_674, %swap3A_675] {strides = array<i32>} : memref<80x136xf32, #tpu.memory_space<vmem>>, vector<16xf32>,
        tpu.vector_store %arg13[%swap3A_674, %swap3A_675], %mul3A_673 {strides = array<i32>} : memref<80x136xf32, #tpu.memory_space<vmem>>, vector<16xf32>,
        %get3A_677 = arith.index_cast %add3A_637 : i32 to index
        %get3A_678 = arith.constant 80 : index
        %get3A_679 = tpu.vector_load %arg12[%get3A_677, %get3A_678] {strides = array<i32>} : memref<80x128xf32, #tpu.memory_space<vmem>>, vector<16xf32>,
        %mul3A_680 = arith.mulf %get3A_679, %gather3A_641 : vector<16xf32>
        %swap3A_681 = arith.index_cast %add3A_637 : i32 to index
        %swap3A_682 = arith.constant 80 : index
        %swap3A_683 = tpu.vector_load %arg13[%swap3A_681, %swap3A_682] {strides = array<i32>} : memref<80x136xf32, #tpu.memory_space<vmem>>, vector<16xf32>,
        tpu.vector_store %arg13[%swap3A_681, %swap3A_682], %mul3A_680 {strides = array<i32>} : memref<80x136xf32, #tpu.memory_space<vmem>>, vector<16xf32>,
        %get3A_684 = arith.index_cast %add3A_637 : i32 to index
        %get3A_685 = arith.constant 96 : index
        %get3A_686 = tpu.vector_load %arg12[%get3A_684, %get3A_685] {strides = array<i32>} : memref<80x128xf32, #tpu.memory_space<vmem>>, vector<16xf32>,
        %mul3A_687 = arith.mulf %get3A_686, %gather3A_641 : vector<16xf32>
        %swap3A_688 = arith.index_cast %add3A_637 : i32 to index
        %swap3A_689 = arith.constant 96 : index
        %swap3A_690 = tpu.vector_load %arg13[%swap3A_688, %swap3A_689] {strides = array<i32>} : memref<80x136xf32, #tpu.memory_space<vmem>>, vector<16xf32>,
        tpu.vector_store %arg13[%swap3A_688, %swap3A_689], %mul3A_687 {strides = array<i32>} : memref<80x136xf32, #tpu.memory_space<vmem>>, vector<16xf32>,
        %get3A_691 = arith.index_cast %add3A_637 : i32 to index
        %get3A_692 = arith.constant 112 : index
        %get3A_693 = tpu.vector_load %arg12[%get3A_691, %get3A_692] {strides = array<i32>} : memref<80x128xf32, #tpu.memory_space<vmem>>, vector<16xf32>,
        %mul3A_694 = arith.mulf %get3A_693, %gather3A_641 : vector<16xf32>
        %swap3A_695 = arith.index_cast %add3A_637 : i32 to index
        %swap3A_696 = arith.constant 112 : index
        %swap3A_697 = tpu.vector_load %arg13[%swap3A_695, %swap3A_696] {strides = array<i32>} : memref<80x136xf32, #tpu.memory_space<vmem>>, vector<16xf32>,
        tpu.vector_store %arg13[%swap3A_695, %swap3A_696], %mul3A_694 {strides = array<i32>} : memref<80x136xf32, #tpu.memory_space<vmem>>, vector<16xf32>,
        %add3A_698 = arith.constant 5 : i32
        %add3A_699 = arith.addi %mul3A_369, %add3A_698 : i32
        %broadcast_in_dim3A_700 = arith.constant 5 : i32
        %broadcast_in_dim3A_701 = vector.broadcast %broadcast_in_dim3A_700 : i32 to vector<16x1xi32>
        %gather3A_702 = vector.shape_cast %broadcast_in_dim3A_701 : vector<16x1xi32> to vector<16xi32>
        %gather3A_703 = tpu.dynamic_gather %exp3A[%gather3A_702] in [0] : vector<16xf32>, vector<16xi32> -> vector<16xf32>
        %get3A_704 = arith.index_cast %add3A_699 : i32 to index
        %get3A_705 = arith.constant 0 : index
        %get3A_706 = tpu.vector_load %arg12[%get3A_704, %get3A_705] {strides = array<i32>} : memref<80x128xf32, #tpu.memory_space<vmem>>, vector<16xf32>,
        %mul3A_707 = arith.mulf %get3A_706, %gather3A_703 : vector<16xf32>
        %swap3A_708 = arith.index_cast %add3A_699 : i32 to index
        %swap3A_709 = arith.constant 0 : index
        %swap3A_710 = tpu.vector_load %arg13[%swap3A_708, %swap3A_709] {strides = array<i32>} : memref<80x136xf32, #tpu.memory_space<vmem>>, vector<16xf32>,
        tpu.vector_store %arg13[%swap3A_708, %swap3A_709], %mul3A_707 {strides = array<i32>} : memref<80x136xf32, #tpu.memory_space<vmem>>, vector<16xf32>,
        %get3A_711 = arith.index_cast %add3A_699 : i32 to index
        %get3A_712 = arith.constant 16 : index
        %get3A_713 = tpu.vector_load %arg12[%get3A_711, %get3A_712] {strides = array<i32>} : memref<80x128xf32, #tpu.memory_space<vmem>>, vector<16xf32>,
        %mul3A_714 = arith.mulf %get3A_713, %gather3A_703 : vector<16xf32>
        %swap3A_715 = arith.index_cast %add3A_699 : i32 to index
        %swap3A_716 = arith.constant 16 : index
        %swap3A_717 = tpu.vector_load %arg13[%swap3A_715, %swap3A_716] {strides = array<i32>} : memref<80x136xf32, #tpu.memory_space<vmem>>, vector<16xf32>,
        tpu.vector_store %arg13[%swap3A_715, %swap3A_716], %mul3A_714 {strides = array<i32>} : memref<80x136xf32, #tpu.memory_space<vmem>>, vector<16xf32>,
        %get3A_718 = arith.index_cast %add3A_699 : i32 to index
        %get3A_719 = arith.constant 32 : index
        %get3A_720 = tpu.vector_load %arg12[%get3A_718, %get3A_719] {strides = array<i32>} : memref<80x128xf32, #tpu.memory_space<vmem>>, vector<16xf32>,
        %mul3A_721 = arith.mulf %get3A_720, %gather3A_703 : vector<16xf32>
        %swap3A_722 = arith.index_cast %add3A_699 : i32 to index
        %swap3A_723 = arith.constant 32 : index
        %swap3A_724 = tpu.vector_load %arg13[%swap3A_722, %swap3A_723] {strides = array<i32>} : memref<80x136xf32, #tpu.memory_space<vmem>>, vector<16xf32>,
        tpu.vector_store %arg13[%swap3A_722, %swap3A_723], %mul3A_721 {strides = array<i32>} : memref<80x136xf32, #tpu.memory_space<vmem>>, vector<16xf32>,
        %get3A_725 = arith.index_cast %add3A_699 : i32 to index
        %get3A_726 = arith.constant 48 : index
        %get3A_727 = tpu.vector_load %arg12[%get3A_725, %get3A_726] {strides = array<i32>} : memref<80x128xf32, #tpu.memory_space<vmem>>, vector<16xf32>,
        %mul3A_728 = arith.mulf %get3A_727, %gather3A_703 : vector<16xf32>
        %swap3A_729 = arith.index_cast %add3A_699 : i32 to index
        %swap3A_730 = arith.constant 48 : index
        %swap3A_731 = tpu.vector_load %arg13[%swap3A_729, %swap3A_730] {strides = array<i32>} : memref<80x136xf32, #tpu.memory_space<vmem>>, vector<16xf32>,
        tpu.vector_store %arg13[%swap3A_729, %swap3A_730], %mul3A_728 {strides = array<i32>} : memref<80x136xf32, #tpu.memory_space<vmem>>, vector<16xf32>,
        %get3A_732 = arith.index_cast %add3A_699 : i32 to index
        %get3A_733 = arith.constant 64 : index
        %get3A_734 = tpu.vector_load %arg12[%get3A_732, %get3A_733] {strides = array<i32>} : memref<80x128xf32, #tpu.memory_space<vmem>>, vector<16xf32>,
        %mul3A_735 = arith.mulf %get3A_734, %gather3A_703 : vector<16xf32>
        %swap3A_736 = arith.index_cast %add3A_699 : i32 to index
        %swap3A_737 = arith.constant 64 : index
        %swap3A_738 = tpu.vector_load %arg13[%swap3A_736, %swap3A_737] {strides = array<i32>} : memref<80x136xf32, #tpu.memory_space<vmem>>, vector<16xf32>,
        tpu.vector_store %arg13[%swap3A_736, %swap3A_737], %mul3A_735 {strides = array<i32>} : memref<80x136xf32, #tpu.memory_space<vmem>>, vector<16xf32>,
        %get3A_739 = arith.index_cast %add3A_699 : i32 to index
        %get3A_740 = arith.constant 80 : index
        %get3A_741 = tpu.vector_load %arg12[%get3A_739, %get3A_740] {strides = array<i32>} : memref<80x128xf32, #tpu.memory_space<vmem>>, vector<16xf32>,
        %mul3A_742 = arith.mulf %get3A_741, %gather3A_703 : vector<16xf32>
        %swap3A_743 = arith.index_cast %add3A_699 : i32 to index
        %swap3A_744 = arith.constant 80 : index
        %swap3A_745 = tpu.vector_load %arg13[%swap3A_743, %swap3A_744] {strides = array<i32>} : memref<80x136xf32, #tpu.memory_space<vmem>>, vector<16xf32>,
        tpu.vector_store %arg13[%swap3A_743, %swap3A_744], %mul3A_742 {strides = array<i32>} : memref<80x136xf32, #tpu.memory_space<vmem>>, vector<16xf32>,
        %get3A_746 = arith.index_cast %add3A_699 : i32 to index
        %get3A_747 = arith.constant 96 : index
        %get3A_748 = tpu.vector_load %arg12[%get3A_746, %get3A_747] {strides = array<i32>} : memref<80x128xf32, #tpu.memory_space<vmem>>, vector<16xf32>,
        %mul3A_749 = arith.mulf %get3A_748, %gather3A_703 : vector<16xf32>
        %swap3A_750 = arith.index_cast %add3A_699 : i32 to index
        %swap3A_751 = arith.constant 96 : index
        %swap3A_752 = tpu.vector_load %arg13[%swap3A_750, %swap3A_751] {strides = array<i32>} : memref<80x136xf32, #tpu.memory_space<vmem>>, vector<16xf32>,
        tpu.vector_store %arg13[%swap3A_750, %swap3A_751], %mul3A_749 {strides = array<i32>} : memref<80x136xf32, #tpu.memory_space<vmem>>, vector<16xf32>,
        %get3A_753 = arith.index_cast %add3A_699 : i32 to index
        %get3A_754 = arith.constant 112 : index
        %get3A_755 = tpu.vector_load %arg12[%get3A_753, %get3A_754] {strides = array<i32>} : memref<80x128xf32, #tpu.memory_space<vmem>>, vector<16xf32>,
        %mul3A_756 = arith.mulf %get3A_755, %gather3A_703 : vector<16xf32>
        %swap3A_757 = arith.index_cast %add3A_699 : i32 to index
        %swap3A_758 = arith.constant 112 : index
        %swap3A_759 = tpu.vector_load %arg13[%swap3A_757, %swap3A_758] {strides = array<i32>} : memref<80x136xf32, #tpu.memory_space<vmem>>, vector<16xf32>,
        tpu.vector_store %arg13[%swap3A_757, %swap3A_758], %mul3A_756 {strides = array<i32>} : memref<80x136xf32, #tpu.memory_space<vmem>>, vector<16xf32>,
        %add3A_760 = arith.constant 6 : i32
        %add3A_761 = arith.addi %mul3A_369, %add3A_760 : i32
        %broadcast_in_dim3A_762 = arith.constant 6 : i32
        %broadcast_in_dim3A_763 = vector.broadcast %broadcast_in_dim3A_762 : i32 to vector<16x1xi32>
        %gather3A_764 = vector.shape_cast %broadcast_in_dim3A_763 : vector<16x1xi32> to vector<16xi32>
        %gather3A_765 = tpu.dynamic_gather %exp3A[%gather3A_764] in [0] : vector<16xf32>, vector<16xi32> -> vector<16xf32>
        %get3A_766 = arith.index_cast %add3A_761 : i32 to index
        %get3A_767 = arith.constant 0 : index
        %get3A_768 = tpu.vector_load %arg12[%get3A_766, %get3A_767] {strides = array<i32>} : memref<80x128xf32, #tpu.memory_space<vmem>>, vector<16xf32>,
        %mul3A_769 = arith.mulf %get3A_768, %gather3A_765 : vector<16xf32>
        %swap3A_770 = arith.index_cast %add3A_761 : i32 to index
        %swap3A_771 = arith.constant 0 : index
        %swap3A_772 = tpu.vector_load %arg13[%swap3A_770, %swap3A_771] {strides = array<i32>} : memref<80x136xf32, #tpu.memory_space<vmem>>, vector<16xf32>,
        tpu.vector_store %arg13[%swap3A_770, %swap3A_771], %mul3A_769 {strides = array<i32>} : memref<80x136xf32, #tpu.memory_space<vmem>>, vector<16xf32>,
        %get3A_773 = arith.index_cast %add3A_761 : i32 to index
        %get3A_774 = arith.constant 16 : index
        %get3A_775 = tpu.vector_load %arg12[%get3A_773, %get3A_774] {strides = array<i32>} : memref<80x128xf32, #tpu.memory_space<vmem>>, vector<16xf32>,
        %mul3A_776 = arith.mulf %get3A_775, %gather3A_765 : vector<16xf32>
        %swap3A_777 = arith.index_cast %add3A_761 : i32 to index
        %swap3A_778 = arith.constant 16 : index
        %swap3A_779 = tpu.vector_load %arg13[%swap3A_777, %swap3A_778] {strides = array<i32>} : memref<80x136xf32, #tpu.memory_space<vmem>>, vector<16xf32>,
        tpu.vector_store %arg13[%swap3A_777, %swap3A_778], %mul3A_776 {strides = array<i32>} : memref<80x136xf32, #tpu.memory_space<vmem>>, vector<16xf32>,
        %get3A_780 = arith.index_cast %add3A_761 : i32 to index
        %get3A_781 = arith.constant 32 : index
        %get3A_782 = tpu.vector_load %arg12[%get3A_780, %get3A_781] {strides = array<i32>} : memref<80x128xf32, #tpu.memory_space<vmem>>, vector<16xf32>,
        %mul3A_783 = arith.mulf %get3A_782, %gather3A_765 : vector<16xf32>
        %swap3A_784 = arith.index_cast %add3A_761 : i32 to index
        %swap3A_785 = arith.constant 32 : index
        %swap3A_786 = tpu.vector_load %arg13[%swap3A_784, %swap3A_785] {strides = array<i32>} : memref<80x136xf32, #tpu.memory_space<vmem>>, vector<16xf32>,
        tpu.vector_store %arg13[%swap3A_784, %swap3A_785], %mul3A_783 {strides = array<i32>} : memref<80x136xf32, #tpu.memory_space<vmem>>, vector<16xf32>,
        %get3A_787 = arith.index_cast %add3A_761 : i32 to index
        %get3A_788 = arith.constant 48 : index
        %get3A_789 = tpu.vector_load %arg12[%get3A_787, %get3A_788] {strides = array<i32>} : memref<80x128xf32, #tpu.memory_space<vmem>>, vector<16xf32>,
        %mul3A_790 = arith.mulf %get3A_789, %gather3A_765 : vector<16xf32>
        %swap3A_791 = arith.index_cast %add3A_761 : i32 to index
        %swap3A_792 = arith.constant 48 : index
        %swap3A_793 = tpu.vector_load %arg13[%swap3A_791, %swap3A_792] {strides = array<i32>} : memref<80x136xf32, #tpu.memory_space<vmem>>, vector<16xf32>,
        tpu.vector_store %arg13[%swap3A_791, %swap3A_792], %mul3A_790 {strides = array<i32>} : memref<80x136xf32, #tpu.memory_space<vmem>>, vector<16xf32>,
        %get3A_794 = arith.index_cast %add3A_761 : i32 to index
        %get3A_795 = arith.constant 64 : index
        %get3A_796 = tpu.vector_load %arg12[%get3A_794, %get3A_795] {strides = array<i32>} : memref<80x128xf32, #tpu.memory_space<vmem>>, vector<16xf32>,
        %mul3A_797 = arith.mulf %get3A_796, %gather3A_765 : vector<16xf32>
        %swap3A_798 = arith.index_cast %add3A_761 : i32 to index
        %swap3A_799 = arith.constant 64 : index
        %swap3A_800 = tpu.vector_load %arg13[%swap3A_798, %swap3A_799] {strides = array<i32>} : memref<80x136xf32, #tpu.memory_space<vmem>>, vector<16xf32>,
        tpu.vector_store %arg13[%swap3A_798, %swap3A_799], %mul3A_797 {strides = array<i32>} : memref<80x136xf32, #tpu.memory_space<vmem>>, vector<16xf32>,
        %get3A_801 = arith.index_cast %add3A_761 : i32 to index
        %get3A_802 = arith.constant 80 : index
        %get3A_803 = tpu.vector_load %arg12[%get3A_801, %get3A_802] {strides = array<i32>} : memref<80x128xf32, #tpu.memory_space<vmem>>, vector<16xf32>,
        %mul3A_804 = arith.mulf %get3A_803, %gather3A_765 : vector<16xf32>
        %swap3A_805 = arith.index_cast %add3A_761 : i32 to index
        %swap3A_806 = arith.constant 80 : index
        %swap3A_807 = tpu.vector_load %arg13[%swap3A_805, %swap3A_806] {strides = array<i32>} : memref<80x136xf32, #tpu.memory_space<vmem>>, vector<16xf32>,
        tpu.vector_store %arg13[%swap3A_805, %swap3A_806], %mul3A_804 {strides = array<i32>} : memref<80x136xf32, #tpu.memory_space<vmem>>, vector<16xf32>,
        %get3A_808 = arith.index_cast %add3A_761 : i32 to index
        %get3A_809 = arith.constant 96 : index
        %get3A_810 = tpu.vector_load %arg12[%get3A_808, %get3A_809] {strides = array<i32>} : memref<80x128xf32, #tpu.memory_space<vmem>>, vector<16xf32>,
        %mul3A_811 = arith.mulf %get3A_810, %gather3A_765 : vector<16xf32>
        %swap3A_812 = arith.index_cast %add3A_761 : i32 to index
        %swap3A_813 = arith.constant 96 : index
        %swap3A_814 = tpu.vector_load %arg13[%swap3A_812, %swap3A_813] {strides = array<i32>} : memref<80x136xf32, #tpu.memory_space<vmem>>, vector<16xf32>,
        tpu.vector_store %arg13[%swap3A_812, %swap3A_813], %mul3A_811 {strides = array<i32>} : memref<80x136xf32, #tpu.memory_space<vmem>>, vector<16xf32>,
        %get3A_815 = arith.index_cast %add3A_761 : i32 to index
        %get3A_816 = arith.constant 112 : index
        %get3A_817 = tpu.vector_load %arg12[%get3A_815, %get3A_816] {strides = array<i32>} : memref<80x128xf32, #tpu.memory_space<vmem>>, vector<16xf32>,
        %mul3A_818 = arith.mulf %get3A_817, %gather3A_765 : vector<16xf32>
        %swap3A_819 = arith.index_cast %add3A_761 : i32 to index
        %swap3A_820 = arith.constant 112 : index
        %swap3A_821 = tpu.vector_load %arg13[%swap3A_819, %swap3A_820] {strides = array<i32>} : memref<80x136xf32, #tpu.memory_space<vmem>>, vector<16xf32>,
        tpu.vector_store %arg13[%swap3A_819, %swap3A_820], %mul3A_818 {strides = array<i32>} : memref<80x136xf32, #tpu.memory_space<vmem>>, vector<16xf32>,
        %add3A_822 = arith.constant 7 : i32
        %add3A_823 = arith.addi %mul3A_369, %add3A_822 : i32
        %broadcast_in_dim3A_824 = arith.constant 7 : i32
        %broadcast_in_dim3A_825 = vector.broadcast %broadcast_in_dim3A_824 : i32 to vector<16x1xi32>
        %gather3A_826 = vector.shape_cast %broadcast_in_dim3A_825 : vector<16x1xi32> to vector<16xi32>
        %gather3A_827 = tpu.dynamic_gather %exp3A[%gather3A_826] in [0] : vector<16xf32>, vector<16xi32> -> vector<16xf32>
        %get3A_828 = arith.index_cast %add3A_823 : i32 to index
        %get3A_829 = arith.constant 0 : index
        %get3A_830 = tpu.vector_load %arg12[%get3A_828, %get3A_829] {strides = array<i32>} : memref<80x128xf32, #tpu.memory_space<vmem>>, vector<16xf32>,
        %mul3A_831 = arith.mulf %get3A_830, %gather3A_827 : vector<16xf32>
        %swap3A_832 = arith.index_cast %add3A_823 : i32 to index
        %swap3A_833 = arith.constant 0 : index
        %swap3A_834 = tpu.vector_load %arg13[%swap3A_832, %swap3A_833] {strides = array<i32>} : memref<80x136xf32, #tpu.memory_space<vmem>>, vector<16xf32>,
        tpu.vector_store %arg13[%swap3A_832, %swap3A_833], %mul3A_831 {strides = array<i32>} : memref<80x136xf32, #tpu.memory_space<vmem>>, vector<16xf32>,
        %get3A_835 = arith.index_cast %add3A_823 : i32 to index
        %get3A_836 = arith.constant 16 : index
        %get3A_837 = tpu.vector_load %arg12[%get3A_835, %get3A_836] {strides = array<i32>} : memref<80x128xf32, #tpu.memory_space<vmem>>, vector<16xf32>,
        %mul3A_838 = arith.mulf %get3A_837, %gather3A_827 : vector<16xf32>
        %swap3A_839 = arith.index_cast %add3A_823 : i32 to index
        %swap3A_840 = arith.constant 16 : index
        %swap3A_841 = tpu.vector_load %arg13[%swap3A_839, %swap3A_840] {strides = array<i32>} : memref<80x136xf32, #tpu.memory_space<vmem>>, vector<16xf32>,
        tpu.vector_store %arg13[%swap3A_839, %swap3A_840], %mul3A_838 {strides = array<i32>} : memref<80x136xf32, #tpu.memory_space<vmem>>, vector<16xf32>,
        %get3A_842 = arith.index_cast %add3A_823 : i32 to index
        %get3A_843 = arith.constant 32 : index
        %get3A_844 = tpu.vector_load %arg12[%get3A_842, %get3A_843] {strides = array<i32>} : memref<80x128xf32, #tpu.memory_space<vmem>>, vector<16xf32>,
        %mul3A_845 = arith.mulf %get3A_844, %gather3A_827 : vector<16xf32>
        %swap3A_846 = arith.index_cast %add3A_823 : i32 to index
        %swap3A_847 = arith.constant 32 : index
        %swap3A_848 = tpu.vector_load %arg13[%swap3A_846, %swap3A_847] {strides = array<i32>} : memref<80x136xf32, #tpu.memory_space<vmem>>, vector<16xf32>,
        tpu.vector_store %arg13[%swap3A_846, %swap3A_847], %mul3A_845 {strides = array<i32>} : memref<80x136xf32, #tpu.memory_space<vmem>>, vector<16xf32>,
        %get3A_849 = arith.index_cast %add3A_823 : i32 to index
        %get3A_850 = arith.constant 48 : index
        %get3A_851 = tpu.vector_load %arg12[%get3A_849, %get3A_850] {strides = array<i32>} : memref<80x128xf32, #tpu.memory_space<vmem>>, vector<16xf32>,
        %mul3A_852 = arith.mulf %get3A_851, %gather3A_827 : vector<16xf32>
        %swap3A_853 = arith.index_cast %add3A_823 : i32 to index
        %swap3A_854 = arith.constant 48 : index
        %swap3A_855 = tpu.vector_load %arg13[%swap3A_853, %swap3A_854] {strides = array<i32>} : memref<80x136xf32, #tpu.memory_space<vmem>>, vector<16xf32>,
        tpu.vector_store %arg13[%swap3A_853, %swap3A_854], %mul3A_852 {strides = array<i32>} : memref<80x136xf32, #tpu.memory_space<vmem>>, vector<16xf32>,
        %get3A_856 = arith.index_cast %add3A_823 : i32 to index
        %get3A_857 = arith.constant 64 : index
        %get3A_858 = tpu.vector_load %arg12[%get3A_856, %get3A_857] {strides = array<i32>} : memref<80x128xf32, #tpu.memory_space<vmem>>, vector<16xf32>,
        %mul3A_859 = arith.mulf %get3A_858, %gather3A_827 : vector<16xf32>
        %swap3A_860 = arith.index_cast %add3A_823 : i32 to index
        %swap3A_861 = arith.constant 64 : index
        %swap3A_862 = tpu.vector_load %arg13[%swap3A_860, %swap3A_861] {strides = array<i32>} : memref<80x136xf32, #tpu.memory_space<vmem>>, vector<16xf32>,
        tpu.vector_store %arg13[%swap3A_860, %swap3A_861], %mul3A_859 {strides = array<i32>} : memref<80x136xf32, #tpu.memory_space<vmem>>, vector<16xf32>,
        %get3A_863 = arith.index_cast %add3A_823 : i32 to index
        %get3A_864 = arith.constant 80 : index
        %get3A_865 = tpu.vector_load %arg12[%get3A_863, %get3A_864] {strides = array<i32>} : memref<80x128xf32, #tpu.memory_space<vmem>>, vector<16xf32>,
        %mul3A_866 = arith.mulf %get3A_865, %gather3A_827 : vector<16xf32>
        %swap3A_867 = arith.index_cast %add3A_823 : i32 to index
        %swap3A_868 = arith.constant 80 : index
        %swap3A_869 = tpu.vector_load %arg13[%swap3A_867, %swap3A_868] {strides = array<i32>} : memref<80x136xf32, #tpu.memory_space<vmem>>, vector<16xf32>,
        tpu.vector_store %arg13[%swap3A_867, %swap3A_868], %mul3A_866 {strides = array<i32>} : memref<80x136xf32, #tpu.memory_space<vmem>>, vector<16xf32>,
        %get3A_870 = arith.index_cast %add3A_823 : i32 to index
        %get3A_871 = arith.constant 96 : index
        %get3A_872 = tpu.vector_load %arg12[%get3A_870, %get3A_871] {strides = array<i32>} : memref<80x128xf32, #tpu.memory_space<vmem>>, vector<16xf32>,
        %mul3A_873 = arith.mulf %get3A_872, %gather3A_827 : vector<16xf32>
        %swap3A_874 = arith.index_cast %add3A_823 : i32 to index
        %swap3A_875 = arith.constant 96 : index
        %swap3A_876 = tpu.vector_load %arg13[%swap3A_874, %swap3A_875] {strides = array<i32>} : memref<80x136xf32, #tpu.memory_space<vmem>>, vector<16xf32>,
        tpu.vector_store %arg13[%swap3A_874, %swap3A_875], %mul3A_873 {strides = array<i32>} : memref<80x136xf32, #tpu.memory_space<vmem>>, vector<16xf32>,
        %get3A_877 = arith.index_cast %add3A_823 : i32 to index
        %get3A_878 = arith.constant 112 : index
        %get3A_879 = tpu.vector_load %arg12[%get3A_877, %get3A_878] {strides = array<i32>} : memref<80x128xf32, #tpu.memory_space<vmem>>, vector<16xf32>,
        %mul3A_880 = arith.mulf %get3A_879, %gather3A_827 : vector<16xf32>
        %swap3A_881 = arith.index_cast %add3A_823 : i32 to index
        %swap3A_882 = arith.constant 112 : index
        %swap3A_883 = tpu.vector_load %arg13[%swap3A_881, %swap3A_882] {strides = array<i32>} : memref<80x136xf32, #tpu.memory_space<vmem>>, vector<16xf32>,
        tpu.vector_store %arg13[%swap3A_881, %swap3A_882], %mul3A_880 {strides = array<i32>} : memref<80x136xf32, #tpu.memory_space<vmem>>, vector<16xf32>,
        %add3A_884 = arith.constant 8 : i32
        %add3A_885 = arith.addi %mul3A_369, %add3A_884 : i32
        %broadcast_in_dim3A_886 = arith.constant 8 : i32
        %broadcast_in_dim3A_887 = vector.broadcast %broadcast_in_dim3A_886 : i32 to vector<16x1xi32>
        %gather3A_888 = vector.shape_cast %broadcast_in_dim3A_887 : vector<16x1xi32> to vector<16xi32>
        %gather3A_889 = tpu.dynamic_gather %exp3A[%gather3A_888] in [0] : vector<16xf32>, vector<16xi32> -> vector<16xf32>
        %get3A_890 = arith.index_cast %add3A_885 : i32 to index
        %get3A_891 = arith.constant 0 : index
        %get3A_892 = tpu.vector_load %arg12[%get3A_890, %get3A_891] {strides = array<i32>} : memref<80x128xf32, #tpu.memory_space<vmem>>, vector<16xf32>,
        %mul3A_893 = arith.mulf %get3A_892, %gather3A_889 : vector<16xf32>
        %swap3A_894 = arith.index_cast %add3A_885 : i32 to index
        %swap3A_895 = arith.constant 0 : index
        %swap3A_896 = tpu.vector_load %arg13[%swap3A_894, %swap3A_895] {strides = array<i32>} : memref<80x136xf32, #tpu.memory_space<vmem>>, vector<16xf32>,
        tpu.vector_store %arg13[%swap3A_894, %swap3A_895], %mul3A_893 {strides = array<i32>} : memref<80x136xf32, #tpu.memory_space<vmem>>, vector<16xf32>,
        %get3A_897 = arith.index_cast %add3A_885 : i32 to index
        %get3A_898 = arith.constant 16 : index
        %get3A_899 = tpu.vector_load %arg12[%get3A_897, %get3A_898] {strides = array<i32>} : memref<80x128xf32, #tpu.memory_space<vmem>>, vector<16xf32>,
        %mul3A_900 = arith.mulf %get3A_899, %gather3A_889 : vector<16xf32>
        %swap3A_901 = arith.index_cast %add3A_885 : i32 to index
        %swap3A_902 = arith.constant 16 : index
        %swap3A_903 = tpu.vector_load %arg13[%swap3A_901, %swap3A_902] {strides = array<i32>} : memref<80x136xf32, #tpu.memory_space<vmem>>, vector<16xf32>,
        tpu.vector_store %arg13[%swap3A_901, %swap3A_902], %mul3A_900 {strides = array<i32>} : memref<80x136xf32, #tpu.memory_space<vmem>>, vector<16xf32>,
        %get3A_904 = arith.index_cast %add3A_885 : i32 to index
        %get3A_905 = arith.constant 32 : index
        %get3A_906 = tpu.vector_load %arg12[%get3A_904, %get3A_905] {strides = array<i32>} : memref<80x128xf32, #tpu.memory_space<vmem>>, vector<16xf32>,
        %mul3A_907 = arith.mulf %get3A_906, %gather3A_889 : vector<16xf32>
        %swap3A_908 = arith.index_cast %add3A_885 : i32 to index
        %swap3A_909 = arith.constant 32 : index
        %swap3A_910 = tpu.vector_load %arg13[%swap3A_908, %swap3A_909] {strides = array<i32>} : memref<80x136xf32, #tpu.memory_space<vmem>>, vector<16xf32>,
        tpu.vector_store %arg13[%swap3A_908, %swap3A_909], %mul3A_907 {strides = array<i32>} : memref<80x136xf32, #tpu.memory_space<vmem>>, vector<16xf32>,
        %get3A_911 = arith.index_cast %add3A_885 : i32 to index
        %get3A_912 = arith.constant 48 : index
        %get3A_913 = tpu.vector_load %arg12[%get3A_911, %get3A_912] {strides = array<i32>} : memref<80x128xf32, #tpu.memory_space<vmem>>, vector<16xf32>,
        %mul3A_914 = arith.mulf %get3A_913, %gather3A_889 : vector<16xf32>
        %swap3A_915 = arith.index_cast %add3A_885 : i32 to index
        %swap3A_916 = arith.constant 48 : index
        %swap3A_917 = tpu.vector_load %arg13[%swap3A_915, %swap3A_916] {strides = array<i32>} : memref<80x136xf32, #tpu.memory_space<vmem>>, vector<16xf32>,
        tpu.vector_store %arg13[%swap3A_915, %swap3A_916], %mul3A_914 {strides = array<i32>} : memref<80x136xf32, #tpu.memory_space<vmem>>, vector<16xf32>,
        %get3A_918 = arith.index_cast %add3A_885 : i32 to index
        %get3A_919 = arith.constant 64 : index
        %get3A_920 = tpu.vector_load %arg12[%get3A_918, %get3A_919] {strides = array<i32>} : memref<80x128xf32, #tpu.memory_space<vmem>>, vector<16xf32>,
        %mul3A_921 = arith.mulf %get3A_920, %gather3A_889 : vector<16xf32>
        %swap3A_922 = arith.index_cast %add3A_885 : i32 to index
        %swap3A_923 = arith.constant 64 : index
        %swap3A_924 = tpu.vector_load %arg13[%swap3A_922, %swap3A_923] {strides = array<i32>} : memref<80x136xf32, #tpu.memory_space<vmem>>, vector<16xf32>,
        tpu.vector_store %arg13[%swap3A_922, %swap3A_923], %mul3A_921 {strides = array<i32>} : memref<80x136xf32, #tpu.memory_space<vmem>>, vector<16xf32>,
        %get3A_925 = arith.index_cast %add3A_885 : i32 to index
        %get3A_926 = arith.constant 80 : index
        %get3A_927 = tpu.vector_load %arg12[%get3A_925, %get3A_926] {strides = array<i32>} : memref<80x128xf32, #tpu.memory_space<vmem>>, vector<16xf32>,
        %mul3A_928 = arith.mulf %get3A_927, %gather3A_889 : vector<16xf32>
        %swap3A_929 = arith.index_cast %add3A_885 : i32 to index
        %swap3A_930 = arith.constant 80 : index
        %swap3A_931 = tpu.vector_load %arg13[%swap3A_929, %swap3A_930] {strides = array<i32>} : memref<80x136xf32, #tpu.memory_space<vmem>>, vector<16xf32>,
        tpu.vector_store %arg13[%swap3A_929, %swap3A_930], %mul3A_928 {strides = array<i32>} : memref<80x136xf32, #tpu.memory_space<vmem>>, vector<16xf32>,
        %get3A_932 = arith.index_cast %add3A_885 : i32 to index
        %get3A_933 = arith.constant 96 : index
        %get3A_934 = tpu.vector_load %arg12[%get3A_932, %get3A_933] {strides = array<i32>} : memref<80x128xf32, #tpu.memory_space<vmem>>, vector<16xf32>,
        %mul3A_935 = arith.mulf %get3A_934, %gather3A_889 : vector<16xf32>
        %swap3A_936 = arith.index_cast %add3A_885 : i32 to index
        %swap3A_937 = arith.constant 96 : index
        %swap3A_938 = tpu.vector_load %arg13[%swap3A_936, %swap3A_937] {strides = array<i32>} : memref<80x136xf32, #tpu.memory_space<vmem>>, vector<16xf32>,
        tpu.vector_store %arg13[%swap3A_936, %swap3A_937], %mul3A_935 {strides = array<i32>} : memref<80x136xf32, #tpu.memory_space<vmem>>, vector<16xf32>,
        %get3A_939 = arith.index_cast %add3A_885 : i32 to index
        %get3A_940 = arith.constant 112 : index
        %get3A_941 = tpu.vector_load %arg12[%get3A_939, %get3A_940] {strides = array<i32>} : memref<80x128xf32, #tpu.memory_space<vmem>>, vector<16xf32>,
        %mul3A_942 = arith.mulf %get3A_941, %gather3A_889 : vector<16xf32>
        %swap3A_943 = arith.index_cast %add3A_885 : i32 to index
        %swap3A_944 = arith.constant 112 : index
        %swap3A_945 = tpu.vector_load %arg13[%swap3A_943, %swap3A_944] {strides = array<i32>} : memref<80x136xf32, #tpu.memory_space<vmem>>, vector<16xf32>,
        tpu.vector_store %arg13[%swap3A_943, %swap3A_944], %mul3A_942 {strides = array<i32>} : memref<80x136xf32, #tpu.memory_space<vmem>>, vector<16xf32>,
        %add3A_946 = arith.constant 9 : i32
        %add3A_947 = arith.addi %mul3A_369, %add3A_946 : i32
        %broadcast_in_dim3A_948 = arith.constant 9 : i32
        %broadcast_in_dim3A_949 = vector.broadcast %broadcast_in_dim3A_948 : i32 to vector<16x1xi32>
        %gather3A_950 = vector.shape_cast %broadcast_in_dim3A_949 : vector<16x1xi32> to vector<16xi32>
        %gather3A_951 = tpu.dynamic_gather %exp3A[%gather3A_950] in [0] : vector<16xf32>, vector<16xi32> -> vector<16xf32>
        %get3A_952 = arith.index_cast %add3A_947 : i32 to index
        %get3A_953 = arith.constant 0 : index
        %get3A_954 = tpu.vector_load %arg12[%get3A_952, %get3A_953] {strides = array<i32>} : memref<80x128xf32, #tpu.memory_space<vmem>>, vector<16xf32>,
        %mul3A_955 = arith.mulf %get3A_954, %gather3A_951 : vector<16xf32>
        %swap3A_956 = arith.index_cast %add3A_947 : i32 to index
        %swap3A_957 = arith.constant 0 : index
        %swap3A_958 = tpu.vector_load %arg13[%swap3A_956, %swap3A_957] {strides = array<i32>} : memref<80x136xf32, #tpu.memory_space<vmem>>, vector<16xf32>,
        tpu.vector_store %arg13[%swap3A_956, %swap3A_957], %mul3A_955 {strides = array<i32>} : memref<80x136xf32, #tpu.memory_space<vmem>>, vector<16xf32>,
        %get3A_959 = arith.index_cast %add3A_947 : i32 to index
        %get3A_960 = arith.constant 16 : index
        %get3A_961 = tpu.vector_load %arg12[%get3A_959, %get3A_960] {strides = array<i32>} : memref<80x128xf32, #tpu.memory_space<vmem>>, vector<16xf32>,
        %mul3A_962 = arith.mulf %get3A_961, %gather3A_951 : vector<16xf32>
        %swap3A_963 = arith.index_cast %add3A_947 : i32 to index
        %swap3A_964 = arith.constant 16 : index
        %swap3A_965 = tpu.vector_load %arg13[%swap3A_963, %swap3A_964] {strides = array<i32>} : memref<80x136xf32, #tpu.memory_space<vmem>>, vector<16xf32>,
        tpu.vector_store %arg13[%swap3A_963, %swap3A_964], %mul3A_962 {strides = array<i32>} : memref<80x136xf32, #tpu.memory_space<vmem>>, vector<16xf32>,
        %get3A_966 = arith.index_cast %add3A_947 : i32 to index
        %get3A_967 = arith.constant 32 : index
        %get3A_968 = tpu.vector_load %arg12[%get3A_966, %get3A_967] {strides = array<i32>} : memref<80x128xf32, #tpu.memory_space<vmem>>, vector<16xf32>,
        %mul3A_969 = arith.mulf %get3A_968, %gather3A_951 : vector<16xf32>
        %swap3A_970 = arith.index_cast %add3A_947 : i32 to index
        %swap3A_971 = arith.constant 32 : index
        %swap3A_972 = tpu.vector_load %arg13[%swap3A_970, %swap3A_971] {strides = array<i32>} : memref<80x136xf32, #tpu.memory_space<vmem>>, vector<16xf32>,
        tpu.vector_store %arg13[%swap3A_970, %swap3A_971], %mul3A_969 {strides = array<i32>} : memref<80x136xf32, #tpu.memory_space<vmem>>, vector<16xf32>,
        %get3A_973 = arith.index_cast %add3A_947 : i32 to index
        %get3A_974 = arith.constant 48 : index
        %get3A_975 = tpu.vector_load %arg12[%get3A_973, %get3A_974] {strides = array<i32>} : memref<80x128xf32, #tpu.memory_space<vmem>>, vector<16xf32>,
        %mul3A_976 = arith.mulf %get3A_975, %gather3A_951 : vector<16xf32>
        %swap3A_977 = arith.index_cast %add3A_947 : i32 to index
        %swap3A_978 = arith.constant 48 : index
        %swap3A_979 = tpu.vector_load %arg13[%swap3A_977, %swap3A_978] {strides = array<i32>} : memref<80x136xf32, #tpu.memory_space<vmem>>, vector<16xf32>,
        tpu.vector_store %arg13[%swap3A_977, %swap3A_978], %mul3A_976 {strides = array<i32>} : memref<80x136xf32, #tpu.memory_space<vmem>>, vector<16xf32>,
        %get3A_980 = arith.index_cast %add3A_947 : i32 to index
        %get3A_981 = arith.constant 64 : index
        %get3A_982 = tpu.vector_load %arg12[%get3A_980, %get3A_981] {strides = array<i32>} : memref<80x128xf32, #tpu.memory_space<vmem>>, vector<16xf32>,
        %mul3A_983 = arith.mulf %get3A_982, %gather3A_951 : vector<16xf32>
        %swap3A_984 = arith.index_cast %add3A_947 : i32 to index
        %swap3A_985 = arith.constant 64 : index
        %swap3A_986 = tpu.vector_load %arg13[%swap3A_984, %swap3A_985] {strides = array<i32>} : memref<80x136xf32, #tpu.memory_space<vmem>>, vector<16xf32>,
        tpu.vector_store %arg13[%swap3A_984, %swap3A_985], %mul3A_983 {strides = array<i32>} : memref<80x136xf32, #tpu.memory_space<vmem>>, vector<16xf32>,
        %get3A_987 = arith.index_cast %add3A_947 : i32 to index
        %get3A_988 = arith.constant 80 : index
        %get3A_989 = tpu.vector_load %arg12[%get3A_987, %get3A_988] {strides = array<i32>} : memref<80x128xf32, #tpu.memory_space<vmem>>, vector<16xf32>,
        %mul3A_990 = arith.mulf %get3A_989, %gather3A_951 : vector<16xf32>
        %swap3A_991 = arith.index_cast %add3A_947 : i32 to index
        %swap3A_992 = arith.constant 80 : index
        %swap3A_993 = tpu.vector_load %arg13[%swap3A_991, %swap3A_992] {strides = array<i32>} : memref<80x136xf32, #tpu.memory_space<vmem>>, vector<16xf32>,
        tpu.vector_store %arg13[%swap3A_991, %swap3A_992], %mul3A_990 {strides = array<i32>} : memref<80x136xf32, #tpu.memory_space<vmem>>, vector<16xf32>,
        %get3A_994 = arith.index_cast %add3A_947 : i32 to index
        %get3A_995 = arith.constant 96 : index
        %get3A_996 = tpu.vector_load %arg12[%get3A_994, %get3A_995] {strides = array<i32>} : memref<80x128xf32, #tpu.memory_space<vmem>>, vector<16xf32>,
        %mul3A_997 = arith.mulf %get3A_996, %gather3A_951 : vector<16xf32>
        %swap3A_998 = arith.index_cast %add3A_947 : i32 to index
        %swap3A_999 = arith.constant 96 : index
        %swap3A_1000 = tpu.vector_load %arg13[%swap3A_998, %swap3A_999] {strides = array<i32>} : memref<80x136xf32, #tpu.memory_space<vmem>>, vector<16xf32>,
        tpu.vector_store %arg13[%swap3A_998, %swap3A_999], %mul3A_997 {strides = array<i32>} : memref<80x136xf32, #tpu.memory_space<vmem>>, vector<16xf32>,
        %get3A_1001 = arith.index_cast %add3A_947 : i32 to index
        %get3A_1002 = arith.constant 112 : index
        %get3A_1003 = tpu.vector_load %arg12[%get3A_1001, %get3A_1002] {strides = array<i32>} : memref<80x128xf32, #tpu.memory_space<vmem>>, vector<16xf32>,
        %mul3A_1004 = arith.mulf %get3A_1003, %gather3A_951 : vector<16xf32>
        %swap3A_1005 = arith.index_cast %add3A_947 : i32 to index
        %swap3A_1006 = arith.constant 112 : index
        %swap3A_1007 = tpu.vector_load %arg13[%swap3A_1005, %swap3A_1006] {strides = array<i32>} : memref<80x136xf32, #tpu.memory_space<vmem>>, vector<16xf32>,
        tpu.vector_store %arg13[%swap3A_1005, %swap3A_1006], %mul3A_1004 {strides = array<i32>} : memref<80x136xf32, #tpu.memory_space<vmem>>, vector<16xf32>,
        %add3A_1008 = arith.constant 10 : i32
        %add3A_1009 = arith.addi %mul3A_369, %add3A_1008 : i32
        %broadcast_in_dim3A_1010 = arith.constant 10 : i32
        %broadcast_in_dim3A_1011 = vector.broadcast %broadcast_in_dim3A_1010 : i32 to vector<16x1xi32>
        %gather3A_1012 = vector.shape_cast %broadcast_in_dim3A_1011 : vector<16x1xi32> to vector<16xi32>
        %gather3A_1013 = tpu.dynamic_gather %exp3A[%gather3A_1012] in [0] : vector<16xf32>, vector<16xi32> -> vector<16xf32>
        %get3A_1014 = arith.index_cast %add3A_1009 : i32 to index
        %get3A_1015 = arith.constant 0 : index
        %get3A_1016 = tpu.vector_load %arg12[%get3A_1014, %get3A_1015] {strides = array<i32>} : memref<80x128xf32, #tpu.memory_space<vmem>>, vector<16xf32>,
        %mul3A_1017 = arith.mulf %get3A_1016, %gather3A_1013 : vector<16xf32>
        %swap3A_1018 = arith.index_cast %add3A_1009 : i32 to index
        %swap3A_1019 = arith.constant 0 : index
        %swap3A_1020 = tpu.vector_load %arg13[%swap3A_1018, %swap3A_1019] {strides = array<i32>} : memref<80x136xf32, #tpu.memory_space<vmem>>, vector<16xf32>,
        tpu.vector_store %arg13[%swap3A_1018, %swap3A_1019], %mul3A_1017 {strides = array<i32>} : memref<80x136xf32, #tpu.memory_space<vmem>>, vector<16xf32>,
        %get3A_1021 = arith.index_cast %add3A_1009 : i32 to index
        %get3A_1022 = arith.constant 16 : index
        %get3A_1023 = tpu.vector_load %arg12[%get3A_1021, %get3A_1022] {strides = array<i32>} : memref<80x128xf32, #tpu.memory_space<vmem>>, vector<16xf32>,
        %mul3A_1024 = arith.mulf %get3A_1023, %gather3A_1013 : vector<16xf32>
        %swap3A_1025 = arith.index_cast %add3A_1009 : i32 to index
        %swap3A_1026 = arith.constant 16 : index
        %swap3A_1027 = tpu.vector_load %arg13[%swap3A_1025, %swap3A_1026] {strides = array<i32>} : memref<80x136xf32, #tpu.memory_space<vmem>>, vector<16xf32>,
        tpu.vector_store %arg13[%swap3A_1025, %swap3A_1026], %mul3A_1024 {strides = array<i32>} : memref<80x136xf32, #tpu.memory_space<vmem>>, vector<16xf32>,
        %get3A_1028 = arith.index_cast %add3A_1009 : i32 to index
        %get3A_1029 = arith.constant 32 : index
        %get3A_1030 = tpu.vector_load %arg12[%get3A_1028, %get3A_1029] {strides = array<i32>} : memref<80x128xf32, #tpu.memory_space<vmem>>, vector<16xf32>,
        %mul3A_1031 = arith.mulf %get3A_1030, %gather3A_1013 : vector<16xf32>
        %swap3A_1032 = arith.index_cast %add3A_1009 : i32 to index
        %swap3A_1033 = arith.constant 32 : index
        %swap3A_1034 = tpu.vector_load %arg13[%swap3A_1032, %swap3A_1033] {strides = array<i32>} : memref<80x136xf32, #tpu.memory_space<vmem>>, vector<16xf32>,
        tpu.vector_store %arg13[%swap3A_1032, %swap3A_1033], %mul3A_1031 {strides = array<i32>} : memref<80x136xf32, #tpu.memory_space<vmem>>, vector<16xf32>,
        %get3A_1035 = arith.index_cast %add3A_1009 : i32 to index
        %get3A_1036 = arith.constant 48 : index
        %get3A_1037 = tpu.vector_load %arg12[%get3A_1035, %get3A_1036] {strides = array<i32>} : memref<80x128xf32, #tpu.memory_space<vmem>>, vector<16xf32>,
        %mul3A_1038 = arith.mulf %get3A_1037, %gather3A_1013 : vector<16xf32>
        %swap3A_1039 = arith.index_cast %add3A_1009 : i32 to index
        %swap3A_1040 = arith.constant 48 : index
        %swap3A_1041 = tpu.vector_load %arg13[%swap3A_1039, %swap3A_1040] {strides = array<i32>} : memref<80x136xf32, #tpu.memory_space<vmem>>, vector<16xf32>,
        tpu.vector_store %arg13[%swap3A_1039, %swap3A_1040], %mul3A_1038 {strides = array<i32>} : memref<80x136xf32, #tpu.memory_space<vmem>>, vector<16xf32>,
        %get3A_1042 = arith.index_cast %add3A_1009 : i32 to index
        %get3A_1043 = arith.constant 64 : index
        %get3A_1044 = tpu.vector_load %arg12[%get3A_1042, %get3A_1043] {strides = array<i32>} : memref<80x128xf32, #tpu.memory_space<vmem>>, vector<16xf32>,
        %mul3A_1045 = arith.mulf %get3A_1044, %gather3A_1013 : vector<16xf32>
        %swap3A_1046 = arith.index_cast %add3A_1009 : i32 to index
        %swap3A_1047 = arith.constant 64 : index
        %swap3A_1048 = tpu.vector_load %arg13[%swap3A_1046, %swap3A_1047] {strides = array<i32>} : memref<80x136xf32, #tpu.memory_space<vmem>>, vector<16xf32>,
        tpu.vector_store %arg13[%swap3A_1046, %swap3A_1047], %mul3A_1045 {strides = array<i32>} : memref<80x136xf32, #tpu.memory_space<vmem>>, vector<16xf32>,
        %get3A_1049 = arith.index_cast %add3A_1009 : i32 to index
        %get3A_1050 = arith.constant 80 : index
        %get3A_1051 = tpu.vector_load %arg12[%get3A_1049, %get3A_1050] {strides = array<i32>} : memref<80x128xf32, #tpu.memory_space<vmem>>, vector<16xf32>,
        %mul3A_1052 = arith.mulf %get3A_1051, %gather3A_1013 : vector<16xf32>
        %swap3A_1053 = arith.index_cast %add3A_1009 : i32 to index
        %swap3A_1054 = arith.constant 80 : index
        %swap3A_1055 = tpu.vector_load %arg13[%swap3A_1053, %swap3A_1054] {strides = array<i32>} : memref<80x136xf32, #tpu.memory_space<vmem>>, vector<16xf32>,
        tpu.vector_store %arg13[%swap3A_1053, %swap3A_1054], %mul3A_1052 {strides = array<i32>} : memref<80x136xf32, #tpu.memory_space<vmem>>, vector<16xf32>,
        %get3A_1056 = arith.index_cast %add3A_1009 : i32 to index
        %get3A_1057 = arith.constant 96 : index
        %get3A_1058 = tpu.vector_load %arg12[%get3A_1056, %get3A_1057] {strides = array<i32>} : memref<80x128xf32, #tpu.memory_space<vmem>>, vector<16xf32>,
        %mul3A_1059 = arith.mulf %get3A_1058, %gather3A_1013 : vector<16xf32>
        %swap3A_1060 = arith.index_cast %add3A_1009 : i32 to index
        %swap3A_1061 = arith.constant 96 : index
        %swap3A_1062 = tpu.vector_load %arg13[%swap3A_1060, %swap3A_1061] {strides = array<i32>} : memref<80x136xf32, #tpu.memory_space<vmem>>, vector<16xf32>,
        tpu.vector_store %arg13[%swap3A_1060, %swap3A_1061], %mul3A_1059 {strides = array<i32>} : memref<80x136xf32, #tpu.memory_space<vmem>>, vector<16xf32>,
        %get3A_1063 = arith.index_cast %add3A_1009 : i32 to index
        %get3A_1064 = arith.constant 112 : index
        %get3A_1065 = tpu.vector_load %arg12[%get3A_1063, %get3A_1064] {strides = array<i32>} : memref<80x128xf32, #tpu.memory_space<vmem>>, vector<16xf32>,
        %mul3A_1066 = arith.mulf %get3A_1065, %gather3A_1013 : vector<16xf32>
        %swap3A_1067 = arith.index_cast %add3A_1009 : i32 to index
        %swap3A_1068 = arith.constant 112 : index
        %swap3A_1069 = tpu.vector_load %arg13[%swap3A_1067, %swap3A_1068] {strides = array<i32>} : memref<80x136xf32, #tpu.memory_space<vmem>>, vector<16xf32>,
        tpu.vector_store %arg13[%swap3A_1067, %swap3A_1068], %mul3A_1066 {strides = array<i32>} : memref<80x136xf32, #tpu.memory_space<vmem>>, vector<16xf32>,
        %add3A_1070 = arith.constant 11 : i32
        %add3A_1071 = arith.addi %mul3A_369, %add3A_1070 : i32
        %broadcast_in_dim3A_1072 = arith.constant 11 : i32
        %broadcast_in_dim3A_1073 = vector.broadcast %broadcast_in_dim3A_1072 : i32 to vector<16x1xi32>
        %gather3A_1074 = vector.shape_cast %broadcast_in_dim3A_1073 : vector<16x1xi32> to vector<16xi32>
        %gather3A_1075 = tpu.dynamic_gather %exp3A[%gather3A_1074] in [0] : vector<16xf32>, vector<16xi32> -> vector<16xf32>
        %get3A_1076 = arith.index_cast %add3A_1071 : i32 to index
        %get3A_1077 = arith.constant 0 : index
        %get3A_1078 = tpu.vector_load %arg12[%get3A_1076, %get3A_1077] {strides = array<i32>} : memref<80x128xf32, #tpu.memory_space<vmem>>, vector<16xf32>,
        %mul3A_1079 = arith.mulf %get3A_1078, %gather3A_1075 : vector<16xf32>
        %swap3A_1080 = arith.index_cast %add3A_1071 : i32 to index
        %swap3A_1081 = arith.constant 0 : index
        %swap3A_1082 = tpu.vector_load %arg13[%swap3A_1080, %swap3A_1081] {strides = array<i32>} : memref<80x136xf32, #tpu.memory_space<vmem>>, vector<16xf32>,
        tpu.vector_store %arg13[%swap3A_1080, %swap3A_1081], %mul3A_1079 {strides = array<i32>} : memref<80x136xf32, #tpu.memory_space<vmem>>, vector<16xf32>,
        %get3A_1083 = arith.index_cast %add3A_1071 : i32 to index
        %get3A_1084 = arith.constant 16 : index
        %get3A_1085 = tpu.vector_load %arg12[%get3A_1083, %get3A_1084] {strides = array<i32>} : memref<80x128xf32, #tpu.memory_space<vmem>>, vector<16xf32>,
        %mul3A_1086 = arith.mulf %get3A_1085, %gather3A_1075 : vector<16xf32>
        %swap3A_1087 = arith.index_cast %add3A_1071 : i32 to index
        %swap3A_1088 = arith.constant 16 : index
        %swap3A_1089 = tpu.vector_load %arg13[%swap3A_1087, %swap3A_1088] {strides = array<i32>} : memref<80x136xf32, #tpu.memory_space<vmem>>, vector<16xf32>,
        tpu.vector_store %arg13[%swap3A_1087, %swap3A_1088], %mul3A_1086 {strides = array<i32>} : memref<80x136xf32, #tpu.memory_space<vmem>>, vector<16xf32>,
        %get3A_1090 = arith.index_cast %add3A_1071 : i32 to index
        %get3A_1091 = arith.constant 32 : index
        %get3A_1092 = tpu.vector_load %arg12[%get3A_1090, %get3A_1091] {strides = array<i32>} : memref<80x128xf32, #tpu.memory_space<vmem>>, vector<16xf32>,
        %mul3A_1093 = arith.mulf %get3A_1092, %gather3A_1075 : vector<16xf32>
        %swap3A_1094 = arith.index_cast %add3A_1071 : i32 to index
        %swap3A_1095 = arith.constant 32 : index
        %swap3A_1096 = tpu.vector_load %arg13[%swap3A_1094, %swap3A_1095] {strides = array<i32>} : memref<80x136xf32, #tpu.memory_space<vmem>>, vector<16xf32>,
        tpu.vector_store %arg13[%swap3A_1094, %swap3A_1095], %mul3A_1093 {strides = array<i32>} : memref<80x136xf32, #tpu.memory_space<vmem>>, vector<16xf32>,
        %get3A_1097 = arith.index_cast %add3A_1071 : i32 to index
        %get3A_1098 = arith.constant 48 : index
        %get3A_1099 = tpu.vector_load %arg12[%get3A_1097, %get3A_1098] {strides = array<i32>} : memref<80x128xf32, #tpu.memory_space<vmem>>, vector<16xf32>,
        %mul3A_1100 = arith.mulf %get3A_1099, %gather3A_1075 : vector<16xf32>
        %swap3A_1101 = arith.index_cast %add3A_1071 : i32 to index
        %swap3A_1102 = arith.constant 48 : index
        %swap3A_1103 = tpu.vector_load %arg13[%swap3A_1101, %swap3A_1102] {strides = array<i32>} : memref<80x136xf32, #tpu.memory_space<vmem>>, vector<16xf32>,
        tpu.vector_store %arg13[%swap3A_1101, %swap3A_1102], %mul3A_1100 {strides = array<i32>} : memref<80x136xf32, #tpu.memory_space<vmem>>, vector<16xf32>,
        %get3A_1104 = arith.index_cast %add3A_1071 : i32 to index
        %get3A_1105 = arith.constant 64 : index
        %get3A_1106 = tpu.vector_load %arg12[%get3A_1104, %get3A_1105] {strides = array<i32>} : memref<80x128xf32, #tpu.memory_space<vmem>>, vector<16xf32>,
        %mul3A_1107 = arith.mulf %get3A_1106, %gather3A_1075 : vector<16xf32>
        %swap3A_1108 = arith.index_cast %add3A_1071 : i32 to index
        %swap3A_1109 = arith.constant 64 : index
        %swap3A_1110 = tpu.vector_load %arg13[%swap3A_1108, %swap3A_1109] {strides = array<i32>} : memref<80x136xf32, #tpu.memory_space<vmem>>, vector<16xf32>,
        tpu.vector_store %arg13[%swap3A_1108, %swap3A_1109], %mul3A_1107 {strides = array<i32>} : memref<80x136xf32, #tpu.memory_space<vmem>>, vector<16xf32>,
        %get3A_1111 = arith.index_cast %add3A_1071 : i32 to index
        %get3A_1112 = arith.constant 80 : index
        %get3A_1113 = tpu.vector_load %arg12[%get3A_1111, %get3A_1112] {strides = array<i32>} : memref<80x128xf32, #tpu.memory_space<vmem>>, vector<16xf32>,
        %mul3A_1114 = arith.mulf %get3A_1113, %gather3A_1075 : vector<16xf32>
        %swap3A_1115 = arith.index_cast %add3A_1071 : i32 to index
        %swap3A_1116 = arith.constant 80 : index
        %swap3A_1117 = tpu.vector_load %arg13[%swap3A_1115, %swap3A_1116] {strides = array<i32>} : memref<80x136xf32, #tpu.memory_space<vmem>>, vector<16xf32>,
        tpu.vector_store %arg13[%swap3A_1115, %swap3A_1116], %mul3A_1114 {strides = array<i32>} : memref<80x136xf32, #tpu.memory_space<vmem>>, vector<16xf32>,
        %get3A_1118 = arith.index_cast %add3A_1071 : i32 to index
        %get3A_1119 = arith.constant 96 : index
        %get3A_1120 = tpu.vector_load %arg12[%get3A_1118, %get3A_1119] {strides = array<i32>} : memref<80x128xf32, #tpu.memory_space<vmem>>, vector<16xf32>,
        %mul3A_1121 = arith.mulf %get3A_1120, %gather3A_1075 : vector<16xf32>
        %swap3A_1122 = arith.index_cast %add3A_1071 : i32 to index
        %swap3A_1123 = arith.constant 96 : index
        %swap3A_1124 = tpu.vector_load %arg13[%swap3A_1122, %swap3A_1123] {strides = array<i32>} : memref<80x136xf32, #tpu.memory_space<vmem>>, vector<16xf32>,
        tpu.vector_store %arg13[%swap3A_1122, %swap3A_1123], %mul3A_1121 {strides = array<i32>} : memref<80x136xf32, #tpu.memory_space<vmem>>, vector<16xf32>,
        %get3A_1125 = arith.index_cast %add3A_1071 : i32 to index
        %get3A_1126 = arith.constant 112 : index
        %get3A_1127 = tpu.vector_load %arg12[%get3A_1125, %get3A_1126] {strides = array<i32>} : memref<80x128xf32, #tpu.memory_space<vmem>>, vector<16xf32>,
        %mul3A_1128 = arith.mulf %get3A_1127, %gather3A_1075 : vector<16xf32>
        %swap3A_1129 = arith.index_cast %add3A_1071 : i32 to index
        %swap3A_1130 = arith.constant 112 : index
        %swap3A_1131 = tpu.vector_load %arg13[%swap3A_1129, %swap3A_1130] {strides = array<i32>} : memref<80x136xf32, #tpu.memory_space<vmem>>, vector<16xf32>,
        tpu.vector_store %arg13[%swap3A_1129, %swap3A_1130], %mul3A_1128 {strides = array<i32>} : memref<80x136xf32, #tpu.memory_space<vmem>>, vector<16xf32>,
        %add3A_1132 = arith.constant 12 : i32
        %add3A_1133 = arith.addi %mul3A_369, %add3A_1132 : i32
        %broadcast_in_dim3A_1134 = arith.constant 12 : i32
        %broadcast_in_dim3A_1135 = vector.broadcast %broadcast_in_dim3A_1134 : i32 to vector<16x1xi32>
        %gather3A_1136 = vector.shape_cast %broadcast_in_dim3A_1135 : vector<16x1xi32> to vector<16xi32>
        %gather3A_1137 = tpu.dynamic_gather %exp3A[%gather3A_1136] in [0] : vector<16xf32>, vector<16xi32> -> vector<16xf32>
        %get3A_1138 = arith.index_cast %add3A_1133 : i32 to index
        %get3A_1139 = arith.constant 0 : index
        %get3A_1140 = tpu.vector_load %arg12[%get3A_1138, %get3A_1139] {strides = array<i32>} : memref<80x128xf32, #tpu.memory_space<vmem>>, vector<16xf32>,
        %mul3A_1141 = arith.mulf %get3A_1140, %gather3A_1137 : vector<16xf32>
        %swap3A_1142 = arith.index_cast %add3A_1133 : i32 to index
        %swap3A_1143 = arith.constant 0 : index
        %swap3A_1144 = tpu.vector_load %arg13[%swap3A_1142, %swap3A_1143] {strides = array<i32>} : memref<80x136xf32, #tpu.memory_space<vmem>>, vector<16xf32>,
        tpu.vector_store %arg13[%swap3A_1142, %swap3A_1143], %mul3A_1141 {strides = array<i32>} : memref<80x136xf32, #tpu.memory_space<vmem>>, vector<16xf32>,
        %get3A_1145 = arith.index_cast %add3A_1133 : i32 to index
        %get3A_1146 = arith.constant 16 : index
        %get3A_1147 = tpu.vector_load %arg12[%get3A_1145, %get3A_1146] {strides = array<i32>} : memref<80x128xf32, #tpu.memory_space<vmem>>, vector<16xf32>,
        %mul3A_1148 = arith.mulf %get3A_1147, %gather3A_1137 : vector<16xf32>
        %swap3A_1149 = arith.index_cast %add3A_1133 : i32 to index
        %swap3A_1150 = arith.constant 16 : index
        %swap3A_1151 = tpu.vector_load %arg13[%swap3A_1149, %swap3A_1150] {strides = array<i32>} : memref<80x136xf32, #tpu.memory_space<vmem>>, vector<16xf32>,
        tpu.vector_store %arg13[%swap3A_1149, %swap3A_1150], %mul3A_1148 {strides = array<i32>} : memref<80x136xf32, #tpu.memory_space<vmem>>, vector<16xf32>,
        %get3A_1152 = arith.index_cast %add3A_1133 : i32 to index
        %get3A_1153 = arith.constant 32 : index
        %get3A_1154 = tpu.vector_load %arg12[%get3A_1152, %get3A_1153] {strides = array<i32>} : memref<80x128xf32, #tpu.memory_space<vmem>>, vector<16xf32>,
        %mul3A_1155 = arith.mulf %get3A_1154, %gather3A_1137 : vector<16xf32>
        %swap3A_1156 = arith.index_cast %add3A_1133 : i32 to index
        %swap3A_1157 = arith.constant 32 : index
        %swap3A_1158 = tpu.vector_load %arg13[%swap3A_1156, %swap3A_1157] {strides = array<i32>} : memref<80x136xf32, #tpu.memory_space<vmem>>, vector<16xf32>,
        tpu.vector_store %arg13[%swap3A_1156, %swap3A_1157], %mul3A_1155 {strides = array<i32>} : memref<80x136xf32, #tpu.memory_space<vmem>>, vector<16xf32>,
        %get3A_1159 = arith.index_cast %add3A_1133 : i32 to index
        %get3A_1160 = arith.constant 48 : index
        %get3A_1161 = tpu.vector_load %arg12[%get3A_1159, %get3A_1160] {strides = array<i32>} : memref<80x128xf32, #tpu.memory_space<vmem>>, vector<16xf32>,
        %mul3A_1162 = arith.mulf %get3A_1161, %gather3A_1137 : vector<16xf32>
        %swap3A_1163 = arith.index_cast %add3A_1133 : i32 to index
        %swap3A_1164 = arith.constant 48 : index
        %swap3A_1165 = tpu.vector_load %arg13[%swap3A_1163, %swap3A_1164] {strides = array<i32>} : memref<80x136xf32, #tpu.memory_space<vmem>>, vector<16xf32>,
        tpu.vector_store %arg13[%swap3A_1163, %swap3A_1164], %mul3A_1162 {strides = array<i32>} : memref<80x136xf32, #tpu.memory_space<vmem>>, vector<16xf32>,
        %get3A_1166 = arith.index_cast %add3A_1133 : i32 to index
        %get3A_1167 = arith.constant 64 : index
        %get3A_1168 = tpu.vector_load %arg12[%get3A_1166, %get3A_1167] {strides = array<i32>} : memref<80x128xf32, #tpu.memory_space<vmem>>, vector<16xf32>,
        %mul3A_1169 = arith.mulf %get3A_1168, %gather3A_1137 : vector<16xf32>
        %swap3A_1170 = arith.index_cast %add3A_1133 : i32 to index
        %swap3A_1171 = arith.constant 64 : index
        %swap3A_1172 = tpu.vector_load %arg13[%swap3A_1170, %swap3A_1171] {strides = array<i32>} : memref<80x136xf32, #tpu.memory_space<vmem>>, vector<16xf32>,
        tpu.vector_store %arg13[%swap3A_1170, %swap3A_1171], %mul3A_1169 {strides = array<i32>} : memref<80x136xf32, #tpu.memory_space<vmem>>, vector<16xf32>,
        %get3A_1173 = arith.index_cast %add3A_1133 : i32 to index
        %get3A_1174 = arith.constant 80 : index
        %get3A_1175 = tpu.vector_load %arg12[%get3A_1173, %get3A_1174] {strides = array<i32>} : memref<80x128xf32, #tpu.memory_space<vmem>>, vector<16xf32>,
        %mul3A_1176 = arith.mulf %get3A_1175, %gather3A_1137 : vector<16xf32>
        %swap3A_1177 = arith.index_cast %add3A_1133 : i32 to index
        %swap3A_1178 = arith.constant 80 : index
        %swap3A_1179 = tpu.vector_load %arg13[%swap3A_1177, %swap3A_1178] {strides = array<i32>} : memref<80x136xf32, #tpu.memory_space<vmem>>, vector<16xf32>,
        tpu.vector_store %arg13[%swap3A_1177, %swap3A_1178], %mul3A_1176 {strides = array<i32>} : memref<80x136xf32, #tpu.memory_space<vmem>>, vector<16xf32>,
        %get3A_1180 = arith.index_cast %add3A_1133 : i32 to index
        %get3A_1181 = arith.constant 96 : index
        %get3A_1182 = tpu.vector_load %arg12[%get3A_1180, %get3A_1181] {strides = array<i32>} : memref<80x128xf32, #tpu.memory_space<vmem>>, vector<16xf32>,
        %mul3A_1183 = arith.mulf %get3A_1182, %gather3A_1137 : vector<16xf32>
        %swap3A_1184 = arith.index_cast %add3A_1133 : i32 to index
        %swap3A_1185 = arith.constant 96 : index
        %swap3A_1186 = tpu.vector_load %arg13[%swap3A_1184, %swap3A_1185] {strides = array<i32>} : memref<80x136xf32, #tpu.memory_space<vmem>>, vector<16xf32>,
        tpu.vector_store %arg13[%swap3A_1184, %swap3A_1185], %mul3A_1183 {strides = array<i32>} : memref<80x136xf32, #tpu.memory_space<vmem>>, vector<16xf32>,
        %get3A_1187 = arith.index_cast %add3A_1133 : i32 to index
        %get3A_1188 = arith.constant 112 : index
        %get3A_1189 = tpu.vector_load %arg12[%get3A_1187, %get3A_1188] {strides = array<i32>} : memref<80x128xf32, #tpu.memory_space<vmem>>, vector<16xf32>,
        %mul3A_1190 = arith.mulf %get3A_1189, %gather3A_1137 : vector<16xf32>
        %swap3A_1191 = arith.index_cast %add3A_1133 : i32 to index
        %swap3A_1192 = arith.constant 112 : index
        %swap3A_1193 = tpu.vector_load %arg13[%swap3A_1191, %swap3A_1192] {strides = array<i32>} : memref<80x136xf32, #tpu.memory_space<vmem>>, vector<16xf32>,
        tpu.vector_store %arg13[%swap3A_1191, %swap3A_1192], %mul3A_1190 {strides = array<i32>} : memref<80x136xf32, #tpu.memory_space<vmem>>, vector<16xf32>,
        %add3A_1194 = arith.constant 13 : i32
        %add3A_1195 = arith.addi %mul3A_369, %add3A_1194 : i32
        %broadcast_in_dim3A_1196 = arith.constant 13 : i32
        %broadcast_in_dim3A_1197 = vector.broadcast %broadcast_in_dim3A_1196 : i32 to vector<16x1xi32>
        %gather3A_1198 = vector.shape_cast %broadcast_in_dim3A_1197 : vector<16x1xi32> to vector<16xi32>
        %gather3A_1199 = tpu.dynamic_gather %exp3A[%gather3A_1198] in [0] : vector<16xf32>, vector<16xi32> -> vector<16xf32>
        %get3A_1200 = arith.index_cast %add3A_1195 : i32 to index
        %get3A_1201 = arith.constant 0 : index
        %get3A_1202 = tpu.vector_load %arg12[%get3A_1200, %get3A_1201] {strides = array<i32>} : memref<80x128xf32, #tpu.memory_space<vmem>>, vector<16xf32>,
        %mul3A_1203 = arith.mulf %get3A_1202, %gather3A_1199 : vector<16xf32>
        %swap3A_1204 = arith.index_cast %add3A_1195 : i32 to index
        %swap3A_1205 = arith.constant 0 : index
        %swap3A_1206 = tpu.vector_load %arg13[%swap3A_1204, %swap3A_1205] {strides = array<i32>} : memref<80x136xf32, #tpu.memory_space<vmem>>, vector<16xf32>,
        tpu.vector_store %arg13[%swap3A_1204, %swap3A_1205], %mul3A_1203 {strides = array<i32>} : memref<80x136xf32, #tpu.memory_space<vmem>>, vector<16xf32>,
        %get3A_1207 = arith.index_cast %add3A_1195 : i32 to index
        %get3A_1208 = arith.constant 16 : index
        %get3A_1209 = tpu.vector_load %arg12[%get3A_1207, %get3A_1208] {strides = array<i32>} : memref<80x128xf32, #tpu.memory_space<vmem>>, vector<16xf32>,
        %mul3A_1210 = arith.mulf %get3A_1209, %gather3A_1199 : vector<16xf32>
        %swap3A_1211 = arith.index_cast %add3A_1195 : i32 to index
        %swap3A_1212 = arith.constant 16 : index
        %swap3A_1213 = tpu.vector_load %arg13[%swap3A_1211, %swap3A_1212] {strides = array<i32>} : memref<80x136xf32, #tpu.memory_space<vmem>>, vector<16xf32>,
        tpu.vector_store %arg13[%swap3A_1211, %swap3A_1212], %mul3A_1210 {strides = array<i32>} : memref<80x136xf32, #tpu.memory_space<vmem>>, vector<16xf32>,
        %get3A_1214 = arith.index_cast %add3A_1195 : i32 to index
        %get3A_1215 = arith.constant 32 : index
        %get3A_1216 = tpu.vector_load %arg12[%get3A_1214, %get3A_1215] {strides = array<i32>} : memref<80x128xf32, #tpu.memory_space<vmem>>, vector<16xf32>,
        %mul3A_1217 = arith.mulf %get3A_1216, %gather3A_1199 : vector<16xf32>
        %swap3A_1218 = arith.index_cast %add3A_1195 : i32 to index
        %swap3A_1219 = arith.constant 32 : index
        %swap3A_1220 = tpu.vector_load %arg13[%swap3A_1218, %swap3A_1219] {strides = array<i32>} : memref<80x136xf32, #tpu.memory_space<vmem>>, vector<16xf32>,
        tpu.vector_store %arg13[%swap3A_1218, %swap3A_1219], %mul3A_1217 {strides = array<i32>} : memref<80x136xf32, #tpu.memory_space<vmem>>, vector<16xf32>,
        %get3A_1221 = arith.index_cast %add3A_1195 : i32 to index
        %get3A_1222 = arith.constant 48 : index
        %get3A_1223 = tpu.vector_load %arg12[%get3A_1221, %get3A_1222] {strides = array<i32>} : memref<80x128xf32, #tpu.memory_space<vmem>>, vector<16xf32>,
        %mul3A_1224 = arith.mulf %get3A_1223, %gather3A_1199 : vector<16xf32>
        %swap3A_1225 = arith.index_cast %add3A_1195 : i32 to index
        %swap3A_1226 = arith.constant 48 : index
        %swap3A_1227 = tpu.vector_load %arg13[%swap3A_1225, %swap3A_1226] {strides = array<i32>} : memref<80x136xf32, #tpu.memory_space<vmem>>, vector<16xf32>,
        tpu.vector_store %arg13[%swap3A_1225, %swap3A_1226], %mul3A_1224 {strides = array<i32>} : memref<80x136xf32, #tpu.memory_space<vmem>>, vector<16xf32>,
        %get3A_1228 = arith.index_cast %add3A_1195 : i32 to index
        %get3A_1229 = arith.constant 64 : index
        %get3A_1230 = tpu.vector_load %arg12[%get3A_1228, %get3A_1229] {strides = array<i32>} : memref<80x128xf32, #tpu.memory_space<vmem>>, vector<16xf32>,
        %mul3A_1231 = arith.mulf %get3A_1230, %gather3A_1199 : vector<16xf32>
        %swap3A_1232 = arith.index_cast %add3A_1195 : i32 to index
        %swap3A_1233 = arith.constant 64 : index
        %swap3A_1234 = tpu.vector_load %arg13[%swap3A_1232, %swap3A_1233] {strides = array<i32>} : memref<80x136xf32, #tpu.memory_space<vmem>>, vector<16xf32>,
        tpu.vector_store %arg13[%swap3A_1232, %swap3A_1233], %mul3A_1231 {strides = array<i32>} : memref<80x136xf32, #tpu.memory_space<vmem>>, vector<16xf32>,
        %get3A_1235 = arith.index_cast %add3A_1195 : i32 to index
        %get3A_1236 = arith.constant 80 : index
        %get3A_1237 = tpu.vector_load %arg12[%get3A_1235, %get3A_1236] {strides = array<i32>} : memref<80x128xf32, #tpu.memory_space<vmem>>, vector<16xf32>,
        %mul3A_1238 = arith.mulf %get3A_1237, %gather3A_1199 : vector<16xf32>
        %swap3A_1239 = arith.index_cast %add3A_1195 : i32 to index
        %swap3A_1240 = arith.constant 80 : index
        %swap3A_1241 = tpu.vector_load %arg13[%swap3A_1239, %swap3A_1240] {strides = array<i32>} : memref<80x136xf32, #tpu.memory_space<vmem>>, vector<16xf32>,
        tpu.vector_store %arg13[%swap3A_1239, %swap3A_1240], %mul3A_1238 {strides = array<i32>} : memref<80x136xf32, #tpu.memory_space<vmem>>, vector<16xf32>,
        %get3A_1242 = arith.index_cast %add3A_1195 : i32 to index
        %get3A_1243 = arith.constant 96 : index
        %get3A_1244 = tpu.vector_load %arg12[%get3A_1242, %get3A_1243] {strides = array<i32>} : memref<80x128xf32, #tpu.memory_space<vmem>>, vector<16xf32>,
        %mul3A_1245 = arith.mulf %get3A_1244, %gather3A_1199 : vector<16xf32>
        %swap3A_1246 = arith.index_cast %add3A_1195 : i32 to index
        %swap3A_1247 = arith.constant 96 : index
        %swap3A_1248 = tpu.vector_load %arg13[%swap3A_1246, %swap3A_1247] {strides = array<i32>} : memref<80x136xf32, #tpu.memory_space<vmem>>, vector<16xf32>,
        tpu.vector_store %arg13[%swap3A_1246, %swap3A_1247], %mul3A_1245 {strides = array<i32>} : memref<80x136xf32, #tpu.memory_space<vmem>>, vector<16xf32>,
        %get3A_1249 = arith.index_cast %add3A_1195 : i32 to index
        %get3A_1250 = arith.constant 112 : index
        %get3A_1251 = tpu.vector_load %arg12[%get3A_1249, %get3A_1250] {strides = array<i32>} : memref<80x128xf32, #tpu.memory_space<vmem>>, vector<16xf32>,
        %mul3A_1252 = arith.mulf %get3A_1251, %gather3A_1199 : vector<16xf32>
        %swap3A_1253 = arith.index_cast %add3A_1195 : i32 to index
        %swap3A_1254 = arith.constant 112 : index
        %swap3A_1255 = tpu.vector_load %arg13[%swap3A_1253, %swap3A_1254] {strides = array<i32>} : memref<80x136xf32, #tpu.memory_space<vmem>>, vector<16xf32>,
        tpu.vector_store %arg13[%swap3A_1253, %swap3A_1254], %mul3A_1252 {strides = array<i32>} : memref<80x136xf32, #tpu.memory_space<vmem>>, vector<16xf32>,
        %add3A_1256 = arith.constant 14 : i32
        %add3A_1257 = arith.addi %mul3A_369, %add3A_1256 : i32
        %broadcast_in_dim3A_1258 = arith.constant 14 : i32
        %broadcast_in_dim3A_1259 = vector.broadcast %broadcast_in_dim3A_1258 : i32 to vector<16x1xi32>
        %gather3A_1260 = vector.shape_cast %broadcast_in_dim3A_1259 : vector<16x1xi32> to vector<16xi32>
        %gather3A_1261 = tpu.dynamic_gather %exp3A[%gather3A_1260] in [0] : vector<16xf32>, vector<16xi32> -> vector<16xf32>
        %get3A_1262 = arith.index_cast %add3A_1257 : i32 to index
        %get3A_1263 = arith.constant 0 : index
        %get3A_1264 = tpu.vector_load %arg12[%get3A_1262, %get3A_1263] {strides = array<i32>} : memref<80x128xf32, #tpu.memory_space<vmem>>, vector<16xf32>,
        %mul3A_1265 = arith.mulf %get3A_1264, %gather3A_1261 : vector<16xf32>
        %swap3A_1266 = arith.index_cast %add3A_1257 : i32 to index
        %swap3A_1267 = arith.constant 0 : index
        %swap3A_1268 = tpu.vector_load %arg13[%swap3A_1266, %swap3A_1267] {strides = array<i32>} : memref<80x136xf32, #tpu.memory_space<vmem>>, vector<16xf32>,
        tpu.vector_store %arg13[%swap3A_1266, %swap3A_1267], %mul3A_1265 {strides = array<i32>} : memref<80x136xf32, #tpu.memory_space<vmem>>, vector<16xf32>,
        %get3A_1269 = arith.index_cast %add3A_1257 : i32 to index
        %get3A_1270 = arith.constant 16 : index
        %get3A_1271 = tpu.vector_load %arg12[%get3A_1269, %get3A_1270] {strides = array<i32>} : memref<80x128xf32, #tpu.memory_space<vmem>>, vector<16xf32>,
        %mul3A_1272 = arith.mulf %get3A_1271, %gather3A_1261 : vector<16xf32>
        %swap3A_1273 = arith.index_cast %add3A_1257 : i32 to index
        %swap3A_1274 = arith.constant 16 : index
        %swap3A_1275 = tpu.vector_load %arg13[%swap3A_1273, %swap3A_1274] {strides = array<i32>} : memref<80x136xf32, #tpu.memory_space<vmem>>, vector<16xf32>,
        tpu.vector_store %arg13[%swap3A_1273, %swap3A_1274], %mul3A_1272 {strides = array<i32>} : memref<80x136xf32, #tpu.memory_space<vmem>>, vector<16xf32>,
        %get3A_1276 = arith.index_cast %add3A_1257 : i32 to index
        %get3A_1277 = arith.constant 32 : index
        %get3A_1278 = tpu.vector_load %arg12[%get3A_1276, %get3A_1277] {strides = array<i32>} : memref<80x128xf32, #tpu.memory_space<vmem>>, vector<16xf32>,
        %mul3A_1279 = arith.mulf %get3A_1278, %gather3A_1261 : vector<16xf32>
        %swap3A_1280 = arith.index_cast %add3A_1257 : i32 to index
        %swap3A_1281 = arith.constant 32 : index
        %swap3A_1282 = tpu.vector_load %arg13[%swap3A_1280, %swap3A_1281] {strides = array<i32>} : memref<80x136xf32, #tpu.memory_space<vmem>>, vector<16xf32>,
        tpu.vector_store %arg13[%swap3A_1280, %swap3A_1281], %mul3A_1279 {strides = array<i32>} : memref<80x136xf32, #tpu.memory_space<vmem>>, vector<16xf32>,
        %get3A_1283 = arith.index_cast %add3A_1257 : i32 to index
        %get3A_1284 = arith.constant 48 : index
        %get3A_1285 = tpu.vector_load %arg12[%get3A_1283, %get3A_1284] {strides = array<i32>} : memref<80x128xf32, #tpu.memory_space<vmem>>, vector<16xf32>,
        %mul3A_1286 = arith.mulf %get3A_1285, %gather3A_1261 : vector<16xf32>
        %swap3A_1287 = arith.index_cast %add3A_1257 : i32 to index
        %swap3A_1288 = arith.constant 48 : index
        %swap3A_1289 = tpu.vector_load %arg13[%swap3A_1287, %swap3A_1288] {strides = array<i32>} : memref<80x136xf32, #tpu.memory_space<vmem>>, vector<16xf32>,
        tpu.vector_store %arg13[%swap3A_1287, %swap3A_1288], %mul3A_1286 {strides = array<i32>} : memref<80x136xf32, #tpu.memory_space<vmem>>, vector<16xf32>,
        %get3A_1290 = arith.index_cast %add3A_1257 : i32 to index
        %get3A_1291 = arith.constant 64 : index
        %get3A_1292 = tpu.vector_load %arg12[%get3A_1290, %get3A_1291] {strides = array<i32>} : memref<80x128xf32, #tpu.memory_space<vmem>>, vector<16xf32>,
        %mul3A_1293 = arith.mulf %get3A_1292, %gather3A_1261 : vector<16xf32>
        %swap3A_1294 = arith.index_cast %add3A_1257 : i32 to index
        %swap3A_1295 = arith.constant 64 : index
        %swap3A_1296 = tpu.vector_load %arg13[%swap3A_1294, %swap3A_1295] {strides = array<i32>} : memref<80x136xf32, #tpu.memory_space<vmem>>, vector<16xf32>,
        tpu.vector_store %arg13[%swap3A_1294, %swap3A_1295], %mul3A_1293 {strides = array<i32>} : memref<80x136xf32, #tpu.memory_space<vmem>>, vector<16xf32>,
        %get3A_1297 = arith.index_cast %add3A_1257 : i32 to index
        %get3A_1298 = arith.constant 80 : index
        %get3A_1299 = tpu.vector_load %arg12[%get3A_1297, %get3A_1298] {strides = array<i32>} : memref<80x128xf32, #tpu.memory_space<vmem>>, vector<16xf32>,
        %mul3A_1300 = arith.mulf %get3A_1299, %gather3A_1261 : vector<16xf32>
        %swap3A_1301 = arith.index_cast %add3A_1257 : i32 to index
        %swap3A_1302 = arith.constant 80 : index
        %swap3A_1303 = tpu.vector_load %arg13[%swap3A_1301, %swap3A_1302] {strides = array<i32>} : memref<80x136xf32, #tpu.memory_space<vmem>>, vector<16xf32>,
        tpu.vector_store %arg13[%swap3A_1301, %swap3A_1302], %mul3A_1300 {strides = array<i32>} : memref<80x136xf32, #tpu.memory_space<vmem>>, vector<16xf32>,
        %get3A_1304 = arith.index_cast %add3A_1257 : i32 to index
        %get3A_1305 = arith.constant 96 : index
        %get3A_1306 = tpu.vector_load %arg12[%get3A_1304, %get3A_1305] {strides = array<i32>} : memref<80x128xf32, #tpu.memory_space<vmem>>, vector<16xf32>,
        %mul3A_1307 = arith.mulf %get3A_1306, %gather3A_1261 : vector<16xf32>
        %swap3A_1308 = arith.index_cast %add3A_1257 : i32 to index
        %swap3A_1309 = arith.constant 96 : index
        %swap3A_1310 = tpu.vector_load %arg13[%swap3A_1308, %swap3A_1309] {strides = array<i32>} : memref<80x136xf32, #tpu.memory_space<vmem>>, vector<16xf32>,
        tpu.vector_store %arg13[%swap3A_1308, %swap3A_1309], %mul3A_1307 {strides = array<i32>} : memref<80x136xf32, #tpu.memory_space<vmem>>, vector<16xf32>,
        %get3A_1311 = arith.index_cast %add3A_1257 : i32 to index
        %get3A_1312 = arith.constant 112 : index
        %get3A_1313 = tpu.vector_load %arg12[%get3A_1311, %get3A_1312] {strides = array<i32>} : memref<80x128xf32, #tpu.memory_space<vmem>>, vector<16xf32>,
        %mul3A_1314 = arith.mulf %get3A_1313, %gather3A_1261 : vector<16xf32>
        %swap3A_1315 = arith.index_cast %add3A_1257 : i32 to index
        %swap3A_1316 = arith.constant 112 : index
        %swap3A_1317 = tpu.vector_load %arg13[%swap3A_1315, %swap3A_1316] {strides = array<i32>} : memref<80x136xf32, #tpu.memory_space<vmem>>, vector<16xf32>,
        tpu.vector_store %arg13[%swap3A_1315, %swap3A_1316], %mul3A_1314 {strides = array<i32>} : memref<80x136xf32, #tpu.memory_space<vmem>>, vector<16xf32>,
        %add3A_1318 = arith.constant 15 : i32
        %add3A_1319 = arith.addi %mul3A_369, %add3A_1318 : i32
        %broadcast_in_dim3A_1320 = arith.constant 15 : i32
        %broadcast_in_dim3A_1321 = vector.broadcast %broadcast_in_dim3A_1320 : i32 to vector<16x1xi32>
        %gather3A_1322 = vector.shape_cast %broadcast_in_dim3A_1321 : vector<16x1xi32> to vector<16xi32>
        %gather3A_1323 = tpu.dynamic_gather %exp3A[%gather3A_1322] in [0] : vector<16xf32>, vector<16xi32> -> vector<16xf32>
        %get3A_1324 = arith.index_cast %add3A_1319 : i32 to index
        %get3A_1325 = arith.constant 0 : index
        %get3A_1326 = tpu.vector_load %arg12[%get3A_1324, %get3A_1325] {strides = array<i32>} : memref<80x128xf32, #tpu.memory_space<vmem>>, vector<16xf32>,
        %mul3A_1327 = arith.mulf %get3A_1326, %gather3A_1323 : vector<16xf32>
        %swap3A_1328 = arith.index_cast %add3A_1319 : i32 to index
        %swap3A_1329 = arith.constant 0 : index
        %swap3A_1330 = tpu.vector_load %arg13[%swap3A_1328, %swap3A_1329] {strides = array<i32>} : memref<80x136xf32, #tpu.memory_space<vmem>>, vector<16xf32>,
        tpu.vector_store %arg13[%swap3A_1328, %swap3A_1329], %mul3A_1327 {strides = array<i32>} : memref<80x136xf32, #tpu.memory_space<vmem>>, vector<16xf32>,
        %get3A_1331 = arith.index_cast %add3A_1319 : i32 to index
        %get3A_1332 = arith.constant 16 : index
        %get3A_1333 = tpu.vector_load %arg12[%get3A_1331, %get3A_1332] {strides = array<i32>} : memref<80x128xf32, #tpu.memory_space<vmem>>, vector<16xf32>,
        %mul3A_1334 = arith.mulf %get3A_1333, %gather3A_1323 : vector<16xf32>
        %swap3A_1335 = arith.index_cast %add3A_1319 : i32 to index
        %swap3A_1336 = arith.constant 16 : index
        %swap3A_1337 = tpu.vector_load %arg13[%swap3A_1335, %swap3A_1336] {strides = array<i32>} : memref<80x136xf32, #tpu.memory_space<vmem>>, vector<16xf32>,
        tpu.vector_store %arg13[%swap3A_1335, %swap3A_1336], %mul3A_1334 {strides = array<i32>} : memref<80x136xf32, #tpu.memory_space<vmem>>, vector<16xf32>,
        %get3A_1338 = arith.index_cast %add3A_1319 : i32 to index
        %get3A_1339 = arith.constant 32 : index
        %get3A_1340 = tpu.vector_load %arg12[%get3A_1338, %get3A_1339] {strides = array<i32>} : memref<80x128xf32, #tpu.memory_space<vmem>>, vector<16xf32>,
        %mul3A_1341 = arith.mulf %get3A_1340, %gather3A_1323 : vector<16xf32>
        %swap3A_1342 = arith.index_cast %add3A_1319 : i32 to index
        %swap3A_1343 = arith.constant 32 : index
        %swap3A_1344 = tpu.vector_load %arg13[%swap3A_1342, %swap3A_1343] {strides = array<i32>} : memref<80x136xf32, #tpu.memory_space<vmem>>, vector<16xf32>,
        tpu.vector_store %arg13[%swap3A_1342, %swap3A_1343], %mul3A_1341 {strides = array<i32>} : memref<80x136xf32, #tpu.memory_space<vmem>>, vector<16xf32>,
        %get3A_1345 = arith.index_cast %add3A_1319 : i32 to index
        %get3A_1346 = arith.constant 48 : index
        %get3A_1347 = tpu.vector_load %arg12[%get3A_1345, %get3A_1346] {strides = array<i32>} : memref<80x128xf32, #tpu.memory_space<vmem>>, vector<16xf32>,
        %mul3A_1348 = arith.mulf %get3A_1347, %gather3A_1323 : vector<16xf32>
        %swap3A_1349 = arith.index_cast %add3A_1319 : i32 to index
        %swap3A_1350 = arith.constant 48 : index
        %swap3A_1351 = tpu.vector_load %arg13[%swap3A_1349, %swap3A_1350] {strides = array<i32>} : memref<80x136xf32, #tpu.memory_space<vmem>>, vector<16xf32>,
        tpu.vector_store %arg13[%swap3A_1349, %swap3A_1350], %mul3A_1348 {strides = array<i32>} : memref<80x136xf32, #tpu.memory_space<vmem>>, vector<16xf32>,
        %get3A_1352 = arith.index_cast %add3A_1319 : i32 to index
        %get3A_1353 = arith.constant 64 : index
        %get3A_1354 = tpu.vector_load %arg12[%get3A_1352, %get3A_1353] {strides = array<i32>} : memref<80x128xf32, #tpu.memory_space<vmem>>, vector<16xf32>,
        %mul3A_1355 = arith.mulf %get3A_1354, %gather3A_1323 : vector<16xf32>
        %swap3A_1356 = arith.index_cast %add3A_1319 : i32 to index
        %swap3A_1357 = arith.constant 64 : index
        %swap3A_1358 = tpu.vector_load %arg13[%swap3A_1356, %swap3A_1357] {strides = array<i32>} : memref<80x136xf32, #tpu.memory_space<vmem>>, vector<16xf32>,
        tpu.vector_store %arg13[%swap3A_1356, %swap3A_1357], %mul3A_1355 {strides = array<i32>} : memref<80x136xf32, #tpu.memory_space<vmem>>, vector<16xf32>,
        %get3A_1359 = arith.index_cast %add3A_1319 : i32 to index
        %get3A_1360 = arith.constant 80 : index
        %get3A_1361 = tpu.vector_load %arg12[%get3A_1359, %get3A_1360] {strides = array<i32>} : memref<80x128xf32, #tpu.memory_space<vmem>>, vector<16xf32>,
        %mul3A_1362 = arith.mulf %get3A_1361, %gather3A_1323 : vector<16xf32>
        %swap3A_1363 = arith.index_cast %add3A_1319 : i32 to index
        %swap3A_1364 = arith.constant 80 : index
        %swap3A_1365 = tpu.vector_load %arg13[%swap3A_1363, %swap3A_1364] {strides = array<i32>} : memref<80x136xf32, #tpu.memory_space<vmem>>, vector<16xf32>,
        tpu.vector_store %arg13[%swap3A_1363, %swap3A_1364], %mul3A_1362 {strides = array<i32>} : memref<80x136xf32, #tpu.memory_space<vmem>>, vector<16xf32>,
        %get3A_1366 = arith.index_cast %add3A_1319 : i32 to index
        %get3A_1367 = arith.constant 96 : index
        %get3A_1368 = tpu.vector_load %arg12[%get3A_1366, %get3A_1367] {strides = array<i32>} : memref<80x128xf32, #tpu.memory_space<vmem>>, vector<16xf32>,
        %mul3A_1369 = arith.mulf %get3A_1368, %gather3A_1323 : vector<16xf32>
        %swap3A_1370 = arith.index_cast %add3A_1319 : i32 to index
        %swap3A_1371 = arith.constant 96 : index
        %swap3A_1372 = tpu.vector_load %arg13[%swap3A_1370, %swap3A_1371] {strides = array<i32>} : memref<80x136xf32, #tpu.memory_space<vmem>>, vector<16xf32>,
        tpu.vector_store %arg13[%swap3A_1370, %swap3A_1371], %mul3A_1369 {strides = array<i32>} : memref<80x136xf32, #tpu.memory_space<vmem>>, vector<16xf32>,
        %get3A_1373 = arith.index_cast %add3A_1319 : i32 to index
        %get3A_1374 = arith.constant 112 : index
        %get3A_1375 = tpu.vector_load %arg12[%get3A_1373, %get3A_1374] {strides = array<i32>} : memref<80x128xf32, #tpu.memory_space<vmem>>, vector<16xf32>,
        %mul3A_1376 = arith.mulf %get3A_1375, %gather3A_1323 : vector<16xf32>
        %swap3A_1377 = arith.index_cast %add3A_1319 : i32 to index
        %swap3A_1378 = arith.constant 112 : index
        %swap3A_1379 = tpu.vector_load %arg13[%swap3A_1377, %swap3A_1378] {strides = array<i32>} : memref<80x136xf32, #tpu.memory_space<vmem>>, vector<16xf32>,
        tpu.vector_store %arg13[%swap3A_1377, %swap3A_1378], %mul3A_1376 {strides = array<i32>} : memref<80x136xf32, #tpu.memory_space<vmem>>, vector<16xf32>,
      }
      %scan3A_360 = arith.constant 5 : i32
      %dma_start3A_361 = arith.constant 0 : i32
      %dma_start3A_362 = arith.constant 0 : i32
      %dma_start3A_363 = tpu.memref_slice %arg14[%dma_start3A_361, %dma_start3A_362] : memref<10240x136xf32, #tpu.memory_space<vmem_shared>> -> memref<10240x136xf32, #tpu.memory_space<vmem_shared>>
      tpu.enqueue_indirect_dma source(%arg13 : memref<80x136xf32, #tpu.memory_space<vmem>>) target(%dma_start3A_363 : memref<10240x136xf32, #tpu.memory_space<vmem_shared>>) offsets(%arg10 : memref<80xi32, #tpu.memory_space<vmem>>) semaphore(%arg16 : memref<!tpu.dma_semaphore, #tpu.memory_space<semaphore_mem>>) {add = true}
      %dma_wait3A_364 = arith.constant 0 : i32
      %dma_wait3A_365 = arith.constant 0 : i32
      %dma_wait3A_366 = tpu.memref_slice %arg14[%dma_wait3A_364, %dma_wait3A_365] : memref<10240x136xf32, #tpu.memory_space<vmem_shared>> -> memref<10240x136xf32, #tpu.memory_space<vmem_shared>>
      tpu.wait_indirect_dma semaphore(%arg16 : memref<!tpu.dma_semaphore, #tpu.memory_space<semaphore_mem>>) src(%arg13 : memref<80x136xf32, #tpu.memory_space<vmem>>) dst(%dma_wait3A_366 : memref<10240x136xf32, #tpu.memory_space<vmem_shared>>)
    }
    %scan3A_329 = arith.constant 125 : i32
    %barrier3A_330 = arith.constant 0 : index
    tpu.barrier barrier_id(%barrier3A_330)
    %mul3A_331 = arith.constant 640 : i32
    %mul3A_332 = arith.muli %arg1, %mul3A_331 : i32
    %mul3A_333 = arith.constant 640 : i32
    %mul3A_334 = arith.muli %arg1, %mul3A_333 : i32
    "tpu.region"() ({
      %run_scoped3A = tpu.sem_alloc : memref<!tpu.dma_semaphore, #tpu.memory_space<semaphore_mem>>
      %dma_start3A = arith.constant 0 : i32
      %dma_start3A_335 = tpu.memref_slice %arg7[%arg0, %mul3A_334, %dma_start3A] : memref<2x10240x136xf32, #tpu.memory_space<hbm>> -> memref<1x640x136xf32, #tpu.memory_space<hbm>>
      %dma_start3A_336 = tpu.memref_squeeze %dma_start3A_335 : memref<1x640x136xf32, #tpu.memory_space<hbm>> -> memref<640x136xf32, #tpu.memory_space<hbm>>
      %dma_start3A_337 = arith.constant 0 : i32
      %dma_start3A_338 = tpu.memref_slice %arg14[%mul3A_332, %dma_start3A_337] : memref<10240x136xf32, #tpu.memory_space<vmem_shared>> -> memref<640x136xf32, #tpu.memory_space<vmem_shared>>
      tpu.enqueue_dma source(%dma_start3A_338 : memref<640x136xf32, #tpu.memory_space<vmem_shared>>) target(%dma_start3A_336 : memref<640x136xf32, #tpu.memory_space<hbm>>) target_semaphore(%run_scoped3A : memref<!tpu.dma_semaphore, #tpu.memory_space<semaphore_mem>>)
      %dma_wait3A = arith.constant 0 : i32
      %dma_wait3A_339 = tpu.memref_slice %arg7[%arg0, %mul3A_334, %dma_wait3A] : memref<2x10240x136xf32, #tpu.memory_space<hbm>> -> memref<1x640x136xf32, #tpu.memory_space<hbm>>
      %dma_wait3A_340 = tpu.memref_squeeze %dma_wait3A_339 : memref<1x640x136xf32, #tpu.memory_space<hbm>> -> memref<640x136xf32, #tpu.memory_space<hbm>>
      %dma_wait3A_341 = arith.constant 0 : i32
      %dma_wait3A_342 = tpu.memref_slice %arg14[%mul3A_332, %dma_wait3A_341] : memref<10240x136xf32, #tpu.memory_space<vmem_shared>> -> memref<640x136xf32, #tpu.memory_space<vmem_shared>>
      tpu.wait_dma2 semaphore(%run_scoped3A : memref<!tpu.dma_semaphore, #tpu.memory_space<semaphore_mem>>) src(%dma_wait3A_342 : memref<640x136xf32, #tpu.memory_space<vmem_shared>>) dst(%dma_wait3A_340 : memref<640x136xf32, #tpu.memory_space<hbm>>)
      tpu.yield
    }) : () -> ()
    return
  }
}

#map = affine_map<(d0, d1) -> (0, 0)>
#map1 = affine_map<(d0, d1) -> (0)>
#map2 = affine_map<(d0, d1) -> (0, 0, 0)>
module attributes {stable_mosaic.version = 14 : i64} {
  func.func @edge_kernel(%arg0: i32, %arg1: i32, %arg2: memref<10000x128xf32, #tpu.memory_space<hbm>>, %arg3: memref<10000x8xf32, #tpu.memory_space<hbm>>, %arg4: memref<320000xi32, #tpu.memory_space<hbm>>, %arg5: memref<320000xi32, #tpu.memory_space<hbm>>, %arg6: memref<640x136xf32, #tpu.memory_space<hbm>>, %arg7: memref<2x10240x136xf32, #tpu.memory_space<hbm>>, %arg8: memref<80x8xf32, #tpu.memory_space<vmem>>, %arg9: memref<80x8xf32, #tpu.memory_space<vmem>>, %arg10: memref<80xi32, #tpu.memory_space<vmem>>, %arg11: memref<80xi32, #tpu.memory_space<vmem>>, %arg12: memref<80x128xf32, #tpu.memory_space<vmem>>, %arg13: memref<80x136xf32, #tpu.memory_space<vmem>>, %arg14: memref<10240x136xf32, #tpu.memory_space<vmem_shared>>, %arg15: memref<!tpu.dma_semaphore, #tpu.memory_space<semaphore_mem>>, %arg16: memref<!tpu.dma_semaphore, #tpu.memory_space<semaphore_mem>>) attributes {dimension_semantics = [#tpu.dimension_semantics<core_parallel>, #tpu.dimension_semantics<subcore_parallel>], iteration_bounds = array<i64: 2, 16>, scalar_prefetch = 0 : i64, scratch_operands = 9 : i64, tpu.core_type = #tpu.core_type<sc_vector_subcore>, window_params = [{transform_indices = #map}, {transform_indices = #map}, {transform_indices = #map1}, {transform_indices = #map1}, {transform_indices = #map}, {transform_indices = #map2}]} {
    %mul3A = arith.constant 640 : i32
    %mul3A_0 = arith.muli %arg1, %mul3A : i32
    "tpu.region"() ({
      %run_scoped3A = tpu.sem_alloc : memref<!tpu.dma_semaphore, #tpu.memory_space<semaphore_mem>>
      %dma_start3A = arith.constant 0 : i32
      %dma_start3A_335 = tpu.memref_slice %arg14[%mul3A_0, %dma_start3A] : memref<10240x136xf32, #tpu.memory_space<vmem_shared>> -> memref<640x136xf32, #tpu.memory_space<vmem_shared>>
      tpu.enqueue_dma source(%arg6 : memref<640x136xf32, #tpu.memory_space<hbm>>) target(%dma_start3A_335 : memref<640x136xf32, #tpu.memory_space<vmem_shared>>) target_semaphore(%run_scoped3A : memref<!tpu.dma_semaphore, #tpu.memory_space<semaphore_mem>>)
      %dma_wait3A = arith.constant 0 : i32
      %dma_wait3A_336 = tpu.memref_slice %arg14[%mul3A_0, %dma_wait3A] : memref<10240x136xf32, #tpu.memory_space<vmem_shared>> -> memref<640x136xf32, #tpu.memory_space<vmem_shared>>
      tpu.wait_dma2 semaphore(%run_scoped3A : memref<!tpu.dma_semaphore, #tpu.memory_space<semaphore_mem>>) src(%arg6 : memref<640x136xf32, #tpu.memory_space<hbm>>) dst(%dma_wait3A_336 : memref<640x136xf32, #tpu.memory_space<vmem_shared>>)
      tpu.yield
    }) : () -> ()
    %broadcast_in_dim3A = arith.constant 0.000000e+00 : f32
    %broadcast_in_dim3A_1 = vector.broadcast %broadcast_in_dim3A : f32 to vector<16xf32>
    %swap3A = arith.constant 0 : i32
    %swap3A_2 = arith.index_cast %swap3A : i32 to index
    %swap3A_3 = arith.constant 120 : index
    %swap3A_4 = tpu.vector_load %arg13[%swap3A_2, %swap3A_3] {strides = array<i32>} : memref<80x136xf32, #tpu.memory_space<vmem>>, vector<16xf32>,
    tpu.vector_store %arg13[%swap3A_2, %swap3A_3], %broadcast_in_dim3A_1 {strides = array<i32>} : memref<80x136xf32, #tpu.memory_space<vmem>>, vector<16xf32>,
    %swap3A_5 = arith.constant 1 : i32
    %swap3A_6 = arith.index_cast %swap3A_5 : i32 to index
    %swap3A_7 = arith.constant 120 : index
    %swap3A_8 = tpu.vector_load %arg13[%swap3A_6, %swap3A_7] {strides = array<i32>} : memref<80x136xf32, #tpu.memory_space<vmem>>, vector<16xf32>,
    tpu.vector_store %arg13[%swap3A_6, %swap3A_7], %broadcast_in_dim3A_1 {strides = array<i32>} : memref<80x136xf32, #tpu.memory_space<vmem>>, vector<16xf32>,
    %swap3A_9 = arith.constant 2 : i32
    %swap3A_10 = arith.index_cast %swap3A_9 : i32 to index
    %swap3A_11 = arith.constant 120 : index
    %swap3A_12 = tpu.vector_load %arg13[%swap3A_10, %swap3A_11] {strides = array<i32>} : memref<80x136xf32, #tpu.memory_space<vmem>>, vector<16xf32>,
    tpu.vector_store %arg13[%swap3A_10, %swap3A_11], %broadcast_in_dim3A_1 {strides = array<i32>} : memref<80x136xf32, #tpu.memory_space<vmem>>, vector<16xf32>,
    %swap3A_13 = arith.constant 3 : i32
    %swap3A_14 = arith.index_cast %swap3A_13 : i32 to index
    %swap3A_15 = arith.constant 120 : index
    %swap3A_16 = tpu.vector_load %arg13[%swap3A_14, %swap3A_15] {strides = array<i32>} : memref<80x136xf32, #tpu.memory_space<vmem>>, vector<16xf32>,
    tpu.vector_store %arg13[%swap3A_14, %swap3A_15], %broadcast_in_dim3A_1 {strides = array<i32>} : memref<80x136xf32, #tpu.memory_space<vmem>>, vector<16xf32>,
    %swap3A_17 = arith.constant 4 : i32
    %swap3A_18 = arith.index_cast %swap3A_17 : i32 to index
    %swap3A_19 = arith.constant 120 : index
    %swap3A_20 = tpu.vector_load %arg13[%swap3A_18, %swap3A_19] {strides = array<i32>} : memref<80x136xf32, #tpu.memory_space<vmem>>, vector<16xf32>,
    tpu.vector_store %arg13[%swap3A_18, %swap3A_19], %broadcast_in_dim3A_1 {strides = array<i32>} : memref<80x136xf32, #tpu.memory_space<vmem>>, vector<16xf32>,
    %swap3A_21 = arith.constant 5 : i32
    %swap3A_22 = arith.index_cast %swap3A_21 : i32 to index
    %swap3A_23 = arith.constant 120 : index
    %swap3A_24 = tpu.vector_load %arg13[%swap3A_22, %swap3A_23] {strides = array<i32>} : memref<80x136xf32, #tpu.memory_space<vmem>>, vector<16xf32>,
    tpu.vector_store %arg13[%swap3A_22, %swap3A_23], %broadcast_in_dim3A_1 {strides = array<i32>} : memref<80x136xf32, #tpu.memory_space<vmem>>, vector<16xf32>,
    %swap3A_25 = arith.constant 6 : i32
    %swap3A_26 = arith.index_cast %swap3A_25 : i32 to index
    %swap3A_27 = arith.constant 120 : index
    %swap3A_28 = tpu.vector_load %arg13[%swap3A_26, %swap3A_27] {strides = array<i32>} : memref<80x136xf32, #tpu.memory_space<vmem>>, vector<16xf32>,
    tpu.vector_store %arg13[%swap3A_26, %swap3A_27], %broadcast_in_dim3A_1 {strides = array<i32>} : memref<80x136xf32, #tpu.memory_space<vmem>>, vector<16xf32>,
    %swap3A_29 = arith.constant 7 : i32
    %swap3A_30 = arith.index_cast %swap3A_29 : i32 to index
    %swap3A_31 = arith.constant 120 : index
    %swap3A_32 = tpu.vector_load %arg13[%swap3A_30, %swap3A_31] {strides = array<i32>} : memref<80x136xf32, #tpu.memory_space<vmem>>, vector<16xf32>,
    tpu.vector_store %arg13[%swap3A_30, %swap3A_31], %broadcast_in_dim3A_1 {strides = array<i32>} : memref<80x136xf32, #tpu.memory_space<vmem>>, vector<16xf32>,
    %swap3A_33 = arith.constant 8 : i32
    %swap3A_34 = arith.index_cast %swap3A_33 : i32 to index
    %swap3A_35 = arith.constant 120 : index
    %swap3A_36 = tpu.vector_load %arg13[%swap3A_34, %swap3A_35] {strides = array<i32>} : memref<80x136xf32, #tpu.memory_space<vmem>>, vector<16xf32>,
    tpu.vector_store %arg13[%swap3A_34, %swap3A_35], %broadcast_in_dim3A_1 {strides = array<i32>} : memref<80x136xf32, #tpu.memory_space<vmem>>, vector<16xf32>,
    %swap3A_37 = arith.constant 9 : i32
    %swap3A_38 = arith.index_cast %swap3A_37 : i32 to index
    %swap3A_39 = arith.constant 120 : index
    %swap3A_40 = tpu.vector_load %arg13[%swap3A_38, %swap3A_39] {strides = array<i32>} : memref<80x136xf32, #tpu.memory_space<vmem>>, vector<16xf32>,
    tpu.vector_store %arg13[%swap3A_38, %swap3A_39], %broadcast_in_dim3A_1 {strides = array<i32>} : memref<80x136xf32, #tpu.memory_space<vmem>>, vector<16xf32>,
    %swap3A_41 = arith.constant 10 : i32
    %swap3A_42 = arith.index_cast %swap3A_41 : i32 to index
    %swap3A_43 = arith.constant 120 : index
    %swap3A_44 = tpu.vector_load %arg13[%swap3A_42, %swap3A_43] {strides = array<i32>} : memref<80x136xf32, #tpu.memory_space<vmem>>, vector<16xf32>,
    tpu.vector_store %arg13[%swap3A_42, %swap3A_43], %broadcast_in_dim3A_1 {strides = array<i32>} : memref<80x136xf32, #tpu.memory_space<vmem>>, vector<16xf32>,
    %swap3A_45 = arith.constant 11 : i32
    %swap3A_46 = arith.index_cast %swap3A_45 : i32 to index
    %swap3A_47 = arith.constant 120 : index
    %swap3A_48 = tpu.vector_load %arg13[%swap3A_46, %swap3A_47] {strides = array<i32>} : memref<80x136xf32, #tpu.memory_space<vmem>>, vector<16xf32>,
    tpu.vector_store %arg13[%swap3A_46, %swap3A_47], %broadcast_in_dim3A_1 {strides = array<i32>} : memref<80x136xf32, #tpu.memory_space<vmem>>, vector<16xf32>,
    %swap3A_49 = arith.constant 12 : i32
    %swap3A_50 = arith.index_cast %swap3A_49 : i32 to index
    %swap3A_51 = arith.constant 120 : index
    %swap3A_52 = tpu.vector_load %arg13[%swap3A_50, %swap3A_51] {strides = array<i32>} : memref<80x136xf32, #tpu.memory_space<vmem>>, vector<16xf32>,
    tpu.vector_store %arg13[%swap3A_50, %swap3A_51], %broadcast_in_dim3A_1 {strides = array<i32>} : memref<80x136xf32, #tpu.memory_space<vmem>>, vector<16xf32>,
    %swap3A_53 = arith.constant 13 : i32
    %swap3A_54 = arith.index_cast %swap3A_53 : i32 to index
    %swap3A_55 = arith.constant 120 : index
    %swap3A_56 = tpu.vector_load %arg13[%swap3A_54, %swap3A_55] {strides = array<i32>} : memref<80x136xf32, #tpu.memory_space<vmem>>, vector<16xf32>,
    tpu.vector_store %arg13[%swap3A_54, %swap3A_55], %broadcast_in_dim3A_1 {strides = array<i32>} : memref<80x136xf32, #tpu.memory_space<vmem>>, vector<16xf32>,
    %swap3A_57 = arith.constant 14 : i32
    %swap3A_58 = arith.index_cast %swap3A_57 : i32 to index
    %swap3A_59 = arith.constant 120 : index
    %swap3A_60 = tpu.vector_load %arg13[%swap3A_58, %swap3A_59] {strides = array<i32>} : memref<80x136xf32, #tpu.memory_space<vmem>>, vector<16xf32>,
    tpu.vector_store %arg13[%swap3A_58, %swap3A_59], %broadcast_in_dim3A_1 {strides = array<i32>} : memref<80x136xf32, #tpu.memory_space<vmem>>, vector<16xf32>,
    %swap3A_61 = arith.constant 15 : i32
    %swap3A_62 = arith.index_cast %swap3A_61 : i32 to index
    %swap3A_63 = arith.constant 120 : index
    %swap3A_64 = tpu.vector_load %arg13[%swap3A_62, %swap3A_63] {strides = array<i32>} : memref<80x136xf32, #tpu.memory_space<vmem>>, vector<16xf32>,
    tpu.vector_store %arg13[%swap3A_62, %swap3A_63], %broadcast_in_dim3A_1 {strides = array<i32>} : memref<80x136xf32, #tpu.memory_space<vmem>>, vector<16xf32>,
    %swap3A_65 = arith.constant 16 : i32
    %swap3A_66 = arith.index_cast %swap3A_65 : i32 to index
    %swap3A_67 = arith.constant 120 : index
    %swap3A_68 = tpu.vector_load %arg13[%swap3A_66, %swap3A_67] {strides = array<i32>} : memref<80x136xf32, #tpu.memory_space<vmem>>, vector<16xf32>,
    tpu.vector_store %arg13[%swap3A_66, %swap3A_67], %broadcast_in_dim3A_1 {strides = array<i32>} : memref<80x136xf32, #tpu.memory_space<vmem>>, vector<16xf32>,
    %swap3A_69 = arith.constant 17 : i32
    %swap3A_70 = arith.index_cast %swap3A_69 : i32 to index
    %swap3A_71 = arith.constant 120 : index
    %swap3A_72 = tpu.vector_load %arg13[%swap3A_70, %swap3A_71] {strides = array<i32>} : memref<80x136xf32, #tpu.memory_space<vmem>>, vector<16xf32>,
    tpu.vector_store %arg13[%swap3A_70, %swap3A_71], %broadcast_in_dim3A_1 {strides = array<i32>} : memref<80x136xf32, #tpu.memory_space<vmem>>, vector<16xf32>,
    %swap3A_73 = arith.constant 18 : i32
    %swap3A_74 = arith.index_cast %swap3A_73 : i32 to index
    %swap3A_75 = arith.constant 120 : index
    %swap3A_76 = tpu.vector_load %arg13[%swap3A_74, %swap3A_75] {strides = array<i32>} : memref<80x136xf32, #tpu.memory_space<vmem>>, vector<16xf32>,
    tpu.vector_store %arg13[%swap3A_74, %swap3A_75], %broadcast_in_dim3A_1 {strides = array<i32>} : memref<80x136xf32, #tpu.memory_space<vmem>>, vector<16xf32>,
    %swap3A_77 = arith.constant 19 : i32
    %swap3A_78 = arith.index_cast %swap3A_77 : i32 to index
    %swap3A_79 = arith.constant 120 : index
    %swap3A_80 = tpu.vector_load %arg13[%swap3A_78, %swap3A_79] {strides = array<i32>} : memref<80x136xf32, #tpu.memory_space<vmem>>, vector<16xf32>,
    tpu.vector_store %arg13[%swap3A_78, %swap3A_79], %broadcast_in_dim3A_1 {strides = array<i32>} : memref<80x136xf32, #tpu.memory_space<vmem>>, vector<16xf32>,
    %swap3A_81 = arith.constant 20 : i32
    %swap3A_82 = arith.index_cast %swap3A_81 : i32 to index
    %swap3A_83 = arith.constant 120 : index
    %swap3A_84 = tpu.vector_load %arg13[%swap3A_82, %swap3A_83] {strides = array<i32>} : memref<80x136xf32, #tpu.memory_space<vmem>>, vector<16xf32>,
    tpu.vector_store %arg13[%swap3A_82, %swap3A_83], %broadcast_in_dim3A_1 {strides = array<i32>} : memref<80x136xf32, #tpu.memory_space<vmem>>, vector<16xf32>,
    %swap3A_85 = arith.constant 21 : i32
    %swap3A_86 = arith.index_cast %swap3A_85 : i32 to index
    %swap3A_87 = arith.constant 120 : index
    %swap3A_88 = tpu.vector_load %arg13[%swap3A_86, %swap3A_87] {strides = array<i32>} : memref<80x136xf32, #tpu.memory_space<vmem>>, vector<16xf32>,
    tpu.vector_store %arg13[%swap3A_86, %swap3A_87], %broadcast_in_dim3A_1 {strides = array<i32>} : memref<80x136xf32, #tpu.memory_space<vmem>>, vector<16xf32>,
    %swap3A_89 = arith.constant 22 : i32
    %swap3A_90 = arith.index_cast %swap3A_89 : i32 to index
    %swap3A_91 = arith.constant 120 : index
    %swap3A_92 = tpu.vector_load %arg13[%swap3A_90, %swap3A_91] {strides = array<i32>} : memref<80x136xf32, #tpu.memory_space<vmem>>, vector<16xf32>,
    tpu.vector_store %arg13[%swap3A_90, %swap3A_91], %broadcast_in_dim3A_1 {strides = array<i32>} : memref<80x136xf32, #tpu.memory_space<vmem>>, vector<16xf32>,
    %swap3A_93 = arith.constant 23 : i32
    %swap3A_94 = arith.index_cast %swap3A_93 : i32 to index
    %swap3A_95 = arith.constant 120 : index
    %swap3A_96 = tpu.vector_load %arg13[%swap3A_94, %swap3A_95] {strides = array<i32>} : memref<80x136xf32, #tpu.memory_space<vmem>>, vector<16xf32>,
    tpu.vector_store %arg13[%swap3A_94, %swap3A_95], %broadcast_in_dim3A_1 {strides = array<i32>} : memref<80x136xf32, #tpu.memory_space<vmem>>, vector<16xf32>,
    %swap3A_97 = arith.constant 24 : i32
    %swap3A_98 = arith.index_cast %swap3A_97 : i32 to index
    %swap3A_99 = arith.constant 120 : index
    %swap3A_100 = tpu.vector_load %arg13[%swap3A_98, %swap3A_99] {strides = array<i32>} : memref<80x136xf32, #tpu.memory_space<vmem>>, vector<16xf32>,
    tpu.vector_store %arg13[%swap3A_98, %swap3A_99], %broadcast_in_dim3A_1 {strides = array<i32>} : memref<80x136xf32, #tpu.memory_space<vmem>>, vector<16xf32>,
    %swap3A_101 = arith.constant 25 : i32
    %swap3A_102 = arith.index_cast %swap3A_101 : i32 to index
    %swap3A_103 = arith.constant 120 : index
    %swap3A_104 = tpu.vector_load %arg13[%swap3A_102, %swap3A_103] {strides = array<i32>} : memref<80x136xf32, #tpu.memory_space<vmem>>, vector<16xf32>,
    tpu.vector_store %arg13[%swap3A_102, %swap3A_103], %broadcast_in_dim3A_1 {strides = array<i32>} : memref<80x136xf32, #tpu.memory_space<vmem>>, vector<16xf32>,
    %swap3A_105 = arith.constant 26 : i32
    %swap3A_106 = arith.index_cast %swap3A_105 : i32 to index
    %swap3A_107 = arith.constant 120 : index
    %swap3A_108 = tpu.vector_load %arg13[%swap3A_106, %swap3A_107] {strides = array<i32>} : memref<80x136xf32, #tpu.memory_space<vmem>>, vector<16xf32>,
    tpu.vector_store %arg13[%swap3A_106, %swap3A_107], %broadcast_in_dim3A_1 {strides = array<i32>} : memref<80x136xf32, #tpu.memory_space<vmem>>, vector<16xf32>,
    %swap3A_109 = arith.constant 27 : i32
    %swap3A_110 = arith.index_cast %swap3A_109 : i32 to index
    %swap3A_111 = arith.constant 120 : index
    %swap3A_112 = tpu.vector_load %arg13[%swap3A_110, %swap3A_111] {strides = array<i32>} : memref<80x136xf32, #tpu.memory_space<vmem>>, vector<16xf32>,
    tpu.vector_store %arg13[%swap3A_110, %swap3A_111], %broadcast_in_dim3A_1 {strides = array<i32>} : memref<80x136xf32, #tpu.memory_space<vmem>>, vector<16xf32>,
    %swap3A_113 = arith.constant 28 : i32
    %swap3A_114 = arith.index_cast %swap3A_113 : i32 to index
    %swap3A_115 = arith.constant 120 : index
    %swap3A_116 = tpu.vector_load %arg13[%swap3A_114, %swap3A_115] {strides = array<i32>} : memref<80x136xf32, #tpu.memory_space<vmem>>, vector<16xf32>,
    tpu.vector_store %arg13[%swap3A_114, %swap3A_115], %broadcast_in_dim3A_1 {strides = array<i32>} : memref<80x136xf32, #tpu.memory_space<vmem>>, vector<16xf32>,
    %swap3A_117 = arith.constant 29 : i32
    %swap3A_118 = arith.index_cast %swap3A_117 : i32 to index
    %swap3A_119 = arith.constant 120 : index
    %swap3A_120 = tpu.vector_load %arg13[%swap3A_118, %swap3A_119] {strides = array<i32>} : memref<80x136xf32, #tpu.memory_space<vmem>>, vector<16xf32>,
    tpu.vector_store %arg13[%swap3A_118, %swap3A_119], %broadcast_in_dim3A_1 {strides = array<i32>} : memref<80x136xf32, #tpu.memory_space<vmem>>, vector<16xf32>,
    %swap3A_121 = arith.constant 30 : i32
    %swap3A_122 = arith.index_cast %swap3A_121 : i32 to index
    %swap3A_123 = arith.constant 120 : index
    %swap3A_124 = tpu.vector_load %arg13[%swap3A_122, %swap3A_123] {strides = array<i32>} : memref<80x136xf32, #tpu.memory_space<vmem>>, vector<16xf32>,
    tpu.vector_store %arg13[%swap3A_122, %swap3A_123], %broadcast_in_dim3A_1 {strides = array<i32>} : memref<80x136xf32, #tpu.memory_space<vmem>>, vector<16xf32>,
    %swap3A_125 = arith.constant 31 : i32
    %swap3A_126 = arith.index_cast %swap3A_125 : i32 to index
    %swap3A_127 = arith.constant 120 : index
    %swap3A_128 = tpu.vector_load %arg13[%swap3A_126, %swap3A_127] {strides = array<i32>} : memref<80x136xf32, #tpu.memory_space<vmem>>, vector<16xf32>,
    tpu.vector_store %arg13[%swap3A_126, %swap3A_127], %broadcast_in_dim3A_1 {strides = array<i32>} : memref<80x136xf32, #tpu.memory_space<vmem>>, vector<16xf32>,
    %swap3A_129 = arith.constant 32 : i32
    %swap3A_130 = arith.index_cast %swap3A_129 : i32 to index
    %swap3A_131 = arith.constant 120 : index
    %swap3A_132 = tpu.vector_load %arg13[%swap3A_130, %swap3A_131] {strides = array<i32>} : memref<80x136xf32, #tpu.memory_space<vmem>>, vector<16xf32>,
    tpu.vector_store %arg13[%swap3A_130, %swap3A_131], %broadcast_in_dim3A_1 {strides = array<i32>} : memref<80x136xf32, #tpu.memory_space<vmem>>, vector<16xf32>,
    %swap3A_133 = arith.constant 33 : i32
    %swap3A_134 = arith.index_cast %swap3A_133 : i32 to index
    %swap3A_135 = arith.constant 120 : index
    %swap3A_136 = tpu.vector_load %arg13[%swap3A_134, %swap3A_135] {strides = array<i32>} : memref<80x136xf32, #tpu.memory_space<vmem>>, vector<16xf32>,
    tpu.vector_store %arg13[%swap3A_134, %swap3A_135], %broadcast_in_dim3A_1 {strides = array<i32>} : memref<80x136xf32, #tpu.memory_space<vmem>>, vector<16xf32>,
    %swap3A_137 = arith.constant 34 : i32
    %swap3A_138 = arith.index_cast %swap3A_137 : i32 to index
    %swap3A_139 = arith.constant 120 : index
    %swap3A_140 = tpu.vector_load %arg13[%swap3A_138, %swap3A_139] {strides = array<i32>} : memref<80x136xf32, #tpu.memory_space<vmem>>, vector<16xf32>,
    tpu.vector_store %arg13[%swap3A_138, %swap3A_139], %broadcast_in_dim3A_1 {strides = array<i32>} : memref<80x136xf32, #tpu.memory_space<vmem>>, vector<16xf32>,
    %swap3A_141 = arith.constant 35 : i32
    %swap3A_142 = arith.index_cast %swap3A_141 : i32 to index
    %swap3A_143 = arith.constant 120 : index
    %swap3A_144 = tpu.vector_load %arg13[%swap3A_142, %swap3A_143] {strides = array<i32>} : memref<80x136xf32, #tpu.memory_space<vmem>>, vector<16xf32>,
    tpu.vector_store %arg13[%swap3A_142, %swap3A_143], %broadcast_in_dim3A_1 {strides = array<i32>} : memref<80x136xf32, #tpu.memory_space<vmem>>, vector<16xf32>,
    %swap3A_145 = arith.constant 36 : i32
    %swap3A_146 = arith.index_cast %swap3A_145 : i32 to index
    %swap3A_147 = arith.constant 120 : index
    %swap3A_148 = tpu.vector_load %arg13[%swap3A_146, %swap3A_147] {strides = array<i32>} : memref<80x136xf32, #tpu.memory_space<vmem>>, vector<16xf32>,
    tpu.vector_store %arg13[%swap3A_146, %swap3A_147], %broadcast_in_dim3A_1 {strides = array<i32>} : memref<80x136xf32, #tpu.memory_space<vmem>>, vector<16xf32>,
    %swap3A_149 = arith.constant 37 : i32
    %swap3A_150 = arith.index_cast %swap3A_149 : i32 to index
    %swap3A_151 = arith.constant 120 : index
    %swap3A_152 = tpu.vector_load %arg13[%swap3A_150, %swap3A_151] {strides = array<i32>} : memref<80x136xf32, #tpu.memory_space<vmem>>, vector<16xf32>,
    tpu.vector_store %arg13[%swap3A_150, %swap3A_151], %broadcast_in_dim3A_1 {strides = array<i32>} : memref<80x136xf32, #tpu.memory_space<vmem>>, vector<16xf32>,
    %swap3A_153 = arith.constant 38 : i32
    %swap3A_154 = arith.index_cast %swap3A_153 : i32 to index
    %swap3A_155 = arith.constant 120 : index
    %swap3A_156 = tpu.vector_load %arg13[%swap3A_154, %swap3A_155] {strides = array<i32>} : memref<80x136xf32, #tpu.memory_space<vmem>>, vector<16xf32>,
    tpu.vector_store %arg13[%swap3A_154, %swap3A_155], %broadcast_in_dim3A_1 {strides = array<i32>} : memref<80x136xf32, #tpu.memory_space<vmem>>, vector<16xf32>,
    %swap3A_157 = arith.constant 39 : i32
    %swap3A_158 = arith.index_cast %swap3A_157 : i32 to index
    %swap3A_159 = arith.constant 120 : index
    %swap3A_160 = tpu.vector_load %arg13[%swap3A_158, %swap3A_159] {strides = array<i32>} : memref<80x136xf32, #tpu.memory_space<vmem>>, vector<16xf32>,
    tpu.vector_store %arg13[%swap3A_158, %swap3A_159], %broadcast_in_dim3A_1 {strides = array<i32>} : memref<80x136xf32, #tpu.memory_space<vmem>>, vector<16xf32>,
    %swap3A_161 = arith.constant 40 : i32
    %swap3A_162 = arith.index_cast %swap3A_161 : i32 to index
    %swap3A_163 = arith.constant 120 : index
    %swap3A_164 = tpu.vector_load %arg13[%swap3A_162, %swap3A_163] {strides = array<i32>} : memref<80x136xf32, #tpu.memory_space<vmem>>, vector<16xf32>,
    tpu.vector_store %arg13[%swap3A_162, %swap3A_163], %broadcast_in_dim3A_1 {strides = array<i32>} : memref<80x136xf32, #tpu.memory_space<vmem>>, vector<16xf32>,
    %swap3A_165 = arith.constant 41 : i32
    %swap3A_166 = arith.index_cast %swap3A_165 : i32 to index
    %swap3A_167 = arith.constant 120 : index
    %swap3A_168 = tpu.vector_load %arg13[%swap3A_166, %swap3A_167] {strides = array<i32>} : memref<80x136xf32, #tpu.memory_space<vmem>>, vector<16xf32>,
    tpu.vector_store %arg13[%swap3A_166, %swap3A_167], %broadcast_in_dim3A_1 {strides = array<i32>} : memref<80x136xf32, #tpu.memory_space<vmem>>, vector<16xf32>,
    %swap3A_169 = arith.constant 42 : i32
    %swap3A_170 = arith.index_cast %swap3A_169 : i32 to index
    %swap3A_171 = arith.constant 120 : index
    %swap3A_172 = tpu.vector_load %arg13[%swap3A_170, %swap3A_171] {strides = array<i32>} : memref<80x136xf32, #tpu.memory_space<vmem>>, vector<16xf32>,
    tpu.vector_store %arg13[%swap3A_170, %swap3A_171], %broadcast_in_dim3A_1 {strides = array<i32>} : memref<80x136xf32, #tpu.memory_space<vmem>>, vector<16xf32>,
    %swap3A_173 = arith.constant 43 : i32
    %swap3A_174 = arith.index_cast %swap3A_173 : i32 to index
    %swap3A_175 = arith.constant 120 : index
    %swap3A_176 = tpu.vector_load %arg13[%swap3A_174, %swap3A_175] {strides = array<i32>} : memref<80x136xf32, #tpu.memory_space<vmem>>, vector<16xf32>,
    tpu.vector_store %arg13[%swap3A_174, %swap3A_175], %broadcast_in_dim3A_1 {strides = array<i32>} : memref<80x136xf32, #tpu.memory_space<vmem>>, vector<16xf32>,
    %swap3A_177 = arith.constant 44 : i32
    %swap3A_178 = arith.index_cast %swap3A_177 : i32 to index
    %swap3A_179 = arith.constant 120 : index
    %swap3A_180 = tpu.vector_load %arg13[%swap3A_178, %swap3A_179] {strides = array<i32>} : memref<80x136xf32, #tpu.memory_space<vmem>>, vector<16xf32>,
    tpu.vector_store %arg13[%swap3A_178, %swap3A_179], %broadcast_in_dim3A_1 {strides = array<i32>} : memref<80x136xf32, #tpu.memory_space<vmem>>, vector<16xf32>,
    %swap3A_181 = arith.constant 45 : i32
    %swap3A_182 = arith.index_cast %swap3A_181 : i32 to index
    %swap3A_183 = arith.constant 120 : index
    %swap3A_184 = tpu.vector_load %arg13[%swap3A_182, %swap3A_183] {strides = array<i32>} : memref<80x136xf32, #tpu.memory_space<vmem>>, vector<16xf32>,
    tpu.vector_store %arg13[%swap3A_182, %swap3A_183], %broadcast_in_dim3A_1 {strides = array<i32>} : memref<80x136xf32, #tpu.memory_space<vmem>>, vector<16xf32>,
    %swap3A_185 = arith.constant 46 : i32
    %swap3A_186 = arith.index_cast %swap3A_185 : i32 to index
    %swap3A_187 = arith.constant 120 : index
    %swap3A_188 = tpu.vector_load %arg13[%swap3A_186, %swap3A_187] {strides = array<i32>} : memref<80x136xf32, #tpu.memory_space<vmem>>, vector<16xf32>,
    tpu.vector_store %arg13[%swap3A_186, %swap3A_187], %broadcast_in_dim3A_1 {strides = array<i32>} : memref<80x136xf32, #tpu.memory_space<vmem>>, vector<16xf32>,
    %swap3A_189 = arith.constant 47 : i32
    %swap3A_190 = arith.index_cast %swap3A_189 : i32 to index
    %swap3A_191 = arith.constant 120 : index
    %swap3A_192 = tpu.vector_load %arg13[%swap3A_190, %swap3A_191] {strides = array<i32>} : memref<80x136xf32, #tpu.memory_space<vmem>>, vector<16xf32>,
    tpu.vector_store %arg13[%swap3A_190, %swap3A_191], %broadcast_in_dim3A_1 {strides = array<i32>} : memref<80x136xf32, #tpu.memory_space<vmem>>, vector<16xf32>,
    %swap3A_193 = arith.constant 48 : i32
    %swap3A_194 = arith.index_cast %swap3A_193 : i32 to index
    %swap3A_195 = arith.constant 120 : index
    %swap3A_196 = tpu.vector_load %arg13[%swap3A_194, %swap3A_195] {strides = array<i32>} : memref<80x136xf32, #tpu.memory_space<vmem>>, vector<16xf32>,
    tpu.vector_store %arg13[%swap3A_194, %swap3A_195], %broadcast_in_dim3A_1 {strides = array<i32>} : memref<80x136xf32, #tpu.memory_space<vmem>>, vector<16xf32>,
    %swap3A_197 = arith.constant 49 : i32
    %swap3A_198 = arith.index_cast %swap3A_197 : i32 to index
    %swap3A_199 = arith.constant 120 : index
    %swap3A_200 = tpu.vector_load %arg13[%swap3A_198, %swap3A_199] {strides = array<i32>} : memref<80x136xf32, #tpu.memory_space<vmem>>, vector<16xf32>,
    tpu.vector_store %arg13[%swap3A_198, %swap3A_199], %broadcast_in_dim3A_1 {strides = array<i32>} : memref<80x136xf32, #tpu.memory_space<vmem>>, vector<16xf32>,
    %swap3A_201 = arith.constant 50 : i32
    %swap3A_202 = arith.index_cast %swap3A_201 : i32 to index
    %swap3A_203 = arith.constant 120 : index
    %swap3A_204 = tpu.vector_load %arg13[%swap3A_202, %swap3A_203] {strides = array<i32>} : memref<80x136xf32, #tpu.memory_space<vmem>>, vector<16xf32>,
    tpu.vector_store %arg13[%swap3A_202, %swap3A_203], %broadcast_in_dim3A_1 {strides = array<i32>} : memref<80x136xf32, #tpu.memory_space<vmem>>, vector<16xf32>,
    %swap3A_205 = arith.constant 51 : i32
    %swap3A_206 = arith.index_cast %swap3A_205 : i32 to index
    %swap3A_207 = arith.constant 120 : index
    %swap3A_208 = tpu.vector_load %arg13[%swap3A_206, %swap3A_207] {strides = array<i32>} : memref<80x136xf32, #tpu.memory_space<vmem>>, vector<16xf32>,
    tpu.vector_store %arg13[%swap3A_206, %swap3A_207], %broadcast_in_dim3A_1 {strides = array<i32>} : memref<80x136xf32, #tpu.memory_space<vmem>>, vector<16xf32>,
    %swap3A_209 = arith.constant 52 : i32
    %swap3A_210 = arith.index_cast %swap3A_209 : i32 to index
    %swap3A_211 = arith.constant 120 : index
    %swap3A_212 = tpu.vector_load %arg13[%swap3A_210, %swap3A_211] {strides = array<i32>} : memref<80x136xf32, #tpu.memory_space<vmem>>, vector<16xf32>,
    tpu.vector_store %arg13[%swap3A_210, %swap3A_211], %broadcast_in_dim3A_1 {strides = array<i32>} : memref<80x136xf32, #tpu.memory_space<vmem>>, vector<16xf32>,
    %swap3A_213 = arith.constant 53 : i32
    %swap3A_214 = arith.index_cast %swap3A_213 : i32 to index
    %swap3A_215 = arith.constant 120 : index
    %swap3A_216 = tpu.vector_load %arg13[%swap3A_214, %swap3A_215] {strides = array<i32>} : memref<80x136xf32, #tpu.memory_space<vmem>>, vector<16xf32>,
    tpu.vector_store %arg13[%swap3A_214, %swap3A_215], %broadcast_in_dim3A_1 {strides = array<i32>} : memref<80x136xf32, #tpu.memory_space<vmem>>, vector<16xf32>,
    %swap3A_217 = arith.constant 54 : i32
    %swap3A_218 = arith.index_cast %swap3A_217 : i32 to index
    %swap3A_219 = arith.constant 120 : index
    %swap3A_220 = tpu.vector_load %arg13[%swap3A_218, %swap3A_219] {strides = array<i32>} : memref<80x136xf32, #tpu.memory_space<vmem>>, vector<16xf32>,
    tpu.vector_store %arg13[%swap3A_218, %swap3A_219], %broadcast_in_dim3A_1 {strides = array<i32>} : memref<80x136xf32, #tpu.memory_space<vmem>>, vector<16xf32>,
    %swap3A_221 = arith.constant 55 : i32
    %swap3A_222 = arith.index_cast %swap3A_221 : i32 to index
    %swap3A_223 = arith.constant 120 : index
    %swap3A_224 = tpu.vector_load %arg13[%swap3A_222, %swap3A_223] {strides = array<i32>} : memref<80x136xf32, #tpu.memory_space<vmem>>, vector<16xf32>,
    tpu.vector_store %arg13[%swap3A_222, %swap3A_223], %broadcast_in_dim3A_1 {strides = array<i32>} : memref<80x136xf32, #tpu.memory_space<vmem>>, vector<16xf32>,
    %swap3A_225 = arith.constant 56 : i32
    %swap3A_226 = arith.index_cast %swap3A_225 : i32 to index
    %swap3A_227 = arith.constant 120 : index
    %swap3A_228 = tpu.vector_load %arg13[%swap3A_226, %swap3A_227] {strides = array<i32>} : memref<80x136xf32, #tpu.memory_space<vmem>>, vector<16xf32>,
    tpu.vector_store %arg13[%swap3A_226, %swap3A_227], %broadcast_in_dim3A_1 {strides = array<i32>} : memref<80x136xf32, #tpu.memory_space<vmem>>, vector<16xf32>,
    %swap3A_229 = arith.constant 57 : i32
    %swap3A_230 = arith.index_cast %swap3A_229 : i32 to index
    %swap3A_231 = arith.constant 120 : index
    %swap3A_232 = tpu.vector_load %arg13[%swap3A_230, %swap3A_231] {strides = array<i32>} : memref<80x136xf32, #tpu.memory_space<vmem>>, vector<16xf32>,
    tpu.vector_store %arg13[%swap3A_230, %swap3A_231], %broadcast_in_dim3A_1 {strides = array<i32>} : memref<80x136xf32, #tpu.memory_space<vmem>>, vector<16xf32>,
    %swap3A_233 = arith.constant 58 : i32
    %swap3A_234 = arith.index_cast %swap3A_233 : i32 to index
    %swap3A_235 = arith.constant 120 : index
    %swap3A_236 = tpu.vector_load %arg13[%swap3A_234, %swap3A_235] {strides = array<i32>} : memref<80x136xf32, #tpu.memory_space<vmem>>, vector<16xf32>,
    tpu.vector_store %arg13[%swap3A_234, %swap3A_235], %broadcast_in_dim3A_1 {strides = array<i32>} : memref<80x136xf32, #tpu.memory_space<vmem>>, vector<16xf32>,
    %swap3A_237 = arith.constant 59 : i32
    %swap3A_238 = arith.index_cast %swap3A_237 : i32 to index
    %swap3A_239 = arith.constant 120 : index
    %swap3A_240 = tpu.vector_load %arg13[%swap3A_238, %swap3A_239] {strides = array<i32>} : memref<80x136xf32, #tpu.memory_space<vmem>>, vector<16xf32>,
    tpu.vector_store %arg13[%swap3A_238, %swap3A_239], %broadcast_in_dim3A_1 {strides = array<i32>} : memref<80x136xf32, #tpu.memory_space<vmem>>, vector<16xf32>,
    %swap3A_241 = arith.constant 60 : i32
    %swap3A_242 = arith.index_cast %swap3A_241 : i32 to index
    %swap3A_243 = arith.constant 120 : index
    %swap3A_244 = tpu.vector_load %arg13[%swap3A_242, %swap3A_243] {strides = array<i32>} : memref<80x136xf32, #tpu.memory_space<vmem>>, vector<16xf32>,
    tpu.vector_store %arg13[%swap3A_242, %swap3A_243], %broadcast_in_dim3A_1 {strides = array<i32>} : memref<80x136xf32, #tpu.memory_space<vmem>>, vector<16xf32>,
    %swap3A_245 = arith.constant 61 : i32
    %swap3A_246 = arith.index_cast %swap3A_245 : i32 to index
    %swap3A_247 = arith.constant 120 : index
    %swap3A_248 = tpu.vector_load %arg13[%swap3A_246, %swap3A_247] {strides = array<i32>} : memref<80x136xf32, #tpu.memory_space<vmem>>, vector<16xf32>,
    tpu.vector_store %arg13[%swap3A_246, %swap3A_247], %broadcast_in_dim3A_1 {strides = array<i32>} : memref<80x136xf32, #tpu.memory_space<vmem>>, vector<16xf32>,
    %swap3A_249 = arith.constant 62 : i32
    %swap3A_250 = arith.index_cast %swap3A_249 : i32 to index
    %swap3A_251 = arith.constant 120 : index
    %swap3A_252 = tpu.vector_load %arg13[%swap3A_250, %swap3A_251] {strides = array<i32>} : memref<80x136xf32, #tpu.memory_space<vmem>>, vector<16xf32>,
    tpu.vector_store %arg13[%swap3A_250, %swap3A_251], %broadcast_in_dim3A_1 {strides = array<i32>} : memref<80x136xf32, #tpu.memory_space<vmem>>, vector<16xf32>,
    %swap3A_253 = arith.constant 63 : i32
    %swap3A_254 = arith.index_cast %swap3A_253 : i32 to index
    %swap3A_255 = arith.constant 120 : index
    %swap3A_256 = tpu.vector_load %arg13[%swap3A_254, %swap3A_255] {strides = array<i32>} : memref<80x136xf32, #tpu.memory_space<vmem>>, vector<16xf32>,
    tpu.vector_store %arg13[%swap3A_254, %swap3A_255], %broadcast_in_dim3A_1 {strides = array<i32>} : memref<80x136xf32, #tpu.memory_space<vmem>>, vector<16xf32>,
    %swap3A_257 = arith.constant 64 : i32
    %swap3A_258 = arith.index_cast %swap3A_257 : i32 to index
    %swap3A_259 = arith.constant 120 : index
    %swap3A_260 = tpu.vector_load %arg13[%swap3A_258, %swap3A_259] {strides = array<i32>} : memref<80x136xf32, #tpu.memory_space<vmem>>, vector<16xf32>,
    tpu.vector_store %arg13[%swap3A_258, %swap3A_259], %broadcast_in_dim3A_1 {strides = array<i32>} : memref<80x136xf32, #tpu.memory_space<vmem>>, vector<16xf32>,
    %swap3A_261 = arith.constant 65 : i32
    %swap3A_262 = arith.index_cast %swap3A_261 : i32 to index
    %swap3A_263 = arith.constant 120 : index
    %swap3A_264 = tpu.vector_load %arg13[%swap3A_262, %swap3A_263] {strides = array<i32>} : memref<80x136xf32, #tpu.memory_space<vmem>>, vector<16xf32>,
    tpu.vector_store %arg13[%swap3A_262, %swap3A_263], %broadcast_in_dim3A_1 {strides = array<i32>} : memref<80x136xf32, #tpu.memory_space<vmem>>, vector<16xf32>,
    %swap3A_265 = arith.constant 66 : i32
    %swap3A_266 = arith.index_cast %swap3A_265 : i32 to index
    %swap3A_267 = arith.constant 120 : index
    %swap3A_268 = tpu.vector_load %arg13[%swap3A_266, %swap3A_267] {strides = array<i32>} : memref<80x136xf32, #tpu.memory_space<vmem>>, vector<16xf32>,
    tpu.vector_store %arg13[%swap3A_266, %swap3A_267], %broadcast_in_dim3A_1 {strides = array<i32>} : memref<80x136xf32, #tpu.memory_space<vmem>>, vector<16xf32>,
    %swap3A_269 = arith.constant 67 : i32
    %swap3A_270 = arith.index_cast %swap3A_269 : i32 to index
    %swap3A_271 = arith.constant 120 : index
    %swap3A_272 = tpu.vector_load %arg13[%swap3A_270, %swap3A_271] {strides = array<i32>} : memref<80x136xf32, #tpu.memory_space<vmem>>, vector<16xf32>,
    tpu.vector_store %arg13[%swap3A_270, %swap3A_271], %broadcast_in_dim3A_1 {strides = array<i32>} : memref<80x136xf32, #tpu.memory_space<vmem>>, vector<16xf32>,
    %swap3A_273 = arith.constant 68 : i32
    %swap3A_274 = arith.index_cast %swap3A_273 : i32 to index
    %swap3A_275 = arith.constant 120 : index
    %swap3A_276 = tpu.vector_load %arg13[%swap3A_274, %swap3A_275] {strides = array<i32>} : memref<80x136xf32, #tpu.memory_space<vmem>>, vector<16xf32>,
    tpu.vector_store %arg13[%swap3A_274, %swap3A_275], %broadcast_in_dim3A_1 {strides = array<i32>} : memref<80x136xf32, #tpu.memory_space<vmem>>, vector<16xf32>,
    %swap3A_277 = arith.constant 69 : i32
    %swap3A_278 = arith.index_cast %swap3A_277 : i32 to index
    %swap3A_279 = arith.constant 120 : index
    %swap3A_280 = tpu.vector_load %arg13[%swap3A_278, %swap3A_279] {strides = array<i32>} : memref<80x136xf32, #tpu.memory_space<vmem>>, vector<16xf32>,
    tpu.vector_store %arg13[%swap3A_278, %swap3A_279], %broadcast_in_dim3A_1 {strides = array<i32>} : memref<80x136xf32, #tpu.memory_space<vmem>>, vector<16xf32>,
    %swap3A_281 = arith.constant 70 : i32
    %swap3A_282 = arith.index_cast %swap3A_281 : i32 to index
    %swap3A_283 = arith.constant 120 : index
    %swap3A_284 = tpu.vector_load %arg13[%swap3A_282, %swap3A_283] {strides = array<i32>} : memref<80x136xf32, #tpu.memory_space<vmem>>, vector<16xf32>,
    tpu.vector_store %arg13[%swap3A_282, %swap3A_283], %broadcast_in_dim3A_1 {strides = array<i32>} : memref<80x136xf32, #tpu.memory_space<vmem>>, vector<16xf32>,
    %swap3A_285 = arith.constant 71 : i32
    %swap3A_286 = arith.index_cast %swap3A_285 : i32 to index
    %swap3A_287 = arith.constant 120 : index
    %swap3A_288 = tpu.vector_load %arg13[%swap3A_286, %swap3A_287] {strides = array<i32>} : memref<80x136xf32, #tpu.memory_space<vmem>>, vector<16xf32>,
    tpu.vector_store %arg13[%swap3A_286, %swap3A_287], %broadcast_in_dim3A_1 {strides = array<i32>} : memref<80x136xf32, #tpu.memory_space<vmem>>, vector<16xf32>,
    %swap3A_289 = arith.constant 72 : i32
    %swap3A_290 = arith.index_cast %swap3A_289 : i32 to index
    %swap3A_291 = arith.constant 120 : index
    %swap3A_292 = tpu.vector_load %arg13[%swap3A_290, %swap3A_291] {strides = array<i32>} : memref<80x136xf32, #tpu.memory_space<vmem>>, vector<16xf32>,
    tpu.vector_store %arg13[%swap3A_290, %swap3A_291], %broadcast_in_dim3A_1 {strides = array<i32>} : memref<80x136xf32, #tpu.memory_space<vmem>>, vector<16xf32>,
    %swap3A_293 = arith.constant 73 : i32
    %swap3A_294 = arith.index_cast %swap3A_293 : i32 to index
    %swap3A_295 = arith.constant 120 : index
    %swap3A_296 = tpu.vector_load %arg13[%swap3A_294, %swap3A_295] {strides = array<i32>} : memref<80x136xf32, #tpu.memory_space<vmem>>, vector<16xf32>,
    tpu.vector_store %arg13[%swap3A_294, %swap3A_295], %broadcast_in_dim3A_1 {strides = array<i32>} : memref<80x136xf32, #tpu.memory_space<vmem>>, vector<16xf32>,
    %swap3A_297 = arith.constant 74 : i32
    %swap3A_298 = arith.index_cast %swap3A_297 : i32 to index
    %swap3A_299 = arith.constant 120 : index
    %swap3A_300 = tpu.vector_load %arg13[%swap3A_298, %swap3A_299] {strides = array<i32>} : memref<80x136xf32, #tpu.memory_space<vmem>>, vector<16xf32>,
    tpu.vector_store %arg13[%swap3A_298, %swap3A_299], %broadcast_in_dim3A_1 {strides = array<i32>} : memref<80x136xf32, #tpu.memory_space<vmem>>, vector<16xf32>,
    %swap3A_301 = arith.constant 75 : i32
    %swap3A_302 = arith.index_cast %swap3A_301 : i32 to index
    %swap3A_303 = arith.constant 120 : index
    %swap3A_304 = tpu.vector_load %arg13[%swap3A_302, %swap3A_303] {strides = array<i32>} : memref<80x136xf32, #tpu.memory_space<vmem>>, vector<16xf32>,
    tpu.vector_store %arg13[%swap3A_302, %swap3A_303], %broadcast_in_dim3A_1 {strides = array<i32>} : memref<80x136xf32, #tpu.memory_space<vmem>>, vector<16xf32>,
    %swap3A_305 = arith.constant 76 : i32
    %swap3A_306 = arith.index_cast %swap3A_305 : i32 to index
    %swap3A_307 = arith.constant 120 : index
    %swap3A_308 = tpu.vector_load %arg13[%swap3A_306, %swap3A_307] {strides = array<i32>} : memref<80x136xf32, #tpu.memory_space<vmem>>, vector<16xf32>,
    tpu.vector_store %arg13[%swap3A_306, %swap3A_307], %broadcast_in_dim3A_1 {strides = array<i32>} : memref<80x136xf32, #tpu.memory_space<vmem>>, vector<16xf32>,
    %swap3A_309 = arith.constant 77 : i32
    %swap3A_310 = arith.index_cast %swap3A_309 : i32 to index
    %swap3A_311 = arith.constant 120 : index
    %swap3A_312 = tpu.vector_load %arg13[%swap3A_310, %swap3A_311] {strides = array<i32>} : memref<80x136xf32, #tpu.memory_space<vmem>>, vector<16xf32>,
    tpu.vector_store %arg13[%swap3A_310, %swap3A_311], %broadcast_in_dim3A_1 {strides = array<i32>} : memref<80x136xf32, #tpu.memory_space<vmem>>, vector<16xf32>,
    %swap3A_313 = arith.constant 78 : i32
    %swap3A_314 = arith.index_cast %swap3A_313 : i32 to index
    %swap3A_315 = arith.constant 120 : index
    %swap3A_316 = tpu.vector_load %arg13[%swap3A_314, %swap3A_315] {strides = array<i32>} : memref<80x136xf32, #tpu.memory_space<vmem>>, vector<16xf32>,
    tpu.vector_store %arg13[%swap3A_314, %swap3A_315], %broadcast_in_dim3A_1 {strides = array<i32>} : memref<80x136xf32, #tpu.memory_space<vmem>>, vector<16xf32>,
    %swap3A_317 = arith.constant 79 : i32
    %swap3A_318 = arith.index_cast %swap3A_317 : i32 to index
    %swap3A_319 = arith.constant 120 : index
    %swap3A_320 = tpu.vector_load %arg13[%swap3A_318, %swap3A_319] {strides = array<i32>} : memref<80x136xf32, #tpu.memory_space<vmem>>, vector<16xf32>,
    tpu.vector_store %arg13[%swap3A_318, %swap3A_319], %broadcast_in_dim3A_1 {strides = array<i32>} : memref<80x136xf32, #tpu.memory_space<vmem>>, vector<16xf32>,
    %barrier3A = arith.constant 0 : index
    tpu.barrier barrier_id(%barrier3A)
    %mul3A_321 = arith.constant 160000 : i32
    %mul3A_322 = arith.muli %arg0, %mul3A_321 : i32
    %mul3A_323 = arith.constant 10000 : i32
    %mul3A_324 = arith.muli %arg1, %mul3A_323 : i32
    %add3A = arith.addi %mul3A_322, %mul3A_324 : i32
    %iota3A = tpu.iota {dimensions = array<i32: 0>} : vector<16xi32>
    %scan3A = arith.constant 0 : i32
    %scan3A_325 = arith.constant 0 : i32
    %scan3A_326 = arith.constant 125 : i32
    %scan3A_327 = arith.addi %scan3A_325, %scan3A_326 : i32
    %scan3A_328 = arith.constant 1 : i32
    scf.for %scan3A_335 = %scan3A_325 to %scan3A_327 step %scan3A_328  : i32 {
      %mul3A_336 = arith.constant 80 : i32
      %mul3A_337 = arith.muli %scan3A_335, %mul3A_336 : i32
      %add3A_338 = arith.addi %add3A, %mul3A_337 : i32
      "tpu.region"() ({
        %run_scoped3A = tpu.sem_alloc : memref<!tpu.dma_semaphore, #tpu.memory_space<semaphore_mem>>
        %dma_start3A_367 = tpu.memref_slice %arg4[%add3A_338] : memref<320000xi32, #tpu.memory_space<hbm>> -> memref<80xi32, #tpu.memory_space<hbm>>
        %dma_start3A_368 = tpu.memref_slice %arg4[%add3A_338] : memref<320000xi32, #tpu.memory_space<hbm>> -> memref<80xi32, #tpu.memory_space<hbm>>
        tpu.enqueue_dma source(%dma_start3A_368 : memref<80xi32, #tpu.memory_space<hbm>>) target(%arg10 : memref<80xi32, #tpu.memory_space<vmem>>) target_semaphore(%run_scoped3A : memref<!tpu.dma_semaphore, #tpu.memory_space<semaphore_mem>>)
        %dma_wait3A_369 = tpu.memref_slice %arg4[%add3A_338] : memref<320000xi32, #tpu.memory_space<hbm>> -> memref<80xi32, #tpu.memory_space<hbm>>
        %dma_wait3A_370 = tpu.memref_slice %arg4[%add3A_338] : memref<320000xi32, #tpu.memory_space<hbm>> -> memref<80xi32, #tpu.memory_space<hbm>>
        tpu.wait_dma2 semaphore(%run_scoped3A : memref<!tpu.dma_semaphore, #tpu.memory_space<semaphore_mem>>) src(%dma_wait3A_370 : memref<80xi32, #tpu.memory_space<hbm>>) dst(%arg10 : memref<80xi32, #tpu.memory_space<vmem>>)
        tpu.yield
      }) : () -> ()
      "tpu.region"() ({
        %run_scoped3A = tpu.sem_alloc : memref<!tpu.dma_semaphore, #tpu.memory_space<semaphore_mem>>
        %dma_start3A_367 = tpu.memref_slice %arg5[%add3A_338] : memref<320000xi32, #tpu.memory_space<hbm>> -> memref<80xi32, #tpu.memory_space<hbm>>
        %dma_start3A_368 = tpu.memref_slice %arg5[%add3A_338] : memref<320000xi32, #tpu.memory_space<hbm>> -> memref<80xi32, #tpu.memory_space<hbm>>
        tpu.enqueue_dma source(%dma_start3A_368 : memref<80xi32, #tpu.memory_space<hbm>>) target(%arg11 : memref<80xi32, #tpu.memory_space<vmem>>) target_semaphore(%run_scoped3A : memref<!tpu.dma_semaphore, #tpu.memory_space<semaphore_mem>>)
        %dma_wait3A_369 = tpu.memref_slice %arg5[%add3A_338] : memref<320000xi32, #tpu.memory_space<hbm>> -> memref<80xi32, #tpu.memory_space<hbm>>
        %dma_wait3A_370 = tpu.memref_slice %arg5[%add3A_338] : memref<320000xi32, #tpu.memory_space<hbm>> -> memref<80xi32, #tpu.memory_space<hbm>>
        tpu.wait_dma2 semaphore(%run_scoped3A : memref<!tpu.dma_semaphore, #tpu.memory_space<semaphore_mem>>) src(%dma_wait3A_370 : memref<80xi32, #tpu.memory_space<hbm>>) dst(%arg11 : memref<80xi32, #tpu.memory_space<vmem>>)
        tpu.yield
      }) : () -> ()
      %dma_start3A = arith.constant 0 : i32
      %dma_start3A_339 = arith.constant 0 : i32
      %dma_start3A_340 = tpu.memref_slice %arg2[%dma_start3A, %dma_start3A_339] : memref<10000x128xf32, #tpu.memory_space<hbm>> -> memref<10000x128xf32, #tpu.memory_space<hbm>>
      tpu.enqueue_indirect_dma source(%dma_start3A_340 : memref<10000x128xf32, #tpu.memory_space<hbm>>) target(%arg12 : memref<80x128xf32, #tpu.memory_space<vmem>>) offsets(%arg11 : memref<80xi32, #tpu.memory_space<vmem>>) semaphore(%arg15 : memref<!tpu.dma_semaphore, #tpu.memory_space<semaphore_mem>>)
      %dma_start3A_341 = arith.constant 0 : i32
      %dma_start3A_342 = arith.constant 0 : i32
      %dma_start3A_343 = tpu.memref_slice %arg3[%dma_start3A_341, %dma_start3A_342] : memref<10000x8xf32, #tpu.memory_space<hbm>> -> memref<10000x8xf32, #tpu.memory_space<hbm>>
      tpu.enqueue_indirect_dma source(%dma_start3A_343 : memref<10000x8xf32, #tpu.memory_space<hbm>>) target(%arg8 : memref<80x8xf32, #tpu.memory_space<vmem>>) offsets(%arg10 : memref<80xi32, #tpu.memory_space<vmem>>) semaphore(%arg15 : memref<!tpu.dma_semaphore, #tpu.memory_space<semaphore_mem>>)
      %dma_start3A_344 = arith.constant 0 : i32
      %dma_start3A_345 = arith.constant 0 : i32
      %dma_start3A_346 = tpu.memref_slice %arg3[%dma_start3A_344, %dma_start3A_345] : memref<10000x8xf32, #tpu.memory_space<hbm>> -> memref<10000x8xf32, #tpu.memory_space<hbm>>
      tpu.enqueue_indirect_dma source(%dma_start3A_346 : memref<10000x8xf32, #tpu.memory_space<hbm>>) target(%arg9 : memref<80x8xf32, #tpu.memory_space<vmem>>) offsets(%arg11 : memref<80xi32, #tpu.memory_space<vmem>>) semaphore(%arg15 : memref<!tpu.dma_semaphore, #tpu.memory_space<semaphore_mem>>)
      %dma_wait3A = arith.constant 0 : i32
      %dma_wait3A_347 = arith.constant 0 : i32
      %dma_wait3A_348 = tpu.memref_slice %arg2[%dma_wait3A, %dma_wait3A_347] : memref<10000x128xf32, #tpu.memory_space<hbm>> -> memref<10000x128xf32, #tpu.memory_space<hbm>>
      tpu.wait_indirect_dma semaphore(%arg15 : memref<!tpu.dma_semaphore, #tpu.memory_space<semaphore_mem>>) src(%dma_wait3A_348 : memref<10000x128xf32, #tpu.memory_space<hbm>>) dst(%arg12 : memref<80x128xf32, #tpu.memory_space<vmem>>)
      %dma_wait3A_349 = arith.constant 0 : i32
      %dma_wait3A_350 = arith.constant 0 : i32
      %dma_wait3A_351 = tpu.memref_slice %arg3[%dma_wait3A_349, %dma_wait3A_350] : memref<10000x8xf32, #tpu.memory_space<hbm>> -> memref<10000x8xf32, #tpu.memory_space<hbm>>
      tpu.wait_indirect_dma semaphore(%arg15 : memref<!tpu.dma_semaphore, #tpu.memory_space<semaphore_mem>>) src(%dma_wait3A_351 : memref<10000x8xf32, #tpu.memory_space<hbm>>) dst(%arg8 : memref<80x8xf32, #tpu.memory_space<vmem>>)
      %dma_wait3A_352 = arith.constant 0 : i32
      %dma_wait3A_353 = arith.constant 0 : i32
      %dma_wait3A_354 = tpu.memref_slice %arg3[%dma_wait3A_352, %dma_wait3A_353] : memref<10000x8xf32, #tpu.memory_space<hbm>> -> memref<10000x8xf32, #tpu.memory_space<hbm>>
      tpu.wait_indirect_dma semaphore(%arg15 : memref<!tpu.dma_semaphore, #tpu.memory_space<semaphore_mem>>) src(%dma_wait3A_354 : memref<10000x8xf32, #tpu.memory_space<hbm>>) dst(%arg9 : memref<80x8xf32, #tpu.memory_space<vmem>>)
      %scan3A_355 = arith.constant 0 : i32
      %scan3A_356 = arith.constant 0 : i32
      %scan3A_357 = arith.constant 5 : i32
      %scan3A_358 = arith.addi %scan3A_356, %scan3A_357 : i32
      %scan3A_359 = arith.constant 1 : i32
      scf.for %scan3A_367 = %scan3A_356 to %scan3A_358 step %scan3A_359  : i32 {
        %mul3A_368 = arith.constant 16 : i32
        %mul3A_369 = arith.muli %scan3A_367, %mul3A_368 : i32
        %add3A_370 = vector.broadcast %mul3A_369 : i32 to vector<16xi32>
        %add3A_371 = arith.addi %add3A_370, %iota3A : vector<16xi32>
        %broadcast_in_dim3A_372 = arith.constant 0 : i32
        %broadcast_in_dim3A_373 = vector.broadcast %broadcast_in_dim3A_372 : i32 to vector<16xi32>
        %gather3A = tpu.vector_load_idx %arg8[%add3A_371, %broadcast_in_dim3A_373] : memref<80x8xf32, #tpu.memory_space<vmem>>[vector<16xi32>, vector<16xi32>], vector<16xf32>,
        %add3A_374 = vector.broadcast %mul3A_369 : i32 to vector<16xi32>
        %add3A_375 = arith.addi %add3A_374, %iota3A : vector<16xi32>
        %broadcast_in_dim3A_376 = arith.constant 4 : i32
        %broadcast_in_dim3A_377 = vector.broadcast %broadcast_in_dim3A_376 : i32 to vector<16xi32>
        %gather3A_378 = tpu.vector_load_idx %arg9[%add3A_375, %broadcast_in_dim3A_377] : memref<80x8xf32, #tpu.memory_space<vmem>>[vector<16xi32>, vector<16xi32>], vector<16xf32>,
        %add3A_379 = arith.addf %gather3A, %gather3A_378 : vector<16xf32>
        %ge3A = arith.constant 0.000000e+00 : f32
        %ge3A_380 = vector.broadcast %ge3A : f32 to vector<16xf32>
        %ge3A_381 = arith.cmpf oge, %add3A_379, %ge3A_380 : vector<16xf32>
        %mul3A_382 = arith.constant 2.000000e-01 : f32
        %mul3A_383 = vector.broadcast %mul3A_382 : f32 to vector<16xf32>
        %mul3A_384 = arith.mulf %add3A_379, %mul3A_383 : vector<16xf32>
        %select_n3A = arith.select %ge3A_381, %add3A_379, %mul3A_384 : vector<16xi1>, vector<16xf32>
        %exp3A = math.exp %select_n3A : vector<16xf32>
        %add3A_385 = vector.broadcast %mul3A_369 : i32 to vector<16xi32>
        %add3A_386 = arith.addi %add3A_385, %iota3A : vector<16xi32>
        %broadcast_in_dim3A_387 = arith.constant 128 : i32
        %broadcast_in_dim3A_388 = vector.broadcast %broadcast_in_dim3A_387 : i32 to vector<16xi32>
        tpu.vector_store_idx %arg13[%add3A_386, %broadcast_in_dim3A_388], %exp3A : memref<80x136xf32, #tpu.memory_space<vmem>>[vector<16xi32>, vector<16xi32>], vector<16xf32>,
        %add3A_389 = vector.broadcast %mul3A_369 : i32 to vector<16xi32>
        %add3A_390 = arith.addi %add3A_389, %iota3A : vector<16xi32>
        %broadcast_in_dim3A_391 = arith.constant 1 : i32
        %broadcast_in_dim3A_392 = vector.broadcast %broadcast_in_dim3A_391 : i32 to vector<16xi32>
        %gather3A_393 = tpu.vector_load_idx %arg8[%add3A_390, %broadcast_in_dim3A_392] : memref<80x8xf32, #tpu.memory_space<vmem>>[vector<16xi32>, vector<16xi32>], vector<16xf32>,
        %add3A_394 = vector.broadcast %mul3A_369 : i32 to vector<16xi32>
        %add3A_395 = arith.addi %add3A_394, %iota3A : vector<16xi32>
        %broadcast_in_dim3A_396 = arith.constant 5 : i32
        %broadcast_in_dim3A_397 = vector.broadcast %broadcast_in_dim3A_396 : i32 to vector<16xi32>
        %gather3A_398 = tpu.vector_load_idx %arg9[%add3A_395, %broadcast_in_dim3A_397] : memref<80x8xf32, #tpu.memory_space<vmem>>[vector<16xi32>, vector<16xi32>], vector<16xf32>,
        %add3A_399 = arith.addf %gather3A_393, %gather3A_398 : vector<16xf32>
        %ge3A_400 = arith.constant 0.000000e+00 : f32
        %ge3A_401 = vector.broadcast %ge3A_400 : f32 to vector<16xf32>
        %ge3A_402 = arith.cmpf oge, %add3A_399, %ge3A_401 : vector<16xf32>
        %mul3A_403 = arith.constant 2.000000e-01 : f32
        %mul3A_404 = vector.broadcast %mul3A_403 : f32 to vector<16xf32>
        %mul3A_405 = arith.mulf %add3A_399, %mul3A_404 : vector<16xf32>
        %select_n3A_406 = arith.select %ge3A_402, %add3A_399, %mul3A_405 : vector<16xi1>, vector<16xf32>
        %exp3A_407 = math.exp %select_n3A_406 : vector<16xf32>
        %add3A_408 = vector.broadcast %mul3A_369 : i32 to vector<16xi32>
        %add3A_409 = arith.addi %add3A_408, %iota3A : vector<16xi32>
        %broadcast_in_dim3A_410 = arith.constant 129 : i32
        %broadcast_in_dim3A_411 = vector.broadcast %broadcast_in_dim3A_410 : i32 to vector<16xi32>
        tpu.vector_store_idx %arg13[%add3A_409, %broadcast_in_dim3A_411], %exp3A_407 : memref<80x136xf32, #tpu.memory_space<vmem>>[vector<16xi32>, vector<16xi32>], vector<16xf32>,
        %add3A_412 = vector.broadcast %mul3A_369 : i32 to vector<16xi32>
        %add3A_413 = arith.addi %add3A_412, %iota3A : vector<16xi32>
        %broadcast_in_dim3A_414 = arith.constant 2 : i32
        %broadcast_in_dim3A_415 = vector.broadcast %broadcast_in_dim3A_414 : i32 to vector<16xi32>
        %gather3A_416 = tpu.vector_load_idx %arg8[%add3A_413, %broadcast_in_dim3A_415] : memref<80x8xf32, #tpu.memory_space<vmem>>[vector<16xi32>, vector<16xi32>], vector<16xf32>,
        %add3A_417 = vector.broadcast %mul3A_369 : i32 to vector<16xi32>
        %add3A_418 = arith.addi %add3A_417, %iota3A : vector<16xi32>
        %broadcast_in_dim3A_419 = arith.constant 6 : i32
        %broadcast_in_dim3A_420 = vector.broadcast %broadcast_in_dim3A_419 : i32 to vector<16xi32>
        %gather3A_421 = tpu.vector_load_idx %arg9[%add3A_418, %broadcast_in_dim3A_420] : memref<80x8xf32, #tpu.memory_space<vmem>>[vector<16xi32>, vector<16xi32>], vector<16xf32>,
        %add3A_422 = arith.addf %gather3A_416, %gather3A_421 : vector<16xf32>
        %ge3A_423 = arith.constant 0.000000e+00 : f32
        %ge3A_424 = vector.broadcast %ge3A_423 : f32 to vector<16xf32>
        %ge3A_425 = arith.cmpf oge, %add3A_422, %ge3A_424 : vector<16xf32>
        %mul3A_426 = arith.constant 2.000000e-01 : f32
        %mul3A_427 = vector.broadcast %mul3A_426 : f32 to vector<16xf32>
        %mul3A_428 = arith.mulf %add3A_422, %mul3A_427 : vector<16xf32>
        %select_n3A_429 = arith.select %ge3A_425, %add3A_422, %mul3A_428 : vector<16xi1>, vector<16xf32>
        %exp3A_430 = math.exp %select_n3A_429 : vector<16xf32>
        %add3A_431 = vector.broadcast %mul3A_369 : i32 to vector<16xi32>
        %add3A_432 = arith.addi %add3A_431, %iota3A : vector<16xi32>
        %broadcast_in_dim3A_433 = arith.constant 130 : i32
        %broadcast_in_dim3A_434 = vector.broadcast %broadcast_in_dim3A_433 : i32 to vector<16xi32>
        tpu.vector_store_idx %arg13[%add3A_432, %broadcast_in_dim3A_434], %exp3A_430 : memref<80x136xf32, #tpu.memory_space<vmem>>[vector<16xi32>, vector<16xi32>], vector<16xf32>,
        %add3A_435 = vector.broadcast %mul3A_369 : i32 to vector<16xi32>
        %add3A_436 = arith.addi %add3A_435, %iota3A : vector<16xi32>
        %broadcast_in_dim3A_437 = arith.constant 3 : i32
        %broadcast_in_dim3A_438 = vector.broadcast %broadcast_in_dim3A_437 : i32 to vector<16xi32>
        %gather3A_439 = tpu.vector_load_idx %arg8[%add3A_436, %broadcast_in_dim3A_438] : memref<80x8xf32, #tpu.memory_space<vmem>>[vector<16xi32>, vector<16xi32>], vector<16xf32>,
        %add3A_440 = vector.broadcast %mul3A_369 : i32 to vector<16xi32>
        %add3A_441 = arith.addi %add3A_440, %iota3A : vector<16xi32>
        %broadcast_in_dim3A_442 = arith.constant 7 : i32
        %broadcast_in_dim3A_443 = vector.broadcast %broadcast_in_dim3A_442 : i32 to vector<16xi32>
        %gather3A_444 = tpu.vector_load_idx %arg9[%add3A_441, %broadcast_in_dim3A_443] : memref<80x8xf32, #tpu.memory_space<vmem>>[vector<16xi32>, vector<16xi32>], vector<16xf32>,
        %add3A_445 = arith.addf %gather3A_439, %gather3A_444 : vector<16xf32>
        %ge3A_446 = arith.constant 0.000000e+00 : f32
        %ge3A_447 = vector.broadcast %ge3A_446 : f32 to vector<16xf32>
        %ge3A_448 = arith.cmpf oge, %add3A_445, %ge3A_447 : vector<16xf32>
        %mul3A_449 = arith.constant 2.000000e-01 : f32
        %mul3A_450 = vector.broadcast %mul3A_449 : f32 to vector<16xf32>
        %mul3A_451 = arith.mulf %add3A_445, %mul3A_450 : vector<16xf32>
        %select_n3A_452 = arith.select %ge3A_448, %add3A_445, %mul3A_451 : vector<16xi1>, vector<16xf32>
        %exp3A_453 = math.exp %select_n3A_452 : vector<16xf32>
        %add3A_454 = vector.broadcast %mul3A_369 : i32 to vector<16xi32>
        %add3A_455 = arith.addi %add3A_454, %iota3A : vector<16xi32>
        %broadcast_in_dim3A_456 = arith.constant 131 : i32
        %broadcast_in_dim3A_457 = vector.broadcast %broadcast_in_dim3A_456 : i32 to vector<16xi32>
        tpu.vector_store_idx %arg13[%add3A_455, %broadcast_in_dim3A_457], %exp3A_453 : memref<80x136xf32, #tpu.memory_space<vmem>>[vector<16xi32>, vector<16xi32>], vector<16xf32>,
        %add3A_458 = arith.constant 0 : i32
        %add3A_459 = arith.addi %mul3A_369, %add3A_458 : i32
        %broadcast_in_dim3A_460 = arith.constant 0 : i32
        %broadcast_in_dim3A_461 = vector.broadcast %broadcast_in_dim3A_460 : i32 to vector<16x1xi32>
        %gather3A_462 = vector.shape_cast %broadcast_in_dim3A_461 : vector<16x1xi32> to vector<16xi32>
        %gather3A_463 = tpu.dynamic_gather %exp3A[%gather3A_462] in [0] : vector<16xf32>, vector<16xi32> -> vector<16xf32>
        %get3A = arith.index_cast %add3A_459 : i32 to index
        %get3A_464 = arith.constant 0 : index
        %get3A_465 = tpu.vector_load %arg12[%get3A, %get3A_464] {strides = array<i32>} : memref<80x128xf32, #tpu.memory_space<vmem>>, vector<16xf32>,
        %mul3A_466 = arith.mulf %get3A_465, %gather3A_463 : vector<16xf32>
        %swap3A_467 = arith.index_cast %add3A_459 : i32 to index
        %swap3A_468 = arith.constant 0 : index
        %swap3A_469 = tpu.vector_load %arg13[%swap3A_467, %swap3A_468] {strides = array<i32>} : memref<80x136xf32, #tpu.memory_space<vmem>>, vector<16xf32>,
        tpu.vector_store %arg13[%swap3A_467, %swap3A_468], %mul3A_466 {strides = array<i32>} : memref<80x136xf32, #tpu.memory_space<vmem>>, vector<16xf32>,
        %get3A_470 = arith.index_cast %add3A_459 : i32 to index
        %get3A_471 = arith.constant 16 : index
        %get3A_472 = tpu.vector_load %arg12[%get3A_470, %get3A_471] {strides = array<i32>} : memref<80x128xf32, #tpu.memory_space<vmem>>, vector<16xf32>,
        %mul3A_473 = arith.mulf %get3A_472, %gather3A_463 : vector<16xf32>
        %swap3A_474 = arith.index_cast %add3A_459 : i32 to index
        %swap3A_475 = arith.constant 16 : index
        %swap3A_476 = tpu.vector_load %arg13[%swap3A_474, %swap3A_475] {strides = array<i32>} : memref<80x136xf32, #tpu.memory_space<vmem>>, vector<16xf32>,
        tpu.vector_store %arg13[%swap3A_474, %swap3A_475], %mul3A_473 {strides = array<i32>} : memref<80x136xf32, #tpu.memory_space<vmem>>, vector<16xf32>,
        %broadcast_in_dim3A_477 = arith.constant 0 : i32
        %broadcast_in_dim3A_478 = vector.broadcast %broadcast_in_dim3A_477 : i32 to vector<16x1xi32>
        %gather3A_479 = vector.shape_cast %broadcast_in_dim3A_478 : vector<16x1xi32> to vector<16xi32>
        %gather3A_480 = tpu.dynamic_gather %exp3A_407[%gather3A_479] in [0] : vector<16xf32>, vector<16xi32> -> vector<16xf32>
        %get3A_481 = arith.index_cast %add3A_459 : i32 to index
        %get3A_482 = arith.constant 32 : index
        %get3A_483 = tpu.vector_load %arg12[%get3A_481, %get3A_482] {strides = array<i32>} : memref<80x128xf32, #tpu.memory_space<vmem>>, vector<16xf32>,
        %mul3A_484 = arith.mulf %get3A_483, %gather3A_480 : vector<16xf32>
        %swap3A_485 = arith.index_cast %add3A_459 : i32 to index
        %swap3A_486 = arith.constant 32 : index
        %swap3A_487 = tpu.vector_load %arg13[%swap3A_485, %swap3A_486] {strides = array<i32>} : memref<80x136xf32, #tpu.memory_space<vmem>>, vector<16xf32>,
        tpu.vector_store %arg13[%swap3A_485, %swap3A_486], %mul3A_484 {strides = array<i32>} : memref<80x136xf32, #tpu.memory_space<vmem>>, vector<16xf32>,
        %get3A_488 = arith.index_cast %add3A_459 : i32 to index
        %get3A_489 = arith.constant 48 : index
        %get3A_490 = tpu.vector_load %arg12[%get3A_488, %get3A_489] {strides = array<i32>} : memref<80x128xf32, #tpu.memory_space<vmem>>, vector<16xf32>,
        %mul3A_491 = arith.mulf %get3A_490, %gather3A_480 : vector<16xf32>
        %swap3A_492 = arith.index_cast %add3A_459 : i32 to index
        %swap3A_493 = arith.constant 48 : index
        %swap3A_494 = tpu.vector_load %arg13[%swap3A_492, %swap3A_493] {strides = array<i32>} : memref<80x136xf32, #tpu.memory_space<vmem>>, vector<16xf32>,
        tpu.vector_store %arg13[%swap3A_492, %swap3A_493], %mul3A_491 {strides = array<i32>} : memref<80x136xf32, #tpu.memory_space<vmem>>, vector<16xf32>,
        %broadcast_in_dim3A_495 = arith.constant 0 : i32
        %broadcast_in_dim3A_496 = vector.broadcast %broadcast_in_dim3A_495 : i32 to vector<16x1xi32>
        %gather3A_497 = vector.shape_cast %broadcast_in_dim3A_496 : vector<16x1xi32> to vector<16xi32>
        %gather3A_498 = tpu.dynamic_gather %exp3A_430[%gather3A_497] in [0] : vector<16xf32>, vector<16xi32> -> vector<16xf32>
        %get3A_499 = arith.index_cast %add3A_459 : i32 to index
        %get3A_500 = arith.constant 64 : index
        %get3A_501 = tpu.vector_load %arg12[%get3A_499, %get3A_500] {strides = array<i32>} : memref<80x128xf32, #tpu.memory_space<vmem>>, vector<16xf32>,
        %mul3A_502 = arith.mulf %get3A_501, %gather3A_498 : vector<16xf32>
        %swap3A_503 = arith.index_cast %add3A_459 : i32 to index
        %swap3A_504 = arith.constant 64 : index
        %swap3A_505 = tpu.vector_load %arg13[%swap3A_503, %swap3A_504] {strides = array<i32>} : memref<80x136xf32, #tpu.memory_space<vmem>>, vector<16xf32>,
        tpu.vector_store %arg13[%swap3A_503, %swap3A_504], %mul3A_502 {strides = array<i32>} : memref<80x136xf32, #tpu.memory_space<vmem>>, vector<16xf32>,
        %get3A_506 = arith.index_cast %add3A_459 : i32 to index
        %get3A_507 = arith.constant 80 : index
        %get3A_508 = tpu.vector_load %arg12[%get3A_506, %get3A_507] {strides = array<i32>} : memref<80x128xf32, #tpu.memory_space<vmem>>, vector<16xf32>,
        %mul3A_509 = arith.mulf %get3A_508, %gather3A_498 : vector<16xf32>
        %swap3A_510 = arith.index_cast %add3A_459 : i32 to index
        %swap3A_511 = arith.constant 80 : index
        %swap3A_512 = tpu.vector_load %arg13[%swap3A_510, %swap3A_511] {strides = array<i32>} : memref<80x136xf32, #tpu.memory_space<vmem>>, vector<16xf32>,
        tpu.vector_store %arg13[%swap3A_510, %swap3A_511], %mul3A_509 {strides = array<i32>} : memref<80x136xf32, #tpu.memory_space<vmem>>, vector<16xf32>,
        %broadcast_in_dim3A_513 = arith.constant 0 : i32
        %broadcast_in_dim3A_514 = vector.broadcast %broadcast_in_dim3A_513 : i32 to vector<16x1xi32>
        %gather3A_515 = vector.shape_cast %broadcast_in_dim3A_514 : vector<16x1xi32> to vector<16xi32>
        %gather3A_516 = tpu.dynamic_gather %exp3A_453[%gather3A_515] in [0] : vector<16xf32>, vector<16xi32> -> vector<16xf32>
        %get3A_517 = arith.index_cast %add3A_459 : i32 to index
        %get3A_518 = arith.constant 96 : index
        %get3A_519 = tpu.vector_load %arg12[%get3A_517, %get3A_518] {strides = array<i32>} : memref<80x128xf32, #tpu.memory_space<vmem>>, vector<16xf32>,
        %mul3A_520 = arith.mulf %get3A_519, %gather3A_516 : vector<16xf32>
        %swap3A_521 = arith.index_cast %add3A_459 : i32 to index
        %swap3A_522 = arith.constant 96 : index
        %swap3A_523 = tpu.vector_load %arg13[%swap3A_521, %swap3A_522] {strides = array<i32>} : memref<80x136xf32, #tpu.memory_space<vmem>>, vector<16xf32>,
        tpu.vector_store %arg13[%swap3A_521, %swap3A_522], %mul3A_520 {strides = array<i32>} : memref<80x136xf32, #tpu.memory_space<vmem>>, vector<16xf32>,
        %get3A_524 = arith.index_cast %add3A_459 : i32 to index
        %get3A_525 = arith.constant 112 : index
        %get3A_526 = tpu.vector_load %arg12[%get3A_524, %get3A_525] {strides = array<i32>} : memref<80x128xf32, #tpu.memory_space<vmem>>, vector<16xf32>,
        %mul3A_527 = arith.mulf %get3A_526, %gather3A_516 : vector<16xf32>
        %swap3A_528 = arith.index_cast %add3A_459 : i32 to index
        %swap3A_529 = arith.constant 112 : index
        %swap3A_530 = tpu.vector_load %arg13[%swap3A_528, %swap3A_529] {strides = array<i32>} : memref<80x136xf32, #tpu.memory_space<vmem>>, vector<16xf32>,
        tpu.vector_store %arg13[%swap3A_528, %swap3A_529], %mul3A_527 {strides = array<i32>} : memref<80x136xf32, #tpu.memory_space<vmem>>, vector<16xf32>,
        %add3A_531 = arith.constant 1 : i32
        %add3A_532 = arith.addi %mul3A_369, %add3A_531 : i32
        %broadcast_in_dim3A_533 = arith.constant 1 : i32
        %broadcast_in_dim3A_534 = vector.broadcast %broadcast_in_dim3A_533 : i32 to vector<16x1xi32>
        %gather3A_535 = vector.shape_cast %broadcast_in_dim3A_534 : vector<16x1xi32> to vector<16xi32>
        %gather3A_536 = tpu.dynamic_gather %exp3A[%gather3A_535] in [0] : vector<16xf32>, vector<16xi32> -> vector<16xf32>
        %get3A_537 = arith.index_cast %add3A_532 : i32 to index
        %get3A_538 = arith.constant 0 : index
        %get3A_539 = tpu.vector_load %arg12[%get3A_537, %get3A_538] {strides = array<i32>} : memref<80x128xf32, #tpu.memory_space<vmem>>, vector<16xf32>,
        %mul3A_540 = arith.mulf %get3A_539, %gather3A_536 : vector<16xf32>
        %swap3A_541 = arith.index_cast %add3A_532 : i32 to index
        %swap3A_542 = arith.constant 0 : index
        %swap3A_543 = tpu.vector_load %arg13[%swap3A_541, %swap3A_542] {strides = array<i32>} : memref<80x136xf32, #tpu.memory_space<vmem>>, vector<16xf32>,
        tpu.vector_store %arg13[%swap3A_541, %swap3A_542], %mul3A_540 {strides = array<i32>} : memref<80x136xf32, #tpu.memory_space<vmem>>, vector<16xf32>,
        %get3A_544 = arith.index_cast %add3A_532 : i32 to index
        %get3A_545 = arith.constant 16 : index
        %get3A_546 = tpu.vector_load %arg12[%get3A_544, %get3A_545] {strides = array<i32>} : memref<80x128xf32, #tpu.memory_space<vmem>>, vector<16xf32>,
        %mul3A_547 = arith.mulf %get3A_546, %gather3A_536 : vector<16xf32>
        %swap3A_548 = arith.index_cast %add3A_532 : i32 to index
        %swap3A_549 = arith.constant 16 : index
        %swap3A_550 = tpu.vector_load %arg13[%swap3A_548, %swap3A_549] {strides = array<i32>} : memref<80x136xf32, #tpu.memory_space<vmem>>, vector<16xf32>,
        tpu.vector_store %arg13[%swap3A_548, %swap3A_549], %mul3A_547 {strides = array<i32>} : memref<80x136xf32, #tpu.memory_space<vmem>>, vector<16xf32>,
        %broadcast_in_dim3A_551 = arith.constant 1 : i32
        %broadcast_in_dim3A_552 = vector.broadcast %broadcast_in_dim3A_551 : i32 to vector<16x1xi32>
        %gather3A_553 = vector.shape_cast %broadcast_in_dim3A_552 : vector<16x1xi32> to vector<16xi32>
        %gather3A_554 = tpu.dynamic_gather %exp3A_407[%gather3A_553] in [0] : vector<16xf32>, vector<16xi32> -> vector<16xf32>
        %get3A_555 = arith.index_cast %add3A_532 : i32 to index
        %get3A_556 = arith.constant 32 : index
        %get3A_557 = tpu.vector_load %arg12[%get3A_555, %get3A_556] {strides = array<i32>} : memref<80x128xf32, #tpu.memory_space<vmem>>, vector<16xf32>,
        %mul3A_558 = arith.mulf %get3A_557, %gather3A_554 : vector<16xf32>
        %swap3A_559 = arith.index_cast %add3A_532 : i32 to index
        %swap3A_560 = arith.constant 32 : index
        %swap3A_561 = tpu.vector_load %arg13[%swap3A_559, %swap3A_560] {strides = array<i32>} : memref<80x136xf32, #tpu.memory_space<vmem>>, vector<16xf32>,
        tpu.vector_store %arg13[%swap3A_559, %swap3A_560], %mul3A_558 {strides = array<i32>} : memref<80x136xf32, #tpu.memory_space<vmem>>, vector<16xf32>,
        %get3A_562 = arith.index_cast %add3A_532 : i32 to index
        %get3A_563 = arith.constant 48 : index
        %get3A_564 = tpu.vector_load %arg12[%get3A_562, %get3A_563] {strides = array<i32>} : memref<80x128xf32, #tpu.memory_space<vmem>>, vector<16xf32>,
        %mul3A_565 = arith.mulf %get3A_564, %gather3A_554 : vector<16xf32>
        %swap3A_566 = arith.index_cast %add3A_532 : i32 to index
        %swap3A_567 = arith.constant 48 : index
        %swap3A_568 = tpu.vector_load %arg13[%swap3A_566, %swap3A_567] {strides = array<i32>} : memref<80x136xf32, #tpu.memory_space<vmem>>, vector<16xf32>,
        tpu.vector_store %arg13[%swap3A_566, %swap3A_567], %mul3A_565 {strides = array<i32>} : memref<80x136xf32, #tpu.memory_space<vmem>>, vector<16xf32>,
        %broadcast_in_dim3A_569 = arith.constant 1 : i32
        %broadcast_in_dim3A_570 = vector.broadcast %broadcast_in_dim3A_569 : i32 to vector<16x1xi32>
        %gather3A_571 = vector.shape_cast %broadcast_in_dim3A_570 : vector<16x1xi32> to vector<16xi32>
        %gather3A_572 = tpu.dynamic_gather %exp3A_430[%gather3A_571] in [0] : vector<16xf32>, vector<16xi32> -> vector<16xf32>
        %get3A_573 = arith.index_cast %add3A_532 : i32 to index
        %get3A_574 = arith.constant 64 : index
        %get3A_575 = tpu.vector_load %arg12[%get3A_573, %get3A_574] {strides = array<i32>} : memref<80x128xf32, #tpu.memory_space<vmem>>, vector<16xf32>,
        %mul3A_576 = arith.mulf %get3A_575, %gather3A_572 : vector<16xf32>
        %swap3A_577 = arith.index_cast %add3A_532 : i32 to index
        %swap3A_578 = arith.constant 64 : index
        %swap3A_579 = tpu.vector_load %arg13[%swap3A_577, %swap3A_578] {strides = array<i32>} : memref<80x136xf32, #tpu.memory_space<vmem>>, vector<16xf32>,
        tpu.vector_store %arg13[%swap3A_577, %swap3A_578], %mul3A_576 {strides = array<i32>} : memref<80x136xf32, #tpu.memory_space<vmem>>, vector<16xf32>,
        %get3A_580 = arith.index_cast %add3A_532 : i32 to index
        %get3A_581 = arith.constant 80 : index
        %get3A_582 = tpu.vector_load %arg12[%get3A_580, %get3A_581] {strides = array<i32>} : memref<80x128xf32, #tpu.memory_space<vmem>>, vector<16xf32>,
        %mul3A_583 = arith.mulf %get3A_582, %gather3A_572 : vector<16xf32>
        %swap3A_584 = arith.index_cast %add3A_532 : i32 to index
        %swap3A_585 = arith.constant 80 : index
        %swap3A_586 = tpu.vector_load %arg13[%swap3A_584, %swap3A_585] {strides = array<i32>} : memref<80x136xf32, #tpu.memory_space<vmem>>, vector<16xf32>,
        tpu.vector_store %arg13[%swap3A_584, %swap3A_585], %mul3A_583 {strides = array<i32>} : memref<80x136xf32, #tpu.memory_space<vmem>>, vector<16xf32>,
        %broadcast_in_dim3A_587 = arith.constant 1 : i32
        %broadcast_in_dim3A_588 = vector.broadcast %broadcast_in_dim3A_587 : i32 to vector<16x1xi32>
        %gather3A_589 = vector.shape_cast %broadcast_in_dim3A_588 : vector<16x1xi32> to vector<16xi32>
        %gather3A_590 = tpu.dynamic_gather %exp3A_453[%gather3A_589] in [0] : vector<16xf32>, vector<16xi32> -> vector<16xf32>
        %get3A_591 = arith.index_cast %add3A_532 : i32 to index
        %get3A_592 = arith.constant 96 : index
        %get3A_593 = tpu.vector_load %arg12[%get3A_591, %get3A_592] {strides = array<i32>} : memref<80x128xf32, #tpu.memory_space<vmem>>, vector<16xf32>,
        %mul3A_594 = arith.mulf %get3A_593, %gather3A_590 : vector<16xf32>
        %swap3A_595 = arith.index_cast %add3A_532 : i32 to index
        %swap3A_596 = arith.constant 96 : index
        %swap3A_597 = tpu.vector_load %arg13[%swap3A_595, %swap3A_596] {strides = array<i32>} : memref<80x136xf32, #tpu.memory_space<vmem>>, vector<16xf32>,
        tpu.vector_store %arg13[%swap3A_595, %swap3A_596], %mul3A_594 {strides = array<i32>} : memref<80x136xf32, #tpu.memory_space<vmem>>, vector<16xf32>,
        %get3A_598 = arith.index_cast %add3A_532 : i32 to index
        %get3A_599 = arith.constant 112 : index
        %get3A_600 = tpu.vector_load %arg12[%get3A_598, %get3A_599] {strides = array<i32>} : memref<80x128xf32, #tpu.memory_space<vmem>>, vector<16xf32>,
        %mul3A_601 = arith.mulf %get3A_600, %gather3A_590 : vector<16xf32>
        %swap3A_602 = arith.index_cast %add3A_532 : i32 to index
        %swap3A_603 = arith.constant 112 : index
        %swap3A_604 = tpu.vector_load %arg13[%swap3A_602, %swap3A_603] {strides = array<i32>} : memref<80x136xf32, #tpu.memory_space<vmem>>, vector<16xf32>,
        tpu.vector_store %arg13[%swap3A_602, %swap3A_603], %mul3A_601 {strides = array<i32>} : memref<80x136xf32, #tpu.memory_space<vmem>>, vector<16xf32>,
        %add3A_605 = arith.constant 2 : i32
        %add3A_606 = arith.addi %mul3A_369, %add3A_605 : i32
        %broadcast_in_dim3A_607 = arith.constant 2 : i32
        %broadcast_in_dim3A_608 = vector.broadcast %broadcast_in_dim3A_607 : i32 to vector<16x1xi32>
        %gather3A_609 = vector.shape_cast %broadcast_in_dim3A_608 : vector<16x1xi32> to vector<16xi32>
        %gather3A_610 = tpu.dynamic_gather %exp3A[%gather3A_609] in [0] : vector<16xf32>, vector<16xi32> -> vector<16xf32>
        %get3A_611 = arith.index_cast %add3A_606 : i32 to index
        %get3A_612 = arith.constant 0 : index
        %get3A_613 = tpu.vector_load %arg12[%get3A_611, %get3A_612] {strides = array<i32>} : memref<80x128xf32, #tpu.memory_space<vmem>>, vector<16xf32>,
        %mul3A_614 = arith.mulf %get3A_613, %gather3A_610 : vector<16xf32>
        %swap3A_615 = arith.index_cast %add3A_606 : i32 to index
        %swap3A_616 = arith.constant 0 : index
        %swap3A_617 = tpu.vector_load %arg13[%swap3A_615, %swap3A_616] {strides = array<i32>} : memref<80x136xf32, #tpu.memory_space<vmem>>, vector<16xf32>,
        tpu.vector_store %arg13[%swap3A_615, %swap3A_616], %mul3A_614 {strides = array<i32>} : memref<80x136xf32, #tpu.memory_space<vmem>>, vector<16xf32>,
        %get3A_618 = arith.index_cast %add3A_606 : i32 to index
        %get3A_619 = arith.constant 16 : index
        %get3A_620 = tpu.vector_load %arg12[%get3A_618, %get3A_619] {strides = array<i32>} : memref<80x128xf32, #tpu.memory_space<vmem>>, vector<16xf32>,
        %mul3A_621 = arith.mulf %get3A_620, %gather3A_610 : vector<16xf32>
        %swap3A_622 = arith.index_cast %add3A_606 : i32 to index
        %swap3A_623 = arith.constant 16 : index
        %swap3A_624 = tpu.vector_load %arg13[%swap3A_622, %swap3A_623] {strides = array<i32>} : memref<80x136xf32, #tpu.memory_space<vmem>>, vector<16xf32>,
        tpu.vector_store %arg13[%swap3A_622, %swap3A_623], %mul3A_621 {strides = array<i32>} : memref<80x136xf32, #tpu.memory_space<vmem>>, vector<16xf32>,
        %broadcast_in_dim3A_625 = arith.constant 2 : i32
        %broadcast_in_dim3A_626 = vector.broadcast %broadcast_in_dim3A_625 : i32 to vector<16x1xi32>
        %gather3A_627 = vector.shape_cast %broadcast_in_dim3A_626 : vector<16x1xi32> to vector<16xi32>
        %gather3A_628 = tpu.dynamic_gather %exp3A_407[%gather3A_627] in [0] : vector<16xf32>, vector<16xi32> -> vector<16xf32>
        %get3A_629 = arith.index_cast %add3A_606 : i32 to index
        %get3A_630 = arith.constant 32 : index
        %get3A_631 = tpu.vector_load %arg12[%get3A_629, %get3A_630] {strides = array<i32>} : memref<80x128xf32, #tpu.memory_space<vmem>>, vector<16xf32>,
        %mul3A_632 = arith.mulf %get3A_631, %gather3A_628 : vector<16xf32>
        %swap3A_633 = arith.index_cast %add3A_606 : i32 to index
        %swap3A_634 = arith.constant 32 : index
        %swap3A_635 = tpu.vector_load %arg13[%swap3A_633, %swap3A_634] {strides = array<i32>} : memref<80x136xf32, #tpu.memory_space<vmem>>, vector<16xf32>,
        tpu.vector_store %arg13[%swap3A_633, %swap3A_634], %mul3A_632 {strides = array<i32>} : memref<80x136xf32, #tpu.memory_space<vmem>>, vector<16xf32>,
        %get3A_636 = arith.index_cast %add3A_606 : i32 to index
        %get3A_637 = arith.constant 48 : index
        %get3A_638 = tpu.vector_load %arg12[%get3A_636, %get3A_637] {strides = array<i32>} : memref<80x128xf32, #tpu.memory_space<vmem>>, vector<16xf32>,
        %mul3A_639 = arith.mulf %get3A_638, %gather3A_628 : vector<16xf32>
        %swap3A_640 = arith.index_cast %add3A_606 : i32 to index
        %swap3A_641 = arith.constant 48 : index
        %swap3A_642 = tpu.vector_load %arg13[%swap3A_640, %swap3A_641] {strides = array<i32>} : memref<80x136xf32, #tpu.memory_space<vmem>>, vector<16xf32>,
        tpu.vector_store %arg13[%swap3A_640, %swap3A_641], %mul3A_639 {strides = array<i32>} : memref<80x136xf32, #tpu.memory_space<vmem>>, vector<16xf32>,
        %broadcast_in_dim3A_643 = arith.constant 2 : i32
        %broadcast_in_dim3A_644 = vector.broadcast %broadcast_in_dim3A_643 : i32 to vector<16x1xi32>
        %gather3A_645 = vector.shape_cast %broadcast_in_dim3A_644 : vector<16x1xi32> to vector<16xi32>
        %gather3A_646 = tpu.dynamic_gather %exp3A_430[%gather3A_645] in [0] : vector<16xf32>, vector<16xi32> -> vector<16xf32>
        %get3A_647 = arith.index_cast %add3A_606 : i32 to index
        %get3A_648 = arith.constant 64 : index
        %get3A_649 = tpu.vector_load %arg12[%get3A_647, %get3A_648] {strides = array<i32>} : memref<80x128xf32, #tpu.memory_space<vmem>>, vector<16xf32>,
        %mul3A_650 = arith.mulf %get3A_649, %gather3A_646 : vector<16xf32>
        %swap3A_651 = arith.index_cast %add3A_606 : i32 to index
        %swap3A_652 = arith.constant 64 : index
        %swap3A_653 = tpu.vector_load %arg13[%swap3A_651, %swap3A_652] {strides = array<i32>} : memref<80x136xf32, #tpu.memory_space<vmem>>, vector<16xf32>,
        tpu.vector_store %arg13[%swap3A_651, %swap3A_652], %mul3A_650 {strides = array<i32>} : memref<80x136xf32, #tpu.memory_space<vmem>>, vector<16xf32>,
        %get3A_654 = arith.index_cast %add3A_606 : i32 to index
        %get3A_655 = arith.constant 80 : index
        %get3A_656 = tpu.vector_load %arg12[%get3A_654, %get3A_655] {strides = array<i32>} : memref<80x128xf32, #tpu.memory_space<vmem>>, vector<16xf32>,
        %mul3A_657 = arith.mulf %get3A_656, %gather3A_646 : vector<16xf32>
        %swap3A_658 = arith.index_cast %add3A_606 : i32 to index
        %swap3A_659 = arith.constant 80 : index
        %swap3A_660 = tpu.vector_load %arg13[%swap3A_658, %swap3A_659] {strides = array<i32>} : memref<80x136xf32, #tpu.memory_space<vmem>>, vector<16xf32>,
        tpu.vector_store %arg13[%swap3A_658, %swap3A_659], %mul3A_657 {strides = array<i32>} : memref<80x136xf32, #tpu.memory_space<vmem>>, vector<16xf32>,
        %broadcast_in_dim3A_661 = arith.constant 2 : i32
        %broadcast_in_dim3A_662 = vector.broadcast %broadcast_in_dim3A_661 : i32 to vector<16x1xi32>
        %gather3A_663 = vector.shape_cast %broadcast_in_dim3A_662 : vector<16x1xi32> to vector<16xi32>
        %gather3A_664 = tpu.dynamic_gather %exp3A_453[%gather3A_663] in [0] : vector<16xf32>, vector<16xi32> -> vector<16xf32>
        %get3A_665 = arith.index_cast %add3A_606 : i32 to index
        %get3A_666 = arith.constant 96 : index
        %get3A_667 = tpu.vector_load %arg12[%get3A_665, %get3A_666] {strides = array<i32>} : memref<80x128xf32, #tpu.memory_space<vmem>>, vector<16xf32>,
        %mul3A_668 = arith.mulf %get3A_667, %gather3A_664 : vector<16xf32>
        %swap3A_669 = arith.index_cast %add3A_606 : i32 to index
        %swap3A_670 = arith.constant 96 : index
        %swap3A_671 = tpu.vector_load %arg13[%swap3A_669, %swap3A_670] {strides = array<i32>} : memref<80x136xf32, #tpu.memory_space<vmem>>, vector<16xf32>,
        tpu.vector_store %arg13[%swap3A_669, %swap3A_670], %mul3A_668 {strides = array<i32>} : memref<80x136xf32, #tpu.memory_space<vmem>>, vector<16xf32>,
        %get3A_672 = arith.index_cast %add3A_606 : i32 to index
        %get3A_673 = arith.constant 112 : index
        %get3A_674 = tpu.vector_load %arg12[%get3A_672, %get3A_673] {strides = array<i32>} : memref<80x128xf32, #tpu.memory_space<vmem>>, vector<16xf32>,
        %mul3A_675 = arith.mulf %get3A_674, %gather3A_664 : vector<16xf32>
        %swap3A_676 = arith.index_cast %add3A_606 : i32 to index
        %swap3A_677 = arith.constant 112 : index
        %swap3A_678 = tpu.vector_load %arg13[%swap3A_676, %swap3A_677] {strides = array<i32>} : memref<80x136xf32, #tpu.memory_space<vmem>>, vector<16xf32>,
        tpu.vector_store %arg13[%swap3A_676, %swap3A_677], %mul3A_675 {strides = array<i32>} : memref<80x136xf32, #tpu.memory_space<vmem>>, vector<16xf32>,
        %add3A_679 = arith.constant 3 : i32
        %add3A_680 = arith.addi %mul3A_369, %add3A_679 : i32
        %broadcast_in_dim3A_681 = arith.constant 3 : i32
        %broadcast_in_dim3A_682 = vector.broadcast %broadcast_in_dim3A_681 : i32 to vector<16x1xi32>
        %gather3A_683 = vector.shape_cast %broadcast_in_dim3A_682 : vector<16x1xi32> to vector<16xi32>
        %gather3A_684 = tpu.dynamic_gather %exp3A[%gather3A_683] in [0] : vector<16xf32>, vector<16xi32> -> vector<16xf32>
        %get3A_685 = arith.index_cast %add3A_680 : i32 to index
        %get3A_686 = arith.constant 0 : index
        %get3A_687 = tpu.vector_load %arg12[%get3A_685, %get3A_686] {strides = array<i32>} : memref<80x128xf32, #tpu.memory_space<vmem>>, vector<16xf32>,
        %mul3A_688 = arith.mulf %get3A_687, %gather3A_684 : vector<16xf32>
        %swap3A_689 = arith.index_cast %add3A_680 : i32 to index
        %swap3A_690 = arith.constant 0 : index
        %swap3A_691 = tpu.vector_load %arg13[%swap3A_689, %swap3A_690] {strides = array<i32>} : memref<80x136xf32, #tpu.memory_space<vmem>>, vector<16xf32>,
        tpu.vector_store %arg13[%swap3A_689, %swap3A_690], %mul3A_688 {strides = array<i32>} : memref<80x136xf32, #tpu.memory_space<vmem>>, vector<16xf32>,
        %get3A_692 = arith.index_cast %add3A_680 : i32 to index
        %get3A_693 = arith.constant 16 : index
        %get3A_694 = tpu.vector_load %arg12[%get3A_692, %get3A_693] {strides = array<i32>} : memref<80x128xf32, #tpu.memory_space<vmem>>, vector<16xf32>,
        %mul3A_695 = arith.mulf %get3A_694, %gather3A_684 : vector<16xf32>
        %swap3A_696 = arith.index_cast %add3A_680 : i32 to index
        %swap3A_697 = arith.constant 16 : index
        %swap3A_698 = tpu.vector_load %arg13[%swap3A_696, %swap3A_697] {strides = array<i32>} : memref<80x136xf32, #tpu.memory_space<vmem>>, vector<16xf32>,
        tpu.vector_store %arg13[%swap3A_696, %swap3A_697], %mul3A_695 {strides = array<i32>} : memref<80x136xf32, #tpu.memory_space<vmem>>, vector<16xf32>,
        %broadcast_in_dim3A_699 = arith.constant 3 : i32
        %broadcast_in_dim3A_700 = vector.broadcast %broadcast_in_dim3A_699 : i32 to vector<16x1xi32>
        %gather3A_701 = vector.shape_cast %broadcast_in_dim3A_700 : vector<16x1xi32> to vector<16xi32>
        %gather3A_702 = tpu.dynamic_gather %exp3A_407[%gather3A_701] in [0] : vector<16xf32>, vector<16xi32> -> vector<16xf32>
        %get3A_703 = arith.index_cast %add3A_680 : i32 to index
        %get3A_704 = arith.constant 32 : index
        %get3A_705 = tpu.vector_load %arg12[%get3A_703, %get3A_704] {strides = array<i32>} : memref<80x128xf32, #tpu.memory_space<vmem>>, vector<16xf32>,
        %mul3A_706 = arith.mulf %get3A_705, %gather3A_702 : vector<16xf32>
        %swap3A_707 = arith.index_cast %add3A_680 : i32 to index
        %swap3A_708 = arith.constant 32 : index
        %swap3A_709 = tpu.vector_load %arg13[%swap3A_707, %swap3A_708] {strides = array<i32>} : memref<80x136xf32, #tpu.memory_space<vmem>>, vector<16xf32>,
        tpu.vector_store %arg13[%swap3A_707, %swap3A_708], %mul3A_706 {strides = array<i32>} : memref<80x136xf32, #tpu.memory_space<vmem>>, vector<16xf32>,
        %get3A_710 = arith.index_cast %add3A_680 : i32 to index
        %get3A_711 = arith.constant 48 : index
        %get3A_712 = tpu.vector_load %arg12[%get3A_710, %get3A_711] {strides = array<i32>} : memref<80x128xf32, #tpu.memory_space<vmem>>, vector<16xf32>,
        %mul3A_713 = arith.mulf %get3A_712, %gather3A_702 : vector<16xf32>
        %swap3A_714 = arith.index_cast %add3A_680 : i32 to index
        %swap3A_715 = arith.constant 48 : index
        %swap3A_716 = tpu.vector_load %arg13[%swap3A_714, %swap3A_715] {strides = array<i32>} : memref<80x136xf32, #tpu.memory_space<vmem>>, vector<16xf32>,
        tpu.vector_store %arg13[%swap3A_714, %swap3A_715], %mul3A_713 {strides = array<i32>} : memref<80x136xf32, #tpu.memory_space<vmem>>, vector<16xf32>,
        %broadcast_in_dim3A_717 = arith.constant 3 : i32
        %broadcast_in_dim3A_718 = vector.broadcast %broadcast_in_dim3A_717 : i32 to vector<16x1xi32>
        %gather3A_719 = vector.shape_cast %broadcast_in_dim3A_718 : vector<16x1xi32> to vector<16xi32>
        %gather3A_720 = tpu.dynamic_gather %exp3A_430[%gather3A_719] in [0] : vector<16xf32>, vector<16xi32> -> vector<16xf32>
        %get3A_721 = arith.index_cast %add3A_680 : i32 to index
        %get3A_722 = arith.constant 64 : index
        %get3A_723 = tpu.vector_load %arg12[%get3A_721, %get3A_722] {strides = array<i32>} : memref<80x128xf32, #tpu.memory_space<vmem>>, vector<16xf32>,
        %mul3A_724 = arith.mulf %get3A_723, %gather3A_720 : vector<16xf32>
        %swap3A_725 = arith.index_cast %add3A_680 : i32 to index
        %swap3A_726 = arith.constant 64 : index
        %swap3A_727 = tpu.vector_load %arg13[%swap3A_725, %swap3A_726] {strides = array<i32>} : memref<80x136xf32, #tpu.memory_space<vmem>>, vector<16xf32>,
        tpu.vector_store %arg13[%swap3A_725, %swap3A_726], %mul3A_724 {strides = array<i32>} : memref<80x136xf32, #tpu.memory_space<vmem>>, vector<16xf32>,
        %get3A_728 = arith.index_cast %add3A_680 : i32 to index
        %get3A_729 = arith.constant 80 : index
        %get3A_730 = tpu.vector_load %arg12[%get3A_728, %get3A_729] {strides = array<i32>} : memref<80x128xf32, #tpu.memory_space<vmem>>, vector<16xf32>,
        %mul3A_731 = arith.mulf %get3A_730, %gather3A_720 : vector<16xf32>
        %swap3A_732 = arith.index_cast %add3A_680 : i32 to index
        %swap3A_733 = arith.constant 80 : index
        %swap3A_734 = tpu.vector_load %arg13[%swap3A_732, %swap3A_733] {strides = array<i32>} : memref<80x136xf32, #tpu.memory_space<vmem>>, vector<16xf32>,
        tpu.vector_store %arg13[%swap3A_732, %swap3A_733], %mul3A_731 {strides = array<i32>} : memref<80x136xf32, #tpu.memory_space<vmem>>, vector<16xf32>,
        %broadcast_in_dim3A_735 = arith.constant 3 : i32
        %broadcast_in_dim3A_736 = vector.broadcast %broadcast_in_dim3A_735 : i32 to vector<16x1xi32>
        %gather3A_737 = vector.shape_cast %broadcast_in_dim3A_736 : vector<16x1xi32> to vector<16xi32>
        %gather3A_738 = tpu.dynamic_gather %exp3A_453[%gather3A_737] in [0] : vector<16xf32>, vector<16xi32> -> vector<16xf32>
        %get3A_739 = arith.index_cast %add3A_680 : i32 to index
        %get3A_740 = arith.constant 96 : index
        %get3A_741 = tpu.vector_load %arg12[%get3A_739, %get3A_740] {strides = array<i32>} : memref<80x128xf32, #tpu.memory_space<vmem>>, vector<16xf32>,
        %mul3A_742 = arith.mulf %get3A_741, %gather3A_738 : vector<16xf32>
        %swap3A_743 = arith.index_cast %add3A_680 : i32 to index
        %swap3A_744 = arith.constant 96 : index
        %swap3A_745 = tpu.vector_load %arg13[%swap3A_743, %swap3A_744] {strides = array<i32>} : memref<80x136xf32, #tpu.memory_space<vmem>>, vector<16xf32>,
        tpu.vector_store %arg13[%swap3A_743, %swap3A_744], %mul3A_742 {strides = array<i32>} : memref<80x136xf32, #tpu.memory_space<vmem>>, vector<16xf32>,
        %get3A_746 = arith.index_cast %add3A_680 : i32 to index
        %get3A_747 = arith.constant 112 : index
        %get3A_748 = tpu.vector_load %arg12[%get3A_746, %get3A_747] {strides = array<i32>} : memref<80x128xf32, #tpu.memory_space<vmem>>, vector<16xf32>,
        %mul3A_749 = arith.mulf %get3A_748, %gather3A_738 : vector<16xf32>
        %swap3A_750 = arith.index_cast %add3A_680 : i32 to index
        %swap3A_751 = arith.constant 112 : index
        %swap3A_752 = tpu.vector_load %arg13[%swap3A_750, %swap3A_751] {strides = array<i32>} : memref<80x136xf32, #tpu.memory_space<vmem>>, vector<16xf32>,
        tpu.vector_store %arg13[%swap3A_750, %swap3A_751], %mul3A_749 {strides = array<i32>} : memref<80x136xf32, #tpu.memory_space<vmem>>, vector<16xf32>,
        %add3A_753 = arith.constant 4 : i32
        %add3A_754 = arith.addi %mul3A_369, %add3A_753 : i32
        %broadcast_in_dim3A_755 = arith.constant 4 : i32
        %broadcast_in_dim3A_756 = vector.broadcast %broadcast_in_dim3A_755 : i32 to vector<16x1xi32>
        %gather3A_757 = vector.shape_cast %broadcast_in_dim3A_756 : vector<16x1xi32> to vector<16xi32>
        %gather3A_758 = tpu.dynamic_gather %exp3A[%gather3A_757] in [0] : vector<16xf32>, vector<16xi32> -> vector<16xf32>
        %get3A_759 = arith.index_cast %add3A_754 : i32 to index
        %get3A_760 = arith.constant 0 : index
        %get3A_761 = tpu.vector_load %arg12[%get3A_759, %get3A_760] {strides = array<i32>} : memref<80x128xf32, #tpu.memory_space<vmem>>, vector<16xf32>,
        %mul3A_762 = arith.mulf %get3A_761, %gather3A_758 : vector<16xf32>
        %swap3A_763 = arith.index_cast %add3A_754 : i32 to index
        %swap3A_764 = arith.constant 0 : index
        %swap3A_765 = tpu.vector_load %arg13[%swap3A_763, %swap3A_764] {strides = array<i32>} : memref<80x136xf32, #tpu.memory_space<vmem>>, vector<16xf32>,
        tpu.vector_store %arg13[%swap3A_763, %swap3A_764], %mul3A_762 {strides = array<i32>} : memref<80x136xf32, #tpu.memory_space<vmem>>, vector<16xf32>,
        %get3A_766 = arith.index_cast %add3A_754 : i32 to index
        %get3A_767 = arith.constant 16 : index
        %get3A_768 = tpu.vector_load %arg12[%get3A_766, %get3A_767] {strides = array<i32>} : memref<80x128xf32, #tpu.memory_space<vmem>>, vector<16xf32>,
        %mul3A_769 = arith.mulf %get3A_768, %gather3A_758 : vector<16xf32>
        %swap3A_770 = arith.index_cast %add3A_754 : i32 to index
        %swap3A_771 = arith.constant 16 : index
        %swap3A_772 = tpu.vector_load %arg13[%swap3A_770, %swap3A_771] {strides = array<i32>} : memref<80x136xf32, #tpu.memory_space<vmem>>, vector<16xf32>,
        tpu.vector_store %arg13[%swap3A_770, %swap3A_771], %mul3A_769 {strides = array<i32>} : memref<80x136xf32, #tpu.memory_space<vmem>>, vector<16xf32>,
        %broadcast_in_dim3A_773 = arith.constant 4 : i32
        %broadcast_in_dim3A_774 = vector.broadcast %broadcast_in_dim3A_773 : i32 to vector<16x1xi32>
        %gather3A_775 = vector.shape_cast %broadcast_in_dim3A_774 : vector<16x1xi32> to vector<16xi32>
        %gather3A_776 = tpu.dynamic_gather %exp3A_407[%gather3A_775] in [0] : vector<16xf32>, vector<16xi32> -> vector<16xf32>
        %get3A_777 = arith.index_cast %add3A_754 : i32 to index
        %get3A_778 = arith.constant 32 : index
        %get3A_779 = tpu.vector_load %arg12[%get3A_777, %get3A_778] {strides = array<i32>} : memref<80x128xf32, #tpu.memory_space<vmem>>, vector<16xf32>,
        %mul3A_780 = arith.mulf %get3A_779, %gather3A_776 : vector<16xf32>
        %swap3A_781 = arith.index_cast %add3A_754 : i32 to index
        %swap3A_782 = arith.constant 32 : index
        %swap3A_783 = tpu.vector_load %arg13[%swap3A_781, %swap3A_782] {strides = array<i32>} : memref<80x136xf32, #tpu.memory_space<vmem>>, vector<16xf32>,
        tpu.vector_store %arg13[%swap3A_781, %swap3A_782], %mul3A_780 {strides = array<i32>} : memref<80x136xf32, #tpu.memory_space<vmem>>, vector<16xf32>,
        %get3A_784 = arith.index_cast %add3A_754 : i32 to index
        %get3A_785 = arith.constant 48 : index
        %get3A_786 = tpu.vector_load %arg12[%get3A_784, %get3A_785] {strides = array<i32>} : memref<80x128xf32, #tpu.memory_space<vmem>>, vector<16xf32>,
        %mul3A_787 = arith.mulf %get3A_786, %gather3A_776 : vector<16xf32>
        %swap3A_788 = arith.index_cast %add3A_754 : i32 to index
        %swap3A_789 = arith.constant 48 : index
        %swap3A_790 = tpu.vector_load %arg13[%swap3A_788, %swap3A_789] {strides = array<i32>} : memref<80x136xf32, #tpu.memory_space<vmem>>, vector<16xf32>,
        tpu.vector_store %arg13[%swap3A_788, %swap3A_789], %mul3A_787 {strides = array<i32>} : memref<80x136xf32, #tpu.memory_space<vmem>>, vector<16xf32>,
        %broadcast_in_dim3A_791 = arith.constant 4 : i32
        %broadcast_in_dim3A_792 = vector.broadcast %broadcast_in_dim3A_791 : i32 to vector<16x1xi32>
        %gather3A_793 = vector.shape_cast %broadcast_in_dim3A_792 : vector<16x1xi32> to vector<16xi32>
        %gather3A_794 = tpu.dynamic_gather %exp3A_430[%gather3A_793] in [0] : vector<16xf32>, vector<16xi32> -> vector<16xf32>
        %get3A_795 = arith.index_cast %add3A_754 : i32 to index
        %get3A_796 = arith.constant 64 : index
        %get3A_797 = tpu.vector_load %arg12[%get3A_795, %get3A_796] {strides = array<i32>} : memref<80x128xf32, #tpu.memory_space<vmem>>, vector<16xf32>,
        %mul3A_798 = arith.mulf %get3A_797, %gather3A_794 : vector<16xf32>
        %swap3A_799 = arith.index_cast %add3A_754 : i32 to index
        %swap3A_800 = arith.constant 64 : index
        %swap3A_801 = tpu.vector_load %arg13[%swap3A_799, %swap3A_800] {strides = array<i32>} : memref<80x136xf32, #tpu.memory_space<vmem>>, vector<16xf32>,
        tpu.vector_store %arg13[%swap3A_799, %swap3A_800], %mul3A_798 {strides = array<i32>} : memref<80x136xf32, #tpu.memory_space<vmem>>, vector<16xf32>,
        %get3A_802 = arith.index_cast %add3A_754 : i32 to index
        %get3A_803 = arith.constant 80 : index
        %get3A_804 = tpu.vector_load %arg12[%get3A_802, %get3A_803] {strides = array<i32>} : memref<80x128xf32, #tpu.memory_space<vmem>>, vector<16xf32>,
        %mul3A_805 = arith.mulf %get3A_804, %gather3A_794 : vector<16xf32>
        %swap3A_806 = arith.index_cast %add3A_754 : i32 to index
        %swap3A_807 = arith.constant 80 : index
        %swap3A_808 = tpu.vector_load %arg13[%swap3A_806, %swap3A_807] {strides = array<i32>} : memref<80x136xf32, #tpu.memory_space<vmem>>, vector<16xf32>,
        tpu.vector_store %arg13[%swap3A_806, %swap3A_807], %mul3A_805 {strides = array<i32>} : memref<80x136xf32, #tpu.memory_space<vmem>>, vector<16xf32>,
        %broadcast_in_dim3A_809 = arith.constant 4 : i32
        %broadcast_in_dim3A_810 = vector.broadcast %broadcast_in_dim3A_809 : i32 to vector<16x1xi32>
        %gather3A_811 = vector.shape_cast %broadcast_in_dim3A_810 : vector<16x1xi32> to vector<16xi32>
        %gather3A_812 = tpu.dynamic_gather %exp3A_453[%gather3A_811] in [0] : vector<16xf32>, vector<16xi32> -> vector<16xf32>
        %get3A_813 = arith.index_cast %add3A_754 : i32 to index
        %get3A_814 = arith.constant 96 : index
        %get3A_815 = tpu.vector_load %arg12[%get3A_813, %get3A_814] {strides = array<i32>} : memref<80x128xf32, #tpu.memory_space<vmem>>, vector<16xf32>,
        %mul3A_816 = arith.mulf %get3A_815, %gather3A_812 : vector<16xf32>
        %swap3A_817 = arith.index_cast %add3A_754 : i32 to index
        %swap3A_818 = arith.constant 96 : index
        %swap3A_819 = tpu.vector_load %arg13[%swap3A_817, %swap3A_818] {strides = array<i32>} : memref<80x136xf32, #tpu.memory_space<vmem>>, vector<16xf32>,
        tpu.vector_store %arg13[%swap3A_817, %swap3A_818], %mul3A_816 {strides = array<i32>} : memref<80x136xf32, #tpu.memory_space<vmem>>, vector<16xf32>,
        %get3A_820 = arith.index_cast %add3A_754 : i32 to index
        %get3A_821 = arith.constant 112 : index
        %get3A_822 = tpu.vector_load %arg12[%get3A_820, %get3A_821] {strides = array<i32>} : memref<80x128xf32, #tpu.memory_space<vmem>>, vector<16xf32>,
        %mul3A_823 = arith.mulf %get3A_822, %gather3A_812 : vector<16xf32>
        %swap3A_824 = arith.index_cast %add3A_754 : i32 to index
        %swap3A_825 = arith.constant 112 : index
        %swap3A_826 = tpu.vector_load %arg13[%swap3A_824, %swap3A_825] {strides = array<i32>} : memref<80x136xf32, #tpu.memory_space<vmem>>, vector<16xf32>,
        tpu.vector_store %arg13[%swap3A_824, %swap3A_825], %mul3A_823 {strides = array<i32>} : memref<80x136xf32, #tpu.memory_space<vmem>>, vector<16xf32>,
        %add3A_827 = arith.constant 5 : i32
        %add3A_828 = arith.addi %mul3A_369, %add3A_827 : i32
        %broadcast_in_dim3A_829 = arith.constant 5 : i32
        %broadcast_in_dim3A_830 = vector.broadcast %broadcast_in_dim3A_829 : i32 to vector<16x1xi32>
        %gather3A_831 = vector.shape_cast %broadcast_in_dim3A_830 : vector<16x1xi32> to vector<16xi32>
        %gather3A_832 = tpu.dynamic_gather %exp3A[%gather3A_831] in [0] : vector<16xf32>, vector<16xi32> -> vector<16xf32>
        %get3A_833 = arith.index_cast %add3A_828 : i32 to index
        %get3A_834 = arith.constant 0 : index
        %get3A_835 = tpu.vector_load %arg12[%get3A_833, %get3A_834] {strides = array<i32>} : memref<80x128xf32, #tpu.memory_space<vmem>>, vector<16xf32>,
        %mul3A_836 = arith.mulf %get3A_835, %gather3A_832 : vector<16xf32>
        %swap3A_837 = arith.index_cast %add3A_828 : i32 to index
        %swap3A_838 = arith.constant 0 : index
        %swap3A_839 = tpu.vector_load %arg13[%swap3A_837, %swap3A_838] {strides = array<i32>} : memref<80x136xf32, #tpu.memory_space<vmem>>, vector<16xf32>,
        tpu.vector_store %arg13[%swap3A_837, %swap3A_838], %mul3A_836 {strides = array<i32>} : memref<80x136xf32, #tpu.memory_space<vmem>>, vector<16xf32>,
        %get3A_840 = arith.index_cast %add3A_828 : i32 to index
        %get3A_841 = arith.constant 16 : index
        %get3A_842 = tpu.vector_load %arg12[%get3A_840, %get3A_841] {strides = array<i32>} : memref<80x128xf32, #tpu.memory_space<vmem>>, vector<16xf32>,
        %mul3A_843 = arith.mulf %get3A_842, %gather3A_832 : vector<16xf32>
        %swap3A_844 = arith.index_cast %add3A_828 : i32 to index
        %swap3A_845 = arith.constant 16 : index
        %swap3A_846 = tpu.vector_load %arg13[%swap3A_844, %swap3A_845] {strides = array<i32>} : memref<80x136xf32, #tpu.memory_space<vmem>>, vector<16xf32>,
        tpu.vector_store %arg13[%swap3A_844, %swap3A_845], %mul3A_843 {strides = array<i32>} : memref<80x136xf32, #tpu.memory_space<vmem>>, vector<16xf32>,
        %broadcast_in_dim3A_847 = arith.constant 5 : i32
        %broadcast_in_dim3A_848 = vector.broadcast %broadcast_in_dim3A_847 : i32 to vector<16x1xi32>
        %gather3A_849 = vector.shape_cast %broadcast_in_dim3A_848 : vector<16x1xi32> to vector<16xi32>
        %gather3A_850 = tpu.dynamic_gather %exp3A_407[%gather3A_849] in [0] : vector<16xf32>, vector<16xi32> -> vector<16xf32>
        %get3A_851 = arith.index_cast %add3A_828 : i32 to index
        %get3A_852 = arith.constant 32 : index
        %get3A_853 = tpu.vector_load %arg12[%get3A_851, %get3A_852] {strides = array<i32>} : memref<80x128xf32, #tpu.memory_space<vmem>>, vector<16xf32>,
        %mul3A_854 = arith.mulf %get3A_853, %gather3A_850 : vector<16xf32>
        %swap3A_855 = arith.index_cast %add3A_828 : i32 to index
        %swap3A_856 = arith.constant 32 : index
        %swap3A_857 = tpu.vector_load %arg13[%swap3A_855, %swap3A_856] {strides = array<i32>} : memref<80x136xf32, #tpu.memory_space<vmem>>, vector<16xf32>,
        tpu.vector_store %arg13[%swap3A_855, %swap3A_856], %mul3A_854 {strides = array<i32>} : memref<80x136xf32, #tpu.memory_space<vmem>>, vector<16xf32>,
        %get3A_858 = arith.index_cast %add3A_828 : i32 to index
        %get3A_859 = arith.constant 48 : index
        %get3A_860 = tpu.vector_load %arg12[%get3A_858, %get3A_859] {strides = array<i32>} : memref<80x128xf32, #tpu.memory_space<vmem>>, vector<16xf32>,
        %mul3A_861 = arith.mulf %get3A_860, %gather3A_850 : vector<16xf32>
        %swap3A_862 = arith.index_cast %add3A_828 : i32 to index
        %swap3A_863 = arith.constant 48 : index
        %swap3A_864 = tpu.vector_load %arg13[%swap3A_862, %swap3A_863] {strides = array<i32>} : memref<80x136xf32, #tpu.memory_space<vmem>>, vector<16xf32>,
        tpu.vector_store %arg13[%swap3A_862, %swap3A_863], %mul3A_861 {strides = array<i32>} : memref<80x136xf32, #tpu.memory_space<vmem>>, vector<16xf32>,
        %broadcast_in_dim3A_865 = arith.constant 5 : i32
        %broadcast_in_dim3A_866 = vector.broadcast %broadcast_in_dim3A_865 : i32 to vector<16x1xi32>
        %gather3A_867 = vector.shape_cast %broadcast_in_dim3A_866 : vector<16x1xi32> to vector<16xi32>
        %gather3A_868 = tpu.dynamic_gather %exp3A_430[%gather3A_867] in [0] : vector<16xf32>, vector<16xi32> -> vector<16xf32>
        %get3A_869 = arith.index_cast %add3A_828 : i32 to index
        %get3A_870 = arith.constant 64 : index
        %get3A_871 = tpu.vector_load %arg12[%get3A_869, %get3A_870] {strides = array<i32>} : memref<80x128xf32, #tpu.memory_space<vmem>>, vector<16xf32>,
        %mul3A_872 = arith.mulf %get3A_871, %gather3A_868 : vector<16xf32>
        %swap3A_873 = arith.index_cast %add3A_828 : i32 to index
        %swap3A_874 = arith.constant 64 : index
        %swap3A_875 = tpu.vector_load %arg13[%swap3A_873, %swap3A_874] {strides = array<i32>} : memref<80x136xf32, #tpu.memory_space<vmem>>, vector<16xf32>,
        tpu.vector_store %arg13[%swap3A_873, %swap3A_874], %mul3A_872 {strides = array<i32>} : memref<80x136xf32, #tpu.memory_space<vmem>>, vector<16xf32>,
        %get3A_876 = arith.index_cast %add3A_828 : i32 to index
        %get3A_877 = arith.constant 80 : index
        %get3A_878 = tpu.vector_load %arg12[%get3A_876, %get3A_877] {strides = array<i32>} : memref<80x128xf32, #tpu.memory_space<vmem>>, vector<16xf32>,
        %mul3A_879 = arith.mulf %get3A_878, %gather3A_868 : vector<16xf32>
        %swap3A_880 = arith.index_cast %add3A_828 : i32 to index
        %swap3A_881 = arith.constant 80 : index
        %swap3A_882 = tpu.vector_load %arg13[%swap3A_880, %swap3A_881] {strides = array<i32>} : memref<80x136xf32, #tpu.memory_space<vmem>>, vector<16xf32>,
        tpu.vector_store %arg13[%swap3A_880, %swap3A_881], %mul3A_879 {strides = array<i32>} : memref<80x136xf32, #tpu.memory_space<vmem>>, vector<16xf32>,
        %broadcast_in_dim3A_883 = arith.constant 5 : i32
        %broadcast_in_dim3A_884 = vector.broadcast %broadcast_in_dim3A_883 : i32 to vector<16x1xi32>
        %gather3A_885 = vector.shape_cast %broadcast_in_dim3A_884 : vector<16x1xi32> to vector<16xi32>
        %gather3A_886 = tpu.dynamic_gather %exp3A_453[%gather3A_885] in [0] : vector<16xf32>, vector<16xi32> -> vector<16xf32>
        %get3A_887 = arith.index_cast %add3A_828 : i32 to index
        %get3A_888 = arith.constant 96 : index
        %get3A_889 = tpu.vector_load %arg12[%get3A_887, %get3A_888] {strides = array<i32>} : memref<80x128xf32, #tpu.memory_space<vmem>>, vector<16xf32>,
        %mul3A_890 = arith.mulf %get3A_889, %gather3A_886 : vector<16xf32>
        %swap3A_891 = arith.index_cast %add3A_828 : i32 to index
        %swap3A_892 = arith.constant 96 : index
        %swap3A_893 = tpu.vector_load %arg13[%swap3A_891, %swap3A_892] {strides = array<i32>} : memref<80x136xf32, #tpu.memory_space<vmem>>, vector<16xf32>,
        tpu.vector_store %arg13[%swap3A_891, %swap3A_892], %mul3A_890 {strides = array<i32>} : memref<80x136xf32, #tpu.memory_space<vmem>>, vector<16xf32>,
        %get3A_894 = arith.index_cast %add3A_828 : i32 to index
        %get3A_895 = arith.constant 112 : index
        %get3A_896 = tpu.vector_load %arg12[%get3A_894, %get3A_895] {strides = array<i32>} : memref<80x128xf32, #tpu.memory_space<vmem>>, vector<16xf32>,
        %mul3A_897 = arith.mulf %get3A_896, %gather3A_886 : vector<16xf32>
        %swap3A_898 = arith.index_cast %add3A_828 : i32 to index
        %swap3A_899 = arith.constant 112 : index
        %swap3A_900 = tpu.vector_load %arg13[%swap3A_898, %swap3A_899] {strides = array<i32>} : memref<80x136xf32, #tpu.memory_space<vmem>>, vector<16xf32>,
        tpu.vector_store %arg13[%swap3A_898, %swap3A_899], %mul3A_897 {strides = array<i32>} : memref<80x136xf32, #tpu.memory_space<vmem>>, vector<16xf32>,
        %add3A_901 = arith.constant 6 : i32
        %add3A_902 = arith.addi %mul3A_369, %add3A_901 : i32
        %broadcast_in_dim3A_903 = arith.constant 6 : i32
        %broadcast_in_dim3A_904 = vector.broadcast %broadcast_in_dim3A_903 : i32 to vector<16x1xi32>
        %gather3A_905 = vector.shape_cast %broadcast_in_dim3A_904 : vector<16x1xi32> to vector<16xi32>
        %gather3A_906 = tpu.dynamic_gather %exp3A[%gather3A_905] in [0] : vector<16xf32>, vector<16xi32> -> vector<16xf32>
        %get3A_907 = arith.index_cast %add3A_902 : i32 to index
        %get3A_908 = arith.constant 0 : index
        %get3A_909 = tpu.vector_load %arg12[%get3A_907, %get3A_908] {strides = array<i32>} : memref<80x128xf32, #tpu.memory_space<vmem>>, vector<16xf32>,
        %mul3A_910 = arith.mulf %get3A_909, %gather3A_906 : vector<16xf32>
        %swap3A_911 = arith.index_cast %add3A_902 : i32 to index
        %swap3A_912 = arith.constant 0 : index
        %swap3A_913 = tpu.vector_load %arg13[%swap3A_911, %swap3A_912] {strides = array<i32>} : memref<80x136xf32, #tpu.memory_space<vmem>>, vector<16xf32>,
        tpu.vector_store %arg13[%swap3A_911, %swap3A_912], %mul3A_910 {strides = array<i32>} : memref<80x136xf32, #tpu.memory_space<vmem>>, vector<16xf32>,
        %get3A_914 = arith.index_cast %add3A_902 : i32 to index
        %get3A_915 = arith.constant 16 : index
        %get3A_916 = tpu.vector_load %arg12[%get3A_914, %get3A_915] {strides = array<i32>} : memref<80x128xf32, #tpu.memory_space<vmem>>, vector<16xf32>,
        %mul3A_917 = arith.mulf %get3A_916, %gather3A_906 : vector<16xf32>
        %swap3A_918 = arith.index_cast %add3A_902 : i32 to index
        %swap3A_919 = arith.constant 16 : index
        %swap3A_920 = tpu.vector_load %arg13[%swap3A_918, %swap3A_919] {strides = array<i32>} : memref<80x136xf32, #tpu.memory_space<vmem>>, vector<16xf32>,
        tpu.vector_store %arg13[%swap3A_918, %swap3A_919], %mul3A_917 {strides = array<i32>} : memref<80x136xf32, #tpu.memory_space<vmem>>, vector<16xf32>,
        %broadcast_in_dim3A_921 = arith.constant 6 : i32
        %broadcast_in_dim3A_922 = vector.broadcast %broadcast_in_dim3A_921 : i32 to vector<16x1xi32>
        %gather3A_923 = vector.shape_cast %broadcast_in_dim3A_922 : vector<16x1xi32> to vector<16xi32>
        %gather3A_924 = tpu.dynamic_gather %exp3A_407[%gather3A_923] in [0] : vector<16xf32>, vector<16xi32> -> vector<16xf32>
        %get3A_925 = arith.index_cast %add3A_902 : i32 to index
        %get3A_926 = arith.constant 32 : index
        %get3A_927 = tpu.vector_load %arg12[%get3A_925, %get3A_926] {strides = array<i32>} : memref<80x128xf32, #tpu.memory_space<vmem>>, vector<16xf32>,
        %mul3A_928 = arith.mulf %get3A_927, %gather3A_924 : vector<16xf32>
        %swap3A_929 = arith.index_cast %add3A_902 : i32 to index
        %swap3A_930 = arith.constant 32 : index
        %swap3A_931 = tpu.vector_load %arg13[%swap3A_929, %swap3A_930] {strides = array<i32>} : memref<80x136xf32, #tpu.memory_space<vmem>>, vector<16xf32>,
        tpu.vector_store %arg13[%swap3A_929, %swap3A_930], %mul3A_928 {strides = array<i32>} : memref<80x136xf32, #tpu.memory_space<vmem>>, vector<16xf32>,
        %get3A_932 = arith.index_cast %add3A_902 : i32 to index
        %get3A_933 = arith.constant 48 : index
        %get3A_934 = tpu.vector_load %arg12[%get3A_932, %get3A_933] {strides = array<i32>} : memref<80x128xf32, #tpu.memory_space<vmem>>, vector<16xf32>,
        %mul3A_935 = arith.mulf %get3A_934, %gather3A_924 : vector<16xf32>
        %swap3A_936 = arith.index_cast %add3A_902 : i32 to index
        %swap3A_937 = arith.constant 48 : index
        %swap3A_938 = tpu.vector_load %arg13[%swap3A_936, %swap3A_937] {strides = array<i32>} : memref<80x136xf32, #tpu.memory_space<vmem>>, vector<16xf32>,
        tpu.vector_store %arg13[%swap3A_936, %swap3A_937], %mul3A_935 {strides = array<i32>} : memref<80x136xf32, #tpu.memory_space<vmem>>, vector<16xf32>,
        %broadcast_in_dim3A_939 = arith.constant 6 : i32
        %broadcast_in_dim3A_940 = vector.broadcast %broadcast_in_dim3A_939 : i32 to vector<16x1xi32>
        %gather3A_941 = vector.shape_cast %broadcast_in_dim3A_940 : vector<16x1xi32> to vector<16xi32>
        %gather3A_942 = tpu.dynamic_gather %exp3A_430[%gather3A_941] in [0] : vector<16xf32>, vector<16xi32> -> vector<16xf32>
        %get3A_943 = arith.index_cast %add3A_902 : i32 to index
        %get3A_944 = arith.constant 64 : index
        %get3A_945 = tpu.vector_load %arg12[%get3A_943, %get3A_944] {strides = array<i32>} : memref<80x128xf32, #tpu.memory_space<vmem>>, vector<16xf32>,
        %mul3A_946 = arith.mulf %get3A_945, %gather3A_942 : vector<16xf32>
        %swap3A_947 = arith.index_cast %add3A_902 : i32 to index
        %swap3A_948 = arith.constant 64 : index
        %swap3A_949 = tpu.vector_load %arg13[%swap3A_947, %swap3A_948] {strides = array<i32>} : memref<80x136xf32, #tpu.memory_space<vmem>>, vector<16xf32>,
        tpu.vector_store %arg13[%swap3A_947, %swap3A_948], %mul3A_946 {strides = array<i32>} : memref<80x136xf32, #tpu.memory_space<vmem>>, vector<16xf32>,
        %get3A_950 = arith.index_cast %add3A_902 : i32 to index
        %get3A_951 = arith.constant 80 : index
        %get3A_952 = tpu.vector_load %arg12[%get3A_950, %get3A_951] {strides = array<i32>} : memref<80x128xf32, #tpu.memory_space<vmem>>, vector<16xf32>,
        %mul3A_953 = arith.mulf %get3A_952, %gather3A_942 : vector<16xf32>
        %swap3A_954 = arith.index_cast %add3A_902 : i32 to index
        %swap3A_955 = arith.constant 80 : index
        %swap3A_956 = tpu.vector_load %arg13[%swap3A_954, %swap3A_955] {strides = array<i32>} : memref<80x136xf32, #tpu.memory_space<vmem>>, vector<16xf32>,
        tpu.vector_store %arg13[%swap3A_954, %swap3A_955], %mul3A_953 {strides = array<i32>} : memref<80x136xf32, #tpu.memory_space<vmem>>, vector<16xf32>,
        %broadcast_in_dim3A_957 = arith.constant 6 : i32
        %broadcast_in_dim3A_958 = vector.broadcast %broadcast_in_dim3A_957 : i32 to vector<16x1xi32>
        %gather3A_959 = vector.shape_cast %broadcast_in_dim3A_958 : vector<16x1xi32> to vector<16xi32>
        %gather3A_960 = tpu.dynamic_gather %exp3A_453[%gather3A_959] in [0] : vector<16xf32>, vector<16xi32> -> vector<16xf32>
        %get3A_961 = arith.index_cast %add3A_902 : i32 to index
        %get3A_962 = arith.constant 96 : index
        %get3A_963 = tpu.vector_load %arg12[%get3A_961, %get3A_962] {strides = array<i32>} : memref<80x128xf32, #tpu.memory_space<vmem>>, vector<16xf32>,
        %mul3A_964 = arith.mulf %get3A_963, %gather3A_960 : vector<16xf32>
        %swap3A_965 = arith.index_cast %add3A_902 : i32 to index
        %swap3A_966 = arith.constant 96 : index
        %swap3A_967 = tpu.vector_load %arg13[%swap3A_965, %swap3A_966] {strides = array<i32>} : memref<80x136xf32, #tpu.memory_space<vmem>>, vector<16xf32>,
        tpu.vector_store %arg13[%swap3A_965, %swap3A_966], %mul3A_964 {strides = array<i32>} : memref<80x136xf32, #tpu.memory_space<vmem>>, vector<16xf32>,
        %get3A_968 = arith.index_cast %add3A_902 : i32 to index
        %get3A_969 = arith.constant 112 : index
        %get3A_970 = tpu.vector_load %arg12[%get3A_968, %get3A_969] {strides = array<i32>} : memref<80x128xf32, #tpu.memory_space<vmem>>, vector<16xf32>,
        %mul3A_971 = arith.mulf %get3A_970, %gather3A_960 : vector<16xf32>
        %swap3A_972 = arith.index_cast %add3A_902 : i32 to index
        %swap3A_973 = arith.constant 112 : index
        %swap3A_974 = tpu.vector_load %arg13[%swap3A_972, %swap3A_973] {strides = array<i32>} : memref<80x136xf32, #tpu.memory_space<vmem>>, vector<16xf32>,
        tpu.vector_store %arg13[%swap3A_972, %swap3A_973], %mul3A_971 {strides = array<i32>} : memref<80x136xf32, #tpu.memory_space<vmem>>, vector<16xf32>,
        %add3A_975 = arith.constant 7 : i32
        %add3A_976 = arith.addi %mul3A_369, %add3A_975 : i32
        %broadcast_in_dim3A_977 = arith.constant 7 : i32
        %broadcast_in_dim3A_978 = vector.broadcast %broadcast_in_dim3A_977 : i32 to vector<16x1xi32>
        %gather3A_979 = vector.shape_cast %broadcast_in_dim3A_978 : vector<16x1xi32> to vector<16xi32>
        %gather3A_980 = tpu.dynamic_gather %exp3A[%gather3A_979] in [0] : vector<16xf32>, vector<16xi32> -> vector<16xf32>
        %get3A_981 = arith.index_cast %add3A_976 : i32 to index
        %get3A_982 = arith.constant 0 : index
        %get3A_983 = tpu.vector_load %arg12[%get3A_981, %get3A_982] {strides = array<i32>} : memref<80x128xf32, #tpu.memory_space<vmem>>, vector<16xf32>,
        %mul3A_984 = arith.mulf %get3A_983, %gather3A_980 : vector<16xf32>
        %swap3A_985 = arith.index_cast %add3A_976 : i32 to index
        %swap3A_986 = arith.constant 0 : index
        %swap3A_987 = tpu.vector_load %arg13[%swap3A_985, %swap3A_986] {strides = array<i32>} : memref<80x136xf32, #tpu.memory_space<vmem>>, vector<16xf32>,
        tpu.vector_store %arg13[%swap3A_985, %swap3A_986], %mul3A_984 {strides = array<i32>} : memref<80x136xf32, #tpu.memory_space<vmem>>, vector<16xf32>,
        %get3A_988 = arith.index_cast %add3A_976 : i32 to index
        %get3A_989 = arith.constant 16 : index
        %get3A_990 = tpu.vector_load %arg12[%get3A_988, %get3A_989] {strides = array<i32>} : memref<80x128xf32, #tpu.memory_space<vmem>>, vector<16xf32>,
        %mul3A_991 = arith.mulf %get3A_990, %gather3A_980 : vector<16xf32>
        %swap3A_992 = arith.index_cast %add3A_976 : i32 to index
        %swap3A_993 = arith.constant 16 : index
        %swap3A_994 = tpu.vector_load %arg13[%swap3A_992, %swap3A_993] {strides = array<i32>} : memref<80x136xf32, #tpu.memory_space<vmem>>, vector<16xf32>,
        tpu.vector_store %arg13[%swap3A_992, %swap3A_993], %mul3A_991 {strides = array<i32>} : memref<80x136xf32, #tpu.memory_space<vmem>>, vector<16xf32>,
        %broadcast_in_dim3A_995 = arith.constant 7 : i32
        %broadcast_in_dim3A_996 = vector.broadcast %broadcast_in_dim3A_995 : i32 to vector<16x1xi32>
        %gather3A_997 = vector.shape_cast %broadcast_in_dim3A_996 : vector<16x1xi32> to vector<16xi32>
        %gather3A_998 = tpu.dynamic_gather %exp3A_407[%gather3A_997] in [0] : vector<16xf32>, vector<16xi32> -> vector<16xf32>
        %get3A_999 = arith.index_cast %add3A_976 : i32 to index
        %get3A_1000 = arith.constant 32 : index
        %get3A_1001 = tpu.vector_load %arg12[%get3A_999, %get3A_1000] {strides = array<i32>} : memref<80x128xf32, #tpu.memory_space<vmem>>, vector<16xf32>,
        %mul3A_1002 = arith.mulf %get3A_1001, %gather3A_998 : vector<16xf32>
        %swap3A_1003 = arith.index_cast %add3A_976 : i32 to index
        %swap3A_1004 = arith.constant 32 : index
        %swap3A_1005 = tpu.vector_load %arg13[%swap3A_1003, %swap3A_1004] {strides = array<i32>} : memref<80x136xf32, #tpu.memory_space<vmem>>, vector<16xf32>,
        tpu.vector_store %arg13[%swap3A_1003, %swap3A_1004], %mul3A_1002 {strides = array<i32>} : memref<80x136xf32, #tpu.memory_space<vmem>>, vector<16xf32>,
        %get3A_1006 = arith.index_cast %add3A_976 : i32 to index
        %get3A_1007 = arith.constant 48 : index
        %get3A_1008 = tpu.vector_load %arg12[%get3A_1006, %get3A_1007] {strides = array<i32>} : memref<80x128xf32, #tpu.memory_space<vmem>>, vector<16xf32>,
        %mul3A_1009 = arith.mulf %get3A_1008, %gather3A_998 : vector<16xf32>
        %swap3A_1010 = arith.index_cast %add3A_976 : i32 to index
        %swap3A_1011 = arith.constant 48 : index
        %swap3A_1012 = tpu.vector_load %arg13[%swap3A_1010, %swap3A_1011] {strides = array<i32>} : memref<80x136xf32, #tpu.memory_space<vmem>>, vector<16xf32>,
        tpu.vector_store %arg13[%swap3A_1010, %swap3A_1011], %mul3A_1009 {strides = array<i32>} : memref<80x136xf32, #tpu.memory_space<vmem>>, vector<16xf32>,
        %broadcast_in_dim3A_1013 = arith.constant 7 : i32
        %broadcast_in_dim3A_1014 = vector.broadcast %broadcast_in_dim3A_1013 : i32 to vector<16x1xi32>
        %gather3A_1015 = vector.shape_cast %broadcast_in_dim3A_1014 : vector<16x1xi32> to vector<16xi32>
        %gather3A_1016 = tpu.dynamic_gather %exp3A_430[%gather3A_1015] in [0] : vector<16xf32>, vector<16xi32> -> vector<16xf32>
        %get3A_1017 = arith.index_cast %add3A_976 : i32 to index
        %get3A_1018 = arith.constant 64 : index
        %get3A_1019 = tpu.vector_load %arg12[%get3A_1017, %get3A_1018] {strides = array<i32>} : memref<80x128xf32, #tpu.memory_space<vmem>>, vector<16xf32>,
        %mul3A_1020 = arith.mulf %get3A_1019, %gather3A_1016 : vector<16xf32>
        %swap3A_1021 = arith.index_cast %add3A_976 : i32 to index
        %swap3A_1022 = arith.constant 64 : index
        %swap3A_1023 = tpu.vector_load %arg13[%swap3A_1021, %swap3A_1022] {strides = array<i32>} : memref<80x136xf32, #tpu.memory_space<vmem>>, vector<16xf32>,
        tpu.vector_store %arg13[%swap3A_1021, %swap3A_1022], %mul3A_1020 {strides = array<i32>} : memref<80x136xf32, #tpu.memory_space<vmem>>, vector<16xf32>,
        %get3A_1024 = arith.index_cast %add3A_976 : i32 to index
        %get3A_1025 = arith.constant 80 : index
        %get3A_1026 = tpu.vector_load %arg12[%get3A_1024, %get3A_1025] {strides = array<i32>} : memref<80x128xf32, #tpu.memory_space<vmem>>, vector<16xf32>,
        %mul3A_1027 = arith.mulf %get3A_1026, %gather3A_1016 : vector<16xf32>
        %swap3A_1028 = arith.index_cast %add3A_976 : i32 to index
        %swap3A_1029 = arith.constant 80 : index
        %swap3A_1030 = tpu.vector_load %arg13[%swap3A_1028, %swap3A_1029] {strides = array<i32>} : memref<80x136xf32, #tpu.memory_space<vmem>>, vector<16xf32>,
        tpu.vector_store %arg13[%swap3A_1028, %swap3A_1029], %mul3A_1027 {strides = array<i32>} : memref<80x136xf32, #tpu.memory_space<vmem>>, vector<16xf32>,
        %broadcast_in_dim3A_1031 = arith.constant 7 : i32
        %broadcast_in_dim3A_1032 = vector.broadcast %broadcast_in_dim3A_1031 : i32 to vector<16x1xi32>
        %gather3A_1033 = vector.shape_cast %broadcast_in_dim3A_1032 : vector<16x1xi32> to vector<16xi32>
        %gather3A_1034 = tpu.dynamic_gather %exp3A_453[%gather3A_1033] in [0] : vector<16xf32>, vector<16xi32> -> vector<16xf32>
        %get3A_1035 = arith.index_cast %add3A_976 : i32 to index
        %get3A_1036 = arith.constant 96 : index
        %get3A_1037 = tpu.vector_load %arg12[%get3A_1035, %get3A_1036] {strides = array<i32>} : memref<80x128xf32, #tpu.memory_space<vmem>>, vector<16xf32>,
        %mul3A_1038 = arith.mulf %get3A_1037, %gather3A_1034 : vector<16xf32>
        %swap3A_1039 = arith.index_cast %add3A_976 : i32 to index
        %swap3A_1040 = arith.constant 96 : index
        %swap3A_1041 = tpu.vector_load %arg13[%swap3A_1039, %swap3A_1040] {strides = array<i32>} : memref<80x136xf32, #tpu.memory_space<vmem>>, vector<16xf32>,
        tpu.vector_store %arg13[%swap3A_1039, %swap3A_1040], %mul3A_1038 {strides = array<i32>} : memref<80x136xf32, #tpu.memory_space<vmem>>, vector<16xf32>,
        %get3A_1042 = arith.index_cast %add3A_976 : i32 to index
        %get3A_1043 = arith.constant 112 : index
        %get3A_1044 = tpu.vector_load %arg12[%get3A_1042, %get3A_1043] {strides = array<i32>} : memref<80x128xf32, #tpu.memory_space<vmem>>, vector<16xf32>,
        %mul3A_1045 = arith.mulf %get3A_1044, %gather3A_1034 : vector<16xf32>
        %swap3A_1046 = arith.index_cast %add3A_976 : i32 to index
        %swap3A_1047 = arith.constant 112 : index
        %swap3A_1048 = tpu.vector_load %arg13[%swap3A_1046, %swap3A_1047] {strides = array<i32>} : memref<80x136xf32, #tpu.memory_space<vmem>>, vector<16xf32>,
        tpu.vector_store %arg13[%swap3A_1046, %swap3A_1047], %mul3A_1045 {strides = array<i32>} : memref<80x136xf32, #tpu.memory_space<vmem>>, vector<16xf32>,
        %add3A_1049 = arith.constant 8 : i32
        %add3A_1050 = arith.addi %mul3A_369, %add3A_1049 : i32
        %broadcast_in_dim3A_1051 = arith.constant 8 : i32
        %broadcast_in_dim3A_1052 = vector.broadcast %broadcast_in_dim3A_1051 : i32 to vector<16x1xi32>
        %gather3A_1053 = vector.shape_cast %broadcast_in_dim3A_1052 : vector<16x1xi32> to vector<16xi32>
        %gather3A_1054 = tpu.dynamic_gather %exp3A[%gather3A_1053] in [0] : vector<16xf32>, vector<16xi32> -> vector<16xf32>
        %get3A_1055 = arith.index_cast %add3A_1050 : i32 to index
        %get3A_1056 = arith.constant 0 : index
        %get3A_1057 = tpu.vector_load %arg12[%get3A_1055, %get3A_1056] {strides = array<i32>} : memref<80x128xf32, #tpu.memory_space<vmem>>, vector<16xf32>,
        %mul3A_1058 = arith.mulf %get3A_1057, %gather3A_1054 : vector<16xf32>
        %swap3A_1059 = arith.index_cast %add3A_1050 : i32 to index
        %swap3A_1060 = arith.constant 0 : index
        %swap3A_1061 = tpu.vector_load %arg13[%swap3A_1059, %swap3A_1060] {strides = array<i32>} : memref<80x136xf32, #tpu.memory_space<vmem>>, vector<16xf32>,
        tpu.vector_store %arg13[%swap3A_1059, %swap3A_1060], %mul3A_1058 {strides = array<i32>} : memref<80x136xf32, #tpu.memory_space<vmem>>, vector<16xf32>,
        %get3A_1062 = arith.index_cast %add3A_1050 : i32 to index
        %get3A_1063 = arith.constant 16 : index
        %get3A_1064 = tpu.vector_load %arg12[%get3A_1062, %get3A_1063] {strides = array<i32>} : memref<80x128xf32, #tpu.memory_space<vmem>>, vector<16xf32>,
        %mul3A_1065 = arith.mulf %get3A_1064, %gather3A_1054 : vector<16xf32>
        %swap3A_1066 = arith.index_cast %add3A_1050 : i32 to index
        %swap3A_1067 = arith.constant 16 : index
        %swap3A_1068 = tpu.vector_load %arg13[%swap3A_1066, %swap3A_1067] {strides = array<i32>} : memref<80x136xf32, #tpu.memory_space<vmem>>, vector<16xf32>,
        tpu.vector_store %arg13[%swap3A_1066, %swap3A_1067], %mul3A_1065 {strides = array<i32>} : memref<80x136xf32, #tpu.memory_space<vmem>>, vector<16xf32>,
        %broadcast_in_dim3A_1069 = arith.constant 8 : i32
        %broadcast_in_dim3A_1070 = vector.broadcast %broadcast_in_dim3A_1069 : i32 to vector<16x1xi32>
        %gather3A_1071 = vector.shape_cast %broadcast_in_dim3A_1070 : vector<16x1xi32> to vector<16xi32>
        %gather3A_1072 = tpu.dynamic_gather %exp3A_407[%gather3A_1071] in [0] : vector<16xf32>, vector<16xi32> -> vector<16xf32>
        %get3A_1073 = arith.index_cast %add3A_1050 : i32 to index
        %get3A_1074 = arith.constant 32 : index
        %get3A_1075 = tpu.vector_load %arg12[%get3A_1073, %get3A_1074] {strides = array<i32>} : memref<80x128xf32, #tpu.memory_space<vmem>>, vector<16xf32>,
        %mul3A_1076 = arith.mulf %get3A_1075, %gather3A_1072 : vector<16xf32>
        %swap3A_1077 = arith.index_cast %add3A_1050 : i32 to index
        %swap3A_1078 = arith.constant 32 : index
        %swap3A_1079 = tpu.vector_load %arg13[%swap3A_1077, %swap3A_1078] {strides = array<i32>} : memref<80x136xf32, #tpu.memory_space<vmem>>, vector<16xf32>,
        tpu.vector_store %arg13[%swap3A_1077, %swap3A_1078], %mul3A_1076 {strides = array<i32>} : memref<80x136xf32, #tpu.memory_space<vmem>>, vector<16xf32>,
        %get3A_1080 = arith.index_cast %add3A_1050 : i32 to index
        %get3A_1081 = arith.constant 48 : index
        %get3A_1082 = tpu.vector_load %arg12[%get3A_1080, %get3A_1081] {strides = array<i32>} : memref<80x128xf32, #tpu.memory_space<vmem>>, vector<16xf32>,
        %mul3A_1083 = arith.mulf %get3A_1082, %gather3A_1072 : vector<16xf32>
        %swap3A_1084 = arith.index_cast %add3A_1050 : i32 to index
        %swap3A_1085 = arith.constant 48 : index
        %swap3A_1086 = tpu.vector_load %arg13[%swap3A_1084, %swap3A_1085] {strides = array<i32>} : memref<80x136xf32, #tpu.memory_space<vmem>>, vector<16xf32>,
        tpu.vector_store %arg13[%swap3A_1084, %swap3A_1085], %mul3A_1083 {strides = array<i32>} : memref<80x136xf32, #tpu.memory_space<vmem>>, vector<16xf32>,
        %broadcast_in_dim3A_1087 = arith.constant 8 : i32
        %broadcast_in_dim3A_1088 = vector.broadcast %broadcast_in_dim3A_1087 : i32 to vector<16x1xi32>
        %gather3A_1089 = vector.shape_cast %broadcast_in_dim3A_1088 : vector<16x1xi32> to vector<16xi32>
        %gather3A_1090 = tpu.dynamic_gather %exp3A_430[%gather3A_1089] in [0] : vector<16xf32>, vector<16xi32> -> vector<16xf32>
        %get3A_1091 = arith.index_cast %add3A_1050 : i32 to index
        %get3A_1092 = arith.constant 64 : index
        %get3A_1093 = tpu.vector_load %arg12[%get3A_1091, %get3A_1092] {strides = array<i32>} : memref<80x128xf32, #tpu.memory_space<vmem>>, vector<16xf32>,
        %mul3A_1094 = arith.mulf %get3A_1093, %gather3A_1090 : vector<16xf32>
        %swap3A_1095 = arith.index_cast %add3A_1050 : i32 to index
        %swap3A_1096 = arith.constant 64 : index
        %swap3A_1097 = tpu.vector_load %arg13[%swap3A_1095, %swap3A_1096] {strides = array<i32>} : memref<80x136xf32, #tpu.memory_space<vmem>>, vector<16xf32>,
        tpu.vector_store %arg13[%swap3A_1095, %swap3A_1096], %mul3A_1094 {strides = array<i32>} : memref<80x136xf32, #tpu.memory_space<vmem>>, vector<16xf32>,
        %get3A_1098 = arith.index_cast %add3A_1050 : i32 to index
        %get3A_1099 = arith.constant 80 : index
        %get3A_1100 = tpu.vector_load %arg12[%get3A_1098, %get3A_1099] {strides = array<i32>} : memref<80x128xf32, #tpu.memory_space<vmem>>, vector<16xf32>,
        %mul3A_1101 = arith.mulf %get3A_1100, %gather3A_1090 : vector<16xf32>
        %swap3A_1102 = arith.index_cast %add3A_1050 : i32 to index
        %swap3A_1103 = arith.constant 80 : index
        %swap3A_1104 = tpu.vector_load %arg13[%swap3A_1102, %swap3A_1103] {strides = array<i32>} : memref<80x136xf32, #tpu.memory_space<vmem>>, vector<16xf32>,
        tpu.vector_store %arg13[%swap3A_1102, %swap3A_1103], %mul3A_1101 {strides = array<i32>} : memref<80x136xf32, #tpu.memory_space<vmem>>, vector<16xf32>,
        %broadcast_in_dim3A_1105 = arith.constant 8 : i32
        %broadcast_in_dim3A_1106 = vector.broadcast %broadcast_in_dim3A_1105 : i32 to vector<16x1xi32>
        %gather3A_1107 = vector.shape_cast %broadcast_in_dim3A_1106 : vector<16x1xi32> to vector<16xi32>
        %gather3A_1108 = tpu.dynamic_gather %exp3A_453[%gather3A_1107] in [0] : vector<16xf32>, vector<16xi32> -> vector<16xf32>
        %get3A_1109 = arith.index_cast %add3A_1050 : i32 to index
        %get3A_1110 = arith.constant 96 : index
        %get3A_1111 = tpu.vector_load %arg12[%get3A_1109, %get3A_1110] {strides = array<i32>} : memref<80x128xf32, #tpu.memory_space<vmem>>, vector<16xf32>,
        %mul3A_1112 = arith.mulf %get3A_1111, %gather3A_1108 : vector<16xf32>
        %swap3A_1113 = arith.index_cast %add3A_1050 : i32 to index
        %swap3A_1114 = arith.constant 96 : index
        %swap3A_1115 = tpu.vector_load %arg13[%swap3A_1113, %swap3A_1114] {strides = array<i32>} : memref<80x136xf32, #tpu.memory_space<vmem>>, vector<16xf32>,
        tpu.vector_store %arg13[%swap3A_1113, %swap3A_1114], %mul3A_1112 {strides = array<i32>} : memref<80x136xf32, #tpu.memory_space<vmem>>, vector<16xf32>,
        %get3A_1116 = arith.index_cast %add3A_1050 : i32 to index
        %get3A_1117 = arith.constant 112 : index
        %get3A_1118 = tpu.vector_load %arg12[%get3A_1116, %get3A_1117] {strides = array<i32>} : memref<80x128xf32, #tpu.memory_space<vmem>>, vector<16xf32>,
        %mul3A_1119 = arith.mulf %get3A_1118, %gather3A_1108 : vector<16xf32>
        %swap3A_1120 = arith.index_cast %add3A_1050 : i32 to index
        %swap3A_1121 = arith.constant 112 : index
        %swap3A_1122 = tpu.vector_load %arg13[%swap3A_1120, %swap3A_1121] {strides = array<i32>} : memref<80x136xf32, #tpu.memory_space<vmem>>, vector<16xf32>,
        tpu.vector_store %arg13[%swap3A_1120, %swap3A_1121], %mul3A_1119 {strides = array<i32>} : memref<80x136xf32, #tpu.memory_space<vmem>>, vector<16xf32>,
        %add3A_1123 = arith.constant 9 : i32
        %add3A_1124 = arith.addi %mul3A_369, %add3A_1123 : i32
        %broadcast_in_dim3A_1125 = arith.constant 9 : i32
        %broadcast_in_dim3A_1126 = vector.broadcast %broadcast_in_dim3A_1125 : i32 to vector<16x1xi32>
        %gather3A_1127 = vector.shape_cast %broadcast_in_dim3A_1126 : vector<16x1xi32> to vector<16xi32>
        %gather3A_1128 = tpu.dynamic_gather %exp3A[%gather3A_1127] in [0] : vector<16xf32>, vector<16xi32> -> vector<16xf32>
        %get3A_1129 = arith.index_cast %add3A_1124 : i32 to index
        %get3A_1130 = arith.constant 0 : index
        %get3A_1131 = tpu.vector_load %arg12[%get3A_1129, %get3A_1130] {strides = array<i32>} : memref<80x128xf32, #tpu.memory_space<vmem>>, vector<16xf32>,
        %mul3A_1132 = arith.mulf %get3A_1131, %gather3A_1128 : vector<16xf32>
        %swap3A_1133 = arith.index_cast %add3A_1124 : i32 to index
        %swap3A_1134 = arith.constant 0 : index
        %swap3A_1135 = tpu.vector_load %arg13[%swap3A_1133, %swap3A_1134] {strides = array<i32>} : memref<80x136xf32, #tpu.memory_space<vmem>>, vector<16xf32>,
        tpu.vector_store %arg13[%swap3A_1133, %swap3A_1134], %mul3A_1132 {strides = array<i32>} : memref<80x136xf32, #tpu.memory_space<vmem>>, vector<16xf32>,
        %get3A_1136 = arith.index_cast %add3A_1124 : i32 to index
        %get3A_1137 = arith.constant 16 : index
        %get3A_1138 = tpu.vector_load %arg12[%get3A_1136, %get3A_1137] {strides = array<i32>} : memref<80x128xf32, #tpu.memory_space<vmem>>, vector<16xf32>,
        %mul3A_1139 = arith.mulf %get3A_1138, %gather3A_1128 : vector<16xf32>
        %swap3A_1140 = arith.index_cast %add3A_1124 : i32 to index
        %swap3A_1141 = arith.constant 16 : index
        %swap3A_1142 = tpu.vector_load %arg13[%swap3A_1140, %swap3A_1141] {strides = array<i32>} : memref<80x136xf32, #tpu.memory_space<vmem>>, vector<16xf32>,
        tpu.vector_store %arg13[%swap3A_1140, %swap3A_1141], %mul3A_1139 {strides = array<i32>} : memref<80x136xf32, #tpu.memory_space<vmem>>, vector<16xf32>,
        %broadcast_in_dim3A_1143 = arith.constant 9 : i32
        %broadcast_in_dim3A_1144 = vector.broadcast %broadcast_in_dim3A_1143 : i32 to vector<16x1xi32>
        %gather3A_1145 = vector.shape_cast %broadcast_in_dim3A_1144 : vector<16x1xi32> to vector<16xi32>
        %gather3A_1146 = tpu.dynamic_gather %exp3A_407[%gather3A_1145] in [0] : vector<16xf32>, vector<16xi32> -> vector<16xf32>
        %get3A_1147 = arith.index_cast %add3A_1124 : i32 to index
        %get3A_1148 = arith.constant 32 : index
        %get3A_1149 = tpu.vector_load %arg12[%get3A_1147, %get3A_1148] {strides = array<i32>} : memref<80x128xf32, #tpu.memory_space<vmem>>, vector<16xf32>,
        %mul3A_1150 = arith.mulf %get3A_1149, %gather3A_1146 : vector<16xf32>
        %swap3A_1151 = arith.index_cast %add3A_1124 : i32 to index
        %swap3A_1152 = arith.constant 32 : index
        %swap3A_1153 = tpu.vector_load %arg13[%swap3A_1151, %swap3A_1152] {strides = array<i32>} : memref<80x136xf32, #tpu.memory_space<vmem>>, vector<16xf32>,
        tpu.vector_store %arg13[%swap3A_1151, %swap3A_1152], %mul3A_1150 {strides = array<i32>} : memref<80x136xf32, #tpu.memory_space<vmem>>, vector<16xf32>,
        %get3A_1154 = arith.index_cast %add3A_1124 : i32 to index
        %get3A_1155 = arith.constant 48 : index
        %get3A_1156 = tpu.vector_load %arg12[%get3A_1154, %get3A_1155] {strides = array<i32>} : memref<80x128xf32, #tpu.memory_space<vmem>>, vector<16xf32>,
        %mul3A_1157 = arith.mulf %get3A_1156, %gather3A_1146 : vector<16xf32>
        %swap3A_1158 = arith.index_cast %add3A_1124 : i32 to index
        %swap3A_1159 = arith.constant 48 : index
        %swap3A_1160 = tpu.vector_load %arg13[%swap3A_1158, %swap3A_1159] {strides = array<i32>} : memref<80x136xf32, #tpu.memory_space<vmem>>, vector<16xf32>,
        tpu.vector_store %arg13[%swap3A_1158, %swap3A_1159], %mul3A_1157 {strides = array<i32>} : memref<80x136xf32, #tpu.memory_space<vmem>>, vector<16xf32>,
        %broadcast_in_dim3A_1161 = arith.constant 9 : i32
        %broadcast_in_dim3A_1162 = vector.broadcast %broadcast_in_dim3A_1161 : i32 to vector<16x1xi32>
        %gather3A_1163 = vector.shape_cast %broadcast_in_dim3A_1162 : vector<16x1xi32> to vector<16xi32>
        %gather3A_1164 = tpu.dynamic_gather %exp3A_430[%gather3A_1163] in [0] : vector<16xf32>, vector<16xi32> -> vector<16xf32>
        %get3A_1165 = arith.index_cast %add3A_1124 : i32 to index
        %get3A_1166 = arith.constant 64 : index
        %get3A_1167 = tpu.vector_load %arg12[%get3A_1165, %get3A_1166] {strides = array<i32>} : memref<80x128xf32, #tpu.memory_space<vmem>>, vector<16xf32>,
        %mul3A_1168 = arith.mulf %get3A_1167, %gather3A_1164 : vector<16xf32>
        %swap3A_1169 = arith.index_cast %add3A_1124 : i32 to index
        %swap3A_1170 = arith.constant 64 : index
        %swap3A_1171 = tpu.vector_load %arg13[%swap3A_1169, %swap3A_1170] {strides = array<i32>} : memref<80x136xf32, #tpu.memory_space<vmem>>, vector<16xf32>,
        tpu.vector_store %arg13[%swap3A_1169, %swap3A_1170], %mul3A_1168 {strides = array<i32>} : memref<80x136xf32, #tpu.memory_space<vmem>>, vector<16xf32>,
        %get3A_1172 = arith.index_cast %add3A_1124 : i32 to index
        %get3A_1173 = arith.constant 80 : index
        %get3A_1174 = tpu.vector_load %arg12[%get3A_1172, %get3A_1173] {strides = array<i32>} : memref<80x128xf32, #tpu.memory_space<vmem>>, vector<16xf32>,
        %mul3A_1175 = arith.mulf %get3A_1174, %gather3A_1164 : vector<16xf32>
        %swap3A_1176 = arith.index_cast %add3A_1124 : i32 to index
        %swap3A_1177 = arith.constant 80 : index
        %swap3A_1178 = tpu.vector_load %arg13[%swap3A_1176, %swap3A_1177] {strides = array<i32>} : memref<80x136xf32, #tpu.memory_space<vmem>>, vector<16xf32>,
        tpu.vector_store %arg13[%swap3A_1176, %swap3A_1177], %mul3A_1175 {strides = array<i32>} : memref<80x136xf32, #tpu.memory_space<vmem>>, vector<16xf32>,
        %broadcast_in_dim3A_1179 = arith.constant 9 : i32
        %broadcast_in_dim3A_1180 = vector.broadcast %broadcast_in_dim3A_1179 : i32 to vector<16x1xi32>
        %gather3A_1181 = vector.shape_cast %broadcast_in_dim3A_1180 : vector<16x1xi32> to vector<16xi32>
        %gather3A_1182 = tpu.dynamic_gather %exp3A_453[%gather3A_1181] in [0] : vector<16xf32>, vector<16xi32> -> vector<16xf32>
        %get3A_1183 = arith.index_cast %add3A_1124 : i32 to index
        %get3A_1184 = arith.constant 96 : index
        %get3A_1185 = tpu.vector_load %arg12[%get3A_1183, %get3A_1184] {strides = array<i32>} : memref<80x128xf32, #tpu.memory_space<vmem>>, vector<16xf32>,
        %mul3A_1186 = arith.mulf %get3A_1185, %gather3A_1182 : vector<16xf32>
        %swap3A_1187 = arith.index_cast %add3A_1124 : i32 to index
        %swap3A_1188 = arith.constant 96 : index
        %swap3A_1189 = tpu.vector_load %arg13[%swap3A_1187, %swap3A_1188] {strides = array<i32>} : memref<80x136xf32, #tpu.memory_space<vmem>>, vector<16xf32>,
        tpu.vector_store %arg13[%swap3A_1187, %swap3A_1188], %mul3A_1186 {strides = array<i32>} : memref<80x136xf32, #tpu.memory_space<vmem>>, vector<16xf32>,
        %get3A_1190 = arith.index_cast %add3A_1124 : i32 to index
        %get3A_1191 = arith.constant 112 : index
        %get3A_1192 = tpu.vector_load %arg12[%get3A_1190, %get3A_1191] {strides = array<i32>} : memref<80x128xf32, #tpu.memory_space<vmem>>, vector<16xf32>,
        %mul3A_1193 = arith.mulf %get3A_1192, %gather3A_1182 : vector<16xf32>
        %swap3A_1194 = arith.index_cast %add3A_1124 : i32 to index
        %swap3A_1195 = arith.constant 112 : index
        %swap3A_1196 = tpu.vector_load %arg13[%swap3A_1194, %swap3A_1195] {strides = array<i32>} : memref<80x136xf32, #tpu.memory_space<vmem>>, vector<16xf32>,
        tpu.vector_store %arg13[%swap3A_1194, %swap3A_1195], %mul3A_1193 {strides = array<i32>} : memref<80x136xf32, #tpu.memory_space<vmem>>, vector<16xf32>,
        %add3A_1197 = arith.constant 10 : i32
        %add3A_1198 = arith.addi %mul3A_369, %add3A_1197 : i32
        %broadcast_in_dim3A_1199 = arith.constant 10 : i32
        %broadcast_in_dim3A_1200 = vector.broadcast %broadcast_in_dim3A_1199 : i32 to vector<16x1xi32>
        %gather3A_1201 = vector.shape_cast %broadcast_in_dim3A_1200 : vector<16x1xi32> to vector<16xi32>
        %gather3A_1202 = tpu.dynamic_gather %exp3A[%gather3A_1201] in [0] : vector<16xf32>, vector<16xi32> -> vector<16xf32>
        %get3A_1203 = arith.index_cast %add3A_1198 : i32 to index
        %get3A_1204 = arith.constant 0 : index
        %get3A_1205 = tpu.vector_load %arg12[%get3A_1203, %get3A_1204] {strides = array<i32>} : memref<80x128xf32, #tpu.memory_space<vmem>>, vector<16xf32>,
        %mul3A_1206 = arith.mulf %get3A_1205, %gather3A_1202 : vector<16xf32>
        %swap3A_1207 = arith.index_cast %add3A_1198 : i32 to index
        %swap3A_1208 = arith.constant 0 : index
        %swap3A_1209 = tpu.vector_load %arg13[%swap3A_1207, %swap3A_1208] {strides = array<i32>} : memref<80x136xf32, #tpu.memory_space<vmem>>, vector<16xf32>,
        tpu.vector_store %arg13[%swap3A_1207, %swap3A_1208], %mul3A_1206 {strides = array<i32>} : memref<80x136xf32, #tpu.memory_space<vmem>>, vector<16xf32>,
        %get3A_1210 = arith.index_cast %add3A_1198 : i32 to index
        %get3A_1211 = arith.constant 16 : index
        %get3A_1212 = tpu.vector_load %arg12[%get3A_1210, %get3A_1211] {strides = array<i32>} : memref<80x128xf32, #tpu.memory_space<vmem>>, vector<16xf32>,
        %mul3A_1213 = arith.mulf %get3A_1212, %gather3A_1202 : vector<16xf32>
        %swap3A_1214 = arith.index_cast %add3A_1198 : i32 to index
        %swap3A_1215 = arith.constant 16 : index
        %swap3A_1216 = tpu.vector_load %arg13[%swap3A_1214, %swap3A_1215] {strides = array<i32>} : memref<80x136xf32, #tpu.memory_space<vmem>>, vector<16xf32>,
        tpu.vector_store %arg13[%swap3A_1214, %swap3A_1215], %mul3A_1213 {strides = array<i32>} : memref<80x136xf32, #tpu.memory_space<vmem>>, vector<16xf32>,
        %broadcast_in_dim3A_1217 = arith.constant 10 : i32
        %broadcast_in_dim3A_1218 = vector.broadcast %broadcast_in_dim3A_1217 : i32 to vector<16x1xi32>
        %gather3A_1219 = vector.shape_cast %broadcast_in_dim3A_1218 : vector<16x1xi32> to vector<16xi32>
        %gather3A_1220 = tpu.dynamic_gather %exp3A_407[%gather3A_1219] in [0] : vector<16xf32>, vector<16xi32> -> vector<16xf32>
        %get3A_1221 = arith.index_cast %add3A_1198 : i32 to index
        %get3A_1222 = arith.constant 32 : index
        %get3A_1223 = tpu.vector_load %arg12[%get3A_1221, %get3A_1222] {strides = array<i32>} : memref<80x128xf32, #tpu.memory_space<vmem>>, vector<16xf32>,
        %mul3A_1224 = arith.mulf %get3A_1223, %gather3A_1220 : vector<16xf32>
        %swap3A_1225 = arith.index_cast %add3A_1198 : i32 to index
        %swap3A_1226 = arith.constant 32 : index
        %swap3A_1227 = tpu.vector_load %arg13[%swap3A_1225, %swap3A_1226] {strides = array<i32>} : memref<80x136xf32, #tpu.memory_space<vmem>>, vector<16xf32>,
        tpu.vector_store %arg13[%swap3A_1225, %swap3A_1226], %mul3A_1224 {strides = array<i32>} : memref<80x136xf32, #tpu.memory_space<vmem>>, vector<16xf32>,
        %get3A_1228 = arith.index_cast %add3A_1198 : i32 to index
        %get3A_1229 = arith.constant 48 : index
        %get3A_1230 = tpu.vector_load %arg12[%get3A_1228, %get3A_1229] {strides = array<i32>} : memref<80x128xf32, #tpu.memory_space<vmem>>, vector<16xf32>,
        %mul3A_1231 = arith.mulf %get3A_1230, %gather3A_1220 : vector<16xf32>
        %swap3A_1232 = arith.index_cast %add3A_1198 : i32 to index
        %swap3A_1233 = arith.constant 48 : index
        %swap3A_1234 = tpu.vector_load %arg13[%swap3A_1232, %swap3A_1233] {strides = array<i32>} : memref<80x136xf32, #tpu.memory_space<vmem>>, vector<16xf32>,
        tpu.vector_store %arg13[%swap3A_1232, %swap3A_1233], %mul3A_1231 {strides = array<i32>} : memref<80x136xf32, #tpu.memory_space<vmem>>, vector<16xf32>,
        %broadcast_in_dim3A_1235 = arith.constant 10 : i32
        %broadcast_in_dim3A_1236 = vector.broadcast %broadcast_in_dim3A_1235 : i32 to vector<16x1xi32>
        %gather3A_1237 = vector.shape_cast %broadcast_in_dim3A_1236 : vector<16x1xi32> to vector<16xi32>
        %gather3A_1238 = tpu.dynamic_gather %exp3A_430[%gather3A_1237] in [0] : vector<16xf32>, vector<16xi32> -> vector<16xf32>
        %get3A_1239 = arith.index_cast %add3A_1198 : i32 to index
        %get3A_1240 = arith.constant 64 : index
        %get3A_1241 = tpu.vector_load %arg12[%get3A_1239, %get3A_1240] {strides = array<i32>} : memref<80x128xf32, #tpu.memory_space<vmem>>, vector<16xf32>,
        %mul3A_1242 = arith.mulf %get3A_1241, %gather3A_1238 : vector<16xf32>
        %swap3A_1243 = arith.index_cast %add3A_1198 : i32 to index
        %swap3A_1244 = arith.constant 64 : index
        %swap3A_1245 = tpu.vector_load %arg13[%swap3A_1243, %swap3A_1244] {strides = array<i32>} : memref<80x136xf32, #tpu.memory_space<vmem>>, vector<16xf32>,
        tpu.vector_store %arg13[%swap3A_1243, %swap3A_1244], %mul3A_1242 {strides = array<i32>} : memref<80x136xf32, #tpu.memory_space<vmem>>, vector<16xf32>,
        %get3A_1246 = arith.index_cast %add3A_1198 : i32 to index
        %get3A_1247 = arith.constant 80 : index
        %get3A_1248 = tpu.vector_load %arg12[%get3A_1246, %get3A_1247] {strides = array<i32>} : memref<80x128xf32, #tpu.memory_space<vmem>>, vector<16xf32>,
        %mul3A_1249 = arith.mulf %get3A_1248, %gather3A_1238 : vector<16xf32>
        %swap3A_1250 = arith.index_cast %add3A_1198 : i32 to index
        %swap3A_1251 = arith.constant 80 : index
        %swap3A_1252 = tpu.vector_load %arg13[%swap3A_1250, %swap3A_1251] {strides = array<i32>} : memref<80x136xf32, #tpu.memory_space<vmem>>, vector<16xf32>,
        tpu.vector_store %arg13[%swap3A_1250, %swap3A_1251], %mul3A_1249 {strides = array<i32>} : memref<80x136xf32, #tpu.memory_space<vmem>>, vector<16xf32>,
        %broadcast_in_dim3A_1253 = arith.constant 10 : i32
        %broadcast_in_dim3A_1254 = vector.broadcast %broadcast_in_dim3A_1253 : i32 to vector<16x1xi32>
        %gather3A_1255 = vector.shape_cast %broadcast_in_dim3A_1254 : vector<16x1xi32> to vector<16xi32>
        %gather3A_1256 = tpu.dynamic_gather %exp3A_453[%gather3A_1255] in [0] : vector<16xf32>, vector<16xi32> -> vector<16xf32>
        %get3A_1257 = arith.index_cast %add3A_1198 : i32 to index
        %get3A_1258 = arith.constant 96 : index
        %get3A_1259 = tpu.vector_load %arg12[%get3A_1257, %get3A_1258] {strides = array<i32>} : memref<80x128xf32, #tpu.memory_space<vmem>>, vector<16xf32>,
        %mul3A_1260 = arith.mulf %get3A_1259, %gather3A_1256 : vector<16xf32>
        %swap3A_1261 = arith.index_cast %add3A_1198 : i32 to index
        %swap3A_1262 = arith.constant 96 : index
        %swap3A_1263 = tpu.vector_load %arg13[%swap3A_1261, %swap3A_1262] {strides = array<i32>} : memref<80x136xf32, #tpu.memory_space<vmem>>, vector<16xf32>,
        tpu.vector_store %arg13[%swap3A_1261, %swap3A_1262], %mul3A_1260 {strides = array<i32>} : memref<80x136xf32, #tpu.memory_space<vmem>>, vector<16xf32>,
        %get3A_1264 = arith.index_cast %add3A_1198 : i32 to index
        %get3A_1265 = arith.constant 112 : index
        %get3A_1266 = tpu.vector_load %arg12[%get3A_1264, %get3A_1265] {strides = array<i32>} : memref<80x128xf32, #tpu.memory_space<vmem>>, vector<16xf32>,
        %mul3A_1267 = arith.mulf %get3A_1266, %gather3A_1256 : vector<16xf32>
        %swap3A_1268 = arith.index_cast %add3A_1198 : i32 to index
        %swap3A_1269 = arith.constant 112 : index
        %swap3A_1270 = tpu.vector_load %arg13[%swap3A_1268, %swap3A_1269] {strides = array<i32>} : memref<80x136xf32, #tpu.memory_space<vmem>>, vector<16xf32>,
        tpu.vector_store %arg13[%swap3A_1268, %swap3A_1269], %mul3A_1267 {strides = array<i32>} : memref<80x136xf32, #tpu.memory_space<vmem>>, vector<16xf32>,
        %add3A_1271 = arith.constant 11 : i32
        %add3A_1272 = arith.addi %mul3A_369, %add3A_1271 : i32
        %broadcast_in_dim3A_1273 = arith.constant 11 : i32
        %broadcast_in_dim3A_1274 = vector.broadcast %broadcast_in_dim3A_1273 : i32 to vector<16x1xi32>
        %gather3A_1275 = vector.shape_cast %broadcast_in_dim3A_1274 : vector<16x1xi32> to vector<16xi32>
        %gather3A_1276 = tpu.dynamic_gather %exp3A[%gather3A_1275] in [0] : vector<16xf32>, vector<16xi32> -> vector<16xf32>
        %get3A_1277 = arith.index_cast %add3A_1272 : i32 to index
        %get3A_1278 = arith.constant 0 : index
        %get3A_1279 = tpu.vector_load %arg12[%get3A_1277, %get3A_1278] {strides = array<i32>} : memref<80x128xf32, #tpu.memory_space<vmem>>, vector<16xf32>,
        %mul3A_1280 = arith.mulf %get3A_1279, %gather3A_1276 : vector<16xf32>
        %swap3A_1281 = arith.index_cast %add3A_1272 : i32 to index
        %swap3A_1282 = arith.constant 0 : index
        %swap3A_1283 = tpu.vector_load %arg13[%swap3A_1281, %swap3A_1282] {strides = array<i32>} : memref<80x136xf32, #tpu.memory_space<vmem>>, vector<16xf32>,
        tpu.vector_store %arg13[%swap3A_1281, %swap3A_1282], %mul3A_1280 {strides = array<i32>} : memref<80x136xf32, #tpu.memory_space<vmem>>, vector<16xf32>,
        %get3A_1284 = arith.index_cast %add3A_1272 : i32 to index
        %get3A_1285 = arith.constant 16 : index
        %get3A_1286 = tpu.vector_load %arg12[%get3A_1284, %get3A_1285] {strides = array<i32>} : memref<80x128xf32, #tpu.memory_space<vmem>>, vector<16xf32>,
        %mul3A_1287 = arith.mulf %get3A_1286, %gather3A_1276 : vector<16xf32>
        %swap3A_1288 = arith.index_cast %add3A_1272 : i32 to index
        %swap3A_1289 = arith.constant 16 : index
        %swap3A_1290 = tpu.vector_load %arg13[%swap3A_1288, %swap3A_1289] {strides = array<i32>} : memref<80x136xf32, #tpu.memory_space<vmem>>, vector<16xf32>,
        tpu.vector_store %arg13[%swap3A_1288, %swap3A_1289], %mul3A_1287 {strides = array<i32>} : memref<80x136xf32, #tpu.memory_space<vmem>>, vector<16xf32>,
        %broadcast_in_dim3A_1291 = arith.constant 11 : i32
        %broadcast_in_dim3A_1292 = vector.broadcast %broadcast_in_dim3A_1291 : i32 to vector<16x1xi32>
        %gather3A_1293 = vector.shape_cast %broadcast_in_dim3A_1292 : vector<16x1xi32> to vector<16xi32>
        %gather3A_1294 = tpu.dynamic_gather %exp3A_407[%gather3A_1293] in [0] : vector<16xf32>, vector<16xi32> -> vector<16xf32>
        %get3A_1295 = arith.index_cast %add3A_1272 : i32 to index
        %get3A_1296 = arith.constant 32 : index
        %get3A_1297 = tpu.vector_load %arg12[%get3A_1295, %get3A_1296] {strides = array<i32>} : memref<80x128xf32, #tpu.memory_space<vmem>>, vector<16xf32>,
        %mul3A_1298 = arith.mulf %get3A_1297, %gather3A_1294 : vector<16xf32>
        %swap3A_1299 = arith.index_cast %add3A_1272 : i32 to index
        %swap3A_1300 = arith.constant 32 : index
        %swap3A_1301 = tpu.vector_load %arg13[%swap3A_1299, %swap3A_1300] {strides = array<i32>} : memref<80x136xf32, #tpu.memory_space<vmem>>, vector<16xf32>,
        tpu.vector_store %arg13[%swap3A_1299, %swap3A_1300], %mul3A_1298 {strides = array<i32>} : memref<80x136xf32, #tpu.memory_space<vmem>>, vector<16xf32>,
        %get3A_1302 = arith.index_cast %add3A_1272 : i32 to index
        %get3A_1303 = arith.constant 48 : index
        %get3A_1304 = tpu.vector_load %arg12[%get3A_1302, %get3A_1303] {strides = array<i32>} : memref<80x128xf32, #tpu.memory_space<vmem>>, vector<16xf32>,
        %mul3A_1305 = arith.mulf %get3A_1304, %gather3A_1294 : vector<16xf32>
        %swap3A_1306 = arith.index_cast %add3A_1272 : i32 to index
        %swap3A_1307 = arith.constant 48 : index
        %swap3A_1308 = tpu.vector_load %arg13[%swap3A_1306, %swap3A_1307] {strides = array<i32>} : memref<80x136xf32, #tpu.memory_space<vmem>>, vector<16xf32>,
        tpu.vector_store %arg13[%swap3A_1306, %swap3A_1307], %mul3A_1305 {strides = array<i32>} : memref<80x136xf32, #tpu.memory_space<vmem>>, vector<16xf32>,
        %broadcast_in_dim3A_1309 = arith.constant 11 : i32
        %broadcast_in_dim3A_1310 = vector.broadcast %broadcast_in_dim3A_1309 : i32 to vector<16x1xi32>
        %gather3A_1311 = vector.shape_cast %broadcast_in_dim3A_1310 : vector<16x1xi32> to vector<16xi32>
        %gather3A_1312 = tpu.dynamic_gather %exp3A_430[%gather3A_1311] in [0] : vector<16xf32>, vector<16xi32> -> vector<16xf32>
        %get3A_1313 = arith.index_cast %add3A_1272 : i32 to index
        %get3A_1314 = arith.constant 64 : index
        %get3A_1315 = tpu.vector_load %arg12[%get3A_1313, %get3A_1314] {strides = array<i32>} : memref<80x128xf32, #tpu.memory_space<vmem>>, vector<16xf32>,
        %mul3A_1316 = arith.mulf %get3A_1315, %gather3A_1312 : vector<16xf32>
        %swap3A_1317 = arith.index_cast %add3A_1272 : i32 to index
        %swap3A_1318 = arith.constant 64 : index
        %swap3A_1319 = tpu.vector_load %arg13[%swap3A_1317, %swap3A_1318] {strides = array<i32>} : memref<80x136xf32, #tpu.memory_space<vmem>>, vector<16xf32>,
        tpu.vector_store %arg13[%swap3A_1317, %swap3A_1318], %mul3A_1316 {strides = array<i32>} : memref<80x136xf32, #tpu.memory_space<vmem>>, vector<16xf32>,
        %get3A_1320 = arith.index_cast %add3A_1272 : i32 to index
        %get3A_1321 = arith.constant 80 : index
        %get3A_1322 = tpu.vector_load %arg12[%get3A_1320, %get3A_1321] {strides = array<i32>} : memref<80x128xf32, #tpu.memory_space<vmem>>, vector<16xf32>,
        %mul3A_1323 = arith.mulf %get3A_1322, %gather3A_1312 : vector<16xf32>
        %swap3A_1324 = arith.index_cast %add3A_1272 : i32 to index
        %swap3A_1325 = arith.constant 80 : index
        %swap3A_1326 = tpu.vector_load %arg13[%swap3A_1324, %swap3A_1325] {strides = array<i32>} : memref<80x136xf32, #tpu.memory_space<vmem>>, vector<16xf32>,
        tpu.vector_store %arg13[%swap3A_1324, %swap3A_1325], %mul3A_1323 {strides = array<i32>} : memref<80x136xf32, #tpu.memory_space<vmem>>, vector<16xf32>,
        %broadcast_in_dim3A_1327 = arith.constant 11 : i32
        %broadcast_in_dim3A_1328 = vector.broadcast %broadcast_in_dim3A_1327 : i32 to vector<16x1xi32>
        %gather3A_1329 = vector.shape_cast %broadcast_in_dim3A_1328 : vector<16x1xi32> to vector<16xi32>
        %gather3A_1330 = tpu.dynamic_gather %exp3A_453[%gather3A_1329] in [0] : vector<16xf32>, vector<16xi32> -> vector<16xf32>
        %get3A_1331 = arith.index_cast %add3A_1272 : i32 to index
        %get3A_1332 = arith.constant 96 : index
        %get3A_1333 = tpu.vector_load %arg12[%get3A_1331, %get3A_1332] {strides = array<i32>} : memref<80x128xf32, #tpu.memory_space<vmem>>, vector<16xf32>,
        %mul3A_1334 = arith.mulf %get3A_1333, %gather3A_1330 : vector<16xf32>
        %swap3A_1335 = arith.index_cast %add3A_1272 : i32 to index
        %swap3A_1336 = arith.constant 96 : index
        %swap3A_1337 = tpu.vector_load %arg13[%swap3A_1335, %swap3A_1336] {strides = array<i32>} : memref<80x136xf32, #tpu.memory_space<vmem>>, vector<16xf32>,
        tpu.vector_store %arg13[%swap3A_1335, %swap3A_1336], %mul3A_1334 {strides = array<i32>} : memref<80x136xf32, #tpu.memory_space<vmem>>, vector<16xf32>,
        %get3A_1338 = arith.index_cast %add3A_1272 : i32 to index
        %get3A_1339 = arith.constant 112 : index
        %get3A_1340 = tpu.vector_load %arg12[%get3A_1338, %get3A_1339] {strides = array<i32>} : memref<80x128xf32, #tpu.memory_space<vmem>>, vector<16xf32>,
        %mul3A_1341 = arith.mulf %get3A_1340, %gather3A_1330 : vector<16xf32>
        %swap3A_1342 = arith.index_cast %add3A_1272 : i32 to index
        %swap3A_1343 = arith.constant 112 : index
        %swap3A_1344 = tpu.vector_load %arg13[%swap3A_1342, %swap3A_1343] {strides = array<i32>} : memref<80x136xf32, #tpu.memory_space<vmem>>, vector<16xf32>,
        tpu.vector_store %arg13[%swap3A_1342, %swap3A_1343], %mul3A_1341 {strides = array<i32>} : memref<80x136xf32, #tpu.memory_space<vmem>>, vector<16xf32>,
        %add3A_1345 = arith.constant 12 : i32
        %add3A_1346 = arith.addi %mul3A_369, %add3A_1345 : i32
        %broadcast_in_dim3A_1347 = arith.constant 12 : i32
        %broadcast_in_dim3A_1348 = vector.broadcast %broadcast_in_dim3A_1347 : i32 to vector<16x1xi32>
        %gather3A_1349 = vector.shape_cast %broadcast_in_dim3A_1348 : vector<16x1xi32> to vector<16xi32>
        %gather3A_1350 = tpu.dynamic_gather %exp3A[%gather3A_1349] in [0] : vector<16xf32>, vector<16xi32> -> vector<16xf32>
        %get3A_1351 = arith.index_cast %add3A_1346 : i32 to index
        %get3A_1352 = arith.constant 0 : index
        %get3A_1353 = tpu.vector_load %arg12[%get3A_1351, %get3A_1352] {strides = array<i32>} : memref<80x128xf32, #tpu.memory_space<vmem>>, vector<16xf32>,
        %mul3A_1354 = arith.mulf %get3A_1353, %gather3A_1350 : vector<16xf32>
        %swap3A_1355 = arith.index_cast %add3A_1346 : i32 to index
        %swap3A_1356 = arith.constant 0 : index
        %swap3A_1357 = tpu.vector_load %arg13[%swap3A_1355, %swap3A_1356] {strides = array<i32>} : memref<80x136xf32, #tpu.memory_space<vmem>>, vector<16xf32>,
        tpu.vector_store %arg13[%swap3A_1355, %swap3A_1356], %mul3A_1354 {strides = array<i32>} : memref<80x136xf32, #tpu.memory_space<vmem>>, vector<16xf32>,
        %get3A_1358 = arith.index_cast %add3A_1346 : i32 to index
        %get3A_1359 = arith.constant 16 : index
        %get3A_1360 = tpu.vector_load %arg12[%get3A_1358, %get3A_1359] {strides = array<i32>} : memref<80x128xf32, #tpu.memory_space<vmem>>, vector<16xf32>,
        %mul3A_1361 = arith.mulf %get3A_1360, %gather3A_1350 : vector<16xf32>
        %swap3A_1362 = arith.index_cast %add3A_1346 : i32 to index
        %swap3A_1363 = arith.constant 16 : index
        %swap3A_1364 = tpu.vector_load %arg13[%swap3A_1362, %swap3A_1363] {strides = array<i32>} : memref<80x136xf32, #tpu.memory_space<vmem>>, vector<16xf32>,
        tpu.vector_store %arg13[%swap3A_1362, %swap3A_1363], %mul3A_1361 {strides = array<i32>} : memref<80x136xf32, #tpu.memory_space<vmem>>, vector<16xf32>,
        %broadcast_in_dim3A_1365 = arith.constant 12 : i32
        %broadcast_in_dim3A_1366 = vector.broadcast %broadcast_in_dim3A_1365 : i32 to vector<16x1xi32>
        %gather3A_1367 = vector.shape_cast %broadcast_in_dim3A_1366 : vector<16x1xi32> to vector<16xi32>
        %gather3A_1368 = tpu.dynamic_gather %exp3A_407[%gather3A_1367] in [0] : vector<16xf32>, vector<16xi32> -> vector<16xf32>
        %get3A_1369 = arith.index_cast %add3A_1346 : i32 to index
        %get3A_1370 = arith.constant 32 : index
        %get3A_1371 = tpu.vector_load %arg12[%get3A_1369, %get3A_1370] {strides = array<i32>} : memref<80x128xf32, #tpu.memory_space<vmem>>, vector<16xf32>,
        %mul3A_1372 = arith.mulf %get3A_1371, %gather3A_1368 : vector<16xf32>
        %swap3A_1373 = arith.index_cast %add3A_1346 : i32 to index
        %swap3A_1374 = arith.constant 32 : index
        %swap3A_1375 = tpu.vector_load %arg13[%swap3A_1373, %swap3A_1374] {strides = array<i32>} : memref<80x136xf32, #tpu.memory_space<vmem>>, vector<16xf32>,
        tpu.vector_store %arg13[%swap3A_1373, %swap3A_1374], %mul3A_1372 {strides = array<i32>} : memref<80x136xf32, #tpu.memory_space<vmem>>, vector<16xf32>,
        %get3A_1376 = arith.index_cast %add3A_1346 : i32 to index
        %get3A_1377 = arith.constant 48 : index
        %get3A_1378 = tpu.vector_load %arg12[%get3A_1376, %get3A_1377] {strides = array<i32>} : memref<80x128xf32, #tpu.memory_space<vmem>>, vector<16xf32>,
        %mul3A_1379 = arith.mulf %get3A_1378, %gather3A_1368 : vector<16xf32>
        %swap3A_1380 = arith.index_cast %add3A_1346 : i32 to index
        %swap3A_1381 = arith.constant 48 : index
        %swap3A_1382 = tpu.vector_load %arg13[%swap3A_1380, %swap3A_1381] {strides = array<i32>} : memref<80x136xf32, #tpu.memory_space<vmem>>, vector<16xf32>,
        tpu.vector_store %arg13[%swap3A_1380, %swap3A_1381], %mul3A_1379 {strides = array<i32>} : memref<80x136xf32, #tpu.memory_space<vmem>>, vector<16xf32>,
        %broadcast_in_dim3A_1383 = arith.constant 12 : i32
        %broadcast_in_dim3A_1384 = vector.broadcast %broadcast_in_dim3A_1383 : i32 to vector<16x1xi32>
        %gather3A_1385 = vector.shape_cast %broadcast_in_dim3A_1384 : vector<16x1xi32> to vector<16xi32>
        %gather3A_1386 = tpu.dynamic_gather %exp3A_430[%gather3A_1385] in [0] : vector<16xf32>, vector<16xi32> -> vector<16xf32>
        %get3A_1387 = arith.index_cast %add3A_1346 : i32 to index
        %get3A_1388 = arith.constant 64 : index
        %get3A_1389 = tpu.vector_load %arg12[%get3A_1387, %get3A_1388] {strides = array<i32>} : memref<80x128xf32, #tpu.memory_space<vmem>>, vector<16xf32>,
        %mul3A_1390 = arith.mulf %get3A_1389, %gather3A_1386 : vector<16xf32>
        %swap3A_1391 = arith.index_cast %add3A_1346 : i32 to index
        %swap3A_1392 = arith.constant 64 : index
        %swap3A_1393 = tpu.vector_load %arg13[%swap3A_1391, %swap3A_1392] {strides = array<i32>} : memref<80x136xf32, #tpu.memory_space<vmem>>, vector<16xf32>,
        tpu.vector_store %arg13[%swap3A_1391, %swap3A_1392], %mul3A_1390 {strides = array<i32>} : memref<80x136xf32, #tpu.memory_space<vmem>>, vector<16xf32>,
        %get3A_1394 = arith.index_cast %add3A_1346 : i32 to index
        %get3A_1395 = arith.constant 80 : index
        %get3A_1396 = tpu.vector_load %arg12[%get3A_1394, %get3A_1395] {strides = array<i32>} : memref<80x128xf32, #tpu.memory_space<vmem>>, vector<16xf32>,
        %mul3A_1397 = arith.mulf %get3A_1396, %gather3A_1386 : vector<16xf32>
        %swap3A_1398 = arith.index_cast %add3A_1346 : i32 to index
        %swap3A_1399 = arith.constant 80 : index
        %swap3A_1400 = tpu.vector_load %arg13[%swap3A_1398, %swap3A_1399] {strides = array<i32>} : memref<80x136xf32, #tpu.memory_space<vmem>>, vector<16xf32>,
        tpu.vector_store %arg13[%swap3A_1398, %swap3A_1399], %mul3A_1397 {strides = array<i32>} : memref<80x136xf32, #tpu.memory_space<vmem>>, vector<16xf32>,
        %broadcast_in_dim3A_1401 = arith.constant 12 : i32
        %broadcast_in_dim3A_1402 = vector.broadcast %broadcast_in_dim3A_1401 : i32 to vector<16x1xi32>
        %gather3A_1403 = vector.shape_cast %broadcast_in_dim3A_1402 : vector<16x1xi32> to vector<16xi32>
        %gather3A_1404 = tpu.dynamic_gather %exp3A_453[%gather3A_1403] in [0] : vector<16xf32>, vector<16xi32> -> vector<16xf32>
        %get3A_1405 = arith.index_cast %add3A_1346 : i32 to index
        %get3A_1406 = arith.constant 96 : index
        %get3A_1407 = tpu.vector_load %arg12[%get3A_1405, %get3A_1406] {strides = array<i32>} : memref<80x128xf32, #tpu.memory_space<vmem>>, vector<16xf32>,
        %mul3A_1408 = arith.mulf %get3A_1407, %gather3A_1404 : vector<16xf32>
        %swap3A_1409 = arith.index_cast %add3A_1346 : i32 to index
        %swap3A_1410 = arith.constant 96 : index
        %swap3A_1411 = tpu.vector_load %arg13[%swap3A_1409, %swap3A_1410] {strides = array<i32>} : memref<80x136xf32, #tpu.memory_space<vmem>>, vector<16xf32>,
        tpu.vector_store %arg13[%swap3A_1409, %swap3A_1410], %mul3A_1408 {strides = array<i32>} : memref<80x136xf32, #tpu.memory_space<vmem>>, vector<16xf32>,
        %get3A_1412 = arith.index_cast %add3A_1346 : i32 to index
        %get3A_1413 = arith.constant 112 : index
        %get3A_1414 = tpu.vector_load %arg12[%get3A_1412, %get3A_1413] {strides = array<i32>} : memref<80x128xf32, #tpu.memory_space<vmem>>, vector<16xf32>,
        %mul3A_1415 = arith.mulf %get3A_1414, %gather3A_1404 : vector<16xf32>
        %swap3A_1416 = arith.index_cast %add3A_1346 : i32 to index
        %swap3A_1417 = arith.constant 112 : index
        %swap3A_1418 = tpu.vector_load %arg13[%swap3A_1416, %swap3A_1417] {strides = array<i32>} : memref<80x136xf32, #tpu.memory_space<vmem>>, vector<16xf32>,
        tpu.vector_store %arg13[%swap3A_1416, %swap3A_1417], %mul3A_1415 {strides = array<i32>} : memref<80x136xf32, #tpu.memory_space<vmem>>, vector<16xf32>,
        %add3A_1419 = arith.constant 13 : i32
        %add3A_1420 = arith.addi %mul3A_369, %add3A_1419 : i32
        %broadcast_in_dim3A_1421 = arith.constant 13 : i32
        %broadcast_in_dim3A_1422 = vector.broadcast %broadcast_in_dim3A_1421 : i32 to vector<16x1xi32>
        %gather3A_1423 = vector.shape_cast %broadcast_in_dim3A_1422 : vector<16x1xi32> to vector<16xi32>
        %gather3A_1424 = tpu.dynamic_gather %exp3A[%gather3A_1423] in [0] : vector<16xf32>, vector<16xi32> -> vector<16xf32>
        %get3A_1425 = arith.index_cast %add3A_1420 : i32 to index
        %get3A_1426 = arith.constant 0 : index
        %get3A_1427 = tpu.vector_load %arg12[%get3A_1425, %get3A_1426] {strides = array<i32>} : memref<80x128xf32, #tpu.memory_space<vmem>>, vector<16xf32>,
        %mul3A_1428 = arith.mulf %get3A_1427, %gather3A_1424 : vector<16xf32>
        %swap3A_1429 = arith.index_cast %add3A_1420 : i32 to index
        %swap3A_1430 = arith.constant 0 : index
        %swap3A_1431 = tpu.vector_load %arg13[%swap3A_1429, %swap3A_1430] {strides = array<i32>} : memref<80x136xf32, #tpu.memory_space<vmem>>, vector<16xf32>,
        tpu.vector_store %arg13[%swap3A_1429, %swap3A_1430], %mul3A_1428 {strides = array<i32>} : memref<80x136xf32, #tpu.memory_space<vmem>>, vector<16xf32>,
        %get3A_1432 = arith.index_cast %add3A_1420 : i32 to index
        %get3A_1433 = arith.constant 16 : index
        %get3A_1434 = tpu.vector_load %arg12[%get3A_1432, %get3A_1433] {strides = array<i32>} : memref<80x128xf32, #tpu.memory_space<vmem>>, vector<16xf32>,
        %mul3A_1435 = arith.mulf %get3A_1434, %gather3A_1424 : vector<16xf32>
        %swap3A_1436 = arith.index_cast %add3A_1420 : i32 to index
        %swap3A_1437 = arith.constant 16 : index
        %swap3A_1438 = tpu.vector_load %arg13[%swap3A_1436, %swap3A_1437] {strides = array<i32>} : memref<80x136xf32, #tpu.memory_space<vmem>>, vector<16xf32>,
        tpu.vector_store %arg13[%swap3A_1436, %swap3A_1437], %mul3A_1435 {strides = array<i32>} : memref<80x136xf32, #tpu.memory_space<vmem>>, vector<16xf32>,
        %broadcast_in_dim3A_1439 = arith.constant 13 : i32
        %broadcast_in_dim3A_1440 = vector.broadcast %broadcast_in_dim3A_1439 : i32 to vector<16x1xi32>
        %gather3A_1441 = vector.shape_cast %broadcast_in_dim3A_1440 : vector<16x1xi32> to vector<16xi32>
        %gather3A_1442 = tpu.dynamic_gather %exp3A_407[%gather3A_1441] in [0] : vector<16xf32>, vector<16xi32> -> vector<16xf32>
        %get3A_1443 = arith.index_cast %add3A_1420 : i32 to index
        %get3A_1444 = arith.constant 32 : index
        %get3A_1445 = tpu.vector_load %arg12[%get3A_1443, %get3A_1444] {strides = array<i32>} : memref<80x128xf32, #tpu.memory_space<vmem>>, vector<16xf32>,
        %mul3A_1446 = arith.mulf %get3A_1445, %gather3A_1442 : vector<16xf32>
        %swap3A_1447 = arith.index_cast %add3A_1420 : i32 to index
        %swap3A_1448 = arith.constant 32 : index
        %swap3A_1449 = tpu.vector_load %arg13[%swap3A_1447, %swap3A_1448] {strides = array<i32>} : memref<80x136xf32, #tpu.memory_space<vmem>>, vector<16xf32>,
        tpu.vector_store %arg13[%swap3A_1447, %swap3A_1448], %mul3A_1446 {strides = array<i32>} : memref<80x136xf32, #tpu.memory_space<vmem>>, vector<16xf32>,
        %get3A_1450 = arith.index_cast %add3A_1420 : i32 to index
        %get3A_1451 = arith.constant 48 : index
        %get3A_1452 = tpu.vector_load %arg12[%get3A_1450, %get3A_1451] {strides = array<i32>} : memref<80x128xf32, #tpu.memory_space<vmem>>, vector<16xf32>,
        %mul3A_1453 = arith.mulf %get3A_1452, %gather3A_1442 : vector<16xf32>
        %swap3A_1454 = arith.index_cast %add3A_1420 : i32 to index
        %swap3A_1455 = arith.constant 48 : index
        %swap3A_1456 = tpu.vector_load %arg13[%swap3A_1454, %swap3A_1455] {strides = array<i32>} : memref<80x136xf32, #tpu.memory_space<vmem>>, vector<16xf32>,
        tpu.vector_store %arg13[%swap3A_1454, %swap3A_1455], %mul3A_1453 {strides = array<i32>} : memref<80x136xf32, #tpu.memory_space<vmem>>, vector<16xf32>,
        %broadcast_in_dim3A_1457 = arith.constant 13 : i32
        %broadcast_in_dim3A_1458 = vector.broadcast %broadcast_in_dim3A_1457 : i32 to vector<16x1xi32>
        %gather3A_1459 = vector.shape_cast %broadcast_in_dim3A_1458 : vector<16x1xi32> to vector<16xi32>
        %gather3A_1460 = tpu.dynamic_gather %exp3A_430[%gather3A_1459] in [0] : vector<16xf32>, vector<16xi32> -> vector<16xf32>
        %get3A_1461 = arith.index_cast %add3A_1420 : i32 to index
        %get3A_1462 = arith.constant 64 : index
        %get3A_1463 = tpu.vector_load %arg12[%get3A_1461, %get3A_1462] {strides = array<i32>} : memref<80x128xf32, #tpu.memory_space<vmem>>, vector<16xf32>,
        %mul3A_1464 = arith.mulf %get3A_1463, %gather3A_1460 : vector<16xf32>
        %swap3A_1465 = arith.index_cast %add3A_1420 : i32 to index
        %swap3A_1466 = arith.constant 64 : index
        %swap3A_1467 = tpu.vector_load %arg13[%swap3A_1465, %swap3A_1466] {strides = array<i32>} : memref<80x136xf32, #tpu.memory_space<vmem>>, vector<16xf32>,
        tpu.vector_store %arg13[%swap3A_1465, %swap3A_1466], %mul3A_1464 {strides = array<i32>} : memref<80x136xf32, #tpu.memory_space<vmem>>, vector<16xf32>,
        %get3A_1468 = arith.index_cast %add3A_1420 : i32 to index
        %get3A_1469 = arith.constant 80 : index
        %get3A_1470 = tpu.vector_load %arg12[%get3A_1468, %get3A_1469] {strides = array<i32>} : memref<80x128xf32, #tpu.memory_space<vmem>>, vector<16xf32>,
        %mul3A_1471 = arith.mulf %get3A_1470, %gather3A_1460 : vector<16xf32>
        %swap3A_1472 = arith.index_cast %add3A_1420 : i32 to index
        %swap3A_1473 = arith.constant 80 : index
        %swap3A_1474 = tpu.vector_load %arg13[%swap3A_1472, %swap3A_1473] {strides = array<i32>} : memref<80x136xf32, #tpu.memory_space<vmem>>, vector<16xf32>,
        tpu.vector_store %arg13[%swap3A_1472, %swap3A_1473], %mul3A_1471 {strides = array<i32>} : memref<80x136xf32, #tpu.memory_space<vmem>>, vector<16xf32>,
        %broadcast_in_dim3A_1475 = arith.constant 13 : i32
        %broadcast_in_dim3A_1476 = vector.broadcast %broadcast_in_dim3A_1475 : i32 to vector<16x1xi32>
        %gather3A_1477 = vector.shape_cast %broadcast_in_dim3A_1476 : vector<16x1xi32> to vector<16xi32>
        %gather3A_1478 = tpu.dynamic_gather %exp3A_453[%gather3A_1477] in [0] : vector<16xf32>, vector<16xi32> -> vector<16xf32>
        %get3A_1479 = arith.index_cast %add3A_1420 : i32 to index
        %get3A_1480 = arith.constant 96 : index
        %get3A_1481 = tpu.vector_load %arg12[%get3A_1479, %get3A_1480] {strides = array<i32>} : memref<80x128xf32, #tpu.memory_space<vmem>>, vector<16xf32>,
        %mul3A_1482 = arith.mulf %get3A_1481, %gather3A_1478 : vector<16xf32>
        %swap3A_1483 = arith.index_cast %add3A_1420 : i32 to index
        %swap3A_1484 = arith.constant 96 : index
        %swap3A_1485 = tpu.vector_load %arg13[%swap3A_1483, %swap3A_1484] {strides = array<i32>} : memref<80x136xf32, #tpu.memory_space<vmem>>, vector<16xf32>,
        tpu.vector_store %arg13[%swap3A_1483, %swap3A_1484], %mul3A_1482 {strides = array<i32>} : memref<80x136xf32, #tpu.memory_space<vmem>>, vector<16xf32>,
        %get3A_1486 = arith.index_cast %add3A_1420 : i32 to index
        %get3A_1487 = arith.constant 112 : index
        %get3A_1488 = tpu.vector_load %arg12[%get3A_1486, %get3A_1487] {strides = array<i32>} : memref<80x128xf32, #tpu.memory_space<vmem>>, vector<16xf32>,
        %mul3A_1489 = arith.mulf %get3A_1488, %gather3A_1478 : vector<16xf32>
        %swap3A_1490 = arith.index_cast %add3A_1420 : i32 to index
        %swap3A_1491 = arith.constant 112 : index
        %swap3A_1492 = tpu.vector_load %arg13[%swap3A_1490, %swap3A_1491] {strides = array<i32>} : memref<80x136xf32, #tpu.memory_space<vmem>>, vector<16xf32>,
        tpu.vector_store %arg13[%swap3A_1490, %swap3A_1491], %mul3A_1489 {strides = array<i32>} : memref<80x136xf32, #tpu.memory_space<vmem>>, vector<16xf32>,
        %add3A_1493 = arith.constant 14 : i32
        %add3A_1494 = arith.addi %mul3A_369, %add3A_1493 : i32
        %broadcast_in_dim3A_1495 = arith.constant 14 : i32
        %broadcast_in_dim3A_1496 = vector.broadcast %broadcast_in_dim3A_1495 : i32 to vector<16x1xi32>
        %gather3A_1497 = vector.shape_cast %broadcast_in_dim3A_1496 : vector<16x1xi32> to vector<16xi32>
        %gather3A_1498 = tpu.dynamic_gather %exp3A[%gather3A_1497] in [0] : vector<16xf32>, vector<16xi32> -> vector<16xf32>
        %get3A_1499 = arith.index_cast %add3A_1494 : i32 to index
        %get3A_1500 = arith.constant 0 : index
        %get3A_1501 = tpu.vector_load %arg12[%get3A_1499, %get3A_1500] {strides = array<i32>} : memref<80x128xf32, #tpu.memory_space<vmem>>, vector<16xf32>,
        %mul3A_1502 = arith.mulf %get3A_1501, %gather3A_1498 : vector<16xf32>
        %swap3A_1503 = arith.index_cast %add3A_1494 : i32 to index
        %swap3A_1504 = arith.constant 0 : index
        %swap3A_1505 = tpu.vector_load %arg13[%swap3A_1503, %swap3A_1504] {strides = array<i32>} : memref<80x136xf32, #tpu.memory_space<vmem>>, vector<16xf32>,
        tpu.vector_store %arg13[%swap3A_1503, %swap3A_1504], %mul3A_1502 {strides = array<i32>} : memref<80x136xf32, #tpu.memory_space<vmem>>, vector<16xf32>,
        %get3A_1506 = arith.index_cast %add3A_1494 : i32 to index
        %get3A_1507 = arith.constant 16 : index
        %get3A_1508 = tpu.vector_load %arg12[%get3A_1506, %get3A_1507] {strides = array<i32>} : memref<80x128xf32, #tpu.memory_space<vmem>>, vector<16xf32>,
        %mul3A_1509 = arith.mulf %get3A_1508, %gather3A_1498 : vector<16xf32>
        %swap3A_1510 = arith.index_cast %add3A_1494 : i32 to index
        %swap3A_1511 = arith.constant 16 : index
        %swap3A_1512 = tpu.vector_load %arg13[%swap3A_1510, %swap3A_1511] {strides = array<i32>} : memref<80x136xf32, #tpu.memory_space<vmem>>, vector<16xf32>,
        tpu.vector_store %arg13[%swap3A_1510, %swap3A_1511], %mul3A_1509 {strides = array<i32>} : memref<80x136xf32, #tpu.memory_space<vmem>>, vector<16xf32>,
        %broadcast_in_dim3A_1513 = arith.constant 14 : i32
        %broadcast_in_dim3A_1514 = vector.broadcast %broadcast_in_dim3A_1513 : i32 to vector<16x1xi32>
        %gather3A_1515 = vector.shape_cast %broadcast_in_dim3A_1514 : vector<16x1xi32> to vector<16xi32>
        %gather3A_1516 = tpu.dynamic_gather %exp3A_407[%gather3A_1515] in [0] : vector<16xf32>, vector<16xi32> -> vector<16xf32>
        %get3A_1517 = arith.index_cast %add3A_1494 : i32 to index
        %get3A_1518 = arith.constant 32 : index
        %get3A_1519 = tpu.vector_load %arg12[%get3A_1517, %get3A_1518] {strides = array<i32>} : memref<80x128xf32, #tpu.memory_space<vmem>>, vector<16xf32>,
        %mul3A_1520 = arith.mulf %get3A_1519, %gather3A_1516 : vector<16xf32>
        %swap3A_1521 = arith.index_cast %add3A_1494 : i32 to index
        %swap3A_1522 = arith.constant 32 : index
        %swap3A_1523 = tpu.vector_load %arg13[%swap3A_1521, %swap3A_1522] {strides = array<i32>} : memref<80x136xf32, #tpu.memory_space<vmem>>, vector<16xf32>,
        tpu.vector_store %arg13[%swap3A_1521, %swap3A_1522], %mul3A_1520 {strides = array<i32>} : memref<80x136xf32, #tpu.memory_space<vmem>>, vector<16xf32>,
        %get3A_1524 = arith.index_cast %add3A_1494 : i32 to index
        %get3A_1525 = arith.constant 48 : index
        %get3A_1526 = tpu.vector_load %arg12[%get3A_1524, %get3A_1525] {strides = array<i32>} : memref<80x128xf32, #tpu.memory_space<vmem>>, vector<16xf32>,
        %mul3A_1527 = arith.mulf %get3A_1526, %gather3A_1516 : vector<16xf32>
        %swap3A_1528 = arith.index_cast %add3A_1494 : i32 to index
        %swap3A_1529 = arith.constant 48 : index
        %swap3A_1530 = tpu.vector_load %arg13[%swap3A_1528, %swap3A_1529] {strides = array<i32>} : memref<80x136xf32, #tpu.memory_space<vmem>>, vector<16xf32>,
        tpu.vector_store %arg13[%swap3A_1528, %swap3A_1529], %mul3A_1527 {strides = array<i32>} : memref<80x136xf32, #tpu.memory_space<vmem>>, vector<16xf32>,
        %broadcast_in_dim3A_1531 = arith.constant 14 : i32
        %broadcast_in_dim3A_1532 = vector.broadcast %broadcast_in_dim3A_1531 : i32 to vector<16x1xi32>
        %gather3A_1533 = vector.shape_cast %broadcast_in_dim3A_1532 : vector<16x1xi32> to vector<16xi32>
        %gather3A_1534 = tpu.dynamic_gather %exp3A_430[%gather3A_1533] in [0] : vector<16xf32>, vector<16xi32> -> vector<16xf32>
        %get3A_1535 = arith.index_cast %add3A_1494 : i32 to index
        %get3A_1536 = arith.constant 64 : index
        %get3A_1537 = tpu.vector_load %arg12[%get3A_1535, %get3A_1536] {strides = array<i32>} : memref<80x128xf32, #tpu.memory_space<vmem>>, vector<16xf32>,
        %mul3A_1538 = arith.mulf %get3A_1537, %gather3A_1534 : vector<16xf32>
        %swap3A_1539 = arith.index_cast %add3A_1494 : i32 to index
        %swap3A_1540 = arith.constant 64 : index
        %swap3A_1541 = tpu.vector_load %arg13[%swap3A_1539, %swap3A_1540] {strides = array<i32>} : memref<80x136xf32, #tpu.memory_space<vmem>>, vector<16xf32>,
        tpu.vector_store %arg13[%swap3A_1539, %swap3A_1540], %mul3A_1538 {strides = array<i32>} : memref<80x136xf32, #tpu.memory_space<vmem>>, vector<16xf32>,
        %get3A_1542 = arith.index_cast %add3A_1494 : i32 to index
        %get3A_1543 = arith.constant 80 : index
        %get3A_1544 = tpu.vector_load %arg12[%get3A_1542, %get3A_1543] {strides = array<i32>} : memref<80x128xf32, #tpu.memory_space<vmem>>, vector<16xf32>,
        %mul3A_1545 = arith.mulf %get3A_1544, %gather3A_1534 : vector<16xf32>
        %swap3A_1546 = arith.index_cast %add3A_1494 : i32 to index
        %swap3A_1547 = arith.constant 80 : index
        %swap3A_1548 = tpu.vector_load %arg13[%swap3A_1546, %swap3A_1547] {strides = array<i32>} : memref<80x136xf32, #tpu.memory_space<vmem>>, vector<16xf32>,
        tpu.vector_store %arg13[%swap3A_1546, %swap3A_1547], %mul3A_1545 {strides = array<i32>} : memref<80x136xf32, #tpu.memory_space<vmem>>, vector<16xf32>,
        %broadcast_in_dim3A_1549 = arith.constant 14 : i32
        %broadcast_in_dim3A_1550 = vector.broadcast %broadcast_in_dim3A_1549 : i32 to vector<16x1xi32>
        %gather3A_1551 = vector.shape_cast %broadcast_in_dim3A_1550 : vector<16x1xi32> to vector<16xi32>
        %gather3A_1552 = tpu.dynamic_gather %exp3A_453[%gather3A_1551] in [0] : vector<16xf32>, vector<16xi32> -> vector<16xf32>
        %get3A_1553 = arith.index_cast %add3A_1494 : i32 to index
        %get3A_1554 = arith.constant 96 : index
        %get3A_1555 = tpu.vector_load %arg12[%get3A_1553, %get3A_1554] {strides = array<i32>} : memref<80x128xf32, #tpu.memory_space<vmem>>, vector<16xf32>,
        %mul3A_1556 = arith.mulf %get3A_1555, %gather3A_1552 : vector<16xf32>
        %swap3A_1557 = arith.index_cast %add3A_1494 : i32 to index
        %swap3A_1558 = arith.constant 96 : index
        %swap3A_1559 = tpu.vector_load %arg13[%swap3A_1557, %swap3A_1558] {strides = array<i32>} : memref<80x136xf32, #tpu.memory_space<vmem>>, vector<16xf32>,
        tpu.vector_store %arg13[%swap3A_1557, %swap3A_1558], %mul3A_1556 {strides = array<i32>} : memref<80x136xf32, #tpu.memory_space<vmem>>, vector<16xf32>,
        %get3A_1560 = arith.index_cast %add3A_1494 : i32 to index
        %get3A_1561 = arith.constant 112 : index
        %get3A_1562 = tpu.vector_load %arg12[%get3A_1560, %get3A_1561] {strides = array<i32>} : memref<80x128xf32, #tpu.memory_space<vmem>>, vector<16xf32>,
        %mul3A_1563 = arith.mulf %get3A_1562, %gather3A_1552 : vector<16xf32>
        %swap3A_1564 = arith.index_cast %add3A_1494 : i32 to index
        %swap3A_1565 = arith.constant 112 : index
        %swap3A_1566 = tpu.vector_load %arg13[%swap3A_1564, %swap3A_1565] {strides = array<i32>} : memref<80x136xf32, #tpu.memory_space<vmem>>, vector<16xf32>,
        tpu.vector_store %arg13[%swap3A_1564, %swap3A_1565], %mul3A_1563 {strides = array<i32>} : memref<80x136xf32, #tpu.memory_space<vmem>>, vector<16xf32>,
        %add3A_1567 = arith.constant 15 : i32
        %add3A_1568 = arith.addi %mul3A_369, %add3A_1567 : i32
        %broadcast_in_dim3A_1569 = arith.constant 15 : i32
        %broadcast_in_dim3A_1570 = vector.broadcast %broadcast_in_dim3A_1569 : i32 to vector<16x1xi32>
        %gather3A_1571 = vector.shape_cast %broadcast_in_dim3A_1570 : vector<16x1xi32> to vector<16xi32>
        %gather3A_1572 = tpu.dynamic_gather %exp3A[%gather3A_1571] in [0] : vector<16xf32>, vector<16xi32> -> vector<16xf32>
        %get3A_1573 = arith.index_cast %add3A_1568 : i32 to index
        %get3A_1574 = arith.constant 0 : index
        %get3A_1575 = tpu.vector_load %arg12[%get3A_1573, %get3A_1574] {strides = array<i32>} : memref<80x128xf32, #tpu.memory_space<vmem>>, vector<16xf32>,
        %mul3A_1576 = arith.mulf %get3A_1575, %gather3A_1572 : vector<16xf32>
        %swap3A_1577 = arith.index_cast %add3A_1568 : i32 to index
        %swap3A_1578 = arith.constant 0 : index
        %swap3A_1579 = tpu.vector_load %arg13[%swap3A_1577, %swap3A_1578] {strides = array<i32>} : memref<80x136xf32, #tpu.memory_space<vmem>>, vector<16xf32>,
        tpu.vector_store %arg13[%swap3A_1577, %swap3A_1578], %mul3A_1576 {strides = array<i32>} : memref<80x136xf32, #tpu.memory_space<vmem>>, vector<16xf32>,
        %get3A_1580 = arith.index_cast %add3A_1568 : i32 to index
        %get3A_1581 = arith.constant 16 : index
        %get3A_1582 = tpu.vector_load %arg12[%get3A_1580, %get3A_1581] {strides = array<i32>} : memref<80x128xf32, #tpu.memory_space<vmem>>, vector<16xf32>,
        %mul3A_1583 = arith.mulf %get3A_1582, %gather3A_1572 : vector<16xf32>
        %swap3A_1584 = arith.index_cast %add3A_1568 : i32 to index
        %swap3A_1585 = arith.constant 16 : index
        %swap3A_1586 = tpu.vector_load %arg13[%swap3A_1584, %swap3A_1585] {strides = array<i32>} : memref<80x136xf32, #tpu.memory_space<vmem>>, vector<16xf32>,
        tpu.vector_store %arg13[%swap3A_1584, %swap3A_1585], %mul3A_1583 {strides = array<i32>} : memref<80x136xf32, #tpu.memory_space<vmem>>, vector<16xf32>,
        %broadcast_in_dim3A_1587 = arith.constant 15 : i32
        %broadcast_in_dim3A_1588 = vector.broadcast %broadcast_in_dim3A_1587 : i32 to vector<16x1xi32>
        %gather3A_1589 = vector.shape_cast %broadcast_in_dim3A_1588 : vector<16x1xi32> to vector<16xi32>
        %gather3A_1590 = tpu.dynamic_gather %exp3A_407[%gather3A_1589] in [0] : vector<16xf32>, vector<16xi32> -> vector<16xf32>
        %get3A_1591 = arith.index_cast %add3A_1568 : i32 to index
        %get3A_1592 = arith.constant 32 : index
        %get3A_1593 = tpu.vector_load %arg12[%get3A_1591, %get3A_1592] {strides = array<i32>} : memref<80x128xf32, #tpu.memory_space<vmem>>, vector<16xf32>,
        %mul3A_1594 = arith.mulf %get3A_1593, %gather3A_1590 : vector<16xf32>
        %swap3A_1595 = arith.index_cast %add3A_1568 : i32 to index
        %swap3A_1596 = arith.constant 32 : index
        %swap3A_1597 = tpu.vector_load %arg13[%swap3A_1595, %swap3A_1596] {strides = array<i32>} : memref<80x136xf32, #tpu.memory_space<vmem>>, vector<16xf32>,
        tpu.vector_store %arg13[%swap3A_1595, %swap3A_1596], %mul3A_1594 {strides = array<i32>} : memref<80x136xf32, #tpu.memory_space<vmem>>, vector<16xf32>,
        %get3A_1598 = arith.index_cast %add3A_1568 : i32 to index
        %get3A_1599 = arith.constant 48 : index
        %get3A_1600 = tpu.vector_load %arg12[%get3A_1598, %get3A_1599] {strides = array<i32>} : memref<80x128xf32, #tpu.memory_space<vmem>>, vector<16xf32>,
        %mul3A_1601 = arith.mulf %get3A_1600, %gather3A_1590 : vector<16xf32>
        %swap3A_1602 = arith.index_cast %add3A_1568 : i32 to index
        %swap3A_1603 = arith.constant 48 : index
        %swap3A_1604 = tpu.vector_load %arg13[%swap3A_1602, %swap3A_1603] {strides = array<i32>} : memref<80x136xf32, #tpu.memory_space<vmem>>, vector<16xf32>,
        tpu.vector_store %arg13[%swap3A_1602, %swap3A_1603], %mul3A_1601 {strides = array<i32>} : memref<80x136xf32, #tpu.memory_space<vmem>>, vector<16xf32>,
        %broadcast_in_dim3A_1605 = arith.constant 15 : i32
        %broadcast_in_dim3A_1606 = vector.broadcast %broadcast_in_dim3A_1605 : i32 to vector<16x1xi32>
        %gather3A_1607 = vector.shape_cast %broadcast_in_dim3A_1606 : vector<16x1xi32> to vector<16xi32>
        %gather3A_1608 = tpu.dynamic_gather %exp3A_430[%gather3A_1607] in [0] : vector<16xf32>, vector<16xi32> -> vector<16xf32>
        %get3A_1609 = arith.index_cast %add3A_1568 : i32 to index
        %get3A_1610 = arith.constant 64 : index
        %get3A_1611 = tpu.vector_load %arg12[%get3A_1609, %get3A_1610] {strides = array<i32>} : memref<80x128xf32, #tpu.memory_space<vmem>>, vector<16xf32>,
        %mul3A_1612 = arith.mulf %get3A_1611, %gather3A_1608 : vector<16xf32>
        %swap3A_1613 = arith.index_cast %add3A_1568 : i32 to index
        %swap3A_1614 = arith.constant 64 : index
        %swap3A_1615 = tpu.vector_load %arg13[%swap3A_1613, %swap3A_1614] {strides = array<i32>} : memref<80x136xf32, #tpu.memory_space<vmem>>, vector<16xf32>,
        tpu.vector_store %arg13[%swap3A_1613, %swap3A_1614], %mul3A_1612 {strides = array<i32>} : memref<80x136xf32, #tpu.memory_space<vmem>>, vector<16xf32>,
        %get3A_1616 = arith.index_cast %add3A_1568 : i32 to index
        %get3A_1617 = arith.constant 80 : index
        %get3A_1618 = tpu.vector_load %arg12[%get3A_1616, %get3A_1617] {strides = array<i32>} : memref<80x128xf32, #tpu.memory_space<vmem>>, vector<16xf32>,
        %mul3A_1619 = arith.mulf %get3A_1618, %gather3A_1608 : vector<16xf32>
        %swap3A_1620 = arith.index_cast %add3A_1568 : i32 to index
        %swap3A_1621 = arith.constant 80 : index
        %swap3A_1622 = tpu.vector_load %arg13[%swap3A_1620, %swap3A_1621] {strides = array<i32>} : memref<80x136xf32, #tpu.memory_space<vmem>>, vector<16xf32>,
        tpu.vector_store %arg13[%swap3A_1620, %swap3A_1621], %mul3A_1619 {strides = array<i32>} : memref<80x136xf32, #tpu.memory_space<vmem>>, vector<16xf32>,
        %broadcast_in_dim3A_1623 = arith.constant 15 : i32
        %broadcast_in_dim3A_1624 = vector.broadcast %broadcast_in_dim3A_1623 : i32 to vector<16x1xi32>
        %gather3A_1625 = vector.shape_cast %broadcast_in_dim3A_1624 : vector<16x1xi32> to vector<16xi32>
        %gather3A_1626 = tpu.dynamic_gather %exp3A_453[%gather3A_1625] in [0] : vector<16xf32>, vector<16xi32> -> vector<16xf32>
        %get3A_1627 = arith.index_cast %add3A_1568 : i32 to index
        %get3A_1628 = arith.constant 96 : index
        %get3A_1629 = tpu.vector_load %arg12[%get3A_1627, %get3A_1628] {strides = array<i32>} : memref<80x128xf32, #tpu.memory_space<vmem>>, vector<16xf32>,
        %mul3A_1630 = arith.mulf %get3A_1629, %gather3A_1626 : vector<16xf32>
        %swap3A_1631 = arith.index_cast %add3A_1568 : i32 to index
        %swap3A_1632 = arith.constant 96 : index
        %swap3A_1633 = tpu.vector_load %arg13[%swap3A_1631, %swap3A_1632] {strides = array<i32>} : memref<80x136xf32, #tpu.memory_space<vmem>>, vector<16xf32>,
        tpu.vector_store %arg13[%swap3A_1631, %swap3A_1632], %mul3A_1630 {strides = array<i32>} : memref<80x136xf32, #tpu.memory_space<vmem>>, vector<16xf32>,
        %get3A_1634 = arith.index_cast %add3A_1568 : i32 to index
        %get3A_1635 = arith.constant 112 : index
        %get3A_1636 = tpu.vector_load %arg12[%get3A_1634, %get3A_1635] {strides = array<i32>} : memref<80x128xf32, #tpu.memory_space<vmem>>, vector<16xf32>,
        %mul3A_1637 = arith.mulf %get3A_1636, %gather3A_1626 : vector<16xf32>
        %swap3A_1638 = arith.index_cast %add3A_1568 : i32 to index
        %swap3A_1639 = arith.constant 112 : index
        %swap3A_1640 = tpu.vector_load %arg13[%swap3A_1638, %swap3A_1639] {strides = array<i32>} : memref<80x136xf32, #tpu.memory_space<vmem>>, vector<16xf32>,
        tpu.vector_store %arg13[%swap3A_1638, %swap3A_1639], %mul3A_1637 {strides = array<i32>} : memref<80x136xf32, #tpu.memory_space<vmem>>, vector<16xf32>,
      }
      %scan3A_360 = arith.constant 5 : i32
      %dma_start3A_361 = arith.constant 0 : i32
      %dma_start3A_362 = arith.constant 0 : i32
      %dma_start3A_363 = tpu.memref_slice %arg14[%dma_start3A_361, %dma_start3A_362] : memref<10240x136xf32, #tpu.memory_space<vmem_shared>> -> memref<10240x136xf32, #tpu.memory_space<vmem_shared>>
      tpu.enqueue_indirect_dma source(%arg13 : memref<80x136xf32, #tpu.memory_space<vmem>>) target(%dma_start3A_363 : memref<10240x136xf32, #tpu.memory_space<vmem_shared>>) offsets(%arg10 : memref<80xi32, #tpu.memory_space<vmem>>) semaphore(%arg16 : memref<!tpu.dma_semaphore, #tpu.memory_space<semaphore_mem>>) {add = true}
      %dma_wait3A_364 = arith.constant 0 : i32
      %dma_wait3A_365 = arith.constant 0 : i32
      %dma_wait3A_366 = tpu.memref_slice %arg14[%dma_wait3A_364, %dma_wait3A_365] : memref<10240x136xf32, #tpu.memory_space<vmem_shared>> -> memref<10240x136xf32, #tpu.memory_space<vmem_shared>>
      tpu.wait_indirect_dma semaphore(%arg16 : memref<!tpu.dma_semaphore, #tpu.memory_space<semaphore_mem>>) src(%arg13 : memref<80x136xf32, #tpu.memory_space<vmem>>) dst(%dma_wait3A_366 : memref<10240x136xf32, #tpu.memory_space<vmem_shared>>)
    }
    %scan3A_329 = arith.constant 125 : i32
    %barrier3A_330 = arith.constant 0 : index
    tpu.barrier barrier_id(%barrier3A_330)
    %mul3A_331 = arith.constant 640 : i32
    %mul3A_332 = arith.muli %arg1, %mul3A_331 : i32
    %mul3A_333 = arith.constant 640 : i32
    %mul3A_334 = arith.muli %arg1, %mul3A_333 : i32
    "tpu.region"() ({
      %run_scoped3A = tpu.sem_alloc : memref<!tpu.dma_semaphore, #tpu.memory_space<semaphore_mem>>
      %dma_start3A = arith.constant 0 : i32
      %dma_start3A_335 = tpu.memref_slice %arg7[%arg0, %mul3A_334, %dma_start3A] : memref<2x10240x136xf32, #tpu.memory_space<hbm>> -> memref<1x640x136xf32, #tpu.memory_space<hbm>>
      %dma_start3A_336 = tpu.memref_squeeze %dma_start3A_335 : memref<1x640x136xf32, #tpu.memory_space<hbm>> -> memref<640x136xf32, #tpu.memory_space<hbm>>
      %dma_start3A_337 = arith.constant 0 : i32
      %dma_start3A_338 = tpu.memref_slice %arg14[%mul3A_332, %dma_start3A_337] : memref<10240x136xf32, #tpu.memory_space<vmem_shared>> -> memref<640x136xf32, #tpu.memory_space<vmem_shared>>
      tpu.enqueue_dma source(%dma_start3A_338 : memref<640x136xf32, #tpu.memory_space<vmem_shared>>) target(%dma_start3A_336 : memref<640x136xf32, #tpu.memory_space<hbm>>) target_semaphore(%run_scoped3A : memref<!tpu.dma_semaphore, #tpu.memory_space<semaphore_mem>>)
      %dma_wait3A = arith.constant 0 : i32
      %dma_wait3A_339 = tpu.memref_slice %arg7[%arg0, %mul3A_334, %dma_wait3A] : memref<2x10240x136xf32, #tpu.memory_space<hbm>> -> memref<1x640x136xf32, #tpu.memory_space<hbm>>
      %dma_wait3A_340 = tpu.memref_squeeze %dma_wait3A_339 : memref<1x640x136xf32, #tpu.memory_space<hbm>> -> memref<640x136xf32, #tpu.memory_space<hbm>>
      %dma_wait3A_341 = arith.constant 0 : i32
      %dma_wait3A_342 = tpu.memref_slice %arg14[%mul3A_332, %dma_wait3A_341] : memref<10240x136xf32, #tpu.memory_space<vmem_shared>> -> memref<640x136xf32, #tpu.memory_space<vmem_shared>>
      tpu.wait_dma2 semaphore(%run_scoped3A : memref<!tpu.dma_semaphore, #tpu.memory_space<semaphore_mem>>) src(%dma_wait3A_342 : memref<640x136xf32, #tpu.memory_space<vmem_shared>>) dst(%dma_wait3A_340 : memref<640x136xf32, #tpu.memory_space<hbm>>)
      tpu.yield
    }) : () -> ()
    return
  }
}

module attributes {stable_mosaic.version = 14 : i64} {
  func.func @_tc0_body(%arg0: i32, %arg1: memref<2000x128xf32, #tpu.memory_space<vmem>>, %arg2: memref<128x32xf32, #tpu.memory_space<vmem>>, %arg3: memref<128x32xf32, #tpu.memory_space<vmem>>, %arg4: memref<128x32xf32, #tpu.memory_space<vmem>>, %arg5: memref<128x32xf32, #tpu.memory_space<vmem>>, %arg6: memref<64x1xf32, #tpu.memory_space<vmem>>, %arg7: memref<64x1xf32, #tpu.memory_space<vmem>>, %arg8: memref<64x1xf32, #tpu.memory_space<vmem>>, %arg9: memref<64x1xf32, #tpu.memory_space<vmem>>, %arg10: memref<2000x128xf32, #tpu.memory_space<vmem>>, %arg11: memref<2000x8xf32, #tpu.memory_space<vmem>>) attributes {dimension_semantics = [#tpu.dimension_semantics<arbitrary>], iteration_bounds = array<i64: 5>, scalar_prefetch = 0 : i64, scratch_operands = 0 : i64, tpu.core_type = #tpu.core_type<tc>, window_params = [{transform_indices = @transform_0, window_bounds = array<i64: 2000, 128>}, {pipeline_mode = #tpu.pipeline_mode<synchronous>, transform_indices = @transform_1, window_bounds = array<i64: 128, 32>}, {pipeline_mode = #tpu.pipeline_mode<synchronous>, transform_indices = @transform_2, window_bounds = array<i64: 128, 32>}, {pipeline_mode = #tpu.pipeline_mode<synchronous>, transform_indices = @transform_3, window_bounds = array<i64: 128, 32>}, {pipeline_mode = #tpu.pipeline_mode<synchronous>, transform_indices = @transform_4, window_bounds = array<i64: 128, 32>}, {pipeline_mode = #tpu.pipeline_mode<synchronous>, transform_indices = @transform_5, window_bounds = array<i64: 64, 1>}, {pipeline_mode = #tpu.pipeline_mode<synchronous>, transform_indices = @transform_6, window_bounds = array<i64: 64, 1>}, {pipeline_mode = #tpu.pipeline_mode<synchronous>, transform_indices = @transform_7, window_bounds = array<i64: 64, 1>}, {pipeline_mode = #tpu.pipeline_mode<synchronous>, transform_indices = @transform_8, window_bounds = array<i64: 64, 1>}, {transform_indices = @transform_9, window_bounds = array<i64: 2000, 128>}, {transform_indices = @transform_10, window_bounds = array<i64: 2000, 8>}]} {
    %get3A = arith.constant 0 : index
    %get3A_0 = arith.constant 0 : index
    %get3A_1 = vector.load %arg1[%get3A, %get3A_0] : memref<2000x128xf32, #tpu.memory_space<vmem>>, vector<2000x128xf32>
    %get3A_2 = arith.constant 0 : index
    %get3A_3 = arith.constant 0 : index
    %get3A_4 = vector.load %arg2[%get3A_2, %get3A_3] : memref<128x32xf32, #tpu.memory_space<vmem>>, vector<128x32xf32>
    %get3A_5 = arith.constant 0 : index
    %get3A_6 = arith.constant 0 : index
    %get3A_7 = vector.load %arg3[%get3A_5, %get3A_6] : memref<128x32xf32, #tpu.memory_space<vmem>>, vector<128x32xf32>
    %get3A_8 = arith.constant 0 : index
    %get3A_9 = arith.constant 0 : index
    %get3A_10 = vector.load %arg4[%get3A_8, %get3A_9] : memref<128x32xf32, #tpu.memory_space<vmem>>, vector<128x32xf32>
    %get3A_11 = arith.constant 0 : index
    %get3A_12 = arith.constant 0 : index
    %get3A_13 = vector.load %arg5[%get3A_11, %get3A_12] : memref<128x32xf32, #tpu.memory_space<vmem>>, vector<128x32xf32>
    %get3A_14 = arith.constant 0 : index
    %get3A_15 = arith.constant 0 : index
    %get3A_16 = vector.load %arg6[%get3A_14, %get3A_15] : memref<64x1xf32, #tpu.memory_space<vmem>>, vector<64x1xf32>
    %get3A_17 = arith.constant 0 : index
    %get3A_18 = arith.constant 0 : index
    %get3A_19 = vector.load %arg7[%get3A_17, %get3A_18] : memref<64x1xf32, #tpu.memory_space<vmem>>, vector<64x1xf32>
    %get3A_20 = arith.constant 0 : index
    %get3A_21 = arith.constant 0 : index
    %get3A_22 = vector.load %arg8[%get3A_20, %get3A_21] : memref<64x1xf32, #tpu.memory_space<vmem>>, vector<64x1xf32>
    %get3A_23 = arith.constant 0 : index
    %get3A_24 = arith.constant 0 : index
    %get3A_25 = vector.load %arg9[%get3A_23, %get3A_24] : memref<64x1xf32, #tpu.memory_space<vmem>>, vector<64x1xf32>
    %dot_general3A = arith.constant dense<0.000000e+00> : vector<2000x32xf32>
    %dot_general3A_26 = tpu.matmul %get3A_1, %get3A_4, %dot_general3A {dimension_numbers = #tpu.dot_dimension_numbers<[1], [0], [0], [1], [0, 0, 1, 1], [], []>, transpose_lhs_hint = false} : vector<2000x128xf32>, vector<128x32xf32>, vector<2000x32xf32> -> vector<2000x32xf32>
    %dot_general3A_27 = arith.constant dense<0.000000e+00> : vector<2000x32xf32>
    %dot_general3A_28 = tpu.matmul %get3A_1, %get3A_7, %dot_general3A_27 {dimension_numbers = #tpu.dot_dimension_numbers<[1], [0], [0], [1], [0, 0, 1, 1], [], []>, transpose_lhs_hint = false} : vector<2000x128xf32>, vector<128x32xf32>, vector<2000x32xf32> -> vector<2000x32xf32>
    %dot_general3A_29 = arith.constant dense<0.000000e+00> : vector<2000x32xf32>
    %dot_general3A_30 = tpu.matmul %get3A_1, %get3A_10, %dot_general3A_29 {dimension_numbers = #tpu.dot_dimension_numbers<[1], [0], [0], [1], [0, 0, 1, 1], [], []>, transpose_lhs_hint = false} : vector<2000x128xf32>, vector<128x32xf32>, vector<2000x32xf32> -> vector<2000x32xf32>
    %dot_general3A_31 = arith.constant dense<0.000000e+00> : vector<2000x32xf32>
    %dot_general3A_32 = tpu.matmul %get3A_1, %get3A_13, %dot_general3A_31 {dimension_numbers = #tpu.dot_dimension_numbers<[1], [0], [0], [1], [0, 0, 1, 1], [], []>, transpose_lhs_hint = false} : vector<2000x128xf32>, vector<128x32xf32>, vector<2000x32xf32> -> vector<2000x32xf32>
    %concatenate3A = tpu.concatenate %dot_general3A_26, %dot_general3A_28, %dot_general3A_30, %dot_general3A_32 in 1 : vector<2000x32xf32>, vector<2000x32xf32>, vector<2000x32xf32>, vector<2000x32xf32> -> vector<2000x128xf32>
    %swap3A = arith.constant 0 : index
    %swap3A_33 = arith.constant 0 : index
    %swap3A_34 = vector.load %arg10[%swap3A, %swap3A_33] : memref<2000x128xf32, #tpu.memory_space<vmem>>, vector<2000x128xf32>
    tpu.vector_store %arg10[%swap3A, %swap3A_33], %concatenate3A {strides = array<i32>} : memref<2000x128xf32, #tpu.memory_space<vmem>>, vector<2000x128xf32>,
    %slice3A = vector.extract_strided_slice %get3A_16 {offsets = [0, 0], sizes = [32, 1], strides = [1, 1]} : vector<64x1xf32> to vector<32x1xf32>
    %dot_general3A_35 = arith.constant dense<0.000000e+00> : vector<2000x1xf32>
    %dot_general3A_36 = tpu.matmul %dot_general3A_26, %slice3A, %dot_general3A_35 {dimension_numbers = #tpu.dot_dimension_numbers<[1], [0], [0], [1], [0, 0, 1, 1], [], []>, transpose_lhs_hint = false} : vector<2000x32xf32>, vector<32x1xf32>, vector<2000x1xf32> -> vector<2000x1xf32>
    %slice3A_37 = vector.extract_strided_slice %get3A_19 {offsets = [0, 0], sizes = [32, 1], strides = [1, 1]} : vector<64x1xf32> to vector<32x1xf32>
    %dot_general3A_38 = arith.constant dense<0.000000e+00> : vector<2000x1xf32>
    %dot_general3A_39 = tpu.matmul %dot_general3A_28, %slice3A_37, %dot_general3A_38 {dimension_numbers = #tpu.dot_dimension_numbers<[1], [0], [0], [1], [0, 0, 1, 1], [], []>, transpose_lhs_hint = false} : vector<2000x32xf32>, vector<32x1xf32>, vector<2000x1xf32> -> vector<2000x1xf32>
    %slice3A_40 = vector.extract_strided_slice %get3A_22 {offsets = [0, 0], sizes = [32, 1], strides = [1, 1]} : vector<64x1xf32> to vector<32x1xf32>
    %dot_general3A_41 = arith.constant dense<0.000000e+00> : vector<2000x1xf32>
    %dot_general3A_42 = tpu.matmul %dot_general3A_30, %slice3A_40, %dot_general3A_41 {dimension_numbers = #tpu.dot_dimension_numbers<[1], [0], [0], [1], [0, 0, 1, 1], [], []>, transpose_lhs_hint = false} : vector<2000x32xf32>, vector<32x1xf32>, vector<2000x1xf32> -> vector<2000x1xf32>
    %slice3A_43 = vector.extract_strided_slice %get3A_25 {offsets = [0, 0], sizes = [32, 1], strides = [1, 1]} : vector<64x1xf32> to vector<32x1xf32>
    %dot_general3A_44 = arith.constant dense<0.000000e+00> : vector<2000x1xf32>
    %dot_general3A_45 = tpu.matmul %dot_general3A_32, %slice3A_43, %dot_general3A_44 {dimension_numbers = #tpu.dot_dimension_numbers<[1], [0], [0], [1], [0, 0, 1, 1], [], []>, transpose_lhs_hint = false} : vector<2000x32xf32>, vector<32x1xf32>, vector<2000x1xf32> -> vector<2000x1xf32>
    %slice3A_46 = vector.extract_strided_slice %get3A_16 {offsets = [32, 0], sizes = [32, 1], strides = [1, 1]} : vector<64x1xf32> to vector<32x1xf32>
    %dot_general3A_47 = arith.constant dense<0.000000e+00> : vector<2000x1xf32>
    %dot_general3A_48 = tpu.matmul %dot_general3A_26, %slice3A_46, %dot_general3A_47 {dimension_numbers = #tpu.dot_dimension_numbers<[1], [0], [0], [1], [0, 0, 1, 1], [], []>, transpose_lhs_hint = false} : vector<2000x32xf32>, vector<32x1xf32>, vector<2000x1xf32> -> vector<2000x1xf32>
    %slice3A_49 = vector.extract_strided_slice %get3A_19 {offsets = [32, 0], sizes = [32, 1], strides = [1, 1]} : vector<64x1xf32> to vector<32x1xf32>
    %dot_general3A_50 = arith.constant dense<0.000000e+00> : vector<2000x1xf32>
    %dot_general3A_51 = tpu.matmul %dot_general3A_28, %slice3A_49, %dot_general3A_50 {dimension_numbers = #tpu.dot_dimension_numbers<[1], [0], [0], [1], [0, 0, 1, 1], [], []>, transpose_lhs_hint = false} : vector<2000x32xf32>, vector<32x1xf32>, vector<2000x1xf32> -> vector<2000x1xf32>
    %slice3A_52 = vector.extract_strided_slice %get3A_22 {offsets = [32, 0], sizes = [32, 1], strides = [1, 1]} : vector<64x1xf32> to vector<32x1xf32>
    %dot_general3A_53 = arith.constant dense<0.000000e+00> : vector<2000x1xf32>
    %dot_general3A_54 = tpu.matmul %dot_general3A_30, %slice3A_52, %dot_general3A_53 {dimension_numbers = #tpu.dot_dimension_numbers<[1], [0], [0], [1], [0, 0, 1, 1], [], []>, transpose_lhs_hint = false} : vector<2000x32xf32>, vector<32x1xf32>, vector<2000x1xf32> -> vector<2000x1xf32>
    %slice3A_55 = vector.extract_strided_slice %get3A_25 {offsets = [32, 0], sizes = [32, 1], strides = [1, 1]} : vector<64x1xf32> to vector<32x1xf32>
    %dot_general3A_56 = arith.constant dense<0.000000e+00> : vector<2000x1xf32>
    %dot_general3A_57 = tpu.matmul %dot_general3A_32, %slice3A_55, %dot_general3A_56 {dimension_numbers = #tpu.dot_dimension_numbers<[1], [0], [0], [1], [0, 0, 1, 1], [], []>, transpose_lhs_hint = false} : vector<2000x32xf32>, vector<32x1xf32>, vector<2000x1xf32> -> vector<2000x1xf32>
    %concatenate3A_58 = tpu.concatenate %dot_general3A_36, %dot_general3A_39, %dot_general3A_42, %dot_general3A_45, %dot_general3A_48, %dot_general3A_51, %dot_general3A_54, %dot_general3A_57 in 1 : vector<2000x1xf32>, vector<2000x1xf32>, vector<2000x1xf32>, vector<2000x1xf32>, vector<2000x1xf32>, vector<2000x1xf32>, vector<2000x1xf32>, vector<2000x1xf32> -> vector<2000x8xf32>
    %swap3A_59 = arith.constant 0 : index
    %swap3A_60 = arith.constant 0 : index
    %swap3A_61 = vector.load %arg11[%swap3A_59, %swap3A_60] : memref<2000x8xf32, #tpu.memory_space<vmem>>, vector<2000x8xf32>
    tpu.vector_store %arg11[%swap3A_59, %swap3A_60], %concatenate3A_58 {strides = array<i32>} : memref<2000x8xf32, #tpu.memory_space<vmem>>, vector<2000x8xf32>,
    return
  }
  func.func @transform_0(%arg0: i32) -> (i32, i32) {
    %c0_i32 = arith.constant 0 : i32
    %c0_i32_0 = arith.constant 0 : i32
    return %arg0, %c0_i32 : i32, i32
  }
  func.func @transform_1(%arg0: i32) -> (i32, i32) {
    %c0_i32 = arith.constant 0 : i32
    %c0_i32_0 = arith.constant 0 : i32
    %c0_i32_1 = arith.constant 0 : i32
    return %c0_i32, %c0_i32_0 : i32, i32
  }
  func.func @transform_2(%arg0: i32) -> (i32, i32) {
    %c0_i32 = arith.constant 0 : i32
    %c0_i32_0 = arith.constant 0 : i32
    %c0_i32_1 = arith.constant 0 : i32
    return %c0_i32, %c0_i32_0 : i32, i32
  }
  func.func @transform_3(%arg0: i32) -> (i32, i32) {
    %c0_i32 = arith.constant 0 : i32
    %c0_i32_0 = arith.constant 0 : i32
    %c0_i32_1 = arith.constant 0 : i32
    return %c0_i32, %c0_i32_0 : i32, i32
  }
  func.func @transform_4(%arg0: i32) -> (i32, i32) {
    %c0_i32 = arith.constant 0 : i32
    %c0_i32_0 = arith.constant 0 : i32
    %c0_i32_1 = arith.constant 0 : i32
    return %c0_i32, %c0_i32_0 : i32, i32
  }
  func.func @transform_5(%arg0: i32) -> (i32, i32) {
    %c0_i32 = arith.constant 0 : i32
    %c0_i32_0 = arith.constant 0 : i32
    %c0_i32_1 = arith.constant 0 : i32
    return %c0_i32, %c0_i32_0 : i32, i32
  }
  func.func @transform_6(%arg0: i32) -> (i32, i32) {
    %c0_i32 = arith.constant 0 : i32
    %c0_i32_0 = arith.constant 0 : i32
    %c0_i32_1 = arith.constant 0 : i32
    return %c0_i32, %c0_i32_0 : i32, i32
  }
  func.func @transform_7(%arg0: i32) -> (i32, i32) {
    %c0_i32 = arith.constant 0 : i32
    %c0_i32_0 = arith.constant 0 : i32
    %c0_i32_1 = arith.constant 0 : i32
    return %c0_i32, %c0_i32_0 : i32, i32
  }
  func.func @transform_8(%arg0: i32) -> (i32, i32) {
    %c0_i32 = arith.constant 0 : i32
    %c0_i32_0 = arith.constant 0 : i32
    %c0_i32_1 = arith.constant 0 : i32
    return %c0_i32, %c0_i32_0 : i32, i32
  }
  func.func @transform_9(%arg0: i32) -> (i32, i32) {
    %c0_i32 = arith.constant 0 : i32
    %c0_i32_0 = arith.constant 0 : i32
    return %arg0, %c0_i32 : i32, i32
  }
  func.func @transform_10(%arg0: i32) -> (i32, i32) {
    %c0_i32 = arith.constant 0 : i32
    %c0_i32_0 = arith.constant 0 : i32
    return %arg0, %c0_i32 : i32, i32
  }
}

module attributes {stable_mosaic.version = 14 : i64} {
  func.func @_tc1_body(%arg0: i32, %arg1: memref<2000x136xf32, #tpu.memory_space<vmem>>, %arg2: memref<2000x136xf32, #tpu.memory_space<vmem>>, %arg3: memref<128x128xf32, #tpu.memory_space<vmem>>, %arg4: memref<256x1xf32, #tpu.memory_space<vmem>>, %arg5: memref<2000x128xf32, #tpu.memory_space<vmem>>, %arg6: memref<2000x8xf32, #tpu.memory_space<vmem>>) attributes {dimension_semantics = [#tpu.dimension_semantics<arbitrary>], iteration_bounds = array<i64: 5>, scalar_prefetch = 0 : i64, scratch_operands = 0 : i64, tpu.core_type = #tpu.core_type<tc>, window_params = [{transform_indices = @transform_0, window_bounds = array<i64: 2000, 136>}, {transform_indices = @transform_1, window_bounds = array<i64: 2000, 136>}, {pipeline_mode = #tpu.pipeline_mode<synchronous>, transform_indices = @transform_2, window_bounds = array<i64: 128, 128>}, {pipeline_mode = #tpu.pipeline_mode<synchronous>, transform_indices = @transform_3, window_bounds = array<i64: 256, 1>}, {transform_indices = @transform_4, window_bounds = array<i64: 2000, 128>}, {transform_indices = @transform_5, window_bounds = array<i64: 2000, 8>}]} {
    %get3A = arith.constant 0 : index
    %get3A_0 = arith.constant 0 : index
    %get3A_1 = vector.load %arg1[%get3A, %get3A_0] : memref<2000x136xf32, #tpu.memory_space<vmem>>, vector<2000x136xf32>
    %get3A_2 = arith.constant 0 : index
    %get3A_3 = arith.constant 0 : index
    %get3A_4 = vector.load %arg2[%get3A_2, %get3A_3] : memref<2000x136xf32, #tpu.memory_space<vmem>>, vector<2000x136xf32>
    %add3A = arith.addf %get3A_1, %get3A_4 : vector<2000x136xf32>
    %slice3A = vector.extract_strided_slice %add3A {offsets = [0, 128], sizes = [2000, 1], strides = [1, 1]} : vector<2000x136xf32> to vector<2000x1xf32>
    %squeeze3A = vector.shape_cast %slice3A : vector<2000x1xf32> to vector<2000xf32>
    %broadcast_in_dim3A = vector.shape_cast %squeeze3A : vector<2000xf32> to vector<2000x1xf32>
    %slice3A_5 = vector.extract_strided_slice %add3A {offsets = [0, 0], sizes = [2000, 32], strides = [1, 1]} : vector<2000x136xf32> to vector<2000x32xf32>
    %ne3A = arith.constant 0.000000e+00 : f32
    %ne3A_6 = vector.broadcast %ne3A : f32 to vector<2000x1xf32>
    %ne3A_7 = arith.cmpf one, %broadcast_in_dim3A, %ne3A_6 : vector<2000x1xf32>
    %div3A = vector.broadcast %broadcast_in_dim3A : vector<2000x1xf32> to vector<2000x32xf32>
    %div3A_8 = arith.divf %slice3A_5, %div3A : vector<2000x32xf32>
    %jit3A = arith.constant 0.000000e+00 : f32
    %broadcast_in_dim3A_9 = vector.shape_cast %ne3A_7 : vector<2000x1xi1> to vector<2000x1xi1>
    %broadcast_in_dim3A_10 = vector.broadcast %broadcast_in_dim3A_9 : vector<2000x1xi1> to vector<2000x32xi1>
    %broadcast_in_dim3A_11 = vector.broadcast %jit3A : f32 to vector<2000x32xf32>
    %select_n3A = arith.select %broadcast_in_dim3A_10, %div3A_8, %broadcast_in_dim3A_11 : vector<2000x32xi1>, vector<2000x32xf32>
    %slice3A_12 = vector.extract_strided_slice %add3A {offsets = [0, 129], sizes = [2000, 1], strides = [1, 1]} : vector<2000x136xf32> to vector<2000x1xf32>
    %squeeze3A_13 = vector.shape_cast %slice3A_12 : vector<2000x1xf32> to vector<2000xf32>
    %broadcast_in_dim3A_14 = vector.shape_cast %squeeze3A_13 : vector<2000xf32> to vector<2000x1xf32>
    %slice3A_15 = vector.extract_strided_slice %add3A {offsets = [0, 32], sizes = [2000, 32], strides = [1, 1]} : vector<2000x136xf32> to vector<2000x32xf32>
    %ne3A_16 = arith.constant 0.000000e+00 : f32
    %ne3A_17 = vector.broadcast %ne3A_16 : f32 to vector<2000x1xf32>
    %ne3A_18 = arith.cmpf one, %broadcast_in_dim3A_14, %ne3A_17 : vector<2000x1xf32>
    %div3A_19 = vector.broadcast %broadcast_in_dim3A_14 : vector<2000x1xf32> to vector<2000x32xf32>
    %div3A_20 = arith.divf %slice3A_15, %div3A_19 : vector<2000x32xf32>
    %jit3A_21 = arith.constant 0.000000e+00 : f32
    %broadcast_in_dim3A_22 = vector.shape_cast %ne3A_18 : vector<2000x1xi1> to vector<2000x1xi1>
    %broadcast_in_dim3A_23 = vector.broadcast %broadcast_in_dim3A_22 : vector<2000x1xi1> to vector<2000x32xi1>
    %broadcast_in_dim3A_24 = vector.broadcast %jit3A_21 : f32 to vector<2000x32xf32>
    %select_n3A_25 = arith.select %broadcast_in_dim3A_23, %div3A_20, %broadcast_in_dim3A_24 : vector<2000x32xi1>, vector<2000x32xf32>
    %slice3A_26 = vector.extract_strided_slice %add3A {offsets = [0, 130], sizes = [2000, 1], strides = [1, 1]} : vector<2000x136xf32> to vector<2000x1xf32>
    %squeeze3A_27 = vector.shape_cast %slice3A_26 : vector<2000x1xf32> to vector<2000xf32>
    %broadcast_in_dim3A_28 = vector.shape_cast %squeeze3A_27 : vector<2000xf32> to vector<2000x1xf32>
    %slice3A_29 = vector.extract_strided_slice %add3A {offsets = [0, 64], sizes = [2000, 32], strides = [1, 1]} : vector<2000x136xf32> to vector<2000x32xf32>
    %ne3A_30 = arith.constant 0.000000e+00 : f32
    %ne3A_31 = vector.broadcast %ne3A_30 : f32 to vector<2000x1xf32>
    %ne3A_32 = arith.cmpf one, %broadcast_in_dim3A_28, %ne3A_31 : vector<2000x1xf32>
    %div3A_33 = vector.broadcast %broadcast_in_dim3A_28 : vector<2000x1xf32> to vector<2000x32xf32>
    %div3A_34 = arith.divf %slice3A_29, %div3A_33 : vector<2000x32xf32>
    %jit3A_35 = arith.constant 0.000000e+00 : f32
    %broadcast_in_dim3A_36 = vector.shape_cast %ne3A_32 : vector<2000x1xi1> to vector<2000x1xi1>
    %broadcast_in_dim3A_37 = vector.broadcast %broadcast_in_dim3A_36 : vector<2000x1xi1> to vector<2000x32xi1>
    %broadcast_in_dim3A_38 = vector.broadcast %jit3A_35 : f32 to vector<2000x32xf32>
    %select_n3A_39 = arith.select %broadcast_in_dim3A_37, %div3A_34, %broadcast_in_dim3A_38 : vector<2000x32xi1>, vector<2000x32xf32>
    %slice3A_40 = vector.extract_strided_slice %add3A {offsets = [0, 131], sizes = [2000, 1], strides = [1, 1]} : vector<2000x136xf32> to vector<2000x1xf32>
    %squeeze3A_41 = vector.shape_cast %slice3A_40 : vector<2000x1xf32> to vector<2000xf32>
    %broadcast_in_dim3A_42 = vector.shape_cast %squeeze3A_41 : vector<2000xf32> to vector<2000x1xf32>
    %slice3A_43 = vector.extract_strided_slice %add3A {offsets = [0, 96], sizes = [2000, 32], strides = [1, 1]} : vector<2000x136xf32> to vector<2000x32xf32>
    %ne3A_44 = arith.constant 0.000000e+00 : f32
    %ne3A_45 = vector.broadcast %ne3A_44 : f32 to vector<2000x1xf32>
    %ne3A_46 = arith.cmpf one, %broadcast_in_dim3A_42, %ne3A_45 : vector<2000x1xf32>
    %div3A_47 = vector.broadcast %broadcast_in_dim3A_42 : vector<2000x1xf32> to vector<2000x32xf32>
    %div3A_48 = arith.divf %slice3A_43, %div3A_47 : vector<2000x32xf32>
    %jit3A_49 = arith.constant 0.000000e+00 : f32
    %broadcast_in_dim3A_50 = vector.shape_cast %ne3A_46 : vector<2000x1xi1> to vector<2000x1xi1>
    %broadcast_in_dim3A_51 = vector.broadcast %broadcast_in_dim3A_50 : vector<2000x1xi1> to vector<2000x32xi1>
    %broadcast_in_dim3A_52 = vector.broadcast %jit3A_49 : f32 to vector<2000x32xf32>
    %select_n3A_53 = arith.select %broadcast_in_dim3A_51, %div3A_48, %broadcast_in_dim3A_52 : vector<2000x32xi1>, vector<2000x32xf32>
    %concatenate3A = tpu.concatenate %select_n3A, %select_n3A_25, %select_n3A_39, %select_n3A_53 in 1 : vector<2000x32xf32>, vector<2000x32xf32>, vector<2000x32xf32>, vector<2000x32xf32> -> vector<2000x128xf32>
    %gt3A = arith.constant 0.000000e+00 : f32
    %gt3A_54 = vector.broadcast %gt3A : f32 to vector<2000x128xf32>
    %gt3A_55 = arith.cmpf ogt, %concatenate3A, %gt3A_54 : vector<2000x128xf32>
    %min3A = arith.constant 0.000000e+00 : f32
    %min3A_56 = vector.broadcast %min3A : f32 to vector<2000x128xf32>
    %min3A_57 = arith.minimumf %concatenate3A, %min3A_56 : vector<2000x128xf32>
    %exp3A = math.exp %min3A_57 : vector<2000x128xf32>
    %sub3A = arith.constant 1.000000e+00 : f32
    %sub3A_58 = vector.broadcast %sub3A : f32 to vector<2000x128xf32>
    %sub3A_59 = arith.subf %exp3A, %sub3A_58 : vector<2000x128xf32>
    %select_n3A_60 = arith.select %gt3A_55, %concatenate3A, %sub3A_59 : vector<2000x128xi1>, vector<2000x128xf32>
    %get3A_61 = arith.constant 0 : index
    %get3A_62 = arith.constant 0 : index
    %get3A_63 = vector.load %arg3[%get3A_61, %get3A_62] : memref<128x128xf32, #tpu.memory_space<vmem>>, vector<128x128xf32>
    %dot_general3A = arith.constant dense<0.000000e+00> : vector<2000x128xf32>
    %dot_general3A_64 = tpu.matmul %select_n3A_60, %get3A_63, %dot_general3A {dimension_numbers = #tpu.dot_dimension_numbers<[1], [0], [0], [1], [0, 0, 1, 1], [], []>, transpose_lhs_hint = false} : vector<2000x128xf32>, vector<128x128xf32>, vector<2000x128xf32> -> vector<2000x128xf32>
    %swap3A = arith.constant 0 : index
    %swap3A_65 = arith.constant 0 : index
    %swap3A_66 = vector.load %arg5[%swap3A, %swap3A_65] : memref<2000x128xf32, #tpu.memory_space<vmem>>, vector<2000x128xf32>
    tpu.vector_store %arg5[%swap3A, %swap3A_65], %dot_general3A_64 {strides = array<i32>} : memref<2000x128xf32, #tpu.memory_space<vmem>>, vector<2000x128xf32>,
    %get3A_67 = arith.constant 0 : index
    %get3A_68 = arith.constant 0 : index
    %get3A_69 = vector.load %arg4[%get3A_67, %get3A_68] : memref<256x1xf32, #tpu.memory_space<vmem>>, vector<256x1xf32>
    %slice3A_70 = vector.extract_strided_slice %get3A_69 {offsets = [0, 0], sizes = [128, 1], strides = [1, 1]} : vector<256x1xf32> to vector<128x1xf32>
    %dot_general3A_71 = arith.constant dense<0.000000e+00> : vector<2000x1xf32>
    %dot_general3A_72 = tpu.matmul %dot_general3A_64, %slice3A_70, %dot_general3A_71 {dimension_numbers = #tpu.dot_dimension_numbers<[1], [0], [0], [1], [0, 0, 1, 1], [], []>, transpose_lhs_hint = false} : vector<2000x128xf32>, vector<128x1xf32>, vector<2000x1xf32> -> vector<2000x1xf32>
    %slice3A_73 = vector.extract_strided_slice %get3A_69 {offsets = [128, 0], sizes = [128, 1], strides = [1, 1]} : vector<256x1xf32> to vector<128x1xf32>
    %dot_general3A_74 = arith.constant dense<0.000000e+00> : vector<2000x1xf32>
    %dot_general3A_75 = tpu.matmul %dot_general3A_64, %slice3A_73, %dot_general3A_74 {dimension_numbers = #tpu.dot_dimension_numbers<[1], [0], [0], [1], [0, 0, 1, 1], [], []>, transpose_lhs_hint = false} : vector<2000x128xf32>, vector<128x1xf32>, vector<2000x1xf32> -> vector<2000x1xf32>
    %broadcast_in_dim3A_76 = arith.constant 0.000000e+00 : f32
    %broadcast_in_dim3A_77 = vector.broadcast %broadcast_in_dim3A_76 : f32 to vector<2000x6xf32>
    %concatenate3A_78 = tpu.concatenate %dot_general3A_72, %dot_general3A_75, %broadcast_in_dim3A_77 in 1 : vector<2000x1xf32>, vector<2000x1xf32>, vector<2000x6xf32> -> vector<2000x8xf32>
    %swap3A_79 = arith.constant 0 : index
    %swap3A_80 = arith.constant 0 : index
    %swap3A_81 = vector.load %arg6[%swap3A_79, %swap3A_80] : memref<2000x8xf32, #tpu.memory_space<vmem>>, vector<2000x8xf32>
    tpu.vector_store %arg6[%swap3A_79, %swap3A_80], %concatenate3A_78 {strides = array<i32>} : memref<2000x8xf32, #tpu.memory_space<vmem>>, vector<2000x8xf32>,
    return
  }
  func.func @transform_0(%arg0: i32) -> (i32, i32) {
    %c0_i32 = arith.constant 0 : i32
    %c0_i32_0 = arith.constant 0 : i32
    return %arg0, %c0_i32 : i32, i32
  }
  func.func @transform_1(%arg0: i32) -> (i32, i32) {
    %c0_i32 = arith.constant 0 : i32
    %c0_i32_0 = arith.constant 0 : i32
    return %arg0, %c0_i32 : i32, i32
  }
  func.func @transform_2(%arg0: i32) -> (i32, i32) {
    %c0_i32 = arith.constant 0 : i32
    %c0_i32_0 = arith.constant 0 : i32
    %c0_i32_1 = arith.constant 0 : i32
    return %c0_i32, %c0_i32_0 : i32, i32
  }
  func.func @transform_3(%arg0: i32) -> (i32, i32) {
    %c0_i32 = arith.constant 0 : i32
    %c0_i32_0 = arith.constant 0 : i32
    %c0_i32_1 = arith.constant 0 : i32
    return %c0_i32, %c0_i32_0 : i32, i32
  }
  func.func @transform_4(%arg0: i32) -> (i32, i32) {
    %c0_i32 = arith.constant 0 : i32
    %c0_i32_0 = arith.constant 0 : i32
    return %arg0, %c0_i32 : i32, i32
  }
  func.func @transform_5(%arg0: i32) -> (i32, i32) {
    %c0_i32 = arith.constant 0 : i32
    %c0_i32_0 = arith.constant 0 : i32
    return %arg0, %c0_i32 : i32, i32
  }
}

module attributes {stable_mosaic.version = 14 : i64} {
  func.func @_tc2_body(%arg0: i32, %arg1: memref<2000x136xf32, #tpu.memory_space<vmem>>, %arg2: memref<2000x136xf32, #tpu.memory_space<vmem>>, %arg3: memref<2000x128xf32, #tpu.memory_space<vmem>>) attributes {dimension_semantics = [#tpu.dimension_semantics<arbitrary>], iteration_bounds = array<i64: 5>, scalar_prefetch = 0 : i64, scratch_operands = 0 : i64, tpu.core_type = #tpu.core_type<tc>, window_params = [{transform_indices = @transform_0, window_bounds = array<i64: 2000, 136>}, {transform_indices = @transform_1, window_bounds = array<i64: 2000, 136>}, {transform_indices = @transform_2, window_bounds = array<i64: 2000, 128>}]} {
    %get3A = arith.constant 0 : index
    %get3A_0 = arith.constant 0 : index
    %get3A_1 = vector.load %arg1[%get3A, %get3A_0] : memref<2000x136xf32, #tpu.memory_space<vmem>>, vector<2000x136xf32>
    %get3A_2 = arith.constant 0 : index
    %get3A_3 = arith.constant 0 : index
    %get3A_4 = vector.load %arg2[%get3A_2, %get3A_3] : memref<2000x136xf32, #tpu.memory_space<vmem>>, vector<2000x136xf32>
    %add3A = arith.addf %get3A_1, %get3A_4 : vector<2000x136xf32>
    %slice3A = vector.extract_strided_slice %add3A {offsets = [0, 128], sizes = [2000, 1], strides = [1, 1]} : vector<2000x136xf32> to vector<2000x1xf32>
    %ne3A = arith.constant 0.000000e+00 : f32
    %ne3A_5 = vector.broadcast %ne3A : f32 to vector<2000x1xf32>
    %ne3A_6 = arith.cmpf one, %slice3A, %ne3A_5 : vector<2000x1xf32>
    %slice3A_7 = vector.extract_strided_slice %add3A {offsets = [0, 0], sizes = [2000, 128], strides = [1, 1]} : vector<2000x136xf32> to vector<2000x128xf32>
    %div3A = vector.broadcast %slice3A : vector<2000x1xf32> to vector<2000x128xf32>
    %div3A_8 = arith.divf %slice3A_7, %div3A : vector<2000x128xf32>
    %jit3A = arith.constant 0.000000e+00 : f32
    %broadcast_in_dim3A = vector.shape_cast %ne3A_6 : vector<2000x1xi1> to vector<2000x1xi1>
    %broadcast_in_dim3A_9 = vector.broadcast %broadcast_in_dim3A : vector<2000x1xi1> to vector<2000x128xi1>
    %broadcast_in_dim3A_10 = vector.broadcast %jit3A : f32 to vector<2000x128xf32>
    %select_n3A = arith.select %broadcast_in_dim3A_9, %div3A_8, %broadcast_in_dim3A_10 : vector<2000x128xi1>, vector<2000x128xf32>
    %gt3A = arith.constant 0.000000e+00 : f32
    %gt3A_11 = vector.broadcast %gt3A : f32 to vector<2000x128xf32>
    %gt3A_12 = arith.cmpf ogt, %select_n3A, %gt3A_11 : vector<2000x128xf32>
    %min3A = arith.constant 0.000000e+00 : f32
    %min3A_13 = vector.broadcast %min3A : f32 to vector<2000x128xf32>
    %min3A_14 = arith.minimumf %select_n3A, %min3A_13 : vector<2000x128xf32>
    %exp3A = math.exp %min3A_14 : vector<2000x128xf32>
    %sub3A = arith.constant 1.000000e+00 : f32
    %sub3A_15 = vector.broadcast %sub3A : f32 to vector<2000x128xf32>
    %sub3A_16 = arith.subf %exp3A, %sub3A_15 : vector<2000x128xf32>
    %select_n3A_17 = arith.select %gt3A_12, %select_n3A, %sub3A_16 : vector<2000x128xi1>, vector<2000x128xf32>
    %swap3A = arith.constant 0 : index
    %swap3A_18 = arith.constant 0 : index
    %swap3A_19 = vector.load %arg3[%swap3A, %swap3A_18] : memref<2000x128xf32, #tpu.memory_space<vmem>>, vector<2000x128xf32>
    tpu.vector_store %arg3[%swap3A, %swap3A_18], %select_n3A_17 {strides = array<i32>} : memref<2000x128xf32, #tpu.memory_space<vmem>>, vector<2000x128xf32>,
    return
  }
  func.func @transform_0(%arg0: i32) -> (i32, i32) {
    %c0_i32 = arith.constant 0 : i32
    %c0_i32_0 = arith.constant 0 : i32
    return %arg0, %c0_i32 : i32, i32
  }
  func.func @transform_1(%arg0: i32) -> (i32, i32) {
    %c0_i32 = arith.constant 0 : i32
    %c0_i32_0 = arith.constant 0 : i32
    return %arg0, %c0_i32 : i32, i32
  }
  func.func @transform_2(%arg0: i32) -> (i32, i32) {
    %c0_i32 = arith.constant 0 : i32
    %c0_i32_0 = arith.constant 0 : i32
    return %arg0, %c0_i32 : i32, i32
  }
}

</mosaic_0001>

<sc_bundles>
// kernel: kernel.10.cloned.1.call-start
scs
__scs_entry_jumppad:
0x0: {  	(pc) =	sbr.rel $0x88, $3  }
0x1: {  	(tag) =	ssettag $0x0;
	lr =	simm.s32 $0x1  }
0x2: {  	[smem:$0x3F95] =	sst lr;
	_ =	strace $0xD0000000  }
0x3: {  	_ = 	snop  }
0x4: {  	_ = 	snop  }
0x5: {  	_ = 	snop  }
0x6: {  	_ = 	snop  }
0x7: {  	_ = 	snop  }
__scs_overlays_trampoline_lowered:
0x8: {  	[smem:$0x3FA4] =	sst s0  }
0x9: {  	[smem:$0x3FA5] =	sst s1  }
0xa: {  	[smem:$0x3FA6] =	sst s2  }
0xb: {  	[smem:$0x3FA7] =	sst s3  }
0xc: {  	[smem:$0x3FA8] =	sst s4  }
0xd: {  	[smem:$0x3FA9] =	sst s5  }
0xe: {  	[smem:$0x3FAA] =	sst s6  }
0xf: {  	[smem:$0x3FAB] =	sst s7  }
0x10: {  	[smem:$0x3FAC] =	sst s8  }
0x11: {  	[smem:$0x3FAD] =	sst s9;
	s0 =	simm.s32 @!p0 $0x0  }
0x12: {  	s1 =	sld [smem:$0x3F93];
	s0 =	simm.s32 @p0 $0x1  }
0x13: {  	[smem:$0x3FAE] =	sst s0;
	s0 =	simm.s32 @!p1 $0x0  }
0x14: {  	s2 =	sld [smem:$0x3F92];
	s0 =	simm.s32 @p1 $0x1  }
0x15: {  	[smem:$0x3FAF] =	sst s0;
	s0 =	simm.s32 @!p2 $0x0  }
0x16: {  	s3 =	sld [smem:$0x3FDB];
	s0 =	simm.s32 @p2 $0x1  }
0x17: {  	s4 =	simm.s32 $0x1BF5;
	[smem:$0x3FB1] =	sst s0  }
0x18: {  	s0 =	sld [smem:$0x3F94];
	_ =	swait.ge [sflag:s4], $0x0  }
0x19: {  	s7 =	sld [smem:$0x3F95]  }
0x1a: {  	s8 =	sadd.s32 $0xFFFFE003, lr  }
0x1b: {  	s9 =	sadd.s32 $0xFFFFFEF7, lr;
	s5 =	simm.s32 $0xFFFFFFFF;
	p2 =	slt.u32 s8, $0xFFFFF086  }
0x1c: {  	p1 =	slt.u32 s9, $0xF7A;
	s5 =	simm.s32 @!p2 $0x0  }
0x1d: {  	s5 =	simm.s32 @p1 $0x1;
	p0 =	seq.s32 s7, s2  }
0x1e: {  	s7 =	smul.u32 @!p0 $0xF7A, s2;
	p2 =	seq.s32 @!p0 s5, $0x0  }
0x1f: {  	s9 =	smul.u32 $0xF7A, s1;
	s8 =	simm.s32 @!p0 $0x1BF5;
	p2 =	por !p2, p0  }
0x20: {  	[sflag:s8] =	ssyncset.s32 @!p0 $0xFFFFF086;
	s6 =	sadd.s32 @!p0 s3, s7;
	s7 =	simm.s32 @!p0 $0x108  }
0x21: {  	s3 =	sadd.s32 s3, s9;
	s6 =	sadd.s32 @!p0 $0x88, s6;
	s7 =	simm.s32 @p2 $0x1082  }
0x22: {  	[simem:s7], [sflag:s8] =	dma.local @!p0 [hbm:s6], $0xF7A  }
0x23: {  	s9 =	sor.u32 $0xD0000000, s2;
	s6 =	simm.s32 $0x108;
	_ =	swait.ge @!p0 [sflag:s8], $0x0  }
0x24: {  	s3 =	sadd.s32 $0x88, s3;
	s6 =	simm.s32 @!p1 $0x1082;
	[sflag:s4] =	ssyncset.s32 $0xFFFFF086  }
0x25: {  	[simem:s6], [sflag:s4] =	dma.local [hbm:s3], $0xF7A  }
0x26: {  	[smem:$0x3F95] =	sst s1;
	(tag) =	ssettag s2;
	_ =	strace s9  }
0x27: {  	s1 =	sld [smem:$0x3FA5]  }
0x28: {  	s2 =	sld [smem:$0x3FA6]  }
0x29: {  	s4 =	sld [smem:$0x3FA8]  }
0x2a: {  	p0 =	seq.s32 s5, $0x0;
	s5 =	sld [smem:$0x3FA9]  }
0x2b: {  	s6 =	sld [smem:$0x3FAA]  }
0x2c: {  	s7 =	sld [smem:$0x3FAB]  }
0x2d: {  	s3 =	simm.s32 $0x108;
	s8 =	sld [smem:$0x3FAC]  }
0x2e: {  	s3 =	simm.s32 @!p0 $0x1082;
	s9 =	sld [smem:$0x3FAD]  }
0x2f: {  	lr =	sadd.s32 s0, s3;
	s0 =	sld [smem:$0x3FA4]  }
0x30: {  	s3 =	sld [smem:$0x3FA7]  }
0x31: {  	[smem:$0x3FB0] =	sst s10  }
0x32: {  	s10 =	sld [smem:$0x3FAE];
	_ =	sdelay $0x3  }
0x33: {  	p0 =	seq.s32 s10, $0x1;
	s10 =	sld [smem:$0x3FB0];
	_ =	sdelay $0x3  }
0x34: {  	[smem:$0x3FB0] =	sst s10  }
0x35: {  	s10 =	sld [smem:$0x3FAF];
	_ =	sdelay $0x3  }
0x36: {  	p1 =	seq.s32 s10, $0x1;
	s10 =	sld [smem:$0x3FB0];
	_ =	sdelay $0x3  }
0x37: {  	[smem:$0x3FB0] =	sst s10  }
0x38: {  	s10 =	sld [smem:$0x3FB1]  }
0x39: {  	_ = 	snop;
	(pc) =	sbr.ind lr, $3  }
0x3a: {  	_ = 	snop  }
0x3b: {  	_ = 	snop  }
0x3c: {  	p2 =	seq.s32 s10, $0x1;
	s10 =	sld [smem:$0x3FB0]  }
0x3d: {  	_ =	shalt  }
0x3e: {  	_ =	shalt  }
0x3f: {  	_ =	shalt  }
0x40: {  	_ =	shalt  }
0x41: {  	_ =	shalt  }
0x42: {  	_ =	shalt  }
0x43: {  	_ =	shalt  }
0x44: {  	_ =	shalt  }
0x45: {  	_ =	shalt  }
0x46: {  	_ =	shalt  }
0x47: {  	_ =	shalt  }
0x48: {  	_ =	shalt  }
0x49: {  	_ =	shalt  }
0x4a: {  	_ =	shalt  }
0x4b: {  	_ =	shalt  }
0x4c: {  	_ =	shalt  }
0x4d: {  	_ =	shalt  }
0x4e: {  	_ =	shalt  }
0x4f: {  	_ =	shalt  }
0x50: {  	_ =	shalt  }
0x51: {  	_ =	shalt  }
0x52: {  	_ =	shalt  }
0x53: {  	_ =	shalt  }
0x54: {  	_ =	shalt  }
0x55: {  	_ =	shalt  }
0x56: {  	_ =	shalt  }
0x57: {  	_ =	shalt  }
0x58: {  	_ =	shalt  }
0x59: {  	_ =	shalt  }
0x5a: {  	_ =	shalt  }
0x5b: {  	_ =	shalt  }
0x5c: {  	_ =	shalt  }
0x5d: {  	_ =	shalt  }
0x5e: {  	_ =	shalt  }
0x5f: {  	_ =	shalt  }
0x60: {  	_ =	shalt  }
0x61: {  	_ =	shalt  }
0x62: {  	_ =	shalt  }
0x63: {  	_ =	shalt  }
0x64: {  	_ =	shalt  }
0x65: {  	_ =	shalt  }
0x66: {  	_ =	shalt  }
0x67: {  	_ =	shalt  }
0x68: {  	_ =	shalt  }
0x69: {  	_ =	shalt  }
0x6a: {  	_ =	shalt  }
0x6b: {  	_ =	shalt  }
0x6c: {  	_ =	shalt  }
0x6d: {  	_ =	shalt  }
0x6e: {  	_ =	shalt  }
0x6f: {  	_ =	shalt  }
0x70: {  	_ =	shalt  }
0x71: {  	_ =	shalt  }
0x72: {  	_ =	shalt  }
0x73: {  	_ =	shalt  }
0x74: {  	_ =	shalt  }
0x75: {  	_ =	shalt  }
0x76: {  	_ =	shalt  }
0x77: {  	_ =	shalt  }
0x78: {  	_ =	shalt  }
0x79: {  	_ =	shalt  }
0x7a: {  	_ =	shalt  }
0x7b: {  	_ =	shalt  }
0x7c: {  	_ =	shalt  }
0x7d: {  	_ =	shalt  }
0x7e: {  	_ =	shalt  }
0x7f: {  	_ =	shalt  }
0x80: {  	_ =	shalt  }
0x81: {  	_ =	shalt  }
0x82: {  	_ =	shalt  }
0x83: {  	_ =	shalt  }
0x84: {  	_ =	shalt  }
0x85: {  	_ =	shalt  }
0x86: {  	_ =	shalt  }
0x87: {  	_ =	shalt  }
.Lfunc_end0:
.L_simem_size_0:
called_computation.1_lowered:
.L_overlay_start_0:
0x88: {  	s2 =	sld [smem:$0x3FD9]  }
0x89: {  	s3 =	sld [smem:$0x3FFE];
	_ =	sdelay $0x1  }
0x8a: {  	s1 =	srdreg.scid  }
0x8b: {  	s0 =	sand.u32 $0x1, s1  }
0x8c: {  	s17 =	sshll.u32 s0, $0xA;
	s2 =	sadd.s32 s3, s2  }
0x8d: {  	s2 =	sadd.s32 s2, s17  }
0x8e: {  	[smem:$0x3FBC] =	sst s2  }
0x8f: {  	_ = 	snop  }
0x90: {  	s2 =	sld [smem:$0x3FD0];
	(tm) =	ssettm $0x1  }
0x91: {  	s18 =	sld [smem:$0x3FFB];
	_ =	sdelay $0x3  }
0x92: {  	_ =	strace s18  }
0x93: {  	s3 =	sld [smem:$0x3FFC];
	_ =	sdelay $0x3  }
0x94: {  	_ =	strace s3  }
0x95: {  	s3 =	sld [smem:$0x3FFD];
	_ =	sdelay $0x3  }
0x96: {  	_ =	strace s3  }
0x97: {  	_ =	strace $0x8FFFFFFF  }
0x98: {  	s19 =	sld [smem:$0x3FDB];
	_ =	sdelay $0x1  }
0x99: {  	s4 =	simm.s32 $_scs_section_size  }
0x9a: {  	s5 =	simm.s32 $_size__tile_overlayer_lowered;
	s6 =	simm.s32 $_tile_overlayer_lowered  }
0x9b: {  	s22 =	simm.s32 $0x1BFF;
	s21 =	sshll.u32 s6, $0x1;
	s3 =	sadd.s32 s4, s19  }
0x9c: {  	s7 =	simm.s32 $0x0;
	s20 =	sshll.u32 s5, $0x1;
	s5 =	sadd.s32 s21, s3  }
0x9d: {  	[timem:s7], [sflag:s22] =	dma.local [hbm:s5], s20  }
0x9e: {  	_ =	swait.ge [sflag:s22], s20  }
0x9f: {  	s4 =	ssub.s32 $0x0, s20;
	[sflag:s22] =	ssyncset.done $0x0  }
0xa0: {  	[sflag:s22] =	ssyncadd.s32 s4;
	_ =	sdelay $0x1  }
0xa1: {  	s23 =	simm.s32 $0x1B8B  }
0xa2: {  	_ =	swait.ge [sflag:s23], $0x1  }
0xa3: {  	[sflag:s23] =	ssyncset.done $0x0  }
0xa4: {  	s25 =	simm.s32 $0x1B8E;
	s24 =	sld [smem:$0x3FFE];
	[sflag:s23] =	ssyncadd.s32 $0xFFFFFFFF  }
0xa5: {  	s26 =	simm.s32 $execute0_lowered;
	[smem:$0x3FD2] =	sst s25  }
0xa6: {  	s5 =	sshll.u32 s26, $0x1;
	_ =	strace $0x80000049;
	[dreg:$0x1] =	wrdreg $0xFFFFFFFF  }
0xa7: {  	s28 =	simm.s32 $_size_execute0_lowered;
	s3 =	sadd.s32 s3, s5;
	[dreg:$0x0] =	wrdreg $0x0  }
0xa8: {  	s5 =	sshll.u32 s28, $0x1;
	[dreg:$0x2] =	wrdreg s3  }
0xa9: {  	[dreg:$0x3] =	wrdreg s5  }
0xaa: {  	[dreg:$0x4] =	wrdreg $0xC0  }
0xab: {  	_ =	task [dreg:s7], $0x5FFFF  }
0xac: {  	[dreg:$0x1] =	wrdreg $0xFFFFFFFF  }
0xad: {  	[dreg:$0x0] =	wrdreg $0x60  }
0xae: {  	[dreg:$0x2] =	wrdreg s2  }
0xaf: {  	[dreg:$0x3] =	wrdreg s24  }
0xb0: {  	[dreg:$0x4] =	wrdreg $0x58200  }
0xb1: {  	[dreg:$0x5] =	wrdreg $0x9  }
0xb2: {  	_ =	task.clear_ibuf [dreg:s7], $0x6FFFF;
	_ =	strace $0x90000049  }
0xb3: {  	s29 =	simm.s32 $0x9;
	_ =	strace $0x8000004B  }
0xb4: {  	_ =	swait.ge [sflag:s29], $0x1  }
0xb5: {  	[sflag:s29] =	ssyncadd.s32 $0xFFFFFFFF  }
0xb6: {  	_ =	strace $0x9000004B  }
0xb7: {  	_ =	sfence  }
0xb8: {  	s30 =	sld [smem:$0x0];
	_ =	sdelay $0x2  }
0xb9: {  	s31 =	sshll.u32 s1, $0xD;
	s1 =	sshrl.u32 s1, $0x2  }
0xba: {  	s3 =	sand.u32 $0x4000, s31;
	s1 =	sadd.s32 s1, s30  }
0xbb: {  	s0 =	sor.u32 s3, s0;
	s1 =	sshll.u32 s1, $0x11  }
0xbc: {  	s0 =	sor.u32 s1, s0  }
0xbd: {  	s0 =	sadd.s32 $0x8F2B, s0  }
0xbe: {  	[sflag:s0] =	ssyncadd.remote.s32 $0x1  }
0xbf: {  	_ =	sfence.sel $0xFFFF  }
0xc0: {  	[dreg:$0x0] =	wrdreg $0xFFFFFFFF;
	(pc) =	sbr.abs _section_cstart, $3  }
0xc1: {  	[dreg:$0x1] =	wrdreg $0xFFFFFFFF  }
0xc2: {  	_ =	task.clear_ibuf [dreg:s7], $0x2FFFF;
	_ =	strace $0x9FFFFFFF  }
0xc3: {  	(tm) =	ssettm $0x7FFFFFFF  }
tec
execute0_lowered:
.L_overlay_start_1:
0x0: {  	(tag) =	ssettag $0x1  }
0x1: {  	s1 =	rddreg [dreg:$0x0]  }
0x2: {  	s9 =	rddreg [dreg:$0x1]  }
0x3: {  	s3 =	rddreg [dreg:$0x2]  }
0x4: {  	s0 =	rddreg [dreg:$0x3];
	s5 =	srdreg.scid  }
0x5: {  	s2 =	stileid.u32;
	s4 =	simm.s32 $0x0;
	s16 =	simm.s32 $0x550  }
0x6: {  	s17 =	simm.s32 $0x50;
	s18 =	simm.s32 $0x5A0;
	s19 =	simm.s32 $0x280  }
0x7: {  	s20 =	simm.s32 $0x1;
	s21 =	simm.s32 $0x2DA0;
	s22 =	simm.s32 $0x2  }
0x8: {  	s23 =	simm.s32 $0x0;
	s10 =	sand.u32 $0x1, s5;
	s11 =	smul.u32 $0x15400, s2  }
0x9: {  	[smem:$0x7FF] =	sst s4;
	s5 =	sadd.s32 $0x14E00, s9;
	s6 =	sadd.s32 $0xB000, s9  }
0xa: {  	s7 =	sadd.s32 $0x1200, s9;
	s8 =	sadd.s32 $0x17600, s9;
	s12 =	smul.u32 $0x154000, s10  }
0xb: {  	v0 =	vimm.f32 $0.0e+00;
	v1 =	vlaneseq.u32;
	v2 =	vimm.s32 $0x3;
	s14 =	smul.u32 $0x2710, s2;
	s31 =	sshll.u32 s2, $0x6;
	_ =	strace $0x8000004A  }
0xc: {  	v3 =	vimm.s32 $0x1;
	v4 =	vimm.s32 $0x0;
	v5 =	vimm.s32 $0x2;
	s13 =	ssub.s32 $0x2, s10;
	s10 =	smul.u32 $0x27100, s10;
	s12 =	sadd.s32 s11, s12  }
0xd: {  	v6 =	vimm.s32 $0x4;
	v7 =	vimm.s32 $0x5;
	v8 =	vimm.s32 $0x6;
	s30 =	sshrl.u32 s13, $0x1;
	s15 =	sadd.s32 s11, s3;
	s12 =	sshrl.u32 s12, $0x3  }
0xe: {  	v9 =	vimm.s32 $0x7;
	v10 =	vimm.s32 $0x8;
	v11 =	vimm.s32 $0x9;
	s13 =	ssub.s32 s13, s30;
	s10 =	sadd.s32 s14, s10;
	s12 =	sadd.s32 s12, s9  }
0xf: {  	v12 =	vimm.s32 $0xA;
	v13 =	vimm.s32 $0xB;
	v14 =	vimm.s32 $0xC;
	s14 =	simm.s32 $0x3;
	s9 =	sor.u32 $0x1C03, s31;
	s11 =	sadd.s32 $0x1A200, s12  }
0x10: {  	v15 =	vimm.s32 $0xD;
	v16 =	vimm.s32 $0xE;
	v17 =	vimm.s32 $0xF;
	s12 =	smax.u32 s13, $0x1;
	s13 =	sshrl.u32 s15, $0x3;
	s15 =	simm.s32 $0x500  }
.LBB2_1:
0x11: {  	[spmem:s13], [sflag:s9] =	dma.local [hbm:s8], $0x2A80  }
0x12: {  	_ =	swait.ge [sflag:s14], $0x2A80  }
0x13: {  	[sflag:s14] =	ssyncset.done $0x0  }
0x14: {  	[sflag:s14] =	ssyncadd.s32 $0xFFFFD580  }
0x15: {  	[tilespmem:$0x2E18] =	vst v0  }
0x16: {  	[tilespmem:$0x2EA0] =	vst v0  }
0x17: {  	[tilespmem:$0x2F28] =	vst v0  }
0x18: {  	[tilespmem:$0x2FB0] =	vst v0  }
0x19: {  	[tilespmem:$0x3038] =	vst v0  }
0x1a: {  	[tilespmem:$0x30C0] =	vst v0  }
0x1b: {  	[tilespmem:$0x3148] =	vst v0  }
0x1c: {  	[tilespmem:$0x31D0] =	vst v0  }
0x1d: {  	[tilespmem:$0x3258] =	vst v0  }
0x1e: {  	[tilespmem:$0x32E0] =	vst v0  }
0x1f: {  	[tilespmem:$0x3368] =	vst v0  }
0x20: {  	[tilespmem:$0x33F0] =	vst v0  }
0x21: {  	[tilespmem:$0x3478] =	vst v0  }
0x22: {  	[tilespmem:$0x3500] =	vst v0  }
0x23: {  	[tilespmem:$0x3588] =	vst v0  }
0x24: {  	[tilespmem:$0x3610] =	vst v0  }
0x25: {  	[tilespmem:$0x3698] =	vst v0  }
0x26: {  	[tilespmem:$0x3720] =	vst v0  }
0x27: {  	[tilespmem:$0x37A8] =	vst v0  }
0x28: {  	[tilespmem:$0x3830] =	vst v0  }
0x29: {  	[tilespmem:$0x38B8] =	vst v0  }
0x2a: {  	[tilespmem:$0x3940] =	vst v0  }
0x2b: {  	[tilespmem:$0x39C8] =	vst v0  }
0x2c: {  	[tilespmem:$0x3A50] =	vst v0  }
0x2d: {  	[tilespmem:$0x3AD8] =	vst v0  }
0x2e: {  	[tilespmem:$0x3B60] =	vst v0  }
0x2f: {  	[tilespmem:$0x3BE8] =	vst v0  }
0x30: {  	[tilespmem:$0x3C70] =	vst v0  }
0x31: {  	[tilespmem:$0x3CF8] =	vst v0  }
0x32: {  	[tilespmem:$0x3D80] =	vst v0  }
0x33: {  	[tilespmem:$0x3E08] =	vst v0  }
0x34: {  	[tilespmem:$0x3E90] =	vst v0  }
0x35: {  	[tilespmem:$0x3F18] =	vst v0  }
0x36: {  	[tilespmem:$0x3FA0] =	vst v0  }
0x37: {  	[tilespmem:$0x4028] =	vst v0  }
0x38: {  	[tilespmem:$0x40B0] =	vst v0  }
0x39: {  	[tilespmem:$0x4138] =	vst v0  }
0x3a: {  	[tilespmem:$0x41C0] =	vst v0  }
0x3b: {  	[tilespmem:$0x4248] =	vst v0  }
0x3c: {  	[tilespmem:$0x42D0] =	vst v0  }
0x3d: {  	[tilespmem:$0x4358] =	vst v0  }
0x3e: {  	[tilespmem:$0x43E0] =	vst v0  }
0x3f: {  	[tilespmem:$0x4468] =	vst v0  }
0x40: {  	[tilespmem:$0x44F0] =	vst v0  }
0x41: {  	[tilespmem:$0x4578] =	vst v0  }
0x42: {  	[tilespmem:$0x4600] =	vst v0  }
0x43: {  	[tilespmem:$0x4688] =	vst v0  }
0x44: {  	[tilespmem:$0x4710] =	vst v0  }
0x45: {  	[tilespmem:$0x4798] =	vst v0  }
0x46: {  	[tilespmem:$0x4820] =	vst v0  }
0x47: {  	[tilespmem:$0x48A8] =	vst v0  }
0x48: {  	[tilespmem:$0x4930] =	vst v0  }
0x49: {  	[tilespmem:$0x49B8] =	vst v0  }
0x4a: {  	[tilespmem:$0x4A40] =	vst v0  }
0x4b: {  	[tilespmem:$0x4AC8] =	vst v0  }
0x4c: {  	[tilespmem:$0x4B50] =	vst v0  }
0x4d: {  	[tilespmem:$0x4BD8] =	vst v0  }
0x4e: {  	[tilespmem:$0x4C60] =	vst v0  }
0x4f: {  	[tilespmem:$0x4CE8] =	vst v0  }
0x50: {  	[tilespmem:$0x4D70] =	vst v0  }
0x51: {  	[tilespmem:$0x4DF8] =	vst v0  }
0x52: {  	[tilespmem:$0x4E80] =	vst v0  }
0x53: {  	[tilespmem:$0x4F08] =	vst v0  }
0x54: {  	[tilespmem:$0x4F90] =	vst v0  }
0x55: {  	[tilespmem:$0x5018] =	vst v0  }
0x56: {  	[tilespmem:$0x50A0] =	vst v0  }
0x57: {  	[tilespmem:$0x5128] =	vst v0  }
0x58: {  	[tilespmem:$0x51B0] =	vst v0  }
0x59: {  	[tilespmem:$0x5238] =	vst v0  }
0x5a: {  	[tilespmem:$0x52C0] =	vst v0  }
0x5b: {  	[tilespmem:$0x5348] =	vst v0  }
0x5c: {  	[tilespmem:$0x53D0] =	vst v0  }
0x5d: {  	[tilespmem:$0x5458] =	vst v0  }
0x5e: {  	[tilespmem:$0x54E0] =	vst v0  }
0x5f: {  	[tilespmem:$0x5568] =	vst v0  }
0x60: {  	[tilespmem:$0x55F0] =	vst v0  }
0x61: {  	[tilespmem:$0x5678] =	vst v0  }
0x62: {  	[tilespmem:$0x5700] =	vst v0  }
0x63: {  	[tilespmem:$0x5788] =	vst v0  }
0x64: {  	[tilespmem:$0x5810] =	vst v0  }
0x65: {  	s24 =	simm.s32 $0x0;
	[bflag:$0x0] =	sbarrier.arrive $0xFFFF  }
.LBB2_2:
0x66: {  	s25 =	smul.u32 $0x50, s24;
	_ =	sdelay $0x1  }
0x67: {  	s25 =	sadd.s32 s25, s10  }
0x68: {  	s26 =	sshrl.u32 s25, $0x3  }
0x69: {  	s25 =	simm.s32 $0x0;
	s28 =	sadd.s32 s6, s26  }
0x6a: {  	[tilespmem:s15], [sflag:$0x3] =	stream.linear.gather [hbm4b:s28+s25], $0x50, $0x38;
	[tilespmem:$0x1AC20] =	vst v63  }
0x6b: {  	_ =	swait.ge [sflag:s14], $0x50  }
0x6c: {  	[sflag:s14] =	ssyncset.done $0x0  }
0x6d: {  	s26 =	sadd.s32 s7, s26;
	[sflag:s14] =	ssyncadd.s32 $0xFFFFFFB0  }
0x6e: {  	[tilespmem:s16], [sflag:$0x3] =	stream.linear.gather [hbm4b:s26+s25], $0x50, $0x38;
	[tilespmem:$0x1AC20] =	vst v63  }
0x6f: {  	_ =	swait.ge [sflag:s14], $0x50  }
0x70: {  	[sflag:s14] =	ssyncset.done $0x0  }
0x71: {  	[sflag:s14] =	ssyncadd.s32 $0xFFFFFFB0  }
0x72: {  	[tilespmem:s18], [sflag:$0x1] =	stream.indirect.gather [hbm4b:s1+s17], $0x80, s16, s17, $0xb8;
	[tilespmem:$0x1AC20] =	vst v63  }
0x73: {  	_ = 	snop  }
0x74: {  	[tilespmem:s25], [sflag:$0x1] =	stream.indirect.gather [hbm4b:s5+s17], $0x8, s15, s17, $0xb8;
	[tilespmem:$0x1AC20] =	vst v63  }
0x75: {  	_ = 	snop  }
0x76: {  	[tilespmem:s19], [sflag:$0x1] =	stream.indirect.gather [hbm4b:s5+s17], $0x8, s16, s17, $0xb8;
	[tilespmem:$0x1AC20] =	vst v63  }
0x77: {  	_ =	swait.ge [sflag:s20], $0x2800  }
0x78: {  	[sflag:s20] =	ssyncset.done $0x0  }
0x79: {  	[sflag:s20] =	ssyncadd.s32 $0xFFFFD800  }
0x7a: {  	_ =	swait.ge [sflag:s20], $0x280  }
0x7b: {  	[sflag:s20] =	ssyncset.done $0x0  }
0x7c: {  	[sflag:s20] =	ssyncadd.s32 $0xFFFFFD80  }
0x7d: {  	_ =	swait.ge [sflag:s20], $0x280  }
0x7e: {  	[sflag:s20] =	ssyncset.done $0x0  }
0x7f: {  	[sflag:s20] =	ssyncadd.s32 $0xFFFFFD80  }
.LBB2_3:
0x80: {  	s26 =	sshll.u32 s25, $0x4  }
0x81: {  	v18 =	vor.u32 s26, v1  }
0x82: {  	v19 =	vshll.u32 v18, $0x3  }
0x83: {  	v20 =	vor.u32 $0x1, v19;
	_ =	sdelay $0x3  }
0x84: {  	v19 =	vld.idx.msk [tilespmem:v19+s4+$0x0], $0xffff  }
0x85: {  	v20 =	vld.idx.msk [tilespmem:v20+s19+$0x0], $0xffff;
	_ =	sdelay $0x4  }
0x86: {  	v19 =	vadd.f32 v20, v19;
	_ =	sdelay $0x1  }
0x87: {  	v20 =	vmul.f32 $2.000000030e-01, v19  }
0x88: {  	vm0 =	vge.f32 v19, $0.0e+00  }
0x89: {  	v19 =	vsel vm0, v19, v20  }
0x8a: {  	v19 =	vmul.f32 $1.442695020e+00, v19;
	_ =	sdelay $0x1  }
0x8b: {  	(erf) = vpow2.f32 v19;
	_ =	sdelay $0x2  }
0x8c: {  	v18 =	vmul.u32 $0x88, v18;
	_ =	sdelay $0x1  }
0x8d: {  	v19 =	vadd.s32 $0x80, v18;
	_ =	sdelay $0x3  }
0x8e: {  	s28 =	sshll.u32 s25, $0xB;
	v18 =	vpop (erf)  }
0x8f: {  	s28 =	sand.u32 $0x3FFFF800, s28;
	[tilespmem:v19+s21+$0x0] =	vst.idx.msk $0xffff, v18  }
0x90: {  	v19 =	vld [tilespmem:s28+$0x5A0];
	_ =	sdelay $0x2  }
0x91: {  	v49 =	vperm.xlane v18, v4  }
0x92: {  	s29 =	smul.u32 $0x2200, s25  }
0x93: {  	v19 =	vmul.f32 v19, v49  }
0x94: {  	s29 =	sshra.s32 s29, $0x2  }
0x95: {  	[tilespmem:s29+$0x2DA0] =	vst v19  }
0x96: {  	v19 =	vld [tilespmem:s28+$0x5B0];
	_ =	sdelay $0x4  }
0x97: {  	v19 =	vmul.f32 v19, v49;
	_ =	sdelay $0x1  }
0x98: {  	[tilespmem:s29+$0x2DB0] =	vst v19  }
0x99: {  	v19 =	vld [tilespmem:s28+$0x5C0];
	_ =	sdelay $0x4  }
0x9a: {  	v19 =	vmul.f32 v19, v49;
	_ =	sdelay $0x1  }
0x9b: {  	[tilespmem:s29+$0x2DC0] =	vst v19  }
0x9c: {  	v19 =	vld [tilespmem:s28+$0x5D0];
	_ =	sdelay $0x4  }
0x9d: {  	v19 =	vmul.f32 v19, v49;
	_ =	sdelay $0x1  }
0x9e: {  	[tilespmem:s29+$0x2DD0] =	vst v19  }
0x9f: {  	v19 =	vld [tilespmem:s28+$0x5E0];
	_ =	sdelay $0x4  }
0xa0: {  	v19 =	vmul.f32 v19, v49;
	_ =	sdelay $0x1  }
0xa1: {  	[tilespmem:s29+$0x2DE0] =	vst v19  }
0xa2: {  	v19 =	vld [tilespmem:s28+$0x5F0];
	_ =	sdelay $0x4  }
0xa3: {  	v19 =	vmul.f32 v19, v49;
	_ =	sdelay $0x1  }
0xa4: {  	[tilespmem:s29+$0x2DF0] =	vst v19  }
0xa5: {  	v19 =	vld [tilespmem:s28+$0x600];
	_ =	sdelay $0x4  }
0xa6: {  	v19 =	vmul.f32 v19, v49;
	_ =	sdelay $0x1  }
0xa7: {  	[tilespmem:s29+$0x2E00] =	vst v19  }
0xa8: {  	v19 =	vld [tilespmem:s28+$0x610];
	_ =	sdelay $0x4  }
0xa9: {  	s31 =	sor.u32 $0x1, s26;
	v19 =	vmul.f32 v19, v49  }
0xaa: {  	s30 =	sshll.u32 s31, $0x7  }
0xab: {  	s30 =	sand.u32 $0x3FFFF880, s30;
	[tilespmem:s29+$0x2E10] =	vst v19  }
0xac: {  	v19 =	vld [tilespmem:s30+$0x5A0];
	_ =	sdelay $0x2  }
0xad: {  	v50 =	vperm.xlane v18, v3  }
0xae: {  	s28 =	smul.u32 $0x220, s31  }
0xaf: {  	v19 =	vmul.f32 v19, v50  }
0xb0: {  	s28 =	sshra.s32 s28, $0x2  }
0xb1: {  	[tilespmem:s28+$0x2DA0] =	vst v19  }
0xb2: {  	v19 =	vld [tilespmem:s30+$0x5B0];
	_ =	sdelay $0x4  }
0xb3: {  	v19 =	vmul.f32 v19, v50;
	_ =	sdelay $0x1  }
0xb4: {  	[tilespmem:s28+$0x2DB0] =	vst v19  }
0xb5: {  	v19 =	vld [tilespmem:s30+$0x5C0];
	_ =	sdelay $0x4  }
0xb6: {  	v19 =	vmul.f32 v19, v50;
	_ =	sdelay $0x1  }
0xb7: {  	[tilespmem:s28+$0x2DC0] =	vst v19  }
0xb8: {  	v19 =	vld [tilespmem:s30+$0x5D0];
	_ =	sdelay $0x4  }
0xb9: {  	v19 =	vmul.f32 v19, v50;
	_ =	sdelay $0x1  }
0xba: {  	[tilespmem:s28+$0x2DD0] =	vst v19  }
0xbb: {  	v19 =	vld [tilespmem:s30+$0x5E0];
	_ =	sdelay $0x4  }
0xbc: {  	v19 =	vmul.f32 v19, v50;
	_ =	sdelay $0x1  }
0xbd: {  	[tilespmem:s28+$0x2DE0] =	vst v19  }
0xbe: {  	v19 =	vld [tilespmem:s30+$0x5F0];
	_ =	sdelay $0x4  }
0xbf: {  	v19 =	vmul.f32 v19, v50;
	_ =	sdelay $0x1  }
0xc0: {  	[tilespmem:s28+$0x2DF0] =	vst v19  }
0xc1: {  	v19 =	vld [tilespmem:s30+$0x600];
	_ =	sdelay $0x4  }
0xc2: {  	v19 =	vmul.f32 v19, v50;
	_ =	sdelay $0x1  }
0xc3: {  	[tilespmem:s28+$0x2E00] =	vst v19  }
0xc4: {  	v19 =	vld [tilespmem:s30+$0x610];
	_ =	sdelay $0x4  }
0xc5: {  	s29 =	sor.u32 $0x2, s26;
	v19 =	vmul.f32 v19, v50  }
0xc6: {  	s31 =	sshll.u32 s29, $0x7  }
0xc7: {  	s30 =	sand.u32 $0x3FFFF900, s31;
	[tilespmem:s28+$0x2E10] =	vst v19  }
0xc8: {  	v19 =	vld [tilespmem:s30+$0x5A0];
	_ =	sdelay $0x2  }
0xc9: {  	v51 =	vperm.xlane v18, v5  }
0xca: {  	s29 =	smul.u32 $0x220, s29  }
0xcb: {  	v19 =	vmul.f32 v19, v51  }
0xcc: {  	s29 =	sshra.s32 s29, $0x2  }
0xcd: {  	[tilespmem:s29+$0x2DA0] =	vst v19  }
0xce: {  	v19 =	vld [tilespmem:s30+$0x5B0];
	_ =	sdelay $0x4  }
0xcf: {  	v19 =	vmul.f32 v19, v51;
	_ =	sdelay $0x1  }
0xd0: {  	[tilespmem:s29+$0x2DB0] =	vst v19  }
0xd1: {  	v19 =	vld [tilespmem:s30+$0x5C0];
	_ =	sdelay $0x4  }
0xd2: {  	v19 =	vmul.f32 v19, v51;
	_ =	sdelay $0x1  }
0xd3: {  	[tilespmem:s29+$0x2DC0] =	vst v19  }
0xd4: {  	v19 =	vld [tilespmem:s30+$0x5D0];
	_ =	sdelay $0x4  }
0xd5: {  	v19 =	vmul.f32 v19, v51;
	_ =	sdelay $0x1  }
0xd6: {  	[tilespmem:s29+$0x2DD0] =	vst v19  }
0xd7: {  	v19 =	vld [tilespmem:s30+$0x5E0];
	_ =	sdelay $0x4  }
0xd8: {  	v19 =	vmul.f32 v19, v51;
	_ =	sdelay $0x1  }
0xd9: {  	[tilespmem:s29+$0x2DE0] =	vst v19  }
0xda: {  	v19 =	vld [tilespmem:s30+$0x5F0];
	_ =	sdelay $0x4  }
0xdb: {  	v19 =	vmul.f32 v19, v51;
	_ =	sdelay $0x1  }
0xdc: {  	[tilespmem:s29+$0x2DF0] =	vst v19  }
0xdd: {  	v19 =	vld [tilespmem:s30+$0x600];
	_ =	sdelay $0x4  }
0xde: {  	v19 =	vmul.f32 v19, v51;
	_ =	sdelay $0x1  }
0xdf: {  	[tilespmem:s29+$0x2E00] =	vst v19  }
0xe0: {  	v19 =	vld [tilespmem:s30+$0x610];
	_ =	sdelay $0x4  }
0xe1: {  	s28 =	sor.u32 $0x3, s26;
	v19 =	vmul.f32 v19, v51  }
0xe2: {  	s31 =	sshll.u32 s28, $0x7  }
0xe3: {  	s30 =	sand.u32 $0x3FFFF980, s31;
	[tilespmem:s29+$0x2E10] =	vst v19  }
0xe4: {  	v19 =	vld [tilespmem:s30+$0x5A0];
	_ =	sdelay $0x2  }
0xe5: {  	v52 =	vperm.xlane v18, v2  }
0xe6: {  	s28 =	smul.u32 $0x220, s28  }
0xe7: {  	v19 =	vmul.f32 v19, v52  }
0xe8: {  	s28 =	sshra.s32 s28, $0x2  }
0xe9: {  	[tilespmem:s28+$0x2DA0] =	vst v19  }
0xea: {  	v19 =	vld [tilespmem:s30+$0x5B0];
	_ =	sdelay $0x4  }
0xeb: {  	v19 =	vmul.f32 v19, v52;
	_ =	sdelay $0x1  }
0xec: {  	[tilespmem:s28+$0x2DB0] =	vst v19  }
0xed: {  	v19 =	vld [tilespmem:s30+$0x5C0];
	_ =	sdelay $0x4  }
0xee: {  	v19 =	vmul.f32 v19, v52;
	_ =	sdelay $0x1  }
0xef: {  	[tilespmem:s28+$0x2DC0] =	vst v19  }
0xf0: {  	v19 =	vld [tilespmem:s30+$0x5D0];
	_ =	sdelay $0x4  }
0xf1: {  	v19 =	vmul.f32 v19, v52;
	_ =	sdelay $0x1  }
0xf2: {  	[tilespmem:s28+$0x2DD0] =	vst v19  }
0xf3: {  	v19 =	vld [tilespmem:s30+$0x5E0];
	_ =	sdelay $0x4  }
0xf4: {  	v19 =	vmul.f32 v19, v52;
	_ =	sdelay $0x1  }
0xf5: {  	[tilespmem:s28+$0x2DE0] =	vst v19  }
0xf6: {  	v19 =	vld [tilespmem:s30+$0x5F0];
	_ =	sdelay $0x4  }
0xf7: {  	v19 =	vmul.f32 v19, v52;
	_ =	sdelay $0x1  }
0xf8: {  	[tilespmem:s28+$0x2DF0] =	vst v19  }
0xf9: {  	v19 =	vld [tilespmem:s30+$0x600];
	_ =	sdelay $0x4  }
0xfa: {  	v19 =	vmul.f32 v19, v52;
	_ =	sdelay $0x1  }
0xfb: {  	[tilespmem:s28+$0x2E00] =	vst v19  }
0xfc: {  	v19 =	vld [tilespmem:s30+$0x610];
	_ =	sdelay $0x4  }
0xfd: {  	s29 =	sor.u32 $0x4, s26;
	v19 =	vmul.f32 v19, v52  }
0xfe: {  	s31 =	sshll.u32 s29, $0x7  }
0xff: {  	s30 =	sand.u32 $0x3FFFFA00, s31;
	[tilespmem:s28+$0x2E10] =	vst v19  }
0x100: {  	v19 =	vld [tilespmem:s30+$0x5A0];
	_ =	sdelay $0x2  }
0x101: {  	v53 =	vperm.xlane v18, v6  }
0x102: {  	s29 =	smul.u32 $0x220, s29  }
0x103: {  	v19 =	vmul.f32 v19, v53  }
0x104: {  	s29 =	sshra.s32 s29, $0x2  }
0x105: {  	[tilespmem:s29+$0x2DA0] =	vst v19  }
0x106: {  	v19 =	vld [tilespmem:s30+$0x5B0];
	_ =	sdelay $0x4  }
0x107: {  	v19 =	vmul.f32 v19, v53;
	_ =	sdelay $0x1  }
0x108: {  	[tilespmem:s29+$0x2DB0] =	vst v19  }
0x109: {  	v19 =	vld [tilespmem:s30+$0x5C0];
	_ =	sdelay $0x4  }
0x10a: {  	v19 =	vmul.f32 v19, v53;
	_ =	sdelay $0x1  }
0x10b: {  	[tilespmem:s29+$0x2DC0] =	vst v19  }
0x10c: {  	v19 =	vld [tilespmem:s30+$0x5D0];
	_ =	sdelay $0x4  }
0x10d: {  	v19 =	vmul.f32 v19, v53;
	_ =	sdelay $0x1  }
0x10e: {  	[tilespmem:s29+$0x2DD0] =	vst v19  }
0x10f: {  	v19 =	vld [tilespmem:s30+$0x5E0];
	_ =	sdelay $0x4  }
0x110: {  	v19 =	vmul.f32 v19, v53;
	_ =	sdelay $0x1  }
0x111: {  	[tilespmem:s29+$0x2DE0] =	vst v19  }
0x112: {  	v19 =	vld [tilespmem:s30+$0x5F0];
	_ =	sdelay $0x4  }
0x113: {  	v19 =	vmul.f32 v19, v53;
	_ =	sdelay $0x1  }
0x114: {  	[tilespmem:s29+$0x2DF0] =	vst v19  }
0x115: {  	v19 =	vld [tilespmem:s30+$0x600];
	_ =	sdelay $0x4  }
0x116: {  	v19 =	vmul.f32 v19, v53;
	_ =	sdelay $0x1  }
0x117: {  	[tilespmem:s29+$0x2E00] =	vst v19  }
0x118: {  	v19 =	vld [tilespmem:s30+$0x610];
	_ =	sdelay $0x4  }
0x119: {  	s28 =	sor.u32 $0x5, s26;
	v19 =	vmul.f32 v19, v53  }
0x11a: {  	s31 =	sshll.u32 s28, $0x7  }
0x11b: {  	s30 =	sand.u32 $0x3FFFFA80, s31;
	[tilespmem:s29+$0x2E10] =	vst v19  }
0x11c: {  	v19 =	vld [tilespmem:s30+$0x5A0];
	_ =	sdelay $0x2  }
0x11d: {  	v54 =	vperm.xlane v18, v7  }
0x11e: {  	s28 =	smul.u32 $0x220, s28  }
0x11f: {  	v19 =	vmul.f32 v19, v54  }
0x120: {  	s28 =	sshra.s32 s28, $0x2  }
0x121: {  	[tilespmem:s28+$0x2DA0] =	vst v19  }
0x122: {  	v19 =	vld [tilespmem:s30+$0x5B0];
	_ =	sdelay $0x4  }
0x123: {  	v19 =	vmul.f32 v19, v54;
	_ =	sdelay $0x1  }
0x124: {  	[tilespmem:s28+$0x2DB0] =	vst v19  }
0x125: {  	v19 =	vld [tilespmem:s30+$0x5C0];
	_ =	sdelay $0x4  }
0x126: {  	v19 =	vmul.f32 v19, v54;
	_ =	sdelay $0x1  }
0x127: {  	[tilespmem:s28+$0x2DC0] =	vst v19  }
0x128: {  	v19 =	vld [tilespmem:s30+$0x5D0];
	_ =	sdelay $0x4  }
0x129: {  	v19 =	vmul.f32 v19, v54;
	_ =	sdelay $0x1  }
0x12a: {  	[tilespmem:s28+$0x2DD0] =	vst v19  }
0x12b: {  	v19 =	vld [tilespmem:s30+$0x5E0];
	_ =	sdelay $0x4  }
0x12c: {  	v19 =	vmul.f32 v19, v54;
	_ =	sdelay $0x1  }
0x12d: {  	[tilespmem:s28+$0x2DE0] =	vst v19  }
0x12e: {  	v19 =	vld [tilespmem:s30+$0x5F0];
	_ =	sdelay $0x4  }
0x12f: {  	v19 =	vmul.f32 v19, v54;
	_ =	sdelay $0x1  }
0x130: {  	[tilespmem:s28+$0x2DF0] =	vst v19  }
0x131: {  	v19 =	vld [tilespmem:s30+$0x600];
	_ =	sdelay $0x4  }
0x132: {  	v19 =	vmul.f32 v19, v54;
	_ =	sdelay $0x1  }
0x133: {  	[tilespmem:s28+$0x2E00] =	vst v19  }
0x134: {  	v19 =	vld [tilespmem:s30+$0x610];
	_ =	sdelay $0x4  }
0x135: {  	s29 =	sor.u32 $0x6, s26;
	v19 =	vmul.f32 v19, v54  }
0x136: {  	s31 =	sshll.u32 s29, $0x7  }
0x137: {  	s30 =	sand.u32 $0x3FFFFB00, s31;
	[tilespmem:s28+$0x2E10] =	vst v19  }
0x138: {  	v19 =	vld [tilespmem:s30+$0x5A0];
	_ =	sdelay $0x2  }
0x139: {  	v55 =	vperm.xlane v18, v8  }
0x13a: {  	s29 =	smul.u32 $0x220, s29  }
0x13b: {  	v19 =	vmul.f32 v19, v55  }
0x13c: {  	s29 =	sshra.s32 s29, $0x2  }
0x13d: {  	[tilespmem:s29+$0x2DA0] =	vst v19  }
0x13e: {  	v19 =	vld [tilespmem:s30+$0x5B0];
	_ =	sdelay $0x4  }
0x13f: {  	v19 =	vmul.f32 v19, v55;
	_ =	sdelay $0x1  }
0x140: {  	[tilespmem:s29+$0x2DB0] =	vst v19  }
0x141: {  	v19 =	vld [tilespmem:s30+$0x5C0];
	_ =	sdelay $0x4  }
0x142: {  	v19 =	vmul.f32 v19, v55;
	_ =	sdelay $0x1  }
0x143: {  	[tilespmem:s29+$0x2DC0] =	vst v19  }
0x144: {  	v19 =	vld [tilespmem:s30+$0x5D0];
	_ =	sdelay $0x4  }
0x145: {  	v19 =	vmul.f32 v19, v55;
	_ =	sdelay $0x1  }
0x146: {  	[tilespmem:s29+$0x2DD0] =	vst v19  }
0x147: {  	v19 =	vld [tilespmem:s30+$0x5E0];
	_ =	sdelay $0x4  }
0x148: {  	v19 =	vmul.f32 v19, v55;
	_ =	sdelay $0x1  }
0x149: {  	[tilespmem:s29+$0x2DE0] =	vst v19  }
0x14a: {  	v19 =	vld [tilespmem:s30+$0x5F0];
	_ =	sdelay $0x4  }
0x14b: {  	v19 =	vmul.f32 v19, v55;
	_ =	sdelay $0x1  }
0x14c: {  	[tilespmem:s29+$0x2DF0] =	vst v19  }
0x14d: {  	v19 =	vld [tilespmem:s30+$0x600];
	_ =	sdelay $0x4  }
0x14e: {  	v19 =	vmul.f32 v19, v55;
	_ =	sdelay $0x1  }
0x14f: {  	[tilespmem:s29+$0x2E00] =	vst v19  }
0x150: {  	v19 =	vld [tilespmem:s30+$0x610];
	_ =	sdelay $0x4  }
0x151: {  	s28 =	sor.u32 $0x7, s26;
	v19 =	vmul.f32 v19, v55  }
0x152: {  	s31 =	sshll.u32 s28, $0x7  }
0x153: {  	s30 =	sand.u32 $0x3FFFFB80, s31;
	[tilespmem:s29+$0x2E10] =	vst v19  }
0x154: {  	v19 =	vld [tilespmem:s30+$0x5A0];
	_ =	sdelay $0x2  }
0x155: {  	v56 =	vperm.xlane v18, v9  }
0x156: {  	s28 =	smul.u32 $0x220, s28  }
0x157: {  	v19 =	vmul.f32 v19, v56  }
0x158: {  	s28 =	sshra.s32 s28, $0x2  }
0x159: {  	[tilespmem:s28+$0x2DA0] =	vst v19  }
0x15a: {  	v19 =	vld [tilespmem:s30+$0x5B0];
	_ =	sdelay $0x4  }
0x15b: {  	v19 =	vmul.f32 v19, v56;
	_ =	sdelay $0x1  }
0x15c: {  	[tilespmem:s28+$0x2DB0] =	vst v19  }
0x15d: {  	v19 =	vld [tilespmem:s30+$0x5C0];
	_ =	sdelay $0x4  }
0x15e: {  	v19 =	vmul.f32 v19, v56;
	_ =	sdelay $0x1  }
0x15f: {  	[tilespmem:s28+$0x2DC0] =	vst v19  }
0x160: {  	v19 =	vld [tilespmem:s30+$0x5D0];
	_ =	sdelay $0x4  }
0x161: {  	v19 =	vmul.f32 v19, v56;
	_ =	sdelay $0x1  }
0x162: {  	[tilespmem:s28+$0x2DD0] =	vst v19  }
0x163: {  	v19 =	vld [tilespmem:s30+$0x5E0];
	_ =	sdelay $0x4  }
0x164: {  	v19 =	vmul.f32 v19, v56;
	_ =	sdelay $0x1  }
0x165: {  	[tilespmem:s28+$0x2DE0] =	vst v19  }
0x166: {  	v19 =	vld [tilespmem:s30+$0x5F0];
	_ =	sdelay $0x4  }
0x167: {  	v19 =	vmul.f32 v19, v56;
	_ =	sdelay $0x1  }
0x168: {  	[tilespmem:s28+$0x2DF0] =	vst v19  }
0x169: {  	v19 =	vld [tilespmem:s30+$0x600];
	_ =	sdelay $0x4  }
0x16a: {  	v19 =	vmul.f32 v19, v56;
	_ =	sdelay $0x1  }
0x16b: {  	[tilespmem:s28+$0x2E00] =	vst v19  }
0x16c: {  	v19 =	vld [tilespmem:s30+$0x610];
	_ =	sdelay $0x4  }
0x16d: {  	s29 =	sor.u32 $0x8, s26;
	v19 =	vmul.f32 v19, v56  }
0x16e: {  	s31 =	sshll.u32 s29, $0x7  }
0x16f: {  	s30 =	sand.u32 $0x3FFFFC00, s31;
	[tilespmem:s28+$0x2E10] =	vst v19  }
0x170: {  	v19 =	vld [tilespmem:s30+$0x5A0];
	_ =	sdelay $0x2  }
0x171: {  	v57 =	vperm.xlane v18, v10  }
0x172: {  	s29 =	smul.u32 $0x220, s29  }
0x173: {  	v19 =	vmul.f32 v19, v57  }
0x174: {  	s29 =	sshra.s32 s29, $0x2  }
0x175: {  	[tilespmem:s29+$0x2DA0] =	vst v19  }
0x176: {  	v19 =	vld [tilespmem:s30+$0x5B0];
	_ =	sdelay $0x4  }
0x177: {  	v19 =	vmul.f32 v19, v57;
	_ =	sdelay $0x1  }
0x178: {  	[tilespmem:s29+$0x2DB0] =	vst v19  }
0x179: {  	v19 =	vld [tilespmem:s30+$0x5C0];
	_ =	sdelay $0x4  }
0x17a: {  	v19 =	vmul.f32 v19, v57;
	_ =	sdelay $0x1  }
0x17b: {  	[tilespmem:s29+$0x2DC0] =	vst v19  }
0x17c: {  	v19 =	vld [tilespmem:s30+$0x5D0];
	_ =	sdelay $0x4  }
0x17d: {  	v19 =	vmul.f32 v19, v57;
	_ =	sdelay $0x1  }
0x17e: {  	[tilespmem:s29+$0x2DD0] =	vst v19  }
0x17f: {  	v19 =	vld [tilespmem:s30+$0x5E0];
	_ =	sdelay $0x4  }
0x180: {  	v19 =	vmul.f32 v19, v57;
	_ =	sdelay $0x1  }
0x181: {  	[tilespmem:s29+$0x2DE0] =	vst v19  }
0x182: {  	v19 =	vld [tilespmem:s30+$0x5F0];
	_ =	sdelay $0x4  }
0x183: {  	v19 =	vmul.f32 v19, v57;
	_ =	sdelay $0x1  }
0x184: {  	[tilespmem:s29+$0x2DF0] =	vst v19  }
0x185: {  	v19 =	vld [tilespmem:s30+$0x600];
	_ =	sdelay $0x4  }
0x186: {  	v19 =	vmul.f32 v19, v57;
	_ =	sdelay $0x1  }
0x187: {  	[tilespmem:s29+$0x2E00] =	vst v19  }
0x188: {  	v19 =	vld [tilespmem:s30+$0x610];
	_ =	sdelay $0x4  }
0x189: {  	s28 =	sor.u32 $0x9, s26;
	v19 =	vmul.f32 v19, v57  }
0x18a: {  	s31 =	sshll.u32 s28, $0x7  }
0x18b: {  	s30 =	sand.u32 $0x3FFFFC80, s31;
	[tilespmem:s29+$0x2E10] =	vst v19  }
0x18c: {  	v19 =	vld [tilespmem:s30+$0x5A0];
	_ =	sdelay $0x2  }
0x18d: {  	v58 =	vperm.xlane v18, v11  }
0x18e: {  	s28 =	smul.u32 $0x220, s28  }
0x18f: {  	v19 =	vmul.f32 v19, v58  }
0x190: {  	s28 =	sshra.s32 s28, $0x2  }
0x191: {  	[tilespmem:s28+$0x2DA0] =	vst v19  }
0x192: {  	v19 =	vld [tilespmem:s30+$0x5B0];
	_ =	sdelay $0x4  }
0x193: {  	v19 =	vmul.f32 v19, v58;
	_ =	sdelay $0x1  }
0x194: {  	[tilespmem:s28+$0x2DB0] =	vst v19  }
0x195: {  	v19 =	vld [tilespmem:s30+$0x5C0];
	_ =	sdelay $0x4  }
0x196: {  	v19 =	vmul.f32 v19, v58;
	_ =	sdelay $0x1  }
0x197: {  	[tilespmem:s28+$0x2DC0] =	vst v19  }
0x198: {  	v19 =	vld [tilespmem:s30+$0x5D0];
	_ =	sdelay $0x4  }
0x199: {  	v19 =	vmul.f32 v19, v58;
	_ =	sdelay $0x1  }
0x19a: {  	[tilespmem:s28+$0x2DD0] =	vst v19  }
0x19b: {  	v19 =	vld [tilespmem:s30+$0x5E0];
	_ =	sdelay $0x4  }
0x19c: {  	v19 =	vmul.f32 v19, v58;
	_ =	sdelay $0x1  }
0x19d: {  	[tilespmem:s28+$0x2DE0] =	vst v19  }
0x19e: {  	v19 =	vld [tilespmem:s30+$0x5F0];
	_ =	sdelay $0x4  }
0x19f: {  	v19 =	vmul.f32 v19, v58;
	_ =	sdelay $0x1  }
0x1a0: {  	[tilespmem:s28+$0x2DF0] =	vst v19  }
0x1a1: {  	v19 =	vld [tilespmem:s30+$0x600];
	_ =	sdelay $0x4  }
0x1a2: {  	v19 =	vmul.f32 v19, v58;
	_ =	sdelay $0x1  }
0x1a3: {  	[tilespmem:s28+$0x2E00] =	vst v19  }
0x1a4: {  	v19 =	vld [tilespmem:s30+$0x610];
	_ =	sdelay $0x4  }
0x1a5: {  	s29 =	sor.u32 $0xA, s26;
	v19 =	vmul.f32 v19, v58  }
0x1a6: {  	s31 =	sshll.u32 s29, $0x7  }
0x1a7: {  	s30 =	sand.u32 $0x3FFFFD00, s31;
	[tilespmem:s28+$0x2E10] =	vst v19  }
0x1a8: {  	v19 =	vld [tilespmem:s30+$0x5A0];
	_ =	sdelay $0x2  }
0x1a9: {  	v59 =	vperm.xlane v18, v12  }
0x1aa: {  	s29 =	smul.u32 $0x220, s29  }
0x1ab: {  	v19 =	vmul.f32 v19, v59  }
0x1ac: {  	s29 =	sshra.s32 s29, $0x2  }
0x1ad: {  	[tilespmem:s29+$0x2DA0] =	vst v19  }
0x1ae: {  	v19 =	vld [tilespmem:s30+$0x5B0];
	_ =	sdelay $0x4  }
0x1af: {  	v19 =	vmul.f32 v19, v59;
	_ =	sdelay $0x1  }
0x1b0: {  	[tilespmem:s29+$0x2DB0] =	vst v19  }
0x1b1: {  	v19 =	vld [tilespmem:s30+$0x5C0];
	_ =	sdelay $0x4  }
0x1b2: {  	v19 =	vmul.f32 v19, v59;
	_ =	sdelay $0x1  }
0x1b3: {  	[tilespmem:s29+$0x2DC0] =	vst v19  }
0x1b4: {  	v19 =	vld [tilespmem:s30+$0x5D0];
	_ =	sdelay $0x4  }
0x1b5: {  	v19 =	vmul.f32 v19, v59;
	_ =	sdelay $0x1  }
0x1b6: {  	[tilespmem:s29+$0x2DD0] =	vst v19  }
0x1b7: {  	v19 =	vld [tilespmem:s30+$0x5E0];
	_ =	sdelay $0x4  }
0x1b8: {  	v19 =	vmul.f32 v19, v59;
	_ =	sdelay $0x1  }
0x1b9: {  	[tilespmem:s29+$0x2DE0] =	vst v19  }
0x1ba: {  	v19 =	vld [tilespmem:s30+$0x5F0];
	_ =	sdelay $0x4  }
0x1bb: {  	v19 =	vmul.f32 v19, v59;
	_ =	sdelay $0x1  }
0x1bc: {  	[tilespmem:s29+$0x2DF0] =	vst v19  }
0x1bd: {  	v19 =	vld [tilespmem:s30+$0x600];
	_ =	sdelay $0x4  }
0x1be: {  	v19 =	vmul.f32 v19, v59;
	_ =	sdelay $0x1  }
0x1bf: {  	[tilespmem:s29+$0x2E00] =	vst v19  }
0x1c0: {  	v19 =	vld [tilespmem:s30+$0x610];
	_ =	sdelay $0x4  }
0x1c1: {  	s28 =	sor.u32 $0xB, s26;
	v19 =	vmul.f32 v19, v59  }
0x1c2: {  	s31 =	sshll.u32 s28, $0x7  }
0x1c3: {  	s30 =	sand.u32 $0x3FFFFD80, s31;
	[tilespmem:s29+$0x2E10] =	vst v19  }
0x1c4: {  	v19 =	vld [tilespmem:s30+$0x5A0];
	_ =	sdelay $0x2  }
0x1c5: {  	v60 =	vperm.xlane v18, v13  }
0x1c6: {  	s28 =	smul.u32 $0x220, s28  }
0x1c7: {  	v19 =	vmul.f32 v19, v60  }
0x1c8: {  	s28 =	sshra.s32 s28, $0x2  }
0x1c9: {  	[tilespmem:s28+$0x2DA0] =	vst v19  }
0x1ca: {  	v19 =	vld [tilespmem:s30+$0x5B0];
	_ =	sdelay $0x4  }
0x1cb: {  	v19 =	vmul.f32 v19, v60;
	_ =	sdelay $0x1  }
0x1cc: {  	[tilespmem:s28+$0x2DB0] =	vst v19  }
0x1cd: {  	v19 =	vld [tilespmem:s30+$0x5C0];
	_ =	sdelay $0x4  }
0x1ce: {  	v19 =	vmul.f32 v19, v60;
	_ =	sdelay $0x1  }
0x1cf: {  	[tilespmem:s28+$0x2DC0] =	vst v19  }
0x1d0: {  	v19 =	vld [tilespmem:s30+$0x5D0];
	_ =	sdelay $0x4  }
0x1d1: {  	v19 =	vmul.f32 v19, v60;
	_ =	sdelay $0x1  }
0x1d2: {  	[tilespmem:s28+$0x2DD0] =	vst v19  }
0x1d3: {  	v19 =	vld [tilespmem:s30+$0x5E0];
	_ =	sdelay $0x4  }
0x1d4: {  	v19 =	vmul.f32 v19, v60;
	_ =	sdelay $0x1  }
0x1d5: {  	[tilespmem:s28+$0x2DE0] =	vst v19  }
0x1d6: {  	v19 =	vld [tilespmem:s30+$0x5F0];
	_ =	sdelay $0x4  }
0x1d7: {  	v19 =	vmul.f32 v19, v60;
	_ =	sdelay $0x1  }
0x1d8: {  	[tilespmem:s28+$0x2DF0] =	vst v19  }
0x1d9: {  	v19 =	vld [tilespmem:s30+$0x600];
	_ =	sdelay $0x4  }
0x1da: {  	v19 =	vmul.f32 v19, v60;
	_ =	sdelay $0x1  }
0x1db: {  	[tilespmem:s28+$0x2E00] =	vst v19  }
0x1dc: {  	v19 =	vld [tilespmem:s30+$0x610];
	_ =	sdelay $0x4  }
0x1dd: {  	s29 =	sor.u32 $0xC, s26;
	v19 =	vmul.f32 v19, v60  }
0x1de: {  	s31 =	sshll.u32 s29, $0x7  }
0x1df: {  	s30 =	sand.u32 $0x3FFFFE00, s31;
	[tilespmem:s28+$0x2E10] =	vst v19  }
0x1e0: {  	v19 =	vld [tilespmem:s30+$0x5A0];
	_ =	sdelay $0x2  }
0x1e1: {  	v61 =	vperm.xlane v18, v14  }
0x1e2: {  	s29 =	smul.u32 $0x220, s29  }
0x1e3: {  	v19 =	vmul.f32 v19, v61  }
0x1e4: {  	s29 =	sshra.s32 s29, $0x2  }
0x1e5: {  	[tilespmem:s29+$0x2DA0] =	vst v19  }
0x1e6: {  	v19 =	vld [tilespmem:s30+$0x5B0];
	_ =	sdelay $0x4  }
0x1e7: {  	v19 =	vmul.f32 v19, v61;
	_ =	sdelay $0x1  }
0x1e8: {  	[tilespmem:s29+$0x2DB0] =	vst v19  }
0x1e9: {  	v19 =	vld [tilespmem:s30+$0x5C0];
	_ =	sdelay $0x4  }
0x1ea: {  	v19 =	vmul.f32 v19, v61;
	_ =	sdelay $0x1  }
0x1eb: {  	[tilespmem:s29+$0x2DC0] =	vst v19  }
0x1ec: {  	v19 =	vld [tilespmem:s30+$0x5D0];
	_ =	sdelay $0x4  }
0x1ed: {  	v19 =	vmul.f32 v19, v61;
	_ =	sdelay $0x1  }
0x1ee: {  	[tilespmem:s29+$0x2DD0] =	vst v19  }
0x1ef: {  	v19 =	vld [tilespmem:s30+$0x5E0];
	_ =	sdelay $0x4  }
0x1f0: {  	v19 =	vmul.f32 v19, v61;
	_ =	sdelay $0x1  }
0x1f1: {  	[tilespmem:s29+$0x2DE0] =	vst v19  }
0x1f2: {  	v19 =	vld [tilespmem:s30+$0x5F0];
	_ =	sdelay $0x4  }
0x1f3: {  	v19 =	vmul.f32 v19, v61;
	_ =	sdelay $0x1  }
0x1f4: {  	[tilespmem:s29+$0x2DF0] =	vst v19  }
0x1f5: {  	v19 =	vld [tilespmem:s30+$0x600];
	_ =	sdelay $0x4  }
0x1f6: {  	v19 =	vmul.f32 v19, v61;
	_ =	sdelay $0x1  }
0x1f7: {  	[tilespmem:s29+$0x2E00] =	vst v19  }
0x1f8: {  	v19 =	vld [tilespmem:s30+$0x610];
	_ =	sdelay $0x4  }
0x1f9: {  	s28 =	sor.u32 $0xD, s26;
	v19 =	vmul.f32 v19, v61  }
0x1fa: {  	s31 =	sshll.u32 s28, $0x7  }
0x1fb: {  	s30 =	sand.u32 $0x3FFFFE80, s31;
	[tilespmem:s29+$0x2E10] =	vst v19  }
0x1fc: {  	v19 =	vld [tilespmem:s30+$0x5A0];
	_ =	sdelay $0x2  }
0x1fd: {  	v62 =	vperm.xlane v18, v15  }
0x1fe: {  	s28 =	smul.u32 $0x220, s28  }
0x1ff: {  	v19 =	vmul.f32 v19, v62  }
0x200: {  	s28 =	sshra.s32 s28, $0x2  }
0x201: {  	[tilespmem:s28+$0x2DA0] =	vst v19  }
0x202: {  	v19 =	vld [tilespmem:s30+$0x5B0];
	_ =	sdelay $0x4  }
0x203: {  	v19 =	vmul.f32 v19, v62;
	_ =	sdelay $0x1  }
0x204: {  	[tilespmem:s28+$0x2DB0] =	vst v19  }
0x205: {  	v19 =	vld [tilespmem:s30+$0x5C0];
	_ =	sdelay $0x4  }
0x206: {  	v19 =	vmul.f32 v19, v62;
	_ =	sdelay $0x1  }
0x207: {  	[tilespmem:s28+$0x2DC0] =	vst v19  }
0x208: {  	v19 =	vld [tilespmem:s30+$0x5D0];
	_ =	sdelay $0x4  }
0x209: {  	v19 =	vmul.f32 v19, v62;
	_ =	sdelay $0x1  }
0x20a: {  	[tilespmem:s28+$0x2DD0] =	vst v19  }
0x20b: {  	v19 =	vld [tilespmem:s30+$0x5E0];
	_ =	sdelay $0x4  }
0x20c: {  	v19 =	vmul.f32 v19, v62;
	_ =	sdelay $0x1  }
0x20d: {  	[tilespmem:s28+$0x2DE0] =	vst v19  }
0x20e: {  	v19 =	vld [tilespmem:s30+$0x5F0];
	_ =	sdelay $0x4  }
0x20f: {  	v19 =	vmul.f32 v19, v62;
	_ =	sdelay $0x1  }
0x210: {  	[tilespmem:s28+$0x2DF0] =	vst v19  }
0x211: {  	v19 =	vld [tilespmem:s30+$0x600];
	_ =	sdelay $0x4  }
0x212: {  	v19 =	vmul.f32 v19, v62;
	_ =	sdelay $0x1  }
0x213: {  	[tilespmem:s28+$0x2E00] =	vst v19  }
0x214: {  	v19 =	vld [tilespmem:s30+$0x610];
	_ =	sdelay $0x4  }
0x215: {  	s26 =	sor.u32 $0xE, s26;
	v19 =	vmul.f32 v19, v62  }
0x216: {  	s31 =	sshll.u32 s26, $0x7  }
0x217: {  	s29 =	sand.u32 $0x3FFFFF00, s31;
	[tilespmem:s28+$0x2E10] =	vst v19  }
0x218: {  	v19 =	vld [tilespmem:s29+$0x5A0];
	_ =	sdelay $0x2  }
0x219: {  	v63 =	vperm.xlane v18, v16  }
0x21a: {  	s26 =	smul.u32 $0x220, s26  }
0x21b: {  	v19 =	vmul.f32 v19, v63  }
0x21c: {  	s26 =	sshra.s32 s26, $0x2  }
0x21d: {  	[tilespmem:s26+$0x2DA0] =	vst v19  }
0x21e: {  	v19 =	vld [tilespmem:s29+$0x5B0];
	_ =	sdelay $0x4  }
0x21f: {  	v19 =	vmul.f32 v19, v63;
	_ =	sdelay $0x1  }
0x220: {  	[tilespmem:s26+$0x2DB0] =	vst v19  }
0x221: {  	v19 =	vld [tilespmem:s29+$0x5C0];
	_ =	sdelay $0x4  }
0x222: {  	v19 =	vmul.f32 v19, v63;
	_ =	sdelay $0x1  }
0x223: {  	[tilespmem:s26+$0x2DC0] =	vst v19  }
0x224: {  	v19 =	vld [tilespmem:s29+$0x5D0];
	_ =	sdelay $0x4  }
0x225: {  	v19 =	vmul.f32 v19, v63;
	_ =	sdelay $0x1  }
0x226: {  	[tilespmem:s26+$0x2DD0] =	vst v19  }
0x227: {  	v19 =	vld [tilespmem:s29+$0x5E0];
	_ =	sdelay $0x4  }
0x228: {  	v19 =	vmul.f32 v19, v63;
	_ =	sdelay $0x1  }
0x229: {  	[tilespmem:s26+$0x2DE0] =	vst v19  }
0x22a: {  	v19 =	vld [tilespmem:s29+$0x5F0];
	_ =	sdelay $0x4  }
0x22b: {  	v19 =	vmul.f32 v19, v63;
	_ =	sdelay $0x1  }
0x22c: {  	[tilespmem:s26+$0x2DF0] =	vst v19  }
0x22d: {  	v19 =	vld [tilespmem:s29+$0x600];
	_ =	sdelay $0x4  }
0x22e: {  	v19 =	vmul.f32 v19, v63;
	_ =	sdelay $0x1  }
0x22f: {  	[tilespmem:s26+$0x2E00] =	vst v19  }
0x230: {  	v19 =	vld [tilespmem:s29+$0x610];
	_ =	sdelay $0x4  }
0x231: {  	s28 =	sshllo.u32 s25, $0x4;
	v19 =	vmul.f32 v19, v63  }
0x232: {  	s30 =	sshll.u32 s28, $0x7  }
0x233: {  	s31 =	sand.u32 $0x3FFFFF80, s30;
	[tilespmem:s26+$0x2E10] =	vst v19  }
0x234: {  	v19 =	vld [tilespmem:s31+$0x5A0];
	_ =	sdelay $0x2  }
0x235: {  	v18 =	vperm.xlane v18, v17  }
0x236: {  	s28 =	smul.u32 $0x220, s28  }
0x237: {  	v19 =	vmul.f32 v19, v18  }
0x238: {  	s28 =	sshra.s32 s28, $0x2  }
0x239: {  	[tilespmem:s28+$0x2DA0] =	vst v19  }
0x23a: {  	v19 =	vld [tilespmem:s31+$0x5B0];
	_ =	sdelay $0x4  }
0x23b: {  	v19 =	vmul.f32 v19, v18;
	_ =	sdelay $0x1  }
0x23c: {  	[tilespmem:s28+$0x2DB0] =	vst v19  }
0x23d: {  	v19 =	vld [tilespmem:s31+$0x5C0];
	_ =	sdelay $0x4  }
0x23e: {  	v19 =	vmul.f32 v19, v18;
	_ =	sdelay $0x1  }
0x23f: {  	[tilespmem:s28+$0x2DC0] =	vst v19  }
0x240: {  	v19 =	vld [tilespmem:s31+$0x5D0];
	_ =	sdelay $0x4  }
0x241: {  	v19 =	vmul.f32 v19, v18;
	_ =	sdelay $0x1  }
0x242: {  	[tilespmem:s28+$0x2DD0] =	vst v19  }
0x243: {  	v19 =	vld [tilespmem:s31+$0x5E0];
	_ =	sdelay $0x4  }
0x244: {  	v19 =	vmul.f32 v19, v18;
	_ =	sdelay $0x1  }
0x245: {  	[tilespmem:s28+$0x2DE0] =	vst v19  }
0x246: {  	v19 =	vld [tilespmem:s31+$0x5F0];
	_ =	sdelay $0x4  }
0x247: {  	v19 =	vmul.f32 v19, v18;
	_ =	sdelay $0x1  }
0x248: {  	[tilespmem:s28+$0x2DF0] =	vst v19  }
0x249: {  	v19 =	vld [tilespmem:s31+$0x600];
	_ =	sdelay $0x4  }
0x24a: {  	v19 =	vmul.f32 v19, v18;
	_ =	sdelay $0x1  }
0x24b: {  	[tilespmem:s28+$0x2E00] =	vst v19  }
0x24c: {  	v19 =	vld [tilespmem:s31+$0x610];
	_ =	sdelay $0x1  }
0x24d: {  	p0 =	sne.s32 s25, $0x4  }
.Ltmp0:
0x24e: {  	_ = 	snop;
	(pc) =	sbr.rel @p0 .LBB2_3-.Ltmp0, $3  }
0x24f: {  	_ = 	snop  }
0x250: {  	v18 =	vmul.f32 v19, v18;
	_ =	sdelay $0x1  }
0x251: {  	s25 =	sadd.s32 $0x1, s25;
	[tilespmem:s28+$0x2E10] =	vst v18  }
0x252: {  	s24 =	sadd.s32 $0x1, s24  }
0x253: {  	p0 =	sne.s32 s24, $0x7D  }
.Ltmp1:
0x254: {  	_ = 	snop;
	(pc) =	sbr.rel @p0 .LBB2_2-.Ltmp1, $4  }
0x255: {  	[spmem:s3] =	stream.indirect.scatter.add.f32 [tilespmem:s21], [sflag:$0x2], $0x88, s15, s17, $0xb8;
	[tilespmem:$0x1AC20] =	vst v63  }
0x256: {  	_ =	swait.ge [sflag:s22], $0x2A80  }
0x257: {  	[sflag:s22] =	ssyncset.done $0x0  }
0x258: {  	[sflag:s22] =	ssyncadd.s32 $0xFFFFD580  }
0x259: {  	s23 =	sadd.s32 $0x1, s23  }
0x25a: {  	p0 =	sne.s32 s23, s12  }
.Ltmp2:
0x25b: {  	[bflag:$0x0] =	sbarrier.arrive $0xFFFF;
	(pc) =	sbr.rel @p0 .LBB2_1-.Ltmp2, $4  }
0x25c: {  	[hbm:s11], [sflag:s9] =	dma.local [spmem:s13], $0x2A80  }
0x25d: {  	_ =	swait.ge [sflag:s14], $0x2A80  }
0x25e: {  	[sflag:s14] =	ssyncset.done $0x0  }
0x25f: {  	[sflag:s14] =	ssyncadd.s32 $0xFFFFD580  }
0x260: {  	_ =	sfence.sel $0x180000  }
0x261: {  	[bflag:$0x0] =	sbarrier.arrive $0xFFFF  }
0x262: {  	p0 =	sne.s32 s2, $0x0;
	_ =	strace $0x9000004A  }
0x263: {  	s0 =	sadd.s32 @!p0 $0x100000, s0;
	[bflag:$0x2] =	sbarrier.arrive $0xFFFF  }
0x264: {  	[sflag:s0] =	ssyncadd.tile.s32 @!p0 $0x1;
	_ =	shalt  }
.Lfunc_end2:
_tile_overlayer_lowered:
.L_overlay_start_2:
0x265: {  	(tag) =	ssettag $0x2  }
0x266: {  	s0 =	rddreg [dreg:$0x0];
	s2 =	stileid.u32  }
0x267: {  	s1 =	rddreg [dreg:$0x1];
	p0 =	sne.s32 s2, $0x0  }
0x268: {  	s3 =	rddreg [dreg:$0x2];
	[bflag:$0x3] =	sbarrier.arrive $0xFFFF;
	s2 =	simm.s32 @!p0 $0x1C03  }
0x269: {  	[timem:s3], [sflag:s2] =	dma.local @!p0 [hbm:s0], s1  }
0x26a: {  	s0 =	simm.s32 @!p0 $0x3  }
0x26b: {  	_ =	swait.ge @!p0 [sflag:s0], s1  }
0x26c: {  	s1 =	ssub.s32 @!p0 $0x0, s1;
	[sflag:s0] =	ssyncset.done @!p0 $0x0  }
0x26d: {  	[sflag:s0] =	ssyncadd.s32 @!p0 s1  }
0x26e: {  	[bflag:$0x3] =	sbarrier.arrive $0xFFFF  }
0x26f: {  	_ =	shalt  }

// kernel: kernel.7.cloned.1.call-start
scs
__scs_entry_jumppad:
0x0: {  	(pc) =	sbr.rel $0x88, $3  }
0x1: {  	(tag) =	ssettag $0x0;
	lr =	simm.s32 $0x1  }
0x2: {  	[smem:$0x3F95] =	sst lr;
	_ =	strace $0xD0000000  }
0x3: {  	_ = 	snop  }
0x4: {  	_ = 	snop  }
0x5: {  	_ = 	snop  }
0x6: {  	_ = 	snop  }
0x7: {  	_ = 	snop  }
__scs_overlays_trampoline_lowered:
0x8: {  	[smem:$0x3FA4] =	sst s0  }
0x9: {  	[smem:$0x3FA5] =	sst s1  }
0xa: {  	[smem:$0x3FA6] =	sst s2  }
0xb: {  	[smem:$0x3FA7] =	sst s3  }
0xc: {  	[smem:$0x3FA8] =	sst s4  }
0xd: {  	[smem:$0x3FA9] =	sst s5  }
0xe: {  	[smem:$0x3FAA] =	sst s6  }
0xf: {  	[smem:$0x3FAB] =	sst s7  }
0x10: {  	[smem:$0x3FAC] =	sst s8  }
0x11: {  	[smem:$0x3FAD] =	sst s9;
	s0 =	simm.s32 @!p0 $0x0  }
0x12: {  	s1 =	sld [smem:$0x3F93];
	s0 =	simm.s32 @p0 $0x1  }
0x13: {  	[smem:$0x3FAE] =	sst s0;
	s0 =	simm.s32 @!p1 $0x0  }
0x14: {  	s2 =	sld [smem:$0x3F92];
	s0 =	simm.s32 @p1 $0x1  }
0x15: {  	[smem:$0x3FAF] =	sst s0;
	s0 =	simm.s32 @!p2 $0x0  }
0x16: {  	s3 =	sld [smem:$0x3FDB];
	s0 =	simm.s32 @p2 $0x1  }
0x17: {  	s4 =	simm.s32 $0x1BF5;
	[smem:$0x3FB1] =	sst s0  }
0x18: {  	s0 =	sld [smem:$0x3F94];
	_ =	swait.ge [sflag:s4], $0x0  }
0x19: {  	s7 =	sld [smem:$0x3F95]  }
0x1a: {  	s8 =	sadd.s32 $0xFFFFE003, lr  }
0x1b: {  	s9 =	sadd.s32 $0xFFFFFEF7, lr;
	s5 =	simm.s32 $0xFFFFFFFF;
	p2 =	slt.u32 s8, $0xFFFFF086  }
0x1c: {  	p1 =	slt.u32 s9, $0xF7A;
	s5 =	simm.s32 @!p2 $0x0  }
0x1d: {  	s5 =	simm.s32 @p1 $0x1;
	p0 =	seq.s32 s7, s2  }
0x1e: {  	s7 =	smul.u32 @!p0 $0xF7A, s2;
	p2 =	seq.s32 @!p0 s5, $0x0  }
0x1f: {  	s9 =	smul.u32 $0xF7A, s1;
	s8 =	simm.s32 @!p0 $0x1BF5;
	p2 =	por !p2, p0  }
0x20: {  	[sflag:s8] =	ssyncset.s32 @!p0 $0xFFFFF086;
	s6 =	sadd.s32 @!p0 s3, s7;
	s7 =	simm.s32 @!p0 $0x108  }
0x21: {  	s3 =	sadd.s32 s3, s9;
	s6 =	sadd.s32 @!p0 $0x88, s6;
	s7 =	simm.s32 @p2 $0x1082  }
0x22: {  	[simem:s7], [sflag:s8] =	dma.local @!p0 [hbm:s6], $0xF7A  }
0x23: {  	s9 =	sor.u32 $0xD0000000, s2;
	s6 =	simm.s32 $0x108;
	_ =	swait.ge @!p0 [sflag:s8], $0x0  }
0x24: {  	s3 =	sadd.s32 $0x88, s3;
	s6 =	simm.s32 @!p1 $0x1082;
	[sflag:s4] =	ssyncset.s32 $0xFFFFF086  }
0x25: {  	[simem:s6], [sflag:s4] =	dma.local [hbm:s3], $0xF7A  }
0x26: {  	[smem:$0x3F95] =	sst s1;
	(tag) =	ssettag s2;
	_ =	strace s9  }
0x27: {  	s1 =	sld [smem:$0x3FA5]  }
0x28: {  	s2 =	sld [smem:$0x3FA6]  }
0x29: {  	s4 =	sld [smem:$0x3FA8]  }
0x2a: {  	p0 =	seq.s32 s5, $0x0;
	s5 =	sld [smem:$0x3FA9]  }
0x2b: {  	s6 =	sld [smem:$0x3FAA]  }
0x2c: {  	s7 =	sld [smem:$0x3FAB]  }
0x2d: {  	s3 =	simm.s32 $0x108;
	s8 =	sld [smem:$0x3FAC]  }
0x2e: {  	s3 =	simm.s32 @!p0 $0x1082;
	s9 =	sld [smem:$0x3FAD]  }
0x2f: {  	lr =	sadd.s32 s0, s3;
	s0 =	sld [smem:$0x3FA4]  }
0x30: {  	s3 =	sld [smem:$0x3FA7]  }
0x31: {  	[smem:$0x3FB0] =	sst s10  }
0x32: {  	s10 =	sld [smem:$0x3FAE];
	_ =	sdelay $0x3  }
0x33: {  	p0 =	seq.s32 s10, $0x1;
	s10 =	sld [smem:$0x3FB0];
	_ =	sdelay $0x3  }
0x34: {  	[smem:$0x3FB0] =	sst s10  }
0x35: {  	s10 =	sld [smem:$0x3FAF];
	_ =	sdelay $0x3  }
0x36: {  	p1 =	seq.s32 s10, $0x1;
	s10 =	sld [smem:$0x3FB0];
	_ =	sdelay $0x3  }
0x37: {  	[smem:$0x3FB0] =	sst s10  }
0x38: {  	s10 =	sld [smem:$0x3FB1]  }
0x39: {  	_ = 	snop;
	(pc) =	sbr.ind lr, $3  }
0x3a: {  	_ = 	snop  }
0x3b: {  	_ = 	snop  }
0x3c: {  	p2 =	seq.s32 s10, $0x1;
	s10 =	sld [smem:$0x3FB0]  }
0x3d: {  	_ =	shalt  }
0x3e: {  	_ =	shalt  }
0x3f: {  	_ =	shalt  }
0x40: {  	_ =	shalt  }
0x41: {  	_ =	shalt  }
0x42: {  	_ =	shalt  }
0x43: {  	_ =	shalt  }
0x44: {  	_ =	shalt  }
0x45: {  	_ =	shalt  }
0x46: {  	_ =	shalt  }
0x47: {  	_ =	shalt  }
0x48: {  	_ =	shalt  }
0x49: {  	_ =	shalt  }
0x4a: {  	_ =	shalt  }
0x4b: {  	_ =	shalt  }
0x4c: {  	_ =	shalt  }
0x4d: {  	_ =	shalt  }
0x4e: {  	_ =	shalt  }
0x4f: {  	_ =	shalt  }
0x50: {  	_ =	shalt  }
0x51: {  	_ =	shalt  }
0x52: {  	_ =	shalt  }
0x53: {  	_ =	shalt  }
0x54: {  	_ =	shalt  }
0x55: {  	_ =	shalt  }
0x56: {  	_ =	shalt  }
0x57: {  	_ =	shalt  }
0x58: {  	_ =	shalt  }
0x59: {  	_ =	shalt  }
0x5a: {  	_ =	shalt  }
0x5b: {  	_ =	shalt  }
0x5c: {  	_ =	shalt  }
0x5d: {  	_ =	shalt  }
0x5e: {  	_ =	shalt  }
0x5f: {  	_ =	shalt  }
0x60: {  	_ =	shalt  }
0x61: {  	_ =	shalt  }
0x62: {  	_ =	shalt  }
0x63: {  	_ =	shalt  }
0x64: {  	_ =	shalt  }
0x65: {  	_ =	shalt  }
0x66: {  	_ =	shalt  }
0x67: {  	_ =	shalt  }
0x68: {  	_ =	shalt  }
0x69: {  	_ =	shalt  }
0x6a: {  	_ =	shalt  }
0x6b: {  	_ =	shalt  }
0x6c: {  	_ =	shalt  }
0x6d: {  	_ =	shalt  }
0x6e: {  	_ =	shalt  }
0x6f: {  	_ =	shalt  }
0x70: {  	_ =	shalt  }
0x71: {  	_ =	shalt  }
0x72: {  	_ =	shalt  }
0x73: {  	_ =	shalt  }
0x74: {  	_ =	shalt  }
0x75: {  	_ =	shalt  }
0x76: {  	_ =	shalt  }
0x77: {  	_ =	shalt  }
0x78: {  	_ =	shalt  }
0x79: {  	_ =	shalt  }
0x7a: {  	_ =	shalt  }
0x7b: {  	_ =	shalt  }
0x7c: {  	_ =	shalt  }
0x7d: {  	_ =	shalt  }
0x7e: {  	_ =	shalt  }
0x7f: {  	_ =	shalt  }
0x80: {  	_ =	shalt  }
0x81: {  	_ =	shalt  }
0x82: {  	_ =	shalt  }
0x83: {  	_ =	shalt  }
0x84: {  	_ =	shalt  }
0x85: {  	_ =	shalt  }
0x86: {  	_ =	shalt  }
0x87: {  	_ =	shalt  }
.Lfunc_end0:
.L_simem_size_0:
called_computation_lowered:
.L_overlay_start_0:
0x88: {  	s2 =	sld [smem:$0x3FD9]  }
0x89: {  	s3 =	sld [smem:$0x3FFE];
	_ =	sdelay $0x1  }
0x8a: {  	s1 =	srdreg.scid  }
0x8b: {  	s0 =	sand.u32 $0x1, s1  }
0x8c: {  	s17 =	sshll.u32 s0, $0xA;
	s2 =	sadd.s32 s3, s2  }
0x8d: {  	s2 =	sadd.s32 s2, s17  }
0x8e: {  	[smem:$0x3FBC] =	sst s2  }
0x8f: {  	_ = 	snop  }
0x90: {  	s2 =	sld [smem:$0x3FD0];
	(tm) =	ssettm $0x1  }
0x91: {  	s18 =	sld [smem:$0x3FFB];
	_ =	sdelay $0x3  }
0x92: {  	_ =	strace s18  }
0x93: {  	s3 =	sld [smem:$0x3FFC];
	_ =	sdelay $0x3  }
0x94: {  	_ =	strace s3  }
0x95: {  	s3 =	sld [smem:$0x3FFD];
	_ =	sdelay $0x3  }
0x96: {  	_ =	strace s3  }
0x97: {  	_ =	strace $0x8FFFFFFF  }
0x98: {  	s19 =	sld [smem:$0x3FDB];
	_ =	sdelay $0x1  }
0x99: {  	s4 =	simm.s32 $_scs_section_size  }
0x9a: {  	s5 =	simm.s32 $_size__tile_overlayer_lowered;
	s6 =	simm.s32 $_tile_overlayer_lowered  }
0x9b: {  	s22 =	simm.s32 $0x1BFF;
	s21 =	sshll.u32 s6, $0x1;
	s3 =	sadd.s32 s4, s19  }
0x9c: {  	s7 =	simm.s32 $0x0;
	s20 =	sshll.u32 s5, $0x1;
	s5 =	sadd.s32 s21, s3  }
0x9d: {  	[timem:s7], [sflag:s22] =	dma.local [hbm:s5], s20  }
0x9e: {  	_ =	swait.ge [sflag:s22], s20  }
0x9f: {  	s4 =	ssub.s32 $0x0, s20;
	[sflag:s22] =	ssyncset.done $0x0  }
0xa0: {  	[sflag:s22] =	ssyncadd.s32 s4;
	_ =	sdelay $0x1  }
0xa1: {  	s23 =	simm.s32 $0x1B8B  }
0xa2: {  	_ =	swait.ge [sflag:s23], $0x1  }
0xa3: {  	[sflag:s23] =	ssyncset.done $0x0  }
0xa4: {  	s25 =	simm.s32 $0x1B8E;
	s24 =	sld [smem:$0x3FFE];
	[sflag:s23] =	ssyncadd.s32 $0xFFFFFFFF  }
0xa5: {  	s26 =	simm.s32 $execute0_lowered;
	[smem:$0x3FD2] =	sst s25  }
0xa6: {  	s5 =	sshll.u32 s26, $0x1;
	_ =	strace $0x80000046;
	[dreg:$0x1] =	wrdreg $0xFFFFFFFF  }
0xa7: {  	s28 =	simm.s32 $_size_execute0_lowered;
	s3 =	sadd.s32 s3, s5;
	[dreg:$0x0] =	wrdreg $0x0  }
0xa8: {  	s5 =	sshll.u32 s28, $0x1;
	[dreg:$0x2] =	wrdreg s3  }
0xa9: {  	[dreg:$0x3] =	wrdreg s5  }
0xaa: {  	[dreg:$0x4] =	wrdreg $0xC0  }
0xab: {  	_ =	task [dreg:s7], $0x5FFFF  }
0xac: {  	[dreg:$0x1] =	wrdreg $0xFFFFFFFF  }
0xad: {  	[dreg:$0x0] =	wrdreg $0x60  }
0xae: {  	[dreg:$0x2] =	wrdreg s2  }
0xaf: {  	[dreg:$0x3] =	wrdreg s24  }
0xb0: {  	[dreg:$0x4] =	wrdreg $0x58200  }
0xb1: {  	[dreg:$0x5] =	wrdreg $0x9  }
0xb2: {  	_ =	task.clear_ibuf [dreg:s7], $0x6FFFF;
	_ =	strace $0x90000046  }
0xb3: {  	s29 =	simm.s32 $0x9;
	_ =	strace $0x80000048  }
0xb4: {  	_ =	swait.ge [sflag:s29], $0x1  }
0xb5: {  	[sflag:s29] =	ssyncadd.s32 $0xFFFFFFFF  }
0xb6: {  	_ =	strace $0x90000048  }
0xb7: {  	_ =	sfence  }
0xb8: {  	s30 =	sld [smem:$0x0];
	_ =	sdelay $0x2  }
0xb9: {  	s31 =	sshll.u32 s1, $0xD;
	s1 =	sshrl.u32 s1, $0x2  }
0xba: {  	s3 =	sand.u32 $0x4000, s31;
	s1 =	sadd.s32 s1, s30  }
0xbb: {  	s0 =	sor.u32 s3, s0;
	s1 =	sshll.u32 s1, $0x11  }
0xbc: {  	s0 =	sor.u32 s1, s0  }
0xbd: {  	s0 =	sadd.s32 $0x8F2B, s0  }
0xbe: {  	[sflag:s0] =	ssyncadd.remote.s32 $0x1  }
0xbf: {  	_ =	sfence.sel $0xFFFF  }
0xc0: {  	[dreg:$0x0] =	wrdreg $0xFFFFFFFF;
	(pc) =	sbr.abs _section_cstart, $3  }
0xc1: {  	[dreg:$0x1] =	wrdreg $0xFFFFFFFF  }
0xc2: {  	_ =	task.clear_ibuf [dreg:s7], $0x2FFFF;
	_ =	strace $0x9FFFFFFF  }
0xc3: {  	(tm) =	ssettm $0x7FFFFFFF  }
tec
execute0_lowered:
.L_overlay_start_1:
0x0: {  	(tag) =	ssettag $0x1  }
0x1: {  	s1 =	rddreg [dreg:$0x0]  }
0x2: {  	s9 =	rddreg [dreg:$0x1]  }
0x3: {  	s3 =	rddreg [dreg:$0x2]  }
0x4: {  	s0 =	rddreg [dreg:$0x3];
	s5 =	srdreg.scid  }
0x5: {  	s2 =	stileid.u32;
	s4 =	simm.s32 $0x0;
	s16 =	simm.s32 $0x550  }
0x6: {  	s17 =	simm.s32 $0x50;
	s18 =	simm.s32 $0x5A0;
	s19 =	simm.s32 $0x280  }
0x7: {  	s20 =	simm.s32 $0x1;
	s21 =	simm.s32 $0x2DA0;
	s22 =	simm.s32 $0x2  }
0x8: {  	s23 =	simm.s32 $0x0;
	s10 =	sand.u32 $0x1, s5;
	s11 =	smul.u32 $0x15400, s2  }
0x9: {  	[smem:$0x7FF] =	sst s4;
	s5 =	sadd.s32 $0x14E00, s9;
	s6 =	sadd.s32 $0xB000, s9  }
0xa: {  	s7 =	sadd.s32 $0x1200, s9;
	s8 =	sadd.s32 $0x17600, s9;
	s12 =	smul.u32 $0x154000, s10  }
0xb: {  	v0 =	vimm.f32 $0.0e+00;
	v1 =	vlaneseq.u32;
	v2 =	vimm.s32 $0x3;
	s14 =	smul.u32 $0x2710, s2;
	s31 =	sshll.u32 s2, $0x6;
	_ =	strace $0x80000047  }
0xc: {  	v3 =	vimm.s32 $0x4;
	v4 =	vimm.s32 $0x1;
	v5 =	vimm.s32 $0x5;
	s13 =	ssub.s32 $0x2, s10;
	s10 =	smul.u32 $0x27100, s10;
	s12 =	sadd.s32 s11, s12  }
0xd: {  	v6 =	vimm.s32 $0x2;
	v7 =	vimm.s32 $0x6;
	v8 =	vimm.s32 $0x7;
	s30 =	sshrl.u32 s13, $0x1;
	s15 =	sadd.s32 s11, s3;
	s12 =	sshrl.u32 s12, $0x3  }
0xe: {  	v9 =	vimm.s32 $0x0;
	v10 =	vimm.s32 $0x8;
	v11 =	vimm.s32 $0x9;
	s13 =	ssub.s32 s13, s30;
	s10 =	sadd.s32 s14, s10;
	s12 =	sadd.s32 s12, s9  }
0xf: {  	v12 =	vimm.s32 $0xA;
	v13 =	vimm.s32 $0xB;
	v14 =	vimm.s32 $0xC;
	s14 =	simm.s32 $0x3;
	s9 =	sor.u32 $0x1C03, s31;
	s11 =	sadd.s32 $0x1A200, s12  }
0x10: {  	v15 =	vimm.s32 $0xD;
	v16 =	vimm.s32 $0xE;
	v17 =	vimm.s32 $0xF;
	s12 =	smax.u32 s13, $0x1;
	s13 =	sshrl.u32 s15, $0x3;
	s15 =	simm.s32 $0x500  }
.LBB2_1:
0x11: {  	[spmem:s13], [sflag:s9] =	dma.local [hbm:s8], $0x2A80  }
0x12: {  	_ =	swait.ge [sflag:s14], $0x2A80  }
0x13: {  	[sflag:s14] =	ssyncset.done $0x0  }
0x14: {  	[sflag:s14] =	ssyncadd.s32 $0xFFFFD580  }
0x15: {  	[tilespmem:$0x2E18] =	vst v0  }
0x16: {  	[tilespmem:$0x2EA0] =	vst v0  }
0x17: {  	[tilespmem:$0x2F28] =	vst v0  }
0x18: {  	[tilespmem:$0x2FB0] =	vst v0  }
0x19: {  	[tilespmem:$0x3038] =	vst v0  }
0x1a: {  	[tilespmem:$0x30C0] =	vst v0  }
0x1b: {  	[tilespmem:$0x3148] =	vst v0  }
0x1c: {  	[tilespmem:$0x31D0] =	vst v0  }
0x1d: {  	[tilespmem:$0x3258] =	vst v0  }
0x1e: {  	[tilespmem:$0x32E0] =	vst v0  }
0x1f: {  	[tilespmem:$0x3368] =	vst v0  }
0x20: {  	[tilespmem:$0x33F0] =	vst v0  }
0x21: {  	[tilespmem:$0x3478] =	vst v0  }
0x22: {  	[tilespmem:$0x3500] =	vst v0  }
0x23: {  	[tilespmem:$0x3588] =	vst v0  }
0x24: {  	[tilespmem:$0x3610] =	vst v0  }
0x25: {  	[tilespmem:$0x3698] =	vst v0  }
0x26: {  	[tilespmem:$0x3720] =	vst v0  }
0x27: {  	[tilespmem:$0x37A8] =	vst v0  }
0x28: {  	[tilespmem:$0x3830] =	vst v0  }
0x29: {  	[tilespmem:$0x38B8] =	vst v0  }
0x2a: {  	[tilespmem:$0x3940] =	vst v0  }
0x2b: {  	[tilespmem:$0x39C8] =	vst v0  }
0x2c: {  	[tilespmem:$0x3A50] =	vst v0  }
0x2d: {  	[tilespmem:$0x3AD8] =	vst v0  }
0x2e: {  	[tilespmem:$0x3B60] =	vst v0  }
0x2f: {  	[tilespmem:$0x3BE8] =	vst v0  }
0x30: {  	[tilespmem:$0x3C70] =	vst v0  }
0x31: {  	[tilespmem:$0x3CF8] =	vst v0  }
0x32: {  	[tilespmem:$0x3D80] =	vst v0  }
0x33: {  	[tilespmem:$0x3E08] =	vst v0  }
0x34: {  	[tilespmem:$0x3E90] =	vst v0  }
0x35: {  	[tilespmem:$0x3F18] =	vst v0  }
0x36: {  	[tilespmem:$0x3FA0] =	vst v0  }
0x37: {  	[tilespmem:$0x4028] =	vst v0  }
0x38: {  	[tilespmem:$0x40B0] =	vst v0  }
0x39: {  	[tilespmem:$0x4138] =	vst v0  }
0x3a: {  	[tilespmem:$0x41C0] =	vst v0  }
0x3b: {  	[tilespmem:$0x4248] =	vst v0  }
0x3c: {  	[tilespmem:$0x42D0] =	vst v0  }
0x3d: {  	[tilespmem:$0x4358] =	vst v0  }
0x3e: {  	[tilespmem:$0x43E0] =	vst v0  }
0x3f: {  	[tilespmem:$0x4468] =	vst v0  }
0x40: {  	[tilespmem:$0x44F0] =	vst v0  }
0x41: {  	[tilespmem:$0x4578] =	vst v0  }
0x42: {  	[tilespmem:$0x4600] =	vst v0  }
0x43: {  	[tilespmem:$0x4688] =	vst v0  }
0x44: {  	[tilespmem:$0x4710] =	vst v0  }
0x45: {  	[tilespmem:$0x4798] =	vst v0  }
0x46: {  	[tilespmem:$0x4820] =	vst v0  }
0x47: {  	[tilespmem:$0x48A8] =	vst v0  }
0x48: {  	[tilespmem:$0x4930] =	vst v0  }
0x49: {  	[tilespmem:$0x49B8] =	vst v0  }
0x4a: {  	[tilespmem:$0x4A40] =	vst v0  }
0x4b: {  	[tilespmem:$0x4AC8] =	vst v0  }
0x4c: {  	[tilespmem:$0x4B50] =	vst v0  }
0x4d: {  	[tilespmem:$0x4BD8] =	vst v0  }
0x4e: {  	[tilespmem:$0x4C60] =	vst v0  }
0x4f: {  	[tilespmem:$0x4CE8] =	vst v0  }
0x50: {  	[tilespmem:$0x4D70] =	vst v0  }
0x51: {  	[tilespmem:$0x4DF8] =	vst v0  }
0x52: {  	[tilespmem:$0x4E80] =	vst v0  }
0x53: {  	[tilespmem:$0x4F08] =	vst v0  }
0x54: {  	[tilespmem:$0x4F90] =	vst v0  }
0x55: {  	[tilespmem:$0x5018] =	vst v0  }
0x56: {  	[tilespmem:$0x50A0] =	vst v0  }
0x57: {  	[tilespmem:$0x5128] =	vst v0  }
0x58: {  	[tilespmem:$0x51B0] =	vst v0  }
0x59: {  	[tilespmem:$0x5238] =	vst v0  }
0x5a: {  	[tilespmem:$0x52C0] =	vst v0  }
0x5b: {  	[tilespmem:$0x5348] =	vst v0  }
0x5c: {  	[tilespmem:$0x53D0] =	vst v0  }
0x5d: {  	[tilespmem:$0x5458] =	vst v0  }
0x5e: {  	[tilespmem:$0x54E0] =	vst v0  }
0x5f: {  	[tilespmem:$0x5568] =	vst v0  }
0x60: {  	[tilespmem:$0x55F0] =	vst v0  }
0x61: {  	[tilespmem:$0x5678] =	vst v0  }
0x62: {  	[tilespmem:$0x5700] =	vst v0  }
0x63: {  	[tilespmem:$0x5788] =	vst v0  }
0x64: {  	[tilespmem:$0x5810] =	vst v0  }
0x65: {  	s24 =	simm.s32 $0x0;
	[bflag:$0x0] =	sbarrier.arrive $0xFFFF  }
.LBB2_2:
0x66: {  	s25 =	smul.u32 $0x50, s24;
	_ =	sdelay $0x1  }
0x67: {  	s25 =	sadd.s32 s25, s10  }
0x68: {  	s26 =	sshrl.u32 s25, $0x3  }
0x69: {  	s25 =	simm.s32 $0x0;
	s28 =	sadd.s32 s6, s26  }
0x6a: {  	[tilespmem:s15], [sflag:$0x3] =	stream.linear.gather [hbm4b:s28+s25], $0x50, $0x38;
	[tilespmem:$0x1AC20] =	vst v63  }
0x6b: {  	_ =	swait.ge [sflag:s14], $0x50  }
0x6c: {  	[sflag:s14] =	ssyncset.done $0x0  }
0x6d: {  	s26 =	sadd.s32 s7, s26;
	[sflag:s14] =	ssyncadd.s32 $0xFFFFFFB0  }
0x6e: {  	[tilespmem:s16], [sflag:$0x3] =	stream.linear.gather [hbm4b:s26+s25], $0x50, $0x38;
	[tilespmem:$0x1AC20] =	vst v63  }
0x6f: {  	_ =	swait.ge [sflag:s14], $0x50  }
0x70: {  	[sflag:s14] =	ssyncset.done $0x0  }
0x71: {  	[sflag:s14] =	ssyncadd.s32 $0xFFFFFFB0  }
0x72: {  	[tilespmem:s18], [sflag:$0x1] =	stream.indirect.gather [hbm4b:s1+s17], $0x80, s16, s17, $0xb8;
	[tilespmem:$0x1AC20] =	vst v63  }
0x73: {  	_ = 	snop  }
0x74: {  	[tilespmem:s25], [sflag:$0x1] =	stream.indirect.gather [hbm4b:s5+s17], $0x8, s15, s17, $0xb8;
	[tilespmem:$0x1AC20] =	vst v63  }
0x75: {  	_ = 	snop  }
0x76: {  	[tilespmem:s19], [sflag:$0x1] =	stream.indirect.gather [hbm4b:s5+s17], $0x8, s16, s17, $0xb8;
	[tilespmem:$0x1AC20] =	vst v63  }
0x77: {  	_ =	swait.ge [sflag:s20], $0x2800  }
0x78: {  	[sflag:s20] =	ssyncset.done $0x0  }
0x79: {  	[sflag:s20] =	ssyncadd.s32 $0xFFFFD800  }
0x7a: {  	_ =	swait.ge [sflag:s20], $0x280  }
0x7b: {  	[sflag:s20] =	ssyncset.done $0x0  }
0x7c: {  	[sflag:s20] =	ssyncadd.s32 $0xFFFFFD80  }
0x7d: {  	_ =	swait.ge [sflag:s20], $0x280  }
0x7e: {  	[sflag:s20] =	ssyncset.done $0x0  }
0x7f: {  	[sflag:s20] =	ssyncadd.s32 $0xFFFFFD80  }
.LBB2_3:
0x80: {  	s26 =	sshll.u32 s25, $0x4  }
0x81: {  	v18 =	vor.u32 s26, v1  }
0x82: {  	v20 =	vshll.u32 v18, $0x3  }
0x83: {  	v19 =	vor.u32 $0x4, v20;
	_ =	sdelay $0x3  }
0x84: {  	v21 =	vld.idx.msk [tilespmem:v20+s4+$0x0], $0xffff  }
0x85: {  	v19 =	vld.idx.msk [tilespmem:v19+s19+$0x0], $0xffff;
	_ =	sdelay $0x4  }
0x86: {  	v19 =	vadd.f32 v19, v21;
	_ =	sdelay $0x1  }
0x87: {  	v21 =	vmul.f32 $2.000000030e-01, v19  }
0x88: {  	vm0 =	vge.f32 v19, $0.0e+00  }
0x89: {  	v19 =	vsel vm0, v19, v21  }
0x8a: {  	v19 =	vmul.f32 $1.442695020e+00, v19;
	_ =	sdelay $0x1  }
0x8b: {  	(erf) = vpow2.f32 v19;
	_ =	sdelay $0x2  }
0x8c: {  	v34 =	vmul.u32 $0x88, v18;
	_ =	sdelay $0x1  }
0x8d: {  	v19 =	vadd.s32 $0x80, v34  }
0x8e: {  	v22 =	vor.u32 $0x1, v20  }
0x8f: {  	v23 =	vor.u32 $0x5, v20;
	_ =	sdelay $0x1  }
0x90: {  	v18 =	vpop (erf)  }
0x91: {  	[tilespmem:v19+s21+$0x0] =	vst.idx.msk $0xffff, v18  }
0x92: {  	v19 =	vld.idx.msk [tilespmem:v22+s4+$0x0], $0xffff  }
0x93: {  	v35 =	vld.idx.msk [tilespmem:v23+s19+$0x0], $0xffff;
	_ =	sdelay $0x4  }
0x94: {  	v19 =	vadd.f32 v35, v19;
	_ =	sdelay $0x1  }
0x95: {  	v22 =	vmul.f32 $2.000000030e-01, v19  }
0x96: {  	vm13 =	vge.f32 v19, $0.0e+00  }
0x97: {  	v19 =	vsel vm13, v19, v22  }
0x98: {  	v19 =	vmul.f32 $1.442695020e+00, v19;
	_ =	sdelay $0x1  }
0x99: {  	(erf) = vpow2.f32 v19;
	_ =	sdelay $0x4  }
0x9a: {  	v36 =	vadd.s32 $0x81, v34  }
0x9b: {  	v37 =	vor.u32 $0x2, v20  }
0x9c: {  	v24 =	vor.u32 $0x6, v20;
	_ =	sdelay $0x1  }
0x9d: {  	v19 =	vpop (erf)  }
0x9e: {  	[tilespmem:v36+s21+$0x0] =	vst.idx.msk $0xffff, v19  }
0x9f: {  	v22 =	vld.idx.msk [tilespmem:v37+s4+$0x0], $0xffff  }
0xa0: {  	v38 =	vld.idx.msk [tilespmem:v24+s19+$0x0], $0xffff;
	_ =	sdelay $0x4  }
0xa1: {  	v22 =	vadd.f32 v38, v22;
	_ =	sdelay $0x1  }
0xa2: {  	v23 =	vmul.f32 $2.000000030e-01, v22  }
0xa3: {  	vm14 =	vge.f32 v22, $0.0e+00  }
0xa4: {  	v22 =	vsel vm14, v22, v23  }
0xa5: {  	v22 =	vmul.f32 $1.442695020e+00, v22;
	_ =	sdelay $0x1  }
0xa6: {  	(erf) = vpow2.f32 v22;
	_ =	sdelay $0x4  }
0xa7: {  	v39 =	vadd.s32 $0x82, v34  }
0xa8: {  	v40 =	vor.u32 $0x3, v20  }
0xa9: {  	v41 =	vor.u32 $0x7, v20;
	_ =	sdelay $0x1  }
0xaa: {  	v20 =	vpop (erf)  }
0xab: {  	[tilespmem:v39+s21+$0x0] =	vst.idx.msk $0xffff, v20  }
0xac: {  	v22 =	vld.idx.msk [tilespmem:v40+s4+$0x0], $0xffff  }
0xad: {  	v42 =	vld.idx.msk [tilespmem:v41+s19+$0x0], $0xffff;
	_ =	sdelay $0x4  }
0xae: {  	v22 =	vadd.f32 v42, v22;
	_ =	sdelay $0x1  }
0xaf: {  	v23 =	vmul.f32 $2.000000030e-01, v22  }
0xb0: {  	vm15 =	vge.f32 v22, $0.0e+00  }
0xb1: {  	v22 =	vsel vm15, v22, v23  }
0xb2: {  	v22 =	vmul.f32 $1.442695020e+00, v22;
	_ =	sdelay $0x1  }
0xb3: {  	(erf) = vpow2.f32 v22;
	_ =	sdelay $0x4  }
0xb4: {  	v43 =	vadd.s32 $0x83, v34;
	_ =	sdelay $0x3  }
0xb5: {  	s28 =	sshll.u32 s25, $0xB;
	v21 =	vpop (erf)  }
0xb6: {  	s28 =	sand.u32 $0x3FFFF800, s28;
	[tilespmem:v43+s21+$0x0] =	vst.idx.msk $0xffff, v21  }
0xb7: {  	v22 =	vld [tilespmem:s28+$0x5A0];
	_ =	sdelay $0x2  }
0xb8: {  	v44 =	vperm.xlane v18, v9  }
0xb9: {  	s29 =	smul.u32 $0x2200, s25  }
0xba: {  	v22 =	vmul.f32 v22, v44  }
0xbb: {  	s29 =	sshra.s32 s29, $0x2  }
0xbc: {  	[tilespmem:s29+$0x2DA0] =	vst v22  }
0xbd: {  	v22 =	vld [tilespmem:s28+$0x5B0];
	_ =	sdelay $0x4  }
0xbe: {  	v22 =	vmul.f32 v22, v44;
	_ =	sdelay $0x1  }
0xbf: {  	[tilespmem:s29+$0x2DB0] =	vst v22  }
0xc0: {  	v22 =	vld [tilespmem:s28+$0x5C0];
	_ =	sdelay $0x2  }
0xc1: {  	v45 =	vperm.xlane v19, v9;
	_ =	sdelay $0x1  }
0xc2: {  	v22 =	vmul.f32 v22, v45;
	_ =	sdelay $0x1  }
0xc3: {  	[tilespmem:s29+$0x2DC0] =	vst v22  }
0xc4: {  	v22 =	vld [tilespmem:s28+$0x5D0];
	_ =	sdelay $0x4  }
0xc5: {  	v22 =	vmul.f32 v22, v45;
	_ =	sdelay $0x1  }
0xc6: {  	[tilespmem:s29+$0x2DD0] =	vst v22  }
0xc7: {  	v22 =	vld [tilespmem:s28+$0x5E0];
	_ =	sdelay $0x2  }
0xc8: {  	v46 =	vperm.xlane v20, v9;
	_ =	sdelay $0x1  }
0xc9: {  	v22 =	vmul.f32 v22, v46;
	_ =	sdelay $0x1  }
0xca: {  	[tilespmem:s29+$0x2DE0] =	vst v22  }
0xcb: {  	v22 =	vld [tilespmem:s28+$0x5F0];
	_ =	sdelay $0x4  }
0xcc: {  	v22 =	vmul.f32 v22, v46;
	_ =	sdelay $0x1  }
0xcd: {  	[tilespmem:s29+$0x2DF0] =	vst v22  }
0xce: {  	v22 =	vld [tilespmem:s28+$0x600];
	_ =	sdelay $0x2  }
0xcf: {  	v47 =	vperm.xlane v21, v9;
	_ =	sdelay $0x1  }
0xd0: {  	v22 =	vmul.f32 v22, v47;
	_ =	sdelay $0x1  }
0xd1: {  	[tilespmem:s29+$0x2E00] =	vst v22  }
0xd2: {  	v22 =	vld [tilespmem:s28+$0x610];
	_ =	sdelay $0x4  }
0xd3: {  	s31 =	sor.u32 $0x1, s26;
	v22 =	vmul.f32 v22, v47  }
0xd4: {  	s30 =	sshll.u32 s31, $0x7  }
0xd5: {  	s30 =	sand.u32 $0x3FFFF880, s30;
	[tilespmem:s29+$0x2E10] =	vst v22  }
0xd6: {  	v22 =	vld [tilespmem:s30+$0x5A0];
	_ =	sdelay $0x2  }
0xd7: {  	v48 =	vperm.xlane v18, v4  }
0xd8: {  	s28 =	smul.u32 $0x220, s31  }
0xd9: {  	v22 =	vmul.f32 v22, v48  }
0xda: {  	s28 =	sshra.s32 s28, $0x2  }
0xdb: {  	[tilespmem:s28+$0x2DA0] =	vst v22  }
0xdc: {  	v22 =	vld [tilespmem:s30+$0x5B0];
	_ =	sdelay $0x4  }
0xdd: {  	v22 =	vmul.f32 v22, v48;
	_ =	sdelay $0x1  }
0xde: {  	[tilespmem:s28+$0x2DB0] =	vst v22  }
0xdf: {  	v22 =	vld [tilespmem:s30+$0x5C0];
	_ =	sdelay $0x2  }
0xe0: {  	v49 =	vperm.xlane v19, v4;
	_ =	sdelay $0x1  }
0xe1: {  	v22 =	vmul.f32 v22, v49;
	_ =	sdelay $0x1  }
0xe2: {  	[tilespmem:s28+$0x2DC0] =	vst v22  }
0xe3: {  	v22 =	vld [tilespmem:s30+$0x5D0];
	_ =	sdelay $0x4  }
0xe4: {  	v22 =	vmul.f32 v22, v49;
	_ =	sdelay $0x1  }
0xe5: {  	[tilespmem:s28+$0x2DD0] =	vst v22  }
0xe6: {  	v22 =	vld [tilespmem:s30+$0x5E0];
	_ =	sdelay $0x2  }
0xe7: {  	v50 =	vperm.xlane v20, v4;
	_ =	sdelay $0x1  }
0xe8: {  	v22 =	vmul.f32 v22, v50;
	_ =	sdelay $0x1  }
0xe9: {  	[tilespmem:s28+$0x2DE0] =	vst v22  }
0xea: {  	v22 =	vld [tilespmem:s30+$0x5F0];
	_ =	sdelay $0x4  }
0xeb: {  	v22 =	vmul.f32 v22, v50;
	_ =	sdelay $0x1  }
0xec: {  	[tilespmem:s28+$0x2DF0] =	vst v22  }
0xed: {  	v22 =	vld [tilespmem:s30+$0x600];
	_ =	sdelay $0x2  }
0xee: {  	v51 =	vperm.xlane v21, v4;
	_ =	sdelay $0x1  }
0xef: {  	v22 =	vmul.f32 v22, v51;
	_ =	sdelay $0x1  }
0xf0: {  	[tilespmem:s28+$0x2E00] =	vst v22  }
0xf1: {  	v22 =	vld [tilespmem:s30+$0x610];
	_ =	sdelay $0x4  }
0xf2: {  	s29 =	sor.u32 $0x2, s26;
	v22 =	vmul.f32 v22, v51  }
0xf3: {  	s31 =	sshll.u32 s29, $0x7  }
0xf4: {  	s30 =	sand.u32 $0x3FFFF900, s31;
	[tilespmem:s28+$0x2E10] =	vst v22  }
0xf5: {  	v22 =	vld [tilespmem:s30+$0x5A0];
	_ =	sdelay $0x2  }
0xf6: {  	v52 =	vperm.xlane v18, v6  }
0xf7: {  	s29 =	smul.u32 $0x220, s29  }
0xf8: {  	v22 =	vmul.f32 v22, v52  }
0xf9: {  	s29 =	sshra.s32 s29, $0x2  }
0xfa: {  	[tilespmem:s29+$0x2DA0] =	vst v22  }
0xfb: {  	v22 =	vld [tilespmem:s30+$0x5B0];
	_ =	sdelay $0x4  }
0xfc: {  	v22 =	vmul.f32 v22, v52;
	_ =	sdelay $0x1  }
0xfd: {  	[tilespmem:s29+$0x2DB0] =	vst v22  }
0xfe: {  	v22 =	vld [tilespmem:s30+$0x5C0];
	_ =	sdelay $0x2  }
0xff: {  	v53 =	vperm.xlane v19, v6;
	_ =	sdelay $0x1  }
0x100: {  	v22 =	vmul.f32 v22, v53;
	_ =	sdelay $0x1  }
0x101: {  	[tilespmem:s29+$0x2DC0] =	vst v22  }
0x102: {  	v22 =	vld [tilespmem:s30+$0x5D0];
	_ =	sdelay $0x4  }
0x103: {  	v22 =	vmul.f32 v22, v53;
	_ =	sdelay $0x1  }
0x104: {  	[tilespmem:s29+$0x2DD0] =	vst v22  }
0x105: {  	v22 =	vld [tilespmem:s30+$0x5E0];
	_ =	sdelay $0x2  }
0x106: {  	v54 =	vperm.xlane v20, v6;
	_ =	sdelay $0x1  }
0x107: {  	v22 =	vmul.f32 v22, v54;
	_ =	sdelay $0x1  }
0x108: {  	[tilespmem:s29+$0x2DE0] =	vst v22  }
0x109: {  	v22 =	vld [tilespmem:s30+$0x5F0];
	_ =	sdelay $0x4  }
0x10a: {  	v22 =	vmul.f32 v22, v54;
	_ =	sdelay $0x1  }
0x10b: {  	[tilespmem:s29+$0x2DF0] =	vst v22  }
0x10c: {  	v22 =	vld [tilespmem:s30+$0x600];
	_ =	sdelay $0x2  }
0x10d: {  	v55 =	vperm.xlane v21, v6;
	_ =	sdelay $0x1  }
0x10e: {  	v22 =	vmul.f32 v22, v55;
	_ =	sdelay $0x1  }
0x10f: {  	[tilespmem:s29+$0x2E00] =	vst v22  }
0x110: {  	v22 =	vld [tilespmem:s30+$0x610];
	_ =	sdelay $0x4  }
0x111: {  	s28 =	sor.u32 $0x3, s26;
	v22 =	vmul.f32 v22, v55  }
0x112: {  	s31 =	sshll.u32 s28, $0x7  }
0x113: {  	s30 =	sand.u32 $0x3FFFF980, s31;
	[tilespmem:s29+$0x2E10] =	vst v22  }
0x114: {  	v22 =	vld [tilespmem:s30+$0x5A0];
	_ =	sdelay $0x2  }
0x115: {  	v56 =	vperm.xlane v18, v2  }
0x116: {  	s28 =	smul.u32 $0x220, s28  }
0x117: {  	v22 =	vmul.f32 v22, v56  }
0x118: {  	s28 =	sshra.s32 s28, $0x2  }
0x119: {  	[tilespmem:s28+$0x2DA0] =	vst v22  }
0x11a: {  	v22 =	vld [tilespmem:s30+$0x5B0];
	_ =	sdelay $0x4  }
0x11b: {  	v22 =	vmul.f32 v22, v56;
	_ =	sdelay $0x1  }
0x11c: {  	[tilespmem:s28+$0x2DB0] =	vst v22  }
0x11d: {  	v22 =	vld [tilespmem:s30+$0x5C0];
	_ =	sdelay $0x2  }
0x11e: {  	v57 =	vperm.xlane v19, v2;
	_ =	sdelay $0x1  }
0x11f: {  	v22 =	vmul.f32 v22, v57;
	_ =	sdelay $0x1  }
0x120: {  	[tilespmem:s28+$0x2DC0] =	vst v22  }
0x121: {  	v22 =	vld [tilespmem:s30+$0x5D0];
	_ =	sdelay $0x4  }
0x122: {  	v22 =	vmul.f32 v22, v57;
	_ =	sdelay $0x1  }
0x123: {  	[tilespmem:s28+$0x2DD0] =	vst v22  }
0x124: {  	v22 =	vld [tilespmem:s30+$0x5E0];
	_ =	sdelay $0x2  }
0x125: {  	v58 =	vperm.xlane v20, v2;
	_ =	sdelay $0x1  }
0x126: {  	v22 =	vmul.f32 v22, v58;
	_ =	sdelay $0x1  }
0x127: {  	[tilespmem:s28+$0x2DE0] =	vst v22  }
0x128: {  	v22 =	vld [tilespmem:s30+$0x5F0];
	_ =	sdelay $0x4  }
0x129: {  	v22 =	vmul.f32 v22, v58;
	_ =	sdelay $0x1  }
0x12a: {  	[tilespmem:s28+$0x2DF0] =	vst v22  }
0x12b: {  	v22 =	vld [tilespmem:s30+$0x600];
	_ =	sdelay $0x2  }
0x12c: {  	v59 =	vperm.xlane v21, v2;
	_ =	sdelay $0x1  }
0x12d: {  	v22 =	vmul.f32 v22, v59;
	_ =	sdelay $0x1  }
0x12e: {  	[tilespmem:s28+$0x2E00] =	vst v22  }
0x12f: {  	v22 =	vld [tilespmem:s30+$0x610];
	_ =	sdelay $0x4  }
0x130: {  	s29 =	sor.u32 $0x4, s26;
	v22 =	vmul.f32 v22, v59  }
0x131: {  	s31 =	sshll.u32 s29, $0x7  }
0x132: {  	s30 =	sand.u32 $0x3FFFFA00, s31;
	[tilespmem:s28+$0x2E10] =	vst v22  }
0x133: {  	v22 =	vld [tilespmem:s30+$0x5A0];
	_ =	sdelay $0x2  }
0x134: {  	v60 =	vperm.xlane v18, v3  }
0x135: {  	s29 =	smul.u32 $0x220, s29  }
0x136: {  	v22 =	vmul.f32 v22, v60  }
0x137: {  	s29 =	sshra.s32 s29, $0x2  }
0x138: {  	[tilespmem:s29+$0x2DA0] =	vst v22  }
0x139: {  	v22 =	vld [tilespmem:s30+$0x5B0];
	_ =	sdelay $0x4  }
0x13a: {  	v22 =	vmul.f32 v22, v60;
	_ =	sdelay $0x1  }
0x13b: {  	[tilespmem:s29+$0x2DB0] =	vst v22  }
0x13c: {  	v22 =	vld [tilespmem:s30+$0x5C0];
	_ =	sdelay $0x2  }
0x13d: {  	v61 =	vperm.xlane v19, v3;
	_ =	sdelay $0x1  }
0x13e: {  	v22 =	vmul.f32 v22, v61;
	_ =	sdelay $0x1  }
0x13f: {  	[tilespmem:s29+$0x2DC0] =	vst v22  }
0x140: {  	v22 =	vld [tilespmem:s30+$0x5D0];
	_ =	sdelay $0x4  }
0x141: {  	v22 =	vmul.f32 v22, v61;
	_ =	sdelay $0x1  }
0x142: {  	[tilespmem:s29+$0x2DD0] =	vst v22  }
0x143: {  	v22 =	vld [tilespmem:s30+$0x5E0];
	_ =	sdelay $0x2  }
0x144: {  	v62 =	vperm.xlane v20, v3;
	_ =	sdelay $0x1  }
0x145: {  	v22 =	vmul.f32 v22, v62;
	_ =	sdelay $0x1  }
0x146: {  	[tilespmem:s29+$0x2DE0] =	vst v22  }
0x147: {  	v22 =	vld [tilespmem:s30+$0x5F0];
	_ =	sdelay $0x4  }
0x148: {  	v22 =	vmul.f32 v22, v62;
	_ =	sdelay $0x1  }
0x149: {  	[tilespmem:s29+$0x2DF0] =	vst v22  }
0x14a: {  	v22 =	vld [tilespmem:s30+$0x600];
	_ =	sdelay $0x2  }
0x14b: {  	v63 =	vperm.xlane v21, v3;
	_ =	sdelay $0x1  }
0x14c: {  	v22 =	vmul.f32 v22, v63;
	_ =	sdelay $0x1  }
0x14d: {  	[tilespmem:s29+$0x2E00] =	vst v22  }
0x14e: {  	v22 =	vld [tilespmem:s30+$0x610];
	_ =	sdelay $0x4  }
0x14f: {  	s28 =	sor.u32 $0x5, s26;
	v22 =	vmul.f32 v22, v63  }
0x150: {  	s31 =	sshll.u32 s28, $0x7  }
0x151: {  	s30 =	sand.u32 $0x3FFFFA80, s31;
	[tilespmem:s29+$0x2E10] =	vst v22  }
0x152: {  	v22 =	vld [tilespmem:s30+$0x5A0];
	_ =	sdelay $0x2  }
0x153: {  	v24 =	vperm.xlane v18, v5  }
0x154: {  	s28 =	smul.u32 $0x220, s28  }
0x155: {  	v22 =	vmul.f32 v22, v24  }
0x156: {  	s28 =	sshra.s32 s28, $0x2  }
0x157: {  	[tilespmem:s28+$0x2DA0] =	vst v22  }
0x158: {  	v22 =	vld [tilespmem:s30+$0x5B0];
	_ =	sdelay $0x4  }
0x159: {  	v22 =	vmul.f32 v22, v24;
	_ =	sdelay $0x1  }
0x15a: {  	[tilespmem:s28+$0x2DB0] =	vst v22  }
0x15b: {  	v22 =	vld [tilespmem:s30+$0x5C0];
	_ =	sdelay $0x2  }
0x15c: {  	v25 =	vperm.xlane v19, v5;
	_ =	sdelay $0x1  }
0x15d: {  	v22 =	vmul.f32 v22, v25;
	_ =	sdelay $0x1  }
0x15e: {  	[tilespmem:s28+$0x2DC0] =	vst v22  }
0x15f: {  	v22 =	vld [tilespmem:s30+$0x5D0];
	_ =	sdelay $0x4  }
0x160: {  	v22 =	vmul.f32 v22, v25;
	_ =	sdelay $0x1  }
0x161: {  	[tilespmem:s28+$0x2DD0] =	vst v22  }
0x162: {  	v22 =	vld [tilespmem:s30+$0x5E0];
	_ =	sdelay $0x2  }
0x163: {  	v26 =	vperm.xlane v20, v5;
	_ =	sdelay $0x1  }
0x164: {  	v22 =	vmul.f32 v22, v26;
	_ =	sdelay $0x1  }
0x165: {  	[tilespmem:s28+$0x2DE0] =	vst v22  }
0x166: {  	v22 =	vld [tilespmem:s30+$0x5F0];
	_ =	sdelay $0x4  }
0x167: {  	v22 =	vmul.f32 v22, v26;
	_ =	sdelay $0x1  }
0x168: {  	[tilespmem:s28+$0x2DF0] =	vst v22  }
0x169: {  	v22 =	vld [tilespmem:s30+$0x600];
	_ =	sdelay $0x2  }
0x16a: {  	v27 =	vperm.xlane v21, v5;
	_ =	sdelay $0x1  }
0x16b: {  	v22 =	vmul.f32 v22, v27;
	_ =	sdelay $0x1  }
0x16c: {  	[tilespmem:s28+$0x2E00] =	vst v22  }
0x16d: {  	v22 =	vld [tilespmem:s30+$0x610];
	_ =	sdelay $0x4  }
0x16e: {  	s29 =	sor.u32 $0x6, s26;
	v22 =	vmul.f32 v22, v27  }
0x16f: {  	s31 =	sshll.u32 s29, $0x7  }
0x170: {  	s30 =	sand.u32 $0x3FFFFB00, s31;
	[tilespmem:s28+$0x2E10] =	vst v22  }
0x171: {  	v22 =	vld [tilespmem:s30+$0x5A0];
	_ =	sdelay $0x2  }
0x172: {  	v28 =	vperm.xlane v18, v7  }
0x173: {  	s29 =	smul.u32 $0x220, s29  }
0x174: {  	v22 =	vmul.f32 v22, v28  }
0x175: {  	s29 =	sshra.s32 s29, $0x2  }
0x176: {  	[tilespmem:s29+$0x2DA0] =	vst v22  }
0x177: {  	v22 =	vld [tilespmem:s30+$0x5B0];
	_ =	sdelay $0x4  }
0x178: {  	v22 =	vmul.f32 v22, v28;
	_ =	sdelay $0x1  }
0x179: {  	[tilespmem:s29+$0x2DB0] =	vst v22  }
0x17a: {  	v22 =	vld [tilespmem:s30+$0x5C0];
	_ =	sdelay $0x2  }
0x17b: {  	v29 =	vperm.xlane v19, v7;
	_ =	sdelay $0x1  }
0x17c: {  	v22 =	vmul.f32 v22, v29;
	_ =	sdelay $0x1  }
0x17d: {  	[tilespmem:s29+$0x2DC0] =	vst v22  }
0x17e: {  	v22 =	vld [tilespmem:s30+$0x5D0];
	_ =	sdelay $0x4  }
0x17f: {  	v22 =	vmul.f32 v22, v29;
	_ =	sdelay $0x1  }
0x180: {  	[tilespmem:s29+$0x2DD0] =	vst v22  }
0x181: {  	v22 =	vld [tilespmem:s30+$0x5E0];
	_ =	sdelay $0x2  }
0x182: {  	v30 =	vperm.xlane v20, v7;
	_ =	sdelay $0x1  }
0x183: {  	v22 =	vmul.f32 v22, v30;
	_ =	sdelay $0x1  }
0x184: {  	[tilespmem:s29+$0x2DE0] =	vst v22  }
0x185: {  	v22 =	vld [tilespmem:s30+$0x5F0];
	_ =	sdelay $0x4  }
0x186: {  	v22 =	vmul.f32 v22, v30;
	_ =	sdelay $0x1  }
0x187: {  	[tilespmem:s29+$0x2DF0] =	vst v22  }
0x188: {  	v22 =	vld [tilespmem:s30+$0x600];
	_ =	sdelay $0x2  }
0x189: {  	v31 =	vperm.xlane v21, v7;
	_ =	sdelay $0x1  }
0x18a: {  	v22 =	vmul.f32 v22, v31;
	_ =	sdelay $0x1  }
0x18b: {  	[tilespmem:s29+$0x2E00] =	vst v22  }
0x18c: {  	v22 =	vld [tilespmem:s30+$0x610];
	_ =	sdelay $0x4  }
0x18d: {  	s28 =	sor.u32 $0x7, s26;
	v22 =	vmul.f32 v22, v31  }
0x18e: {  	s31 =	sshll.u32 s28, $0x7  }
0x18f: {  	s30 =	sand.u32 $0x3FFFFB80, s31;
	[tilespmem:s29+$0x2E10] =	vst v22  }
0x190: {  	v22 =	vld [tilespmem:s30+$0x5A0];
	_ =	sdelay $0x2  }
0x191: {  	v32 =	vperm.xlane v18, v8  }
0x192: {  	s28 =	smul.u32 $0x220, s28  }
0x193: {  	v22 =	vmul.f32 v22, v32  }
0x194: {  	s28 =	sshra.s32 s28, $0x2  }
0x195: {  	[tilespmem:s28+$0x2DA0] =	vst v22  }
0x196: {  	v22 =	vld [tilespmem:s30+$0x5B0];
	_ =	sdelay $0x4  }
0x197: {  	v22 =	vmul.f32 v22, v32;
	_ =	sdelay $0x1  }
0x198: {  	[tilespmem:s28+$0x2DB0] =	vst v22  }
0x199: {  	v22 =	vld [tilespmem:s30+$0x5C0];
	_ =	sdelay $0x2  }
0x19a: {  	v33 =	vperm.xlane v19, v8;
	_ =	sdelay $0x1  }
0x19b: {  	v22 =	vmul.f32 v22, v33;
	_ =	sdelay $0x1  }
0x19c: {  	[tilespmem:s28+$0x2DC0] =	vst v22  }
0x19d: {  	v22 =	vld [tilespmem:s30+$0x5D0];
	_ =	sdelay $0x4  }
0x19e: {  	v22 =	vmul.f32 v22, v33;
	_ =	sdelay $0x1  }
0x19f: {  	[tilespmem:s28+$0x2DD0] =	vst v22  }
0x1a0: {  	v22 =	vld [tilespmem:s30+$0x5E0];
	_ =	sdelay $0x2  }
0x1a1: {  	v34 =	vperm.xlane v20, v8;
	_ =	sdelay $0x1  }
0x1a2: {  	v22 =	vmul.f32 v22, v34;
	_ =	sdelay $0x1  }
0x1a3: {  	[tilespmem:s28+$0x2DE0] =	vst v22  }
0x1a4: {  	v22 =	vld [tilespmem:s30+$0x5F0];
	_ =	sdelay $0x4  }
0x1a5: {  	v22 =	vmul.f32 v22, v34;
	_ =	sdelay $0x1  }
0x1a6: {  	[tilespmem:s28+$0x2DF0] =	vst v22  }
0x1a7: {  	v22 =	vld [tilespmem:s30+$0x600];
	_ =	sdelay $0x2  }
0x1a8: {  	v35 =	vperm.xlane v21, v8;
	_ =	sdelay $0x1  }
0x1a9: {  	v22 =	vmul.f32 v22, v35;
	_ =	sdelay $0x1  }
0x1aa: {  	[tilespmem:s28+$0x2E00] =	vst v22  }
0x1ab: {  	v22 =	vld [tilespmem:s30+$0x610];
	_ =	sdelay $0x4  }
0x1ac: {  	s29 =	sor.u32 $0x8, s26;
	v22 =	vmul.f32 v22, v35  }
0x1ad: {  	s31 =	sshll.u32 s29, $0x7  }
0x1ae: {  	s30 =	sand.u32 $0x3FFFFC00, s31;
	[tilespmem:s28+$0x2E10] =	vst v22  }
0x1af: {  	v22 =	vld [tilespmem:s30+$0x5A0];
	_ =	sdelay $0x2  }
0x1b0: {  	v36 =	vperm.xlane v18, v10  }
0x1b1: {  	s29 =	smul.u32 $0x220, s29  }
0x1b2: {  	v22 =	vmul.f32 v22, v36  }
0x1b3: {  	s29 =	sshra.s32 s29, $0x2  }
0x1b4: {  	[tilespmem:s29+$0x2DA0] =	vst v22  }
0x1b5: {  	v22 =	vld [tilespmem:s30+$0x5B0];
	_ =	sdelay $0x4  }
0x1b6: {  	v22 =	vmul.f32 v22, v36;
	_ =	sdelay $0x1  }
0x1b7: {  	[tilespmem:s29+$0x2DB0] =	vst v22  }
0x1b8: {  	v22 =	vld [tilespmem:s30+$0x5C0];
	_ =	sdelay $0x2  }
0x1b9: {  	v37 =	vperm.xlane v19, v10;
	_ =	sdelay $0x1  }
0x1ba: {  	v22 =	vmul.f32 v22, v37;
	_ =	sdelay $0x1  }
0x1bb: {  	[tilespmem:s29+$0x2DC0] =	vst v22  }
0x1bc: {  	v22 =	vld [tilespmem:s30+$0x5D0];
	_ =	sdelay $0x4  }
0x1bd: {  	v22 =	vmul.f32 v22, v37;
	_ =	sdelay $0x1  }
0x1be: {  	[tilespmem:s29+$0x2DD0] =	vst v22  }
0x1bf: {  	v22 =	vld [tilespmem:s30+$0x5E0];
	_ =	sdelay $0x2  }
0x1c0: {  	v38 =	vperm.xlane v20, v10;
	_ =	sdelay $0x1  }
0x1c1: {  	v22 =	vmul.f32 v22, v38;
	_ =	sdelay $0x1  }
0x1c2: {  	[tilespmem:s29+$0x2DE0] =	vst v22  }
0x1c3: {  	v22 =	vld [tilespmem:s30+$0x5F0];
	_ =	sdelay $0x4  }
0x1c4: {  	v22 =	vmul.f32 v22, v38;
	_ =	sdelay $0x1  }
0x1c5: {  	[tilespmem:s29+$0x2DF0] =	vst v22  }
0x1c6: {  	v22 =	vld [tilespmem:s30+$0x600];
	_ =	sdelay $0x2  }
0x1c7: {  	v39 =	vperm.xlane v21, v10;
	_ =	sdelay $0x1  }
0x1c8: {  	v22 =	vmul.f32 v22, v39;
	_ =	sdelay $0x1  }
0x1c9: {  	[tilespmem:s29+$0x2E00] =	vst v22  }
0x1ca: {  	v22 =	vld [tilespmem:s30+$0x610];
	_ =	sdelay $0x4  }
0x1cb: {  	s28 =	sor.u32 $0x9, s26;
	v22 =	vmul.f32 v22, v39  }
0x1cc: {  	s31 =	sshll.u32 s28, $0x7  }
0x1cd: {  	s30 =	sand.u32 $0x3FFFFC80, s31;
	[tilespmem:s29+$0x2E10] =	vst v22  }
0x1ce: {  	v22 =	vld [tilespmem:s30+$0x5A0];
	_ =	sdelay $0x2  }
0x1cf: {  	v40 =	vperm.xlane v18, v11  }
0x1d0: {  	s28 =	smul.u32 $0x220, s28  }
0x1d1: {  	v22 =	vmul.f32 v22, v40  }
0x1d2: {  	s28 =	sshra.s32 s28, $0x2  }
0x1d3: {  	[tilespmem:s28+$0x2DA0] =	vst v22  }
0x1d4: {  	v22 =	vld [tilespmem:s30+$0x5B0];
	_ =	sdelay $0x4  }
0x1d5: {  	v22 =	vmul.f32 v22, v40;
	_ =	sdelay $0x1  }
0x1d6: {  	[tilespmem:s28+$0x2DB0] =	vst v22  }
0x1d7: {  	v22 =	vld [tilespmem:s30+$0x5C0];
	_ =	sdelay $0x2  }
0x1d8: {  	v41 =	vperm.xlane v19, v11;
	_ =	sdelay $0x1  }
0x1d9: {  	v22 =	vmul.f32 v22, v41;
	_ =	sdelay $0x1  }
0x1da: {  	[tilespmem:s28+$0x2DC0] =	vst v22  }
0x1db: {  	v22 =	vld [tilespmem:s30+$0x5D0];
	_ =	sdelay $0x4  }
0x1dc: {  	v22 =	vmul.f32 v22, v41;
	_ =	sdelay $0x1  }
0x1dd: {  	[tilespmem:s28+$0x2DD0] =	vst v22  }
0x1de: {  	v22 =	vld [tilespmem:s30+$0x5E0];
	_ =	sdelay $0x2  }
0x1df: {  	v42 =	vperm.xlane v20, v11;
	_ =	sdelay $0x1  }
0x1e0: {  	v22 =	vmul.f32 v22, v42;
	_ =	sdelay $0x1  }
0x1e1: {  	[tilespmem:s28+$0x2DE0] =	vst v22  }
0x1e2: {  	v22 =	vld [tilespmem:s30+$0x5F0];
	_ =	sdelay $0x4  }
0x1e3: {  	v22 =	vmul.f32 v22, v42;
	_ =	sdelay $0x1  }
0x1e4: {  	[tilespmem:s28+$0x2DF0] =	vst v22  }
0x1e5: {  	v22 =	vld [tilespmem:s30+$0x600];
	_ =	sdelay $0x2  }
0x1e6: {  	v43 =	vperm.xlane v21, v11;
	_ =	sdelay $0x1  }
0x1e7: {  	v22 =	vmul.f32 v22, v43;
	_ =	sdelay $0x1  }
0x1e8: {  	[tilespmem:s28+$0x2E00] =	vst v22  }
0x1e9: {  	v22 =	vld [tilespmem:s30+$0x610];
	_ =	sdelay $0x4  }
0x1ea: {  	s29 =	sor.u32 $0xA, s26;
	v22 =	vmul.f32 v22, v43  }
0x1eb: {  	s31 =	sshll.u32 s29, $0x7  }
0x1ec: {  	s30 =	sand.u32 $0x3FFFFD00, s31;
	[tilespmem:s28+$0x2E10] =	vst v22  }
0x1ed: {  	v22 =	vld [tilespmem:s30+$0x5A0];
	_ =	sdelay $0x2  }
0x1ee: {  	v44 =	vperm.xlane v18, v12  }
0x1ef: {  	s29 =	smul.u32 $0x220, s29  }
0x1f0: {  	v22 =	vmul.f32 v22, v44  }
0x1f1: {  	s29 =	sshra.s32 s29, $0x2  }
0x1f2: {  	[tilespmem:s29+$0x2DA0] =	vst v22  }
0x1f3: {  	v22 =	vld [tilespmem:s30+$0x5B0];
	_ =	sdelay $0x4  }
0x1f4: {  	v22 =	vmul.f32 v22, v44;
	_ =	sdelay $0x1  }
0x1f5: {  	[tilespmem:s29+$0x2DB0] =	vst v22  }
0x1f6: {  	v22 =	vld [tilespmem:s30+$0x5C0];
	_ =	sdelay $0x2  }
0x1f7: {  	v45 =	vperm.xlane v19, v12;
	_ =	sdelay $0x1  }
0x1f8: {  	v22 =	vmul.f32 v22, v45;
	_ =	sdelay $0x1  }
0x1f9: {  	[tilespmem:s29+$0x2DC0] =	vst v22  }
0x1fa: {  	v22 =	vld [tilespmem:s30+$0x5D0];
	_ =	sdelay $0x4  }
0x1fb: {  	v22 =	vmul.f32 v22, v45;
	_ =	sdelay $0x1  }
0x1fc: {  	[tilespmem:s29+$0x2DD0] =	vst v22  }
0x1fd: {  	v22 =	vld [tilespmem:s30+$0x5E0];
	_ =	sdelay $0x2  }
0x1fe: {  	v46 =	vperm.xlane v20, v12;
	_ =	sdelay $0x1  }
0x1ff: {  	v22 =	vmul.f32 v22, v46;
	_ =	sdelay $0x1  }
0x200: {  	[tilespmem:s29+$0x2DE0] =	vst v22  }
0x201: {  	v22 =	vld [tilespmem:s30+$0x5F0];
	_ =	sdelay $0x4  }
0x202: {  	v22 =	vmul.f32 v22, v46;
	_ =	sdelay $0x1  }
0x203: {  	[tilespmem:s29+$0x2DF0] =	vst v22  }
0x204: {  	v22 =	vld [tilespmem:s30+$0x600];
	_ =	sdelay $0x2  }
0x205: {  	v47 =	vperm.xlane v21, v12;
	_ =	sdelay $0x1  }
0x206: {  	v22 =	vmul.f32 v22, v47;
	_ =	sdelay $0x1  }
0x207: {  	[tilespmem:s29+$0x2E00] =	vst v22  }
0x208: {  	v22 =	vld [tilespmem:s30+$0x610];
	_ =	sdelay $0x4  }
0x209: {  	s28 =	sor.u32 $0xB, s26;
	v22 =	vmul.f32 v22, v47  }
0x20a: {  	s31 =	sshll.u32 s28, $0x7  }
0x20b: {  	s30 =	sand.u32 $0x3FFFFD80, s31;
	[tilespmem:s29+$0x2E10] =	vst v22  }
0x20c: {  	v22 =	vld [tilespmem:s30+$0x5A0];
	_ =	sdelay $0x2  }
0x20d: {  	v48 =	vperm.xlane v18, v13  }
0x20e: {  	s28 =	smul.u32 $0x220, s28  }
0x20f: {  	v22 =	vmul.f32 v22, v48  }
0x210: {  	s28 =	sshra.s32 s28, $0x2  }
0x211: {  	[tilespmem:s28+$0x2DA0] =	vst v22  }
0x212: {  	v22 =	vld [tilespmem:s30+$0x5B0];
	_ =	sdelay $0x4  }
0x213: {  	v22 =	vmul.f32 v22, v48;
	_ =	sdelay $0x1  }
0x214: {  	[tilespmem:s28+$0x2DB0] =	vst v22  }
0x215: {  	v22 =	vld [tilespmem:s30+$0x5C0];
	_ =	sdelay $0x2  }
0x216: {  	v49 =	vperm.xlane v19, v13;
	_ =	sdelay $0x1  }
0x217: {  	v22 =	vmul.f32 v22, v49;
	_ =	sdelay $0x1  }
0x218: {  	[tilespmem:s28+$0x2DC0] =	vst v22  }
0x219: {  	v22 =	vld [tilespmem:s30+$0x5D0];
	_ =	sdelay $0x4  }
0x21a: {  	v22 =	vmul.f32 v22, v49;
	_ =	sdelay $0x1  }
0x21b: {  	[tilespmem:s28+$0x2DD0] =	vst v22  }
0x21c: {  	v22 =	vld [tilespmem:s30+$0x5E0];
	_ =	sdelay $0x2  }
0x21d: {  	v50 =	vperm.xlane v20, v13;
	_ =	sdelay $0x1  }
0x21e: {  	v22 =	vmul.f32 v22, v50;
	_ =	sdelay $0x1  }
0x21f: {  	[tilespmem:s28+$0x2DE0] =	vst v22  }
0x220: {  	v22 =	vld [tilespmem:s30+$0x5F0];
	_ =	sdelay $0x4  }
0x221: {  	v22 =	vmul.f32 v22, v50;
	_ =	sdelay $0x1  }
0x222: {  	[tilespmem:s28+$0x2DF0] =	vst v22  }
0x223: {  	v22 =	vld [tilespmem:s30+$0x600];
	_ =	sdelay $0x2  }
0x224: {  	v51 =	vperm.xlane v21, v13;
	_ =	sdelay $0x1  }
0x225: {  	v22 =	vmul.f32 v22, v51;
	_ =	sdelay $0x1  }
0x226: {  	[tilespmem:s28+$0x2E00] =	vst v22  }
0x227: {  	v22 =	vld [tilespmem:s30+$0x610];
	_ =	sdelay $0x4  }
0x228: {  	s29 =	sor.u32 $0xC, s26;
	v22 =	vmul.f32 v22, v51  }
0x229: {  	s31 =	sshll.u32 s29, $0x7  }
0x22a: {  	s30 =	sand.u32 $0x3FFFFE00, s31;
	[tilespmem:s28+$0x2E10] =	vst v22  }
0x22b: {  	v22 =	vld [tilespmem:s30+$0x5A0];
	_ =	sdelay $0x2  }
0x22c: {  	v52 =	vperm.xlane v18, v14  }
0x22d: {  	s29 =	smul.u32 $0x220, s29  }
0x22e: {  	v22 =	vmul.f32 v22, v52  }
0x22f: {  	s29 =	sshra.s32 s29, $0x2  }
0x230: {  	[tilespmem:s29+$0x2DA0] =	vst v22  }
0x231: {  	v22 =	vld [tilespmem:s30+$0x5B0];
	_ =	sdelay $0x4  }
0x232: {  	v22 =	vmul.f32 v22, v52;
	_ =	sdelay $0x1  }
0x233: {  	[tilespmem:s29+$0x2DB0] =	vst v22  }
0x234: {  	v22 =	vld [tilespmem:s30+$0x5C0];
	_ =	sdelay $0x2  }
0x235: {  	v53 =	vperm.xlane v19, v14;
	_ =	sdelay $0x1  }
0x236: {  	v22 =	vmul.f32 v22, v53;
	_ =	sdelay $0x1  }
0x237: {  	[tilespmem:s29+$0x2DC0] =	vst v22  }
0x238: {  	v22 =	vld [tilespmem:s30+$0x5D0];
	_ =	sdelay $0x4  }
0x239: {  	v22 =	vmul.f32 v22, v53;
	_ =	sdelay $0x1  }
0x23a: {  	[tilespmem:s29+$0x2DD0] =	vst v22  }
0x23b: {  	v22 =	vld [tilespmem:s30+$0x5E0];
	_ =	sdelay $0x2  }
0x23c: {  	v54 =	vperm.xlane v20, v14;
	_ =	sdelay $0x1  }
0x23d: {  	v22 =	vmul.f32 v22, v54;
	_ =	sdelay $0x1  }
0x23e: {  	[tilespmem:s29+$0x2DE0] =	vst v22  }
0x23f: {  	v22 =	vld [tilespmem:s30+$0x5F0];
	_ =	sdelay $0x4  }
0x240: {  	v22 =	vmul.f32 v22, v54;
	_ =	sdelay $0x1  }
0x241: {  	[tilespmem:s29+$0x2DF0] =	vst v22  }
0x242: {  	v22 =	vld [tilespmem:s30+$0x600];
	_ =	sdelay $0x2  }
0x243: {  	v55 =	vperm.xlane v21, v14;
	_ =	sdelay $0x1  }
0x244: {  	v22 =	vmul.f32 v22, v55;
	_ =	sdelay $0x1  }
0x245: {  	[tilespmem:s29+$0x2E00] =	vst v22  }
0x246: {  	v22 =	vld [tilespmem:s30+$0x610];
	_ =	sdelay $0x4  }
0x247: {  	s28 =	sor.u32 $0xD, s26;
	v22 =	vmul.f32 v22, v55  }
0x248: {  	s31 =	sshll.u32 s28, $0x7  }
0x249: {  	s30 =	sand.u32 $0x3FFFFE80, s31;
	[tilespmem:s29+$0x2E10] =	vst v22  }
0x24a: {  	v22 =	vld [tilespmem:s30+$0x5A0];
	_ =	sdelay $0x2  }
0x24b: {  	v56 =	vperm.xlane v18, v15  }
0x24c: {  	s28 =	smul.u32 $0x220, s28  }
0x24d: {  	v22 =	vmul.f32 v22, v56  }
0x24e: {  	s28 =	sshra.s32 s28, $0x2  }
0x24f: {  	[tilespmem:s28+$0x2DA0] =	vst v22  }
0x250: {  	v22 =	vld [tilespmem:s30+$0x5B0];
	_ =	sdelay $0x4  }
0x251: {  	v22 =	vmul.f32 v22, v56;
	_ =	sdelay $0x1  }
0x252: {  	[tilespmem:s28+$0x2DB0] =	vst v22  }
0x253: {  	v22 =	vld [tilespmem:s30+$0x5C0];
	_ =	sdelay $0x2  }
0x254: {  	v57 =	vperm.xlane v19, v15;
	_ =	sdelay $0x1  }
0x255: {  	v22 =	vmul.f32 v22, v57;
	_ =	sdelay $0x1  }
0x256: {  	[tilespmem:s28+$0x2DC0] =	vst v22  }
0x257: {  	v22 =	vld [tilespmem:s30+$0x5D0];
	_ =	sdelay $0x4  }
0x258: {  	v22 =	vmul.f32 v22, v57;
	_ =	sdelay $0x1  }
0x259: {  	[tilespmem:s28+$0x2DD0] =	vst v22  }
0x25a: {  	v22 =	vld [tilespmem:s30+$0x5E0];
	_ =	sdelay $0x2  }
0x25b: {  	v58 =	vperm.xlane v20, v15;
	_ =	sdelay $0x1  }
0x25c: {  	v22 =	vmul.f32 v22, v58;
	_ =	sdelay $0x1  }
0x25d: {  	[tilespmem:s28+$0x2DE0] =	vst v22  }
0x25e: {  	v22 =	vld [tilespmem:s30+$0x5F0];
	_ =	sdelay $0x4  }
0x25f: {  	v22 =	vmul.f32 v22, v58;
	_ =	sdelay $0x1  }
0x260: {  	[tilespmem:s28+$0x2DF0] =	vst v22  }
0x261: {  	v22 =	vld [tilespmem:s30+$0x600];
	_ =	sdelay $0x2  }
0x262: {  	v59 =	vperm.xlane v21, v15;
	_ =	sdelay $0x1  }
0x263: {  	v22 =	vmul.f32 v22, v59;
	_ =	sdelay $0x1  }
0x264: {  	[tilespmem:s28+$0x2E00] =	vst v22  }
0x265: {  	v22 =	vld [tilespmem:s30+$0x610];
	_ =	sdelay $0x4  }
0x266: {  	s26 =	sor.u32 $0xE, s26;
	v22 =	vmul.f32 v22, v59  }
0x267: {  	s31 =	sshll.u32 s26, $0x7  }
0x268: {  	s29 =	sand.u32 $0x3FFFFF00, s31;
	[tilespmem:s28+$0x2E10] =	vst v22  }
0x269: {  	v22 =	vld [tilespmem:s29+$0x5A0];
	_ =	sdelay $0x2  }
0x26a: {  	v60 =	vperm.xlane v18, v16  }
0x26b: {  	s26 =	smul.u32 $0x220, s26  }
0x26c: {  	v22 =	vmul.f32 v22, v60  }
0x26d: {  	s26 =	sshra.s32 s26, $0x2  }
0x26e: {  	[tilespmem:s26+$0x2DA0] =	vst v22  }
0x26f: {  	v22 =	vld [tilespmem:s29+$0x5B0];
	_ =	sdelay $0x4  }
0x270: {  	v22 =	vmul.f32 v22, v60;
	_ =	sdelay $0x1  }
0x271: {  	[tilespmem:s26+$0x2DB0] =	vst v22  }
0x272: {  	v22 =	vld [tilespmem:s29+$0x5C0];
	_ =	sdelay $0x2  }
0x273: {  	v61 =	vperm.xlane v19, v16;
	_ =	sdelay $0x1  }
0x274: {  	v22 =	vmul.f32 v22, v61;
	_ =	sdelay $0x1  }
0x275: {  	[tilespmem:s26+$0x2DC0] =	vst v22  }
0x276: {  	v22 =	vld [tilespmem:s29+$0x5D0];
	_ =	sdelay $0x4  }
0x277: {  	v22 =	vmul.f32 v22, v61;
	_ =	sdelay $0x1  }
0x278: {  	[tilespmem:s26+$0x2DD0] =	vst v22  }
0x279: {  	v22 =	vld [tilespmem:s29+$0x5E0];
	_ =	sdelay $0x2  }
0x27a: {  	v62 =	vperm.xlane v20, v16;
	_ =	sdelay $0x1  }
0x27b: {  	v22 =	vmul.f32 v22, v62;
	_ =	sdelay $0x1  }
0x27c: {  	[tilespmem:s26+$0x2DE0] =	vst v22  }
0x27d: {  	v22 =	vld [tilespmem:s29+$0x5F0];
	_ =	sdelay $0x4  }
0x27e: {  	v22 =	vmul.f32 v22, v62;
	_ =	sdelay $0x1  }
0x27f: {  	[tilespmem:s26+$0x2DF0] =	vst v22  }
0x280: {  	v22 =	vld [tilespmem:s29+$0x600];
	_ =	sdelay $0x2  }
0x281: {  	v63 =	vperm.xlane v21, v16;
	_ =	sdelay $0x1  }
0x282: {  	v22 =	vmul.f32 v22, v63;
	_ =	sdelay $0x1  }
0x283: {  	[tilespmem:s26+$0x2E00] =	vst v22  }
0x284: {  	v22 =	vld [tilespmem:s29+$0x610];
	_ =	sdelay $0x4  }
0x285: {  	s28 =	sshllo.u32 s25, $0x4;
	v22 =	vmul.f32 v22, v63  }
0x286: {  	s30 =	sshll.u32 s28, $0x7  }
0x287: {  	s31 =	sand.u32 $0x3FFFFF80, s30;
	[tilespmem:s26+$0x2E10] =	vst v22  }
0x288: {  	v22 =	vld [tilespmem:s31+$0x5A0];
	_ =	sdelay $0x2  }
0x289: {  	v18 =	vperm.xlane v18, v17  }
0x28a: {  	s28 =	smul.u32 $0x220, s28  }
0x28b: {  	v22 =	vmul.f32 v22, v18  }
0x28c: {  	s28 =	sshra.s32 s28, $0x2  }
0x28d: {  	[tilespmem:s28+$0x2DA0] =	vst v22  }
0x28e: {  	v22 =	vld [tilespmem:s31+$0x5B0];
	_ =	sdelay $0x4  }
0x28f: {  	v18 =	vmul.f32 v22, v18;
	_ =	sdelay $0x1  }
0x290: {  	[tilespmem:s28+$0x2DB0] =	vst v18  }
0x291: {  	v18 =	vld [tilespmem:s31+$0x5C0];
	_ =	sdelay $0x2  }
0x292: {  	v19 =	vperm.xlane v19, v17;
	_ =	sdelay $0x1  }
0x293: {  	v18 =	vmul.f32 v18, v19;
	_ =	sdelay $0x1  }
0x294: {  	[tilespmem:s28+$0x2DC0] =	vst v18  }
0x295: {  	v18 =	vld [tilespmem:s31+$0x5D0];
	_ =	sdelay $0x4  }
0x296: {  	v18 =	vmul.f32 v18, v19;
	_ =	sdelay $0x1  }
0x297: {  	[tilespmem:s28+$0x2DD0] =	vst v18  }
0x298: {  	v18 =	vld [tilespmem:s31+$0x5E0];
	_ =	sdelay $0x2  }
0x299: {  	v19 =	vperm.xlane v20, v17;
	_ =	sdelay $0x1  }
0x29a: {  	v18 =	vmul.f32 v18, v19;
	_ =	sdelay $0x1  }
0x29b: {  	[tilespmem:s28+$0x2DE0] =	vst v18  }
0x29c: {  	v18 =	vld [tilespmem:s31+$0x5F0];
	_ =	sdelay $0x4  }
0x29d: {  	v18 =	vmul.f32 v18, v19;
	_ =	sdelay $0x1  }
0x29e: {  	[tilespmem:s28+$0x2DF0] =	vst v18  }
0x29f: {  	v18 =	vld [tilespmem:s31+$0x600];
	_ =	sdelay $0x2  }
0x2a0: {  	v19 =	vperm.xlane v21, v17;
	_ =	sdelay $0x1  }
0x2a1: {  	v18 =	vmul.f32 v18, v19;
	_ =	sdelay $0x1  }
0x2a2: {  	[tilespmem:s28+$0x2E00] =	vst v18  }
0x2a3: {  	v18 =	vld [tilespmem:s31+$0x610];
	_ =	sdelay $0x1  }
0x2a4: {  	p0 =	sne.s32 s25, $0x4  }
.Ltmp0:
0x2a5: {  	_ = 	snop;
	(pc) =	sbr.rel @p0 .LBB2_3-.Ltmp0, $3  }
0x2a6: {  	_ = 	snop  }
0x2a7: {  	v18 =	vmul.f32 v18, v19;
	_ =	sdelay $0x1  }
0x2a8: {  	s25 =	sadd.s32 $0x1, s25;
	[tilespmem:s28+$0x2E10] =	vst v18  }
0x2a9: {  	s24 =	sadd.s32 $0x1, s24  }
0x2aa: {  	p0 =	sne.s32 s24, $0x7D  }
.Ltmp1:
0x2ab: {  	_ = 	snop;
	(pc) =	sbr.rel @p0 .LBB2_2-.Ltmp1, $4  }
0x2ac: {  	[spmem:s3] =	stream.indirect.scatter.add.f32 [tilespmem:s21], [sflag:$0x2], $0x88, s15, s17, $0xb8;
	[tilespmem:$0x1AC20] =	vst v63  }
0x2ad: {  	_ =	swait.ge [sflag:s22], $0x2A80  }
0x2ae: {  	[sflag:s22] =	ssyncset.done $0x0  }
0x2af: {  	[sflag:s22] =	ssyncadd.s32 $0xFFFFD580  }
0x2b0: {  	s23 =	sadd.s32 $0x1, s23  }
0x2b1: {  	p0 =	sne.s32 s23, s12  }
.Ltmp2:
0x2b2: {  	[bflag:$0x0] =	sbarrier.arrive $0xFFFF;
	(pc) =	sbr.rel @p0 .LBB2_1-.Ltmp2, $4  }
0x2b3: {  	[hbm:s11], [sflag:s9] =	dma.local [spmem:s13], $0x2A80  }
0x2b4: {  	_ =	swait.ge [sflag:s14], $0x2A80  }
0x2b5: {  	[sflag:s14] =	ssyncset.done $0x0  }
0x2b6: {  	[sflag:s14] =	ssyncadd.s32 $0xFFFFD580  }
0x2b7: {  	_ =	sfence.sel $0x180000  }
0x2b8: {  	[bflag:$0x0] =	sbarrier.arrive $0xFFFF  }
0x2b9: {  	p0 =	sne.s32 s2, $0x0;
	_ =	strace $0x90000047  }
0x2ba: {  	s0 =	sadd.s32 @!p0 $0x100000, s0;
	[bflag:$0x2] =	sbarrier.arrive $0xFFFF  }
0x2bb: {  	[sflag:s0] =	ssyncadd.tile.s32 @!p0 $0x1;
	_ =	shalt  }
.Lfunc_end2:
_tile_overlayer_lowered:
.L_overlay_start_2:
0x2bc: {  	(tag) =	ssettag $0x2  }
0x2bd: {  	s0 =	rddreg [dreg:$0x0];
	s2 =	stileid.u32  }
0x2be: {  	s1 =	rddreg [dreg:$0x1];
	p0 =	sne.s32 s2, $0x0  }
0x2bf: {  	s3 =	rddreg [dreg:$0x2];
	[bflag:$0x3] =	sbarrier.arrive $0xFFFF;
	s2 =	simm.s32 @!p0 $0x1C03  }
0x2c0: {  	[timem:s3], [sflag:s2] =	dma.local @!p0 [hbm:s0], s1  }
0x2c1: {  	s0 =	simm.s32 @!p0 $0x3  }
0x2c2: {  	_ =	swait.ge @!p0 [sflag:s0], s1  }
0x2c3: {  	s1 =	ssub.s32 @!p0 $0x0, s1;
	[sflag:s0] =	ssyncset.done @!p0 $0x0  }
0x2c4: {  	[sflag:s0] =	ssyncadd.s32 @!p0 s1  }
0x2c5: {  	[bflag:$0x3] =	sbarrier.arrive $0xFFFF  }
0x2c6: {  	_ =	shalt  }

</sc_bundles>
